<compile_context>
chip_gen: v7x
topology: tpu7x:2x2x1
jax: 0.10.2.dev20260603
libtpu: 0.0.44.dev20260713+nightly
codegen_flags: <defaults>
</compile_context>

<pallas_src>
import functools

import jax
import jax.numpy as jnp
from jax import lax
from jax.experimental import pallas as pl
from jax.experimental.pallas import tpu as pltpu
from jax.experimental.pallas import tpu_sc as plsc

_N = 10000
_E = 320000
_D = 128
_NC = 2
_NS = 16
_NW = _NC * _NS
_K = 100
_C = _E // (_NW * _K)
_NBUF = 3
_NH = 4
_HC = _C // _NH
_NPAD = 10240
_ROWS_PER_TILE = _NPAD // _NS


def _h_tc(x, Wp, bp, Wl, bl, Wr):
    def body(x_ref, wp_ref, bp_ref, wl_ref, bl_ref, wr_ref, g_ref, s_ref):
        xb = x_ref[...]
        h = jnp.maximum(lax.dot_general(
            xb, wp_ref[...],
            dimension_numbers=(((1,), (1,)), ((), ())),
            preferred_element_type=jnp.float32) + bp_ref[...], 0.0)
        g_ref[...] = lax.dot_general(
            h, wl_ref[...],
            dimension_numbers=(((1,), (1,)), ((), ())),
            preferred_element_type=jnp.float32)
        s_ref[...] = 0.5 * (lax.dot_general(
            xb, wr_ref[...],
            dimension_numbers=(((1,), (1,)), ((), ())),
            preferred_element_type=jnp.float32) + bl_ref[...])

    blk = _NPAD // 2
    row_spec = pl.BlockSpec((blk, _D), lambda i: (i, 0))
    full_spec = pl.BlockSpec((_D, _D), lambda i: (0, 0))
    vec_spec = pl.BlockSpec((1, _D), lambda i: (0, 0))
    return pl.pallas_call(
        body,
        grid=(2,),
        in_specs=[row_spec, full_spec, vec_spec, full_spec, vec_spec,
                  full_spec],
        out_specs=[row_spec, row_spec],
        out_shape=[
            jax.ShapeDtypeStruct((_N, _D), jnp.float32),
            jax.ShapeDtypeStruct((_NPAD, _D), jnp.float32),
        ],
    )(x, Wp, bp.reshape(1, _D), Wl, bl.reshape(1, _D), Wr)


def _agg_sc(ei5, h, zrows):
    mesh = plsc.VectorSubcoreMesh(core_axis_name="c", subcore_axis_name="s")

    @functools.partial(
        pl.kernel,
        mesh=mesh,
        out_type=jax.ShapeDtypeStruct((_NC * _NPAD, _D), jnp.float32),
        scratch_types=[
            pltpu.VMEM((_HC, _K), jnp.int32),
            pltpu.VMEM((_HC, _K), jnp.int32),
            *[pltpu.VMEM((_K, _D), jnp.float32) for _ in range(_NBUF)],
            pltpu.VMEM_SHARED((_NPAD, _D), jnp.float32),
            pltpu.SemaphoreType.DMA,
            pltpu.SemaphoreType.DMA,
        ],
    )
    def k(ei_hbm, h_hbm, z_hbm, out_hbm,
          src_v, dst_v, *rest):
        bufs = list(rest[:_NBUF])
        acc_sh, gsem, ssem = rest[_NBUF:]
        cid = lax.axis_index("c")
        sid = lax.axis_index("s")
        w = cid * _NS + sid

        slab = pl.ds(sid * _ROWS_PER_TILE, _ROWS_PER_TILE)
        pltpu.sync_copy(z_hbm.at[slab], acc_sh.at[slab])
        plsc.subcore_barrier()

        def step(j, b):
            pltpu.make_async_copy(h_hbm.at[src_v.at[j]],
                                  bufs[b], gsem).wait()

            prev = (b + _NBUF - 1) % _NBUF

            @pl.when(j > 0)
            def _():
                pltpu.make_async_copy(bufs[prev],
                                      acc_sh.at[dst_v.at[j - 1]],
                                      ssem).wait()

            pltpu.async_copy(bufs[b], acc_sh.at[dst_v.at[j]], ssem,
                             add=True)

            @pl.when(j + _NBUF - 1 < _HC)
            def _():
                pltpu.async_copy(h_hbm.at[src_v.at[j + _NBUF - 1]],
                                 bufs[prev], gsem)

        def group(i, carry):
            for b in range(_NBUF):
                step(i * _NBUF + b, b)
            return carry

        _NG = _HC // _NBUF
        for hf in range(_NH):
            pltpu.sync_copy(ei_hbm.at[0, w, hf], src_v)
            pltpu.sync_copy(ei_hbm.at[1, w, hf], dst_v)
            for b in range(_NBUF - 1):
                pltpu.async_copy(h_hbm.at[src_v.at[b]], bufs[b], gsem)
            lax.fori_loop(0, _NG, group, 0)
            for j in range(_NG * _NBUF, _HC):
                step(j, j % _NBUF)
            pltpu.make_async_copy(bufs[(_HC - 1) % _NBUF],
                                  acc_sh.at[dst_v.at[_HC - 1]],
                                  ssem).wait()

        plsc.subcore_barrier()
        pltpu.sync_copy(
            acc_sh.at[slab],
            out_hbm.at[pl.ds(cid * _NPAD + sid * _ROWS_PER_TILE,
                             _ROWS_PER_TILE)])

    return k(ei5, h, zrows)


def _out_tc(partials, gamma, beta):
    def body(p0_ref, p1_ref, g_ref, b_ref, o_ref):
        out = p0_ref[...] + p1_ref[...]
        mean = jnp.mean(out, axis=1, keepdims=True)
        cent = out - mean
        var = jnp.mean(cent * cent, axis=1, keepdims=True)
        o_ref[...] = cent * lax.rsqrt(var + 1e-5) * g_ref[...] + b_ref[...]

    blk = 5120
    p0_spec = pl.BlockSpec((blk, _D), lambda i: (i, 0))
    p1_spec = pl.BlockSpec((blk, _D), lambda i: (i + _NPAD // blk, 0))
    row_spec = pl.BlockSpec((blk, _D), lambda i: (i, 0))
    vec_spec = pl.BlockSpec((1, _D), lambda i: (0, 0))
    return pl.pallas_call(
        body,
        grid=(_NPAD // blk,),
        in_specs=[p0_spec, p1_spec, vec_spec, vec_spec],
        out_specs=row_spec,
        out_shape=jax.ShapeDtypeStruct((_N, _D), jnp.float32),
    )(partials, partials, gamma.reshape(1, _D), beta.reshape(1, _D))


def kernel(x, edge_index, Wp, bp, Wl, bl, Wr, gamma, beta):
    g, seed = _h_tc(x, Wp, bp, Wl, bl, Wr)
    ei5 = edge_index.reshape(2, _NW, _NH, _HC, _K)
    partials = _agg_sc(ei5, g, seed)
    return _out_tc(partials, gamma, beta)

# --- scband reference (transcript-rebuilt; emitter-appended) ---
"""Pipeline reference for scband-homo-gnnlayer-790273982770 (READ-ONLY COPY).

The authoritative reference and input builder live on the scoring server;
editing this copy changes nothing except your own understanding.
"""

import jax, jax.numpy as jnp
import numpy as np

N = 10000
E = 320000
D = 128


def setup_inputs(seed: int = 0) -> dict:
    key = jax.random.key(seed)
    ks = jax.random.split(key, 10)
    x = jax.random.normal(ks[0], (N, D), dtype=jnp.float32)
    edge_index = jax.random.randint(ks[1], (2, E), 0, N, dtype=jnp.int32)
    # SAGEConv(project=True): pre-projection lin (bias=True) + relu
    Wp = jax.random.normal(ks[2], (D, D), dtype=jnp.float32) * (1.0 / np.sqrt(D))
    bp = jnp.zeros((D,), dtype=jnp.float32)
    # lin_l applied to aggregated neighbors (bias=True)
    Wl = jax.random.normal(ks[3], (D, D), dtype=jnp.float32) * (1.0 / np.sqrt(D))
    bl = jnp.zeros((D,), dtype=jnp.float32)
    # lin_r root weight (bias=False)
    Wr = jax.random.normal(ks[4], (D, D), dtype=jnp.float32) * (1.0 / np.sqrt(D))
    # LayerNorm params
    gamma = jnp.ones((D,), dtype=jnp.float32)
    beta = jnp.zeros((D,), dtype=jnp.float32)
    return {"x": x, "edge_index": edge_index, "Wp": Wp, "bp": bp,
            "Wl": Wl, "bl": bl, "Wr": Wr, "gamma": gamma, "beta": beta}


def reference(x, edge_index, Wp, bp, Wl, bl, Wr, gamma, beta):
    # SAGEConv(aggr='sum', project=True), flow source_to_target
    h = jax.nn.relu(x @ Wp.T + bp)
    src = edge_index[0]
    dst = edge_index[1]
    msgs = jnp.take(h, src, axis=0)            # gather source features
    agg = jnp.zeros((N, D), dtype=x.dtype).at[dst].add(msgs)  # scatter-add to targets
    out = agg @ Wl.T + bl + x @ Wr.T           # neighbor transform + root weight
    # LayerNorm(c_out)
    mean = jnp.mean(out, axis=-1, keepdims=True)
    var = jnp.mean((out - mean) ** 2, axis=-1, keepdims=True)
    out = (out - mean) / jnp.sqrt(var + 1e-5) * gamma + beta
    return out

if __name__ == "__main__":
    import jax
    _d = setup_inputs()
    print(jax.jit(kernel)(*tuple(_d.values())))

</pallas_src>

<mosaic_0001>
#map = affine_map<(d0, d1) -> (0, 0, 0, 0, 0)>
#map1 = affine_map<(d0, d1) -> (0, 0)>
module attributes {stable_mosaic.version = 14 : i64} {
  func.func @k(%arg0: i32, %arg1: i32, %arg2: memref<2x32x4x25x100xi32, #tpu.memory_space<hbm>>, %arg3: memref<10000x128xf32, #tpu.memory_space<hbm>>, %arg4: memref<10240x128xf32, #tpu.memory_space<hbm>>, %arg5: memref<20480x128xf32, #tpu.memory_space<hbm>>, %arg6: memref<25x100xi32, #tpu.memory_space<vmem>>, %arg7: memref<25x100xi32, #tpu.memory_space<vmem>>, %arg8: memref<100x128xf32, #tpu.memory_space<vmem>>, %arg9: memref<100x128xf32, #tpu.memory_space<vmem>>, %arg10: memref<100x128xf32, #tpu.memory_space<vmem>>, %arg11: memref<10240x128xf32, #tpu.memory_space<vmem_shared>>, %arg12: memref<!tpu.dma_semaphore, #tpu.memory_space<semaphore_mem>>, %arg13: memref<!tpu.dma_semaphore, #tpu.memory_space<semaphore_mem>>) attributes {dimension_semantics = [#tpu.dimension_semantics<core_parallel>, #tpu.dimension_semantics<subcore_parallel>], iteration_bounds = array<i64: 2, 16>, scalar_prefetch = 0 : i64, scratch_operands = 8 : i64, tpu.core_type = #tpu.core_type<sc_vector_subcore>, window_params = [{transform_indices = #map}, {transform_indices = #map1}, {transform_indices = #map1}, {transform_indices = #map1}]} {
    %mul3A = arith.constant 16 : i32
    %mul3A_0 = arith.muli %arg0, %mul3A : i32
    %add3A = arith.addi %mul3A_0, %arg1 : i32
    %mul3A_1 = arith.constant 640 : i32
    %mul3A_2 = arith.muli %arg1, %mul3A_1 : i32
    "tpu.region"() ({
      %run_scoped3A_213 = tpu.sem_alloc : memref<!tpu.dma_semaphore, #tpu.memory_space<semaphore_mem>>
      %dma_start3A_214 = arith.constant 0 : i32
      %dma_start3A_215 = tpu.memref_slice %arg11[%mul3A_2, %dma_start3A_214] : memref<10240x128xf32, #tpu.memory_space<vmem_shared>> -> memref<640x128xf32, #tpu.memory_space<vmem_shared>>
      %dma_start3A_216 = arith.constant 0 : i32
      %dma_start3A_217 = tpu.memref_slice %arg4[%mul3A_2, %dma_start3A_216] : memref<10240x128xf32, #tpu.memory_space<hbm>> -> memref<640x128xf32, #tpu.memory_space<hbm>>
      tpu.enqueue_dma source(%dma_start3A_217 : memref<640x128xf32, #tpu.memory_space<hbm>>) target(%dma_start3A_215 : memref<640x128xf32, #tpu.memory_space<vmem_shared>>) target_semaphore(%run_scoped3A_213 : memref<!tpu.dma_semaphore, #tpu.memory_space<semaphore_mem>>)
      %dma_wait3A_218 = arith.constant 0 : i32
      %dma_wait3A_219 = tpu.memref_slice %arg11[%mul3A_2, %dma_wait3A_218] : memref<10240x128xf32, #tpu.memory_space<vmem_shared>> -> memref<640x128xf32, #tpu.memory_space<vmem_shared>>
      %dma_wait3A_220 = arith.constant 0 : i32
      %dma_wait3A_221 = tpu.memref_slice %arg4[%mul3A_2, %dma_wait3A_220] : memref<10240x128xf32, #tpu.memory_space<hbm>> -> memref<640x128xf32, #tpu.memory_space<hbm>>
      tpu.wait_dma2 semaphore(%run_scoped3A_213 : memref<!tpu.dma_semaphore, #tpu.memory_space<semaphore_mem>>) src(%dma_wait3A_221 : memref<640x128xf32, #tpu.memory_space<hbm>>) dst(%dma_wait3A_219 : memref<640x128xf32, #tpu.memory_space<vmem_shared>>)
      tpu.yield
    }) : () -> ()
    %barrier3A = arith.constant 0 : index
    tpu.barrier barrier_id(%barrier3A)
    %run_scoped3A = arith.constant 0 : i32
    %run_scoped3A_3 = arith.constant 0 : i32
    "tpu.region"() ({
      %run_scoped3A_213 = tpu.sem_alloc : memref<!tpu.dma_semaphore, #tpu.memory_space<semaphore_mem>>
      %dma_start3A_214 = arith.constant 0 : i32
      %dma_start3A_215 = arith.constant 0 : i32
      %dma_start3A_216 = tpu.memref_slice %arg2[%run_scoped3A, %add3A, %run_scoped3A_3, %dma_start3A_214, %dma_start3A_215] : memref<2x32x4x25x100xi32, #tpu.memory_space<hbm>> -> memref<1x1x1x25x100xi32, #tpu.memory_space<hbm>>
      %dma_start3A_217 = tpu.memref_squeeze %dma_start3A_216 : memref<1x1x1x25x100xi32, #tpu.memory_space<hbm>> -> memref<25x100xi32, #tpu.memory_space<hbm>>
      %dma_start3A_218 = arith.constant 0 : i32
      %dma_start3A_219 = arith.constant 0 : i32
      %dma_start3A_220 = tpu.memref_slice %arg2[%run_scoped3A, %add3A, %run_scoped3A_3, %dma_start3A_218, %dma_start3A_219] : memref<2x32x4x25x100xi32, #tpu.memory_space<hbm>> -> memref<1x1x1x25x100xi32, #tpu.memory_space<hbm>>
      %dma_start3A_221 = tpu.memref_squeeze %dma_start3A_220 : memref<1x1x1x25x100xi32, #tpu.memory_space<hbm>> -> memref<25x100xi32, #tpu.memory_space<hbm>>
      tpu.enqueue_dma source(%dma_start3A_221 : memref<25x100xi32, #tpu.memory_space<hbm>>) target(%arg6 : memref<25x100xi32, #tpu.memory_space<vmem>>) target_semaphore(%run_scoped3A_213 : memref<!tpu.dma_semaphore, #tpu.memory_space<semaphore_mem>>)
      %dma_wait3A_222 = arith.constant 0 : i32
      %dma_wait3A_223 = arith.constant 0 : i32
      %dma_wait3A_224 = tpu.memref_slice %arg2[%run_scoped3A, %add3A, %run_scoped3A_3, %dma_wait3A_222, %dma_wait3A_223] : memref<2x32x4x25x100xi32, #tpu.memory_space<hbm>> -> memref<1x1x1x25x100xi32, #tpu.memory_space<hbm>>
      %dma_wait3A_225 = tpu.memref_squeeze %dma_wait3A_224 : memref<1x1x1x25x100xi32, #tpu.memory_space<hbm>> -> memref<25x100xi32, #tpu.memory_space<hbm>>
      %dma_wait3A_226 = arith.constant 0 : i32
      %dma_wait3A_227 = arith.constant 0 : i32
      %dma_wait3A_228 = tpu.memref_slice %arg2[%run_scoped3A, %add3A, %run_scoped3A_3, %dma_wait3A_226, %dma_wait3A_227] : memref<2x32x4x25x100xi32, #tpu.memory_space<hbm>> -> memref<1x1x1x25x100xi32, #tpu.memory_space<hbm>>
      %dma_wait3A_229 = tpu.memref_squeeze %dma_wait3A_228 : memref<1x1x1x25x100xi32, #tpu.memory_space<hbm>> -> memref<25x100xi32, #tpu.memory_space<hbm>>
      tpu.wait_dma2 semaphore(%run_scoped3A_213 : memref<!tpu.dma_semaphore, #tpu.memory_space<semaphore_mem>>) src(%dma_wait3A_229 : memref<25x100xi32, #tpu.memory_space<hbm>>) dst(%arg6 : memref<25x100xi32, #tpu.memory_space<vmem>>)
      tpu.yield
    }) : () -> ()
    %run_scoped3A_4 = arith.constant 1 : i32
    %run_scoped3A_5 = arith.constant 0 : i32
    "tpu.region"() ({
      %run_scoped3A_213 = tpu.sem_alloc : memref<!tpu.dma_semaphore, #tpu.memory_space<semaphore_mem>>
      %dma_start3A_214 = arith.constant 0 : i32
      %dma_start3A_215 = arith.constant 0 : i32
      %dma_start3A_216 = tpu.memref_slice %arg2[%run_scoped3A_4, %add3A, %run_scoped3A_5, %dma_start3A_214, %dma_start3A_215] : memref<2x32x4x25x100xi32, #tpu.memory_space<hbm>> -> memref<1x1x1x25x100xi32, #tpu.memory_space<hbm>>
      %dma_start3A_217 = tpu.memref_squeeze %dma_start3A_216 : memref<1x1x1x25x100xi32, #tpu.memory_space<hbm>> -> memref<25x100xi32, #tpu.memory_space<hbm>>
      %dma_start3A_218 = arith.constant 0 : i32
      %dma_start3A_219 = arith.constant 0 : i32
      %dma_start3A_220 = tpu.memref_slice %arg2[%run_scoped3A_4, %add3A, %run_scoped3A_5, %dma_start3A_218, %dma_start3A_219] : memref<2x32x4x25x100xi32, #tpu.memory_space<hbm>> -> memref<1x1x1x25x100xi32, #tpu.memory_space<hbm>>
      %dma_start3A_221 = tpu.memref_squeeze %dma_start3A_220 : memref<1x1x1x25x100xi32, #tpu.memory_space<hbm>> -> memref<25x100xi32, #tpu.memory_space<hbm>>
      tpu.enqueue_dma source(%dma_start3A_221 : memref<25x100xi32, #tpu.memory_space<hbm>>) target(%arg7 : memref<25x100xi32, #tpu.memory_space<vmem>>) target_semaphore(%run_scoped3A_213 : memref<!tpu.dma_semaphore, #tpu.memory_space<semaphore_mem>>)
      %dma_wait3A_222 = arith.constant 0 : i32
      %dma_wait3A_223 = arith.constant 0 : i32
      %dma_wait3A_224 = tpu.memref_slice %arg2[%run_scoped3A_4, %add3A, %run_scoped3A_5, %dma_wait3A_222, %dma_wait3A_223] : memref<2x32x4x25x100xi32, #tpu.memory_space<hbm>> -> memref<1x1x1x25x100xi32, #tpu.memory_space<hbm>>
      %dma_wait3A_225 = tpu.memref_squeeze %dma_wait3A_224 : memref<1x1x1x25x100xi32, #tpu.memory_space<hbm>> -> memref<25x100xi32, #tpu.memory_space<hbm>>
      %dma_wait3A_226 = arith.constant 0 : i32
      %dma_wait3A_227 = arith.constant 0 : i32
      %dma_wait3A_228 = tpu.memref_slice %arg2[%run_scoped3A_4, %add3A, %run_scoped3A_5, %dma_wait3A_226, %dma_wait3A_227] : memref<2x32x4x25x100xi32, #tpu.memory_space<hbm>> -> memref<1x1x1x25x100xi32, #tpu.memory_space<hbm>>
      %dma_wait3A_229 = tpu.memref_squeeze %dma_wait3A_228 : memref<1x1x1x25x100xi32, #tpu.memory_space<hbm>> -> memref<25x100xi32, #tpu.memory_space<hbm>>
      tpu.wait_dma2 semaphore(%run_scoped3A_213 : memref<!tpu.dma_semaphore, #tpu.memory_space<semaphore_mem>>) src(%dma_wait3A_229 : memref<25x100xi32, #tpu.memory_space<hbm>>) dst(%arg7 : memref<25x100xi32, #tpu.memory_space<vmem>>)
      tpu.yield
    }) : () -> ()
    %dma_start3A = arith.constant 0 : i32
    %dma_start3A_6 = arith.constant 0 : i32
    %dma_start3A_7 = tpu.memref_slice %arg6[%dma_start3A, %dma_start3A_6] : memref<25x100xi32, #tpu.memory_space<vmem>> -> memref<1x100xi32, #tpu.memory_space<vmem>>
    %dma_start3A_8 = tpu.memref_squeeze %dma_start3A_7 : memref<1x100xi32, #tpu.memory_space<vmem>> -> memref<100xi32, #tpu.memory_space<vmem>>
    %dma_start3A_9 = arith.constant 0 : i32
    %dma_start3A_10 = arith.constant 0 : i32
    %dma_start3A_11 = tpu.memref_slice %arg3[%dma_start3A_9, %dma_start3A_10] : memref<10000x128xf32, #tpu.memory_space<hbm>> -> memref<10000x128xf32, #tpu.memory_space<hbm>>
    tpu.enqueue_indirect_dma source(%dma_start3A_11 : memref<10000x128xf32, #tpu.memory_space<hbm>>) target(%arg8 : memref<100x128xf32, #tpu.memory_space<vmem>>) offsets(%dma_start3A_8 : memref<100xi32, #tpu.memory_space<vmem>>) semaphore(%arg12 : memref<!tpu.dma_semaphore, #tpu.memory_space<semaphore_mem>>)
    %dma_start3A_12 = arith.constant 1 : i32
    %dma_start3A_13 = arith.constant 0 : i32
    %dma_start3A_14 = tpu.memref_slice %arg6[%dma_start3A_12, %dma_start3A_13] : memref<25x100xi32, #tpu.memory_space<vmem>> -> memref<1x100xi32, #tpu.memory_space<vmem>>
    %dma_start3A_15 = tpu.memref_squeeze %dma_start3A_14 : memref<1x100xi32, #tpu.memory_space<vmem>> -> memref<100xi32, #tpu.memory_space<vmem>>
    %dma_start3A_16 = arith.constant 0 : i32
    %dma_start3A_17 = arith.constant 0 : i32
    %dma_start3A_18 = tpu.memref_slice %arg3[%dma_start3A_16, %dma_start3A_17] : memref<10000x128xf32, #tpu.memory_space<hbm>> -> memref<10000x128xf32, #tpu.memory_space<hbm>>
    tpu.enqueue_indirect_dma source(%dma_start3A_18 : memref<10000x128xf32, #tpu.memory_space<hbm>>) target(%arg9 : memref<100x128xf32, #tpu.memory_space<vmem>>) offsets(%dma_start3A_15 : memref<100xi32, #tpu.memory_space<vmem>>) semaphore(%arg12 : memref<!tpu.dma_semaphore, #tpu.memory_space<semaphore_mem>>)
    %scan3A = arith.constant 0 : i32
    %scan3A_19 = arith.constant 0 : i32
    %scan3A_20 = arith.constant 8 : i32
    %scan3A_21 = arith.addi %scan3A_19, %scan3A_20 : i32
    %scan3A_22 = arith.constant 1 : i32
    scf.for %scan3A_213 = %scan3A_19 to %scan3A_21 step %scan3A_22  : i32 {
      %mul3A_214 = arith.constant 3 : i32
      %mul3A_215 = arith.muli %scan3A_213, %mul3A_214 : i32
      %add3A_216 = arith.constant 0 : i32
      %add3A_217 = arith.addi %mul3A_215, %add3A_216 : i32
      %dma_wait3A_218 = arith.constant 0 : i32
      %dma_wait3A_219 = tpu.memref_slice %arg6[%add3A_217, %dma_wait3A_218] : memref<25x100xi32, #tpu.memory_space<vmem>> -> memref<1x100xi32, #tpu.memory_space<vmem>>
      %dma_wait3A_220 = tpu.memref_squeeze %dma_wait3A_219 : memref<1x100xi32, #tpu.memory_space<vmem>> -> memref<100xi32, #tpu.memory_space<vmem>>
      %dma_wait3A_221 = arith.constant 0 : i32
      %dma_wait3A_222 = arith.constant 0 : i32
      %dma_wait3A_223 = tpu.memref_slice %arg3[%dma_wait3A_221, %dma_wait3A_222] : memref<10000x128xf32, #tpu.memory_space<hbm>> -> memref<10000x128xf32, #tpu.memory_space<hbm>>
      tpu.wait_indirect_dma semaphore(%arg12 : memref<!tpu.dma_semaphore, #tpu.memory_space<semaphore_mem>>) src(%dma_wait3A_223 : memref<10000x128xf32, #tpu.memory_space<hbm>>) dst(%arg8 : memref<100x128xf32, #tpu.memory_space<vmem>>)
      %gt3A = arith.constant 0 : i32
      %gt3A_224 = arith.cmpi sgt, %add3A_217, %gt3A : i32
      %convert_element_type3A = arith.extui %gt3A_224 : i1 to i32
      %cond3A = arith.constant 0 : i32
      %cond3A_225 = arith.cmpi ne, %convert_element_type3A, %cond3A : i32
      scf.if %cond3A_225 {
        %sub3A_299 = arith.constant 1 : i32
        %sub3A_300 = arith.subi %add3A_217, %sub3A_299 : i32
        %dma_wait3A_301 = arith.constant 0 : i32
        %dma_wait3A_302 = tpu.memref_slice %arg7[%sub3A_300, %dma_wait3A_301] : memref<25x100xi32, #tpu.memory_space<vmem>> -> memref<1x100xi32, #tpu.memory_space<vmem>>
        %dma_wait3A_303 = tpu.memref_squeeze %dma_wait3A_302 : memref<1x100xi32, #tpu.memory_space<vmem>> -> memref<100xi32, #tpu.memory_space<vmem>>
        %dma_wait3A_304 = arith.constant 0 : i32
        %dma_wait3A_305 = arith.constant 0 : i32
        %dma_wait3A_306 = tpu.memref_slice %arg11[%dma_wait3A_304, %dma_wait3A_305] : memref<10240x128xf32, #tpu.memory_space<vmem_shared>> -> memref<10240x128xf32, #tpu.memory_space<vmem_shared>>
        tpu.wait_indirect_dma semaphore(%arg13 : memref<!tpu.dma_semaphore, #tpu.memory_space<semaphore_mem>>) src(%arg10 : memref<100x128xf32, #tpu.memory_space<vmem>>) dst(%dma_wait3A_306 : memref<10240x128xf32, #tpu.memory_space<vmem_shared>>)
      } else {
      }
      %dma_start3A_226 = arith.constant 0 : i32
      %dma_start3A_227 = tpu.memref_slice %arg7[%add3A_217, %dma_start3A_226] : memref<25x100xi32, #tpu.memory_space<vmem>> -> memref<1x100xi32, #tpu.memory_space<vmem>>
      %dma_start3A_228 = tpu.memref_squeeze %dma_start3A_227 : memref<1x100xi32, #tpu.memory_space<vmem>> -> memref<100xi32, #tpu.memory_space<vmem>>
      %dma_start3A_229 = arith.constant 0 : i32
      %dma_start3A_230 = arith.constant 0 : i32
      %dma_start3A_231 = tpu.memref_slice %arg11[%dma_start3A_229, %dma_start3A_230] : memref<10240x128xf32, #tpu.memory_space<vmem_shared>> -> memref<10240x128xf32, #tpu.memory_space<vmem_shared>>
      tpu.enqueue_indirect_dma source(%arg8 : memref<100x128xf32, #tpu.memory_space<vmem>>) target(%dma_start3A_231 : memref<10240x128xf32, #tpu.memory_space<vmem_shared>>) offsets(%dma_start3A_228 : memref<100xi32, #tpu.memory_space<vmem>>) semaphore(%arg13 : memref<!tpu.dma_semaphore, #tpu.memory_space<semaphore_mem>>) {add = true}
      %add3A_232 = arith.constant 3 : i32
      %add3A_233 = arith.addi %add3A_217, %add3A_232 : i32
      %sub3A = arith.constant 1 : i32
      %sub3A_234 = arith.subi %add3A_233, %sub3A : i32
      %lt3A = arith.constant 25 : i32
      %lt3A_235 = arith.cmpi slt, %sub3A_234, %lt3A : i32
      %convert_element_type3A_236 = arith.extui %lt3A_235 : i1 to i32
      %cond3A_237 = arith.constant 0 : i32
      %cond3A_238 = arith.cmpi ne, %convert_element_type3A_236, %cond3A_237 : i32
      scf.if %cond3A_238 {
        %add3A_299 = arith.constant 3 : i32
        %add3A_300 = arith.addi %add3A_217, %add3A_299 : i32
        %sub3A_301 = arith.constant 1 : i32
        %sub3A_302 = arith.subi %add3A_300, %sub3A_301 : i32
        %dma_start3A_303 = arith.constant 0 : i32
        %dma_start3A_304 = tpu.memref_slice %arg6[%sub3A_302, %dma_start3A_303] : memref<25x100xi32, #tpu.memory_space<vmem>> -> memref<1x100xi32, #tpu.memory_space<vmem>>
        %dma_start3A_305 = tpu.memref_squeeze %dma_start3A_304 : memref<1x100xi32, #tpu.memory_space<vmem>> -> memref<100xi32, #tpu.memory_space<vmem>>
        %dma_start3A_306 = arith.constant 0 : i32
        %dma_start3A_307 = arith.constant 0 : i32
        %dma_start3A_308 = tpu.memref_slice %arg3[%dma_start3A_306, %dma_start3A_307] : memref<10000x128xf32, #tpu.memory_space<hbm>> -> memref<10000x128xf32, #tpu.memory_space<hbm>>
        tpu.enqueue_indirect_dma source(%dma_start3A_308 : memref<10000x128xf32, #tpu.memory_space<hbm>>) target(%arg10 : memref<100x128xf32, #tpu.memory_space<vmem>>) offsets(%dma_start3A_305 : memref<100xi32, #tpu.memory_space<vmem>>) semaphore(%arg12 : memref<!tpu.dma_semaphore, #tpu.memory_space<semaphore_mem>>)
      } else {
      }
      %mul3A_239 = arith.constant 3 : i32
      %mul3A_240 = arith.muli %scan3A_213, %mul3A_239 : i32
      %add3A_241 = arith.constant 1 : i32
      %add3A_242 = arith.addi %mul3A_240, %add3A_241 : i32
      %dma_wait3A_243 = arith.constant 0 : i32
      %dma_wait3A_244 = tpu.memref_slice %arg6[%add3A_242, %dma_wait3A_243] : memref<25x100xi32, #tpu.memory_space<vmem>> -> memref<1x100xi32, #tpu.memory_space<vmem>>
      %dma_wait3A_245 = tpu.memref_squeeze %dma_wait3A_244 : memref<1x100xi32, #tpu.memory_space<vmem>> -> memref<100xi32, #tpu.memory_space<vmem>>
      %dma_wait3A_246 = arith.constant 0 : i32
      %dma_wait3A_247 = arith.constant 0 : i32
      %dma_wait3A_248 = tpu.memref_slice %arg3[%dma_wait3A_246, %dma_wait3A_247] : memref<10000x128xf32, #tpu.memory_space<hbm>> -> memref<10000x128xf32, #tpu.memory_space<hbm>>
      tpu.wait_indirect_dma semaphore(%arg12 : memref<!tpu.dma_semaphore, #tpu.memory_space<semaphore_mem>>) src(%dma_wait3A_248 : memref<10000x128xf32, #tpu.memory_space<hbm>>) dst(%arg9 : memref<100x128xf32, #tpu.memory_space<vmem>>)
      %gt3A_249 = arith.constant 0 : i32
      %gt3A_250 = arith.cmpi sgt, %add3A_242, %gt3A_249 : i32
      %convert_element_type3A_251 = arith.extui %gt3A_250 : i1 to i32
      %cond3A_252 = arith.constant 0 : i32
      %cond3A_253 = arith.cmpi ne, %convert_element_type3A_251, %cond3A_252 : i32
      scf.if %cond3A_253 {
        %sub3A_299 = arith.constant 1 : i32
        %sub3A_300 = arith.subi %add3A_242, %sub3A_299 : i32
        %dma_wait3A_301 = arith.constant 0 : i32
        %dma_wait3A_302 = tpu.memref_slice %arg7[%sub3A_300, %dma_wait3A_301] : memref<25x100xi32, #tpu.memory_space<vmem>> -> memref<1x100xi32, #tpu.memory_space<vmem>>
        %dma_wait3A_303 = tpu.memref_squeeze %dma_wait3A_302 : memref<1x100xi32, #tpu.memory_space<vmem>> -> memref<100xi32, #tpu.memory_space<vmem>>
        %dma_wait3A_304 = arith.constant 0 : i32
        %dma_wait3A_305 = arith.constant 0 : i32
        %dma_wait3A_306 = tpu.memref_slice %arg11[%dma_wait3A_304, %dma_wait3A_305] : memref<10240x128xf32, #tpu.memory_space<vmem_shared>> -> memref<10240x128xf32, #tpu.memory_space<vmem_shared>>
        tpu.wait_indirect_dma semaphore(%arg13 : memref<!tpu.dma_semaphore, #tpu.memory_space<semaphore_mem>>) src(%arg8 : memref<100x128xf32, #tpu.memory_space<vmem>>) dst(%dma_wait3A_306 : memref<10240x128xf32, #tpu.memory_space<vmem_shared>>)
      } else {
      }
      %dma_start3A_254 = arith.constant 0 : i32
      %dma_start3A_255 = tpu.memref_slice %arg7[%add3A_242, %dma_start3A_254] : memref<25x100xi32, #tpu.memory_space<vmem>> -> memref<1x100xi32, #tpu.memory_space<vmem>>
      %dma_start3A_256 = tpu.memref_squeeze %dma_start3A_255 : memref<1x100xi32, #tpu.memory_space<vmem>> -> memref<100xi32, #tpu.memory_space<vmem>>
      %dma_start3A_257 = arith.constant 0 : i32
      %dma_start3A_258 = arith.constant 0 : i32
      %dma_start3A_259 = tpu.memref_slice %arg11[%dma_start3A_257, %dma_start3A_258] : memref<10240x128xf32, #tpu.memory_space<vmem_shared>> -> memref<10240x128xf32, #tpu.memory_space<vmem_shared>>
      tpu.enqueue_indirect_dma source(%arg9 : memref<100x128xf32, #tpu.memory_space<vmem>>) target(%dma_start3A_259 : memref<10240x128xf32, #tpu.memory_space<vmem_shared>>) offsets(%dma_start3A_256 : memref<100xi32, #tpu.memory_space<vmem>>) semaphore(%arg13 : memref<!tpu.dma_semaphore, #tpu.memory_space<semaphore_mem>>) {add = true}
      %add3A_260 = arith.constant 3 : i32
      %add3A_261 = arith.addi %add3A_242, %add3A_260 : i32
      %sub3A_262 = arith.constant 1 : i32
      %sub3A_263 = arith.subi %add3A_261, %sub3A_262 : i32
      %lt3A_264 = arith.constant 25 : i32
      %lt3A_265 = arith.cmpi slt, %sub3A_263, %lt3A_264 : i32
      %convert_element_type3A_266 = arith.extui %lt3A_265 : i1 to i32
      %cond3A_267 = arith.constant 0 : i32
      %cond3A_268 = arith.cmpi ne, %convert_element_type3A_266, %cond3A_267 : i32
      scf.if %cond3A_268 {
        %add3A_299 = arith.constant 3 : i32
        %add3A_300 = arith.addi %add3A_242, %add3A_299 : i32
        %sub3A_301 = arith.constant 1 : i32
        %sub3A_302 = arith.subi %add3A_300, %sub3A_301 : i32
        %dma_start3A_303 = arith.constant 0 : i32
        %dma_start3A_304 = tpu.memref_slice %arg6[%sub3A_302, %dma_start3A_303] : memref<25x100xi32, #tpu.memory_space<vmem>> -> memref<1x100xi32, #tpu.memory_space<vmem>>
        %dma_start3A_305 = tpu.memref_squeeze %dma_start3A_304 : memref<1x100xi32, #tpu.memory_space<vmem>> -> memref<100xi32, #tpu.memory_space<vmem>>
        %dma_start3A_306 = arith.constant 0 : i32
        %dma_start3A_307 = arith.constant 0 : i32
        %dma_start3A_308 = tpu.memref_slice %arg3[%dma_start3A_306, %dma_start3A_307] : memref<10000x128xf32, #tpu.memory_space<hbm>> -> memref<10000x128xf32, #tpu.memory_space<hbm>>
        tpu.enqueue_indirect_dma source(%dma_start3A_308 : memref<10000x128xf32, #tpu.memory_space<hbm>>) target(%arg8 : memref<100x128xf32, #tpu.memory_space<vmem>>) offsets(%dma_start3A_305 : memref<100xi32, #tpu.memory_space<vmem>>) semaphore(%arg12 : memref<!tpu.dma_semaphore, #tpu.memory_space<semaphore_mem>>)
      } else {
      }
      %mul3A_269 = arith.constant 3 : i32
      %mul3A_270 = arith.muli %scan3A_213, %mul3A_269 : i32
      %add3A_271 = arith.constant 2 : i32
      %add3A_272 = arith.addi %mul3A_270, %add3A_271 : i32
      %dma_wait3A_273 = arith.constant 0 : i32
      %dma_wait3A_274 = tpu.memref_slice %arg6[%add3A_272, %dma_wait3A_273] : memref<25x100xi32, #tpu.memory_space<vmem>> -> memref<1x100xi32, #tpu.memory_space<vmem>>
      %dma_wait3A_275 = tpu.memref_squeeze %dma_wait3A_274 : memref<1x100xi32, #tpu.memory_space<vmem>> -> memref<100xi32, #tpu.memory_space<vmem>>
      %dma_wait3A_276 = arith.constant 0 : i32
      %dma_wait3A_277 = arith.constant 0 : i32
      %dma_wait3A_278 = tpu.memref_slice %arg3[%dma_wait3A_276, %dma_wait3A_277] : memref<10000x128xf32, #tpu.memory_space<hbm>> -> memref<10000x128xf32, #tpu.memory_space<hbm>>
      tpu.wait_indirect_dma semaphore(%arg12 : memref<!tpu.dma_semaphore, #tpu.memory_space<semaphore_mem>>) src(%dma_wait3A_278 : memref<10000x128xf32, #tpu.memory_space<hbm>>) dst(%arg10 : memref<100x128xf32, #tpu.memory_space<vmem>>)
      %gt3A_279 = arith.constant 0 : i32
      %gt3A_280 = arith.cmpi sgt, %add3A_272, %gt3A_279 : i32
      %convert_element_type3A_281 = arith.extui %gt3A_280 : i1 to i32
      %cond3A_282 = arith.constant 0 : i32
      %cond3A_283 = arith.cmpi ne, %convert_element_type3A_281, %cond3A_282 : i32
      scf.if %cond3A_283 {
        %sub3A_299 = arith.constant 1 : i32
        %sub3A_300 = arith.subi %add3A_272, %sub3A_299 : i32
        %dma_wait3A_301 = arith.constant 0 : i32
        %dma_wait3A_302 = tpu.memref_slice %arg7[%sub3A_300, %dma_wait3A_301] : memref<25x100xi32, #tpu.memory_space<vmem>> -> memref<1x100xi32, #tpu.memory_space<vmem>>
        %dma_wait3A_303 = tpu.memref_squeeze %dma_wait3A_302 : memref<1x100xi32, #tpu.memory_space<vmem>> -> memref<100xi32, #tpu.memory_space<vmem>>
        %dma_wait3A_304 = arith.constant 0 : i32
        %dma_wait3A_305 = arith.constant 0 : i32
        %dma_wait3A_306 = tpu.memref_slice %arg11[%dma_wait3A_304, %dma_wait3A_305] : memref<10240x128xf32, #tpu.memory_space<vmem_shared>> -> memref<10240x128xf32, #tpu.memory_space<vmem_shared>>
        tpu.wait_indirect_dma semaphore(%arg13 : memref<!tpu.dma_semaphore, #tpu.memory_space<semaphore_mem>>) src(%arg9 : memref<100x128xf32, #tpu.memory_space<vmem>>) dst(%dma_wait3A_306 : memref<10240x128xf32, #tpu.memory_space<vmem_shared>>)
      } else {
      }
      %dma_start3A_284 = arith.constant 0 : i32
      %dma_start3A_285 = tpu.memref_slice %arg7[%add3A_272, %dma_start3A_284] : memref<25x100xi32, #tpu.memory_space<vmem>> -> memref<1x100xi32, #tpu.memory_space<vmem>>
      %dma_start3A_286 = tpu.memref_squeeze %dma_start3A_285 : memref<1x100xi32, #tpu.memory_space<vmem>> -> memref<100xi32, #tpu.memory_space<vmem>>
      %dma_start3A_287 = arith.constant 0 : i32
      %dma_start3A_288 = arith.constant 0 : i32
      %dma_start3A_289 = tpu.memref_slice %arg11[%dma_start3A_287, %dma_start3A_288] : memref<10240x128xf32, #tpu.memory_space<vmem_shared>> -> memref<10240x128xf32, #tpu.memory_space<vmem_shared>>
      tpu.enqueue_indirect_dma source(%arg10 : memref<100x128xf32, #tpu.memory_space<vmem>>) target(%dma_start3A_289 : memref<10240x128xf32, #tpu.memory_space<vmem_shared>>) offsets(%dma_start3A_286 : memref<100xi32, #tpu.memory_space<vmem>>) semaphore(%arg13 : memref<!tpu.dma_semaphore, #tpu.memory_space<semaphore_mem>>) {add = true}
      %add3A_290 = arith.constant 3 : i32
      %add3A_291 = arith.addi %add3A_272, %add3A_290 : i32
      %sub3A_292 = arith.constant 1 : i32
      %sub3A_293 = arith.subi %add3A_291, %sub3A_292 : i32
      %lt3A_294 = arith.constant 25 : i32
      %lt3A_295 = arith.cmpi slt, %sub3A_293, %lt3A_294 : i32
      %convert_element_type3A_296 = arith.extui %lt3A_295 : i1 to i32
      %cond3A_297 = arith.constant 0 : i32
      %cond3A_298 = arith.cmpi ne, %convert_element_type3A_296, %cond3A_297 : i32
      scf.if %cond3A_298 {
        %add3A_299 = arith.constant 3 : i32
        %add3A_300 = arith.addi %add3A_272, %add3A_299 : i32
        %sub3A_301 = arith.constant 1 : i32
        %sub3A_302 = arith.subi %add3A_300, %sub3A_301 : i32
        %dma_start3A_303 = arith.constant 0 : i32
        %dma_start3A_304 = tpu.memref_slice %arg6[%sub3A_302, %dma_start3A_303] : memref<25x100xi32, #tpu.memory_space<vmem>> -> memref<1x100xi32, #tpu.memory_space<vmem>>
        %dma_start3A_305 = tpu.memref_squeeze %dma_start3A_304 : memref<1x100xi32, #tpu.memory_space<vmem>> -> memref<100xi32, #tpu.memory_space<vmem>>
        %dma_start3A_306 = arith.constant 0 : i32
        %dma_start3A_307 = arith.constant 0 : i32
        %dma_start3A_308 = tpu.memref_slice %arg3[%dma_start3A_306, %dma_start3A_307] : memref<10000x128xf32, #tpu.memory_space<hbm>> -> memref<10000x128xf32, #tpu.memory_space<hbm>>
        tpu.enqueue_indirect_dma source(%dma_start3A_308 : memref<10000x128xf32, #tpu.memory_space<hbm>>) target(%arg9 : memref<100x128xf32, #tpu.memory_space<vmem>>) offsets(%dma_start3A_305 : memref<100xi32, #tpu.memory_space<vmem>>) semaphore(%arg12 : memref<!tpu.dma_semaphore, #tpu.memory_space<semaphore_mem>>)
      } else {
      }
    }
    %scan3A_23 = arith.constant 8 : i32
    %dma_wait3A = arith.constant 24 : i32
    %dma_wait3A_24 = arith.constant 0 : i32
    %dma_wait3A_25 = tpu.memref_slice %arg6[%dma_wait3A, %dma_wait3A_24] : memref<25x100xi32, #tpu.memory_space<vmem>> -> memref<1x100xi32, #tpu.memory_space<vmem>>
    %dma_wait3A_26 = tpu.memref_squeeze %dma_wait3A_25 : memref<1x100xi32, #tpu.memory_space<vmem>> -> memref<100xi32, #tpu.memory_space<vmem>>
    %dma_wait3A_27 = arith.constant 0 : i32
    %dma_wait3A_28 = arith.constant 0 : i32
    %dma_wait3A_29 = tpu.memref_slice %arg3[%dma_wait3A_27, %dma_wait3A_28] : memref<10000x128xf32, #tpu.memory_space<hbm>> -> memref<10000x128xf32, #tpu.memory_space<hbm>>
    tpu.wait_indirect_dma semaphore(%arg12 : memref<!tpu.dma_semaphore, #tpu.memory_space<semaphore_mem>>) src(%dma_wait3A_29 : memref<10000x128xf32, #tpu.memory_space<hbm>>) dst(%arg8 : memref<100x128xf32, #tpu.memory_space<vmem>>)
    %dma_wait3A_30 = arith.constant 23 : i32
    %dma_wait3A_31 = arith.constant 0 : i32
    %dma_wait3A_32 = tpu.memref_slice %arg7[%dma_wait3A_30, %dma_wait3A_31] : memref<25x100xi32, #tpu.memory_space<vmem>> -> memref<1x100xi32, #tpu.memory_space<vmem>>
    %dma_wait3A_33 = tpu.memref_squeeze %dma_wait3A_32 : memref<1x100xi32, #tpu.memory_space<vmem>> -> memref<100xi32, #tpu.memory_space<vmem>>
    %dma_wait3A_34 = arith.constant 0 : i32
    %dma_wait3A_35 = arith.constant 0 : i32
    %dma_wait3A_36 = tpu.memref_slice %arg11[%dma_wait3A_34, %dma_wait3A_35] : memref<10240x128xf32, #tpu.memory_space<vmem_shared>> -> memref<10240x128xf32, #tpu.memory_space<vmem_shared>>
    tpu.wait_indirect_dma semaphore(%arg13 : memref<!tpu.dma_semaphore, #tpu.memory_space<semaphore_mem>>) src(%arg10 : memref<100x128xf32, #tpu.memory_space<vmem>>) dst(%dma_wait3A_36 : memref<10240x128xf32, #tpu.memory_space<vmem_shared>>)
    %dma_start3A_37 = arith.constant 24 : i32
    %dma_start3A_38 = arith.constant 0 : i32
    %dma_start3A_39 = tpu.memref_slice %arg7[%dma_start3A_37, %dma_start3A_38] : memref<25x100xi32, #tpu.memory_space<vmem>> -> memref<1x100xi32, #tpu.memory_space<vmem>>
    %dma_start3A_40 = tpu.memref_squeeze %dma_start3A_39 : memref<1x100xi32, #tpu.memory_space<vmem>> -> memref<100xi32, #tpu.memory_space<vmem>>
    %dma_start3A_41 = arith.constant 0 : i32
    %dma_start3A_42 = arith.constant 0 : i32
    %dma_start3A_43 = tpu.memref_slice %arg11[%dma_start3A_41, %dma_start3A_42] : memref<10240x128xf32, #tpu.memory_space<vmem_shared>> -> memref<10240x128xf32, #tpu.memory_space<vmem_shared>>
    tpu.enqueue_indirect_dma source(%arg8 : memref<100x128xf32, #tpu.memory_space<vmem>>) target(%dma_start3A_43 : memref<10240x128xf32, #tpu.memory_space<vmem_shared>>) offsets(%dma_start3A_40 : memref<100xi32, #tpu.memory_space<vmem>>) semaphore(%arg13 : memref<!tpu.dma_semaphore, #tpu.memory_space<semaphore_mem>>) {add = true}
    %dma_wait3A_44 = arith.constant 24 : i32
    %dma_wait3A_45 = arith.constant 0 : i32
    %dma_wait3A_46 = tpu.memref_slice %arg7[%dma_wait3A_44, %dma_wait3A_45] : memref<25x100xi32, #tpu.memory_space<vmem>> -> memref<1x100xi32, #tpu.memory_space<vmem>>
    %dma_wait3A_47 = tpu.memref_squeeze %dma_wait3A_46 : memref<1x100xi32, #tpu.memory_space<vmem>> -> memref<100xi32, #tpu.memory_space<vmem>>
    %dma_wait3A_48 = arith.constant 0 : i32
    %dma_wait3A_49 = arith.constant 0 : i32
    %dma_wait3A_50 = tpu.memref_slice %arg11[%dma_wait3A_48, %dma_wait3A_49] : memref<10240x128xf32, #tpu.memory_space<vmem_shared>> -> memref<10240x128xf32, #tpu.memory_space<vmem_shared>>
    tpu.wait_indirect_dma semaphore(%arg13 : memref<!tpu.dma_semaphore, #tpu.memory_space<semaphore_mem>>) src(%arg8 : memref<100x128xf32, #tpu.memory_space<vmem>>) dst(%dma_wait3A_50 : memref<10240x128xf32, #tpu.memory_space<vmem_shared>>)
    %run_scoped3A_51 = arith.constant 0 : i32
    %run_scoped3A_52 = arith.constant 1 : i32
    "tpu.region"() ({
      %run_scoped3A_213 = tpu.sem_alloc : memref<!tpu.dma_semaphore, #tpu.memory_space<semaphore_mem>>
      %dma_start3A_214 = arith.constant 0 : i32
      %dma_start3A_215 = arith.constant 0 : i32
      %dma_start3A_216 = tpu.memref_slice %arg2[%run_scoped3A_51, %add3A, %run_scoped3A_52, %dma_start3A_214, %dma_start3A_215] : memref<2x32x4x25x100xi32, #tpu.memory_space<hbm>> -> memref<1x1x1x25x100xi32, #tpu.memory_space<hbm>>
      %dma_start3A_217 = tpu.memref_squeeze %dma_start3A_216 : memref<1x1x1x25x100xi32, #tpu.memory_space<hbm>> -> memref<25x100xi32, #tpu.memory_space<hbm>>
      %dma_start3A_218 = arith.constant 0 : i32
      %dma_start3A_219 = arith.constant 0 : i32
      %dma_start3A_220 = tpu.memref_slice %arg2[%run_scoped3A_51, %add3A, %run_scoped3A_52, %dma_start3A_218, %dma_start3A_219] : memref<2x32x4x25x100xi32, #tpu.memory_space<hbm>> -> memref<1x1x1x25x100xi32, #tpu.memory_space<hbm>>
      %dma_start3A_221 = tpu.memref_squeeze %dma_start3A_220 : memref<1x1x1x25x100xi32, #tpu.memory_space<hbm>> -> memref<25x100xi32, #tpu.memory_space<hbm>>
      tpu.enqueue_dma source(%dma_start3A_221 : memref<25x100xi32, #tpu.memory_space<hbm>>) target(%arg6 : memref<25x100xi32, #tpu.memory_space<vmem>>) target_semaphore(%run_scoped3A_213 : memref<!tpu.dma_semaphore, #tpu.memory_space<semaphore_mem>>)
      %dma_wait3A_222 = arith.constant 0 : i32
      %dma_wait3A_223 = arith.constant 0 : i32
      %dma_wait3A_224 = tpu.memref_slice %arg2[%run_scoped3A_51, %add3A, %run_scoped3A_52, %dma_wait3A_222, %dma_wait3A_223] : memref<2x32x4x25x100xi32, #tpu.memory_space<hbm>> -> memref<1x1x1x25x100xi32, #tpu.memory_space<hbm>>
      %dma_wait3A_225 = tpu.memref_squeeze %dma_wait3A_224 : memref<1x1x1x25x100xi32, #tpu.memory_space<hbm>> -> memref<25x100xi32, #tpu.memory_space<hbm>>
      %dma_wait3A_226 = arith.constant 0 : i32
      %dma_wait3A_227 = arith.constant 0 : i32
      %dma_wait3A_228 = tpu.memref_slice %arg2[%run_scoped3A_51, %add3A, %run_scoped3A_52, %dma_wait3A_226, %dma_wait3A_227] : memref<2x32x4x25x100xi32, #tpu.memory_space<hbm>> -> memref<1x1x1x25x100xi32, #tpu.memory_space<hbm>>
      %dma_wait3A_229 = tpu.memref_squeeze %dma_wait3A_228 : memref<1x1x1x25x100xi32, #tpu.memory_space<hbm>> -> memref<25x100xi32, #tpu.memory_space<hbm>>
      tpu.wait_dma2 semaphore(%run_scoped3A_213 : memref<!tpu.dma_semaphore, #tpu.memory_space<semaphore_mem>>) src(%dma_wait3A_229 : memref<25x100xi32, #tpu.memory_space<hbm>>) dst(%arg6 : memref<25x100xi32, #tpu.memory_space<vmem>>)
      tpu.yield
    }) : () -> ()
    %run_scoped3A_53 = arith.constant 1 : i32
    %run_scoped3A_54 = arith.constant 1 : i32
    "tpu.region"() ({
      %run_scoped3A_213 = tpu.sem_alloc : memref<!tpu.dma_semaphore, #tpu.memory_space<semaphore_mem>>
      %dma_start3A_214 = arith.constant 0 : i32
      %dma_start3A_215 = arith.constant 0 : i32
      %dma_start3A_216 = tpu.memref_slice %arg2[%run_scoped3A_53, %add3A, %run_scoped3A_54, %dma_start3A_214, %dma_start3A_215] : memref<2x32x4x25x100xi32, #tpu.memory_space<hbm>> -> memref<1x1x1x25x100xi32, #tpu.memory_space<hbm>>
      %dma_start3A_217 = tpu.memref_squeeze %dma_start3A_216 : memref<1x1x1x25x100xi32, #tpu.memory_space<hbm>> -> memref<25x100xi32, #tpu.memory_space<hbm>>
      %dma_start3A_218 = arith.constant 0 : i32
      %dma_start3A_219 = arith.constant 0 : i32
      %dma_start3A_220 = tpu.memref_slice %arg2[%run_scoped3A_53, %add3A, %run_scoped3A_54, %dma_start3A_218, %dma_start3A_219] : memref<2x32x4x25x100xi32, #tpu.memory_space<hbm>> -> memref<1x1x1x25x100xi32, #tpu.memory_space<hbm>>
      %dma_start3A_221 = tpu.memref_squeeze %dma_start3A_220 : memref<1x1x1x25x100xi32, #tpu.memory_space<hbm>> -> memref<25x100xi32, #tpu.memory_space<hbm>>
      tpu.enqueue_dma source(%dma_start3A_221 : memref<25x100xi32, #tpu.memory_space<hbm>>) target(%arg7 : memref<25x100xi32, #tpu.memory_space<vmem>>) target_semaphore(%run_scoped3A_213 : memref<!tpu.dma_semaphore, #tpu.memory_space<semaphore_mem>>)
      %dma_wait3A_222 = arith.constant 0 : i32
      %dma_wait3A_223 = arith.constant 0 : i32
      %dma_wait3A_224 = tpu.memref_slice %arg2[%run_scoped3A_53, %add3A, %run_scoped3A_54, %dma_wait3A_222, %dma_wait3A_223] : memref<2x32x4x25x100xi32, #tpu.memory_space<hbm>> -> memref<1x1x1x25x100xi32, #tpu.memory_space<hbm>>
      %dma_wait3A_225 = tpu.memref_squeeze %dma_wait3A_224 : memref<1x1x1x25x100xi32, #tpu.memory_space<hbm>> -> memref<25x100xi32, #tpu.memory_space<hbm>>
      %dma_wait3A_226 = arith.constant 0 : i32
      %dma_wait3A_227 = arith.constant 0 : i32
      %dma_wait3A_228 = tpu.memref_slice %arg2[%run_scoped3A_53, %add3A, %run_scoped3A_54, %dma_wait3A_226, %dma_wait3A_227] : memref<2x32x4x25x100xi32, #tpu.memory_space<hbm>> -> memref<1x1x1x25x100xi32, #tpu.memory_space<hbm>>
      %dma_wait3A_229 = tpu.memref_squeeze %dma_wait3A_228 : memref<1x1x1x25x100xi32, #tpu.memory_space<hbm>> -> memref<25x100xi32, #tpu.memory_space<hbm>>
      tpu.wait_dma2 semaphore(%run_scoped3A_213 : memref<!tpu.dma_semaphore, #tpu.memory_space<semaphore_mem>>) src(%dma_wait3A_229 : memref<25x100xi32, #tpu.memory_space<hbm>>) dst(%arg7 : memref<25x100xi32, #tpu.memory_space<vmem>>)
      tpu.yield
    }) : () -> ()
    %dma_start3A_55 = arith.constant 0 : i32
    %dma_start3A_56 = arith.constant 0 : i32
    %dma_start3A_57 = tpu.memref_slice %arg6[%dma_start3A_55, %dma_start3A_56] : memref<25x100xi32, #tpu.memory_space<vmem>> -> memref<1x100xi32, #tpu.memory_space<vmem>>
    %dma_start3A_58 = tpu.memref_squeeze %dma_start3A_57 : memref<1x100xi32, #tpu.memory_space<vmem>> -> memref<100xi32, #tpu.memory_space<vmem>>
    %dma_start3A_59 = arith.constant 0 : i32
    %dma_start3A_60 = arith.constant 0 : i32
    %dma_start3A_61 = tpu.memref_slice %arg3[%dma_start3A_59, %dma_start3A_60] : memref<10000x128xf32, #tpu.memory_space<hbm>> -> memref<10000x128xf32, #tpu.memory_space<hbm>>
    tpu.enqueue_indirect_dma source(%dma_start3A_61 : memref<10000x128xf32, #tpu.memory_space<hbm>>) target(%arg8 : memref<100x128xf32, #tpu.memory_space<vmem>>) offsets(%dma_start3A_58 : memref<100xi32, #tpu.memory_space<vmem>>) semaphore(%arg12 : memref<!tpu.dma_semaphore, #tpu.memory_space<semaphore_mem>>)
    %dma_start3A_62 = arith.constant 1 : i32
    %dma_start3A_63 = arith.constant 0 : i32
    %dma_start3A_64 = tpu.memref_slice %arg6[%dma_start3A_62, %dma_start3A_63] : memref<25x100xi32, #tpu.memory_space<vmem>> -> memref<1x100xi32, #tpu.memory_space<vmem>>
    %dma_start3A_65 = tpu.memref_squeeze %dma_start3A_64 : memref<1x100xi32, #tpu.memory_space<vmem>> -> memref<100xi32, #tpu.memory_space<vmem>>
    %dma_start3A_66 = arith.constant 0 : i32
    %dma_start3A_67 = arith.constant 0 : i32
    %dma_start3A_68 = tpu.memref_slice %arg3[%dma_start3A_66, %dma_start3A_67] : memref<10000x128xf32, #tpu.memory_space<hbm>> -> memref<10000x128xf32, #tpu.memory_space<hbm>>
    tpu.enqueue_indirect_dma source(%dma_start3A_68 : memref<10000x128xf32, #tpu.memory_space<hbm>>) target(%arg9 : memref<100x128xf32, #tpu.memory_space<vmem>>) offsets(%dma_start3A_65 : memref<100xi32, #tpu.memory_space<vmem>>) semaphore(%arg12 : memref<!tpu.dma_semaphore, #tpu.memory_space<semaphore_mem>>)
    %scan3A_69 = arith.constant 0 : i32
    %scan3A_70 = arith.constant 0 : i32
    %scan3A_71 = arith.constant 8 : i32
    %scan3A_72 = arith.addi %scan3A_70, %scan3A_71 : i32
    %scan3A_73 = arith.constant 1 : i32
    scf.for %scan3A_213 = %scan3A_70 to %scan3A_72 step %scan3A_73  : i32 {
      %mul3A_214 = arith.constant 3 : i32
      %mul3A_215 = arith.muli %scan3A_213, %mul3A_214 : i32
      %add3A_216 = arith.constant 0 : i32
      %add3A_217 = arith.addi %mul3A_215, %add3A_216 : i32
      %dma_wait3A_218 = arith.constant 0 : i32
      %dma_wait3A_219 = tpu.memref_slice %arg6[%add3A_217, %dma_wait3A_218] : memref<25x100xi32, #tpu.memory_space<vmem>> -> memref<1x100xi32, #tpu.memory_space<vmem>>
      %dma_wait3A_220 = tpu.memref_squeeze %dma_wait3A_219 : memref<1x100xi32, #tpu.memory_space<vmem>> -> memref<100xi32, #tpu.memory_space<vmem>>
      %dma_wait3A_221 = arith.constant 0 : i32
      %dma_wait3A_222 = arith.constant 0 : i32
      %dma_wait3A_223 = tpu.memref_slice %arg3[%dma_wait3A_221, %dma_wait3A_222] : memref<10000x128xf32, #tpu.memory_space<hbm>> -> memref<10000x128xf32, #tpu.memory_space<hbm>>
      tpu.wait_indirect_dma semaphore(%arg12 : memref<!tpu.dma_semaphore, #tpu.memory_space<semaphore_mem>>) src(%dma_wait3A_223 : memref<10000x128xf32, #tpu.memory_space<hbm>>) dst(%arg8 : memref<100x128xf32, #tpu.memory_space<vmem>>)
      %gt3A = arith.constant 0 : i32
      %gt3A_224 = arith.cmpi sgt, %add3A_217, %gt3A : i32
      %convert_element_type3A = arith.extui %gt3A_224 : i1 to i32
      %cond3A = arith.constant 0 : i32
      %cond3A_225 = arith.cmpi ne, %convert_element_type3A, %cond3A : i32
      scf.if %cond3A_225 {
        %sub3A_299 = arith.constant 1 : i32
        %sub3A_300 = arith.subi %add3A_217, %sub3A_299 : i32
        %dma_wait3A_301 = arith.constant 0 : i32
        %dma_wait3A_302 = tpu.memref_slice %arg7[%sub3A_300, %dma_wait3A_301] : memref<25x100xi32, #tpu.memory_space<vmem>> -> memref<1x100xi32, #tpu.memory_space<vmem>>
        %dma_wait3A_303 = tpu.memref_squeeze %dma_wait3A_302 : memref<1x100xi32, #tpu.memory_space<vmem>> -> memref<100xi32, #tpu.memory_space<vmem>>
        %dma_wait3A_304 = arith.constant 0 : i32
        %dma_wait3A_305 = arith.constant 0 : i32
        %dma_wait3A_306 = tpu.memref_slice %arg11[%dma_wait3A_304, %dma_wait3A_305] : memref<10240x128xf32, #tpu.memory_space<vmem_shared>> -> memref<10240x128xf32, #tpu.memory_space<vmem_shared>>
        tpu.wait_indirect_dma semaphore(%arg13 : memref<!tpu.dma_semaphore, #tpu.memory_space<semaphore_mem>>) src(%arg10 : memref<100x128xf32, #tpu.memory_space<vmem>>) dst(%dma_wait3A_306 : memref<10240x128xf32, #tpu.memory_space<vmem_shared>>)
      } else {
      }
      %dma_start3A_226 = arith.constant 0 : i32
      %dma_start3A_227 = tpu.memref_slice %arg7[%add3A_217, %dma_start3A_226] : memref<25x100xi32, #tpu.memory_space<vmem>> -> memref<1x100xi32, #tpu.memory_space<vmem>>
      %dma_start3A_228 = tpu.memref_squeeze %dma_start3A_227 : memref<1x100xi32, #tpu.memory_space<vmem>> -> memref<100xi32, #tpu.memory_space<vmem>>
      %dma_start3A_229 = arith.constant 0 : i32
      %dma_start3A_230 = arith.constant 0 : i32
      %dma_start3A_231 = tpu.memref_slice %arg11[%dma_start3A_229, %dma_start3A_230] : memref<10240x128xf32, #tpu.memory_space<vmem_shared>> -> memref<10240x128xf32, #tpu.memory_space<vmem_shared>>
      tpu.enqueue_indirect_dma source(%arg8 : memref<100x128xf32, #tpu.memory_space<vmem>>) target(%dma_start3A_231 : memref<10240x128xf32, #tpu.memory_space<vmem_shared>>) offsets(%dma_start3A_228 : memref<100xi32, #tpu.memory_space<vmem>>) semaphore(%arg13 : memref<!tpu.dma_semaphore, #tpu.memory_space<semaphore_mem>>) {add = true}
      %add3A_232 = arith.constant 3 : i32
      %add3A_233 = arith.addi %add3A_217, %add3A_232 : i32
      %sub3A = arith.constant 1 : i32
      %sub3A_234 = arith.subi %add3A_233, %sub3A : i32
      %lt3A = arith.constant 25 : i32
      %lt3A_235 = arith.cmpi slt, %sub3A_234, %lt3A : i32
      %convert_element_type3A_236 = arith.extui %lt3A_235 : i1 to i32
      %cond3A_237 = arith.constant 0 : i32
      %cond3A_238 = arith.cmpi ne, %convert_element_type3A_236, %cond3A_237 : i32
      scf.if %cond3A_238 {
        %add3A_299 = arith.constant 3 : i32
        %add3A_300 = arith.addi %add3A_217, %add3A_299 : i32
        %sub3A_301 = arith.constant 1 : i32
        %sub3A_302 = arith.subi %add3A_300, %sub3A_301 : i32
        %dma_start3A_303 = arith.constant 0 : i32
        %dma_start3A_304 = tpu.memref_slice %arg6[%sub3A_302, %dma_start3A_303] : memref<25x100xi32, #tpu.memory_space<vmem>> -> memref<1x100xi32, #tpu.memory_space<vmem>>
        %dma_start3A_305 = tpu.memref_squeeze %dma_start3A_304 : memref<1x100xi32, #tpu.memory_space<vmem>> -> memref<100xi32, #tpu.memory_space<vmem>>
        %dma_start3A_306 = arith.constant 0 : i32
        %dma_start3A_307 = arith.constant 0 : i32
        %dma_start3A_308 = tpu.memref_slice %arg3[%dma_start3A_306, %dma_start3A_307] : memref<10000x128xf32, #tpu.memory_space<hbm>> -> memref<10000x128xf32, #tpu.memory_space<hbm>>
        tpu.enqueue_indirect_dma source(%dma_start3A_308 : memref<10000x128xf32, #tpu.memory_space<hbm>>) target(%arg10 : memref<100x128xf32, #tpu.memory_space<vmem>>) offsets(%dma_start3A_305 : memref<100xi32, #tpu.memory_space<vmem>>) semaphore(%arg12 : memref<!tpu.dma_semaphore, #tpu.memory_space<semaphore_mem>>)
      } else {
      }
      %mul3A_239 = arith.constant 3 : i32
      %mul3A_240 = arith.muli %scan3A_213, %mul3A_239 : i32
      %add3A_241 = arith.constant 1 : i32
      %add3A_242 = arith.addi %mul3A_240, %add3A_241 : i32
      %dma_wait3A_243 = arith.constant 0 : i32
      %dma_wait3A_244 = tpu.memref_slice %arg6[%add3A_242, %dma_wait3A_243] : memref<25x100xi32, #tpu.memory_space<vmem>> -> memref<1x100xi32, #tpu.memory_space<vmem>>
      %dma_wait3A_245 = tpu.memref_squeeze %dma_wait3A_244 : memref<1x100xi32, #tpu.memory_space<vmem>> -> memref<100xi32, #tpu.memory_space<vmem>>
      %dma_wait3A_246 = arith.constant 0 : i32
      %dma_wait3A_247 = arith.constant 0 : i32
      %dma_wait3A_248 = tpu.memref_slice %arg3[%dma_wait3A_246, %dma_wait3A_247] : memref<10000x128xf32, #tpu.memory_space<hbm>> -> memref<10000x128xf32, #tpu.memory_space<hbm>>
      tpu.wait_indirect_dma semaphore(%arg12 : memref<!tpu.dma_semaphore, #tpu.memory_space<semaphore_mem>>) src(%dma_wait3A_248 : memref<10000x128xf32, #tpu.memory_space<hbm>>) dst(%arg9 : memref<100x128xf32, #tpu.memory_space<vmem>>)
      %gt3A_249 = arith.constant 0 : i32
      %gt3A_250 = arith.cmpi sgt, %add3A_242, %gt3A_249 : i32
      %convert_element_type3A_251 = arith.extui %gt3A_250 : i1 to i32
      %cond3A_252 = arith.constant 0 : i32
      %cond3A_253 = arith.cmpi ne, %convert_element_type3A_251, %cond3A_252 : i32
      scf.if %cond3A_253 {
        %sub3A_299 = arith.constant 1 : i32
        %sub3A_300 = arith.subi %add3A_242, %sub3A_299 : i32
        %dma_wait3A_301 = arith.constant 0 : i32
        %dma_wait3A_302 = tpu.memref_slice %arg7[%sub3A_300, %dma_wait3A_301] : memref<25x100xi32, #tpu.memory_space<vmem>> -> memref<1x100xi32, #tpu.memory_space<vmem>>
        %dma_wait3A_303 = tpu.memref_squeeze %dma_wait3A_302 : memref<1x100xi32, #tpu.memory_space<vmem>> -> memref<100xi32, #tpu.memory_space<vmem>>
        %dma_wait3A_304 = arith.constant 0 : i32
        %dma_wait3A_305 = arith.constant 0 : i32
        %dma_wait3A_306 = tpu.memref_slice %arg11[%dma_wait3A_304, %dma_wait3A_305] : memref<10240x128xf32, #tpu.memory_space<vmem_shared>> -> memref<10240x128xf32, #tpu.memory_space<vmem_shared>>
        tpu.wait_indirect_dma semaphore(%arg13 : memref<!tpu.dma_semaphore, #tpu.memory_space<semaphore_mem>>) src(%arg8 : memref<100x128xf32, #tpu.memory_space<vmem>>) dst(%dma_wait3A_306 : memref<10240x128xf32, #tpu.memory_space<vmem_shared>>)
      } else {
      }
      %dma_start3A_254 = arith.constant 0 : i32
      %dma_start3A_255 = tpu.memref_slice %arg7[%add3A_242, %dma_start3A_254] : memref<25x100xi32, #tpu.memory_space<vmem>> -> memref<1x100xi32, #tpu.memory_space<vmem>>
      %dma_start3A_256 = tpu.memref_squeeze %dma_start3A_255 : memref<1x100xi32, #tpu.memory_space<vmem>> -> memref<100xi32, #tpu.memory_space<vmem>>
      %dma_start3A_257 = arith.constant 0 : i32
      %dma_start3A_258 = arith.constant 0 : i32
      %dma_start3A_259 = tpu.memref_slice %arg11[%dma_start3A_257, %dma_start3A_258] : memref<10240x128xf32, #tpu.memory_space<vmem_shared>> -> memref<10240x128xf32, #tpu.memory_space<vmem_shared>>
      tpu.enqueue_indirect_dma source(%arg9 : memref<100x128xf32, #tpu.memory_space<vmem>>) target(%dma_start3A_259 : memref<10240x128xf32, #tpu.memory_space<vmem_shared>>) offsets(%dma_start3A_256 : memref<100xi32, #tpu.memory_space<vmem>>) semaphore(%arg13 : memref<!tpu.dma_semaphore, #tpu.memory_space<semaphore_mem>>) {add = true}
      %add3A_260 = arith.constant 3 : i32
      %add3A_261 = arith.addi %add3A_242, %add3A_260 : i32
      %sub3A_262 = arith.constant 1 : i32
      %sub3A_263 = arith.subi %add3A_261, %sub3A_262 : i32
      %lt3A_264 = arith.constant 25 : i32
      %lt3A_265 = arith.cmpi slt, %sub3A_263, %lt3A_264 : i32
      %convert_element_type3A_266 = arith.extui %lt3A_265 : i1 to i32
      %cond3A_267 = arith.constant 0 : i32
      %cond3A_268 = arith.cmpi ne, %convert_element_type3A_266, %cond3A_267 : i32
      scf.if %cond3A_268 {
        %add3A_299 = arith.constant 3 : i32
        %add3A_300 = arith.addi %add3A_242, %add3A_299 : i32
        %sub3A_301 = arith.constant 1 : i32
        %sub3A_302 = arith.subi %add3A_300, %sub3A_301 : i32
        %dma_start3A_303 = arith.constant 0 : i32
        %dma_start3A_304 = tpu.memref_slice %arg6[%sub3A_302, %dma_start3A_303] : memref<25x100xi32, #tpu.memory_space<vmem>> -> memref<1x100xi32, #tpu.memory_space<vmem>>
        %dma_start3A_305 = tpu.memref_squeeze %dma_start3A_304 : memref<1x100xi32, #tpu.memory_space<vmem>> -> memref<100xi32, #tpu.memory_space<vmem>>
        %dma_start3A_306 = arith.constant 0 : i32
        %dma_start3A_307 = arith.constant 0 : i32
        %dma_start3A_308 = tpu.memref_slice %arg3[%dma_start3A_306, %dma_start3A_307] : memref<10000x128xf32, #tpu.memory_space<hbm>> -> memref<10000x128xf32, #tpu.memory_space<hbm>>
        tpu.enqueue_indirect_dma source(%dma_start3A_308 : memref<10000x128xf32, #tpu.memory_space<hbm>>) target(%arg8 : memref<100x128xf32, #tpu.memory_space<vmem>>) offsets(%dma_start3A_305 : memref<100xi32, #tpu.memory_space<vmem>>) semaphore(%arg12 : memref<!tpu.dma_semaphore, #tpu.memory_space<semaphore_mem>>)
      } else {
      }
      %mul3A_269 = arith.constant 3 : i32
      %mul3A_270 = arith.muli %scan3A_213, %mul3A_269 : i32
      %add3A_271 = arith.constant 2 : i32
      %add3A_272 = arith.addi %mul3A_270, %add3A_271 : i32
      %dma_wait3A_273 = arith.constant 0 : i32
      %dma_wait3A_274 = tpu.memref_slice %arg6[%add3A_272, %dma_wait3A_273] : memref<25x100xi32, #tpu.memory_space<vmem>> -> memref<1x100xi32, #tpu.memory_space<vmem>>
      %dma_wait3A_275 = tpu.memref_squeeze %dma_wait3A_274 : memref<1x100xi32, #tpu.memory_space<vmem>> -> memref<100xi32, #tpu.memory_space<vmem>>
      %dma_wait3A_276 = arith.constant 0 : i32
      %dma_wait3A_277 = arith.constant 0 : i32
      %dma_wait3A_278 = tpu.memref_slice %arg3[%dma_wait3A_276, %dma_wait3A_277] : memref<10000x128xf32, #tpu.memory_space<hbm>> -> memref<10000x128xf32, #tpu.memory_space<hbm>>
      tpu.wait_indirect_dma semaphore(%arg12 : memref<!tpu.dma_semaphore, #tpu.memory_space<semaphore_mem>>) src(%dma_wait3A_278 : memref<10000x128xf32, #tpu.memory_space<hbm>>) dst(%arg10 : memref<100x128xf32, #tpu.memory_space<vmem>>)
      %gt3A_279 = arith.constant 0 : i32
      %gt3A_280 = arith.cmpi sgt, %add3A_272, %gt3A_279 : i32
      %convert_element_type3A_281 = arith.extui %gt3A_280 : i1 to i32
      %cond3A_282 = arith.constant 0 : i32
      %cond3A_283 = arith.cmpi ne, %convert_element_type3A_281, %cond3A_282 : i32
      scf.if %cond3A_283 {
        %sub3A_299 = arith.constant 1 : i32
        %sub3A_300 = arith.subi %add3A_272, %sub3A_299 : i32
        %dma_wait3A_301 = arith.constant 0 : i32
        %dma_wait3A_302 = tpu.memref_slice %arg7[%sub3A_300, %dma_wait3A_301] : memref<25x100xi32, #tpu.memory_space<vmem>> -> memref<1x100xi32, #tpu.memory_space<vmem>>
        %dma_wait3A_303 = tpu.memref_squeeze %dma_wait3A_302 : memref<1x100xi32, #tpu.memory_space<vmem>> -> memref<100xi32, #tpu.memory_space<vmem>>
        %dma_wait3A_304 = arith.constant 0 : i32
        %dma_wait3A_305 = arith.constant 0 : i32
        %dma_wait3A_306 = tpu.memref_slice %arg11[%dma_wait3A_304, %dma_wait3A_305] : memref<10240x128xf32, #tpu.memory_space<vmem_shared>> -> memref<10240x128xf32, #tpu.memory_space<vmem_shared>>
        tpu.wait_indirect_dma semaphore(%arg13 : memref<!tpu.dma_semaphore, #tpu.memory_space<semaphore_mem>>) src(%arg9 : memref<100x128xf32, #tpu.memory_space<vmem>>) dst(%dma_wait3A_306 : memref<10240x128xf32, #tpu.memory_space<vmem_shared>>)
      } else {
      }
      %dma_start3A_284 = arith.constant 0 : i32
      %dma_start3A_285 = tpu.memref_slice %arg7[%add3A_272, %dma_start3A_284] : memref<25x100xi32, #tpu.memory_space<vmem>> -> memref<1x100xi32, #tpu.memory_space<vmem>>
      %dma_start3A_286 = tpu.memref_squeeze %dma_start3A_285 : memref<1x100xi32, #tpu.memory_space<vmem>> -> memref<100xi32, #tpu.memory_space<vmem>>
      %dma_start3A_287 = arith.constant 0 : i32
      %dma_start3A_288 = arith.constant 0 : i32
      %dma_start3A_289 = tpu.memref_slice %arg11[%dma_start3A_287, %dma_start3A_288] : memref<10240x128xf32, #tpu.memory_space<vmem_shared>> -> memref<10240x128xf32, #tpu.memory_space<vmem_shared>>
      tpu.enqueue_indirect_dma source(%arg10 : memref<100x128xf32, #tpu.memory_space<vmem>>) target(%dma_start3A_289 : memref<10240x128xf32, #tpu.memory_space<vmem_shared>>) offsets(%dma_start3A_286 : memref<100xi32, #tpu.memory_space<vmem>>) semaphore(%arg13 : memref<!tpu.dma_semaphore, #tpu.memory_space<semaphore_mem>>) {add = true}
      %add3A_290 = arith.constant 3 : i32
      %add3A_291 = arith.addi %add3A_272, %add3A_290 : i32
      %sub3A_292 = arith.constant 1 : i32
      %sub3A_293 = arith.subi %add3A_291, %sub3A_292 : i32
      %lt3A_294 = arith.constant 25 : i32
      %lt3A_295 = arith.cmpi slt, %sub3A_293, %lt3A_294 : i32
      %convert_element_type3A_296 = arith.extui %lt3A_295 : i1 to i32
      %cond3A_297 = arith.constant 0 : i32
      %cond3A_298 = arith.cmpi ne, %convert_element_type3A_296, %cond3A_297 : i32
      scf.if %cond3A_298 {
        %add3A_299 = arith.constant 3 : i32
        %add3A_300 = arith.addi %add3A_272, %add3A_299 : i32
        %sub3A_301 = arith.constant 1 : i32
        %sub3A_302 = arith.subi %add3A_300, %sub3A_301 : i32
        %dma_start3A_303 = arith.constant 0 : i32
        %dma_start3A_304 = tpu.memref_slice %arg6[%sub3A_302, %dma_start3A_303] : memref<25x100xi32, #tpu.memory_space<vmem>> -> memref<1x100xi32, #tpu.memory_space<vmem>>
        %dma_start3A_305 = tpu.memref_squeeze %dma_start3A_304 : memref<1x100xi32, #tpu.memory_space<vmem>> -> memref<100xi32, #tpu.memory_space<vmem>>
        %dma_start3A_306 = arith.constant 0 : i32
        %dma_start3A_307 = arith.constant 0 : i32
        %dma_start3A_308 = tpu.memref_slice %arg3[%dma_start3A_306, %dma_start3A_307] : memref<10000x128xf32, #tpu.memory_space<hbm>> -> memref<10000x128xf32, #tpu.memory_space<hbm>>
        tpu.enqueue_indirect_dma source(%dma_start3A_308 : memref<10000x128xf32, #tpu.memory_space<hbm>>) target(%arg9 : memref<100x128xf32, #tpu.memory_space<vmem>>) offsets(%dma_start3A_305 : memref<100xi32, #tpu.memory_space<vmem>>) semaphore(%arg12 : memref<!tpu.dma_semaphore, #tpu.memory_space<semaphore_mem>>)
      } else {
      }
    }
    %scan3A_74 = arith.constant 8 : i32
    %dma_wait3A_75 = arith.constant 24 : i32
    %dma_wait3A_76 = arith.constant 0 : i32
    %dma_wait3A_77 = tpu.memref_slice %arg6[%dma_wait3A_75, %dma_wait3A_76] : memref<25x100xi32, #tpu.memory_space<vmem>> -> memref<1x100xi32, #tpu.memory_space<vmem>>
    %dma_wait3A_78 = tpu.memref_squeeze %dma_wait3A_77 : memref<1x100xi32, #tpu.memory_space<vmem>> -> memref<100xi32, #tpu.memory_space<vmem>>
    %dma_wait3A_79 = arith.constant 0 : i32
    %dma_wait3A_80 = arith.constant 0 : i32
    %dma_wait3A_81 = tpu.memref_slice %arg3[%dma_wait3A_79, %dma_wait3A_80] : memref<10000x128xf32, #tpu.memory_space<hbm>> -> memref<10000x128xf32, #tpu.memory_space<hbm>>
    tpu.wait_indirect_dma semaphore(%arg12 : memref<!tpu.dma_semaphore, #tpu.memory_space<semaphore_mem>>) src(%dma_wait3A_81 : memref<10000x128xf32, #tpu.memory_space<hbm>>) dst(%arg8 : memref<100x128xf32, #tpu.memory_space<vmem>>)
    %dma_wait3A_82 = arith.constant 23 : i32
    %dma_wait3A_83 = arith.constant 0 : i32
    %dma_wait3A_84 = tpu.memref_slice %arg7[%dma_wait3A_82, %dma_wait3A_83] : memref<25x100xi32, #tpu.memory_space<vmem>> -> memref<1x100xi32, #tpu.memory_space<vmem>>
    %dma_wait3A_85 = tpu.memref_squeeze %dma_wait3A_84 : memref<1x100xi32, #tpu.memory_space<vmem>> -> memref<100xi32, #tpu.memory_space<vmem>>
    %dma_wait3A_86 = arith.constant 0 : i32
    %dma_wait3A_87 = arith.constant 0 : i32
    %dma_wait3A_88 = tpu.memref_slice %arg11[%dma_wait3A_86, %dma_wait3A_87] : memref<10240x128xf32, #tpu.memory_space<vmem_shared>> -> memref<10240x128xf32, #tpu.memory_space<vmem_shared>>
    tpu.wait_indirect_dma semaphore(%arg13 : memref<!tpu.dma_semaphore, #tpu.memory_space<semaphore_mem>>) src(%arg10 : memref<100x128xf32, #tpu.memory_space<vmem>>) dst(%dma_wait3A_88 : memref<10240x128xf32, #tpu.memory_space<vmem_shared>>)
    %dma_start3A_89 = arith.constant 24 : i32
    %dma_start3A_90 = arith.constant 0 : i32
    %dma_start3A_91 = tpu.memref_slice %arg7[%dma_start3A_89, %dma_start3A_90] : memref<25x100xi32, #tpu.memory_space<vmem>> -> memref<1x100xi32, #tpu.memory_space<vmem>>
    %dma_start3A_92 = tpu.memref_squeeze %dma_start3A_91 : memref<1x100xi32, #tpu.memory_space<vmem>> -> memref<100xi32, #tpu.memory_space<vmem>>
    %dma_start3A_93 = arith.constant 0 : i32
    %dma_start3A_94 = arith.constant 0 : i32
    %dma_start3A_95 = tpu.memref_slice %arg11[%dma_start3A_93, %dma_start3A_94] : memref<10240x128xf32, #tpu.memory_space<vmem_shared>> -> memref<10240x128xf32, #tpu.memory_space<vmem_shared>>
    tpu.enqueue_indirect_dma source(%arg8 : memref<100x128xf32, #tpu.memory_space<vmem>>) target(%dma_start3A_95 : memref<10240x128xf32, #tpu.memory_space<vmem_shared>>) offsets(%dma_start3A_92 : memref<100xi32, #tpu.memory_space<vmem>>) semaphore(%arg13 : memref<!tpu.dma_semaphore, #tpu.memory_space<semaphore_mem>>) {add = true}
    %dma_wait3A_96 = arith.constant 24 : i32
    %dma_wait3A_97 = arith.constant 0 : i32
    %dma_wait3A_98 = tpu.memref_slice %arg7[%dma_wait3A_96, %dma_wait3A_97] : memref<25x100xi32, #tpu.memory_space<vmem>> -> memref<1x100xi32, #tpu.memory_space<vmem>>
    %dma_wait3A_99 = tpu.memref_squeeze %dma_wait3A_98 : memref<1x100xi32, #tpu.memory_space<vmem>> -> memref<100xi32, #tpu.memory_space<vmem>>
    %dma_wait3A_100 = arith.constant 0 : i32
    %dma_wait3A_101 = arith.constant 0 : i32
    %dma_wait3A_102 = tpu.memref_slice %arg11[%dma_wait3A_100, %dma_wait3A_101] : memref<10240x128xf32, #tpu.memory_space<vmem_shared>> -> memref<10240x128xf32, #tpu.memory_space<vmem_shared>>
    tpu.wait_indirect_dma semaphore(%arg13 : memref<!tpu.dma_semaphore, #tpu.memory_space<semaphore_mem>>) src(%arg8 : memref<100x128xf32, #tpu.memory_space<vmem>>) dst(%dma_wait3A_102 : memref<10240x128xf32, #tpu.memory_space<vmem_shared>>)
    %run_scoped3A_103 = arith.constant 0 : i32
    %run_scoped3A_104 = arith.constant 2 : i32
    "tpu.region"() ({
      %run_scoped3A_213 = tpu.sem_alloc : memref<!tpu.dma_semaphore, #tpu.memory_space<semaphore_mem>>
      %dma_start3A_214 = arith.constant 0 : i32
      %dma_start3A_215 = arith.constant 0 : i32
      %dma_start3A_216 = tpu.memref_slice %arg2[%run_scoped3A_103, %add3A, %run_scoped3A_104, %dma_start3A_214, %dma_start3A_215] : memref<2x32x4x25x100xi32, #tpu.memory_space<hbm>> -> memref<1x1x1x25x100xi32, #tpu.memory_space<hbm>>
      %dma_start3A_217 = tpu.memref_squeeze %dma_start3A_216 : memref<1x1x1x25x100xi32, #tpu.memory_space<hbm>> -> memref<25x100xi32, #tpu.memory_space<hbm>>
      %dma_start3A_218 = arith.constant 0 : i32
      %dma_start3A_219 = arith.constant 0 : i32
      %dma_start3A_220 = tpu.memref_slice %arg2[%run_scoped3A_103, %add3A, %run_scoped3A_104, %dma_start3A_218, %dma_start3A_219] : memref<2x32x4x25x100xi32, #tpu.memory_space<hbm>> -> memref<1x1x1x25x100xi32, #tpu.memory_space<hbm>>
      %dma_start3A_221 = tpu.memref_squeeze %dma_start3A_220 : memref<1x1x1x25x100xi32, #tpu.memory_space<hbm>> -> memref<25x100xi32, #tpu.memory_space<hbm>>
      tpu.enqueue_dma source(%dma_start3A_221 : memref<25x100xi32, #tpu.memory_space<hbm>>) target(%arg6 : memref<25x100xi32, #tpu.memory_space<vmem>>) target_semaphore(%run_scoped3A_213 : memref<!tpu.dma_semaphore, #tpu.memory_space<semaphore_mem>>)
      %dma_wait3A_222 = arith.constant 0 : i32
      %dma_wait3A_223 = arith.constant 0 : i32
      %dma_wait3A_224 = tpu.memref_slice %arg2[%run_scoped3A_103, %add3A, %run_scoped3A_104, %dma_wait3A_222, %dma_wait3A_223] : memref<2x32x4x25x100xi32, #tpu.memory_space<hbm>> -> memref<1x1x1x25x100xi32, #tpu.memory_space<hbm>>
      %dma_wait3A_225 = tpu.memref_squeeze %dma_wait3A_224 : memref<1x1x1x25x100xi32, #tpu.memory_space<hbm>> -> memref<25x100xi32, #tpu.memory_space<hbm>>
      %dma_wait3A_226 = arith.constant 0 : i32
      %dma_wait3A_227 = arith.constant 0 : i32
      %dma_wait3A_228 = tpu.memref_slice %arg2[%run_scoped3A_103, %add3A, %run_scoped3A_104, %dma_wait3A_226, %dma_wait3A_227] : memref<2x32x4x25x100xi32, #tpu.memory_space<hbm>> -> memref<1x1x1x25x100xi32, #tpu.memory_space<hbm>>
      %dma_wait3A_229 = tpu.memref_squeeze %dma_wait3A_228 : memref<1x1x1x25x100xi32, #tpu.memory_space<hbm>> -> memref<25x100xi32, #tpu.memory_space<hbm>>
      tpu.wait_dma2 semaphore(%run_scoped3A_213 : memref<!tpu.dma_semaphore, #tpu.memory_space<semaphore_mem>>) src(%dma_wait3A_229 : memref<25x100xi32, #tpu.memory_space<hbm>>) dst(%arg6 : memref<25x100xi32, #tpu.memory_space<vmem>>)
      tpu.yield
    }) : () -> ()
    %run_scoped3A_105 = arith.constant 1 : i32
    %run_scoped3A_106 = arith.constant 2 : i32
    "tpu.region"() ({
      %run_scoped3A_213 = tpu.sem_alloc : memref<!tpu.dma_semaphore, #tpu.memory_space<semaphore_mem>>
      %dma_start3A_214 = arith.constant 0 : i32
      %dma_start3A_215 = arith.constant 0 : i32
      %dma_start3A_216 = tpu.memref_slice %arg2[%run_scoped3A_105, %add3A, %run_scoped3A_106, %dma_start3A_214, %dma_start3A_215] : memref<2x32x4x25x100xi32, #tpu.memory_space<hbm>> -> memref<1x1x1x25x100xi32, #tpu.memory_space<hbm>>
      %dma_start3A_217 = tpu.memref_squeeze %dma_start3A_216 : memref<1x1x1x25x100xi32, #tpu.memory_space<hbm>> -> memref<25x100xi32, #tpu.memory_space<hbm>>
      %dma_start3A_218 = arith.constant 0 : i32
      %dma_start3A_219 = arith.constant 0 : i32
      %dma_start3A_220 = tpu.memref_slice %arg2[%run_scoped3A_105, %add3A, %run_scoped3A_106, %dma_start3A_218, %dma_start3A_219] : memref<2x32x4x25x100xi32, #tpu.memory_space<hbm>> -> memref<1x1x1x25x100xi32, #tpu.memory_space<hbm>>
      %dma_start3A_221 = tpu.memref_squeeze %dma_start3A_220 : memref<1x1x1x25x100xi32, #tpu.memory_space<hbm>> -> memref<25x100xi32, #tpu.memory_space<hbm>>
      tpu.enqueue_dma source(%dma_start3A_221 : memref<25x100xi32, #tpu.memory_space<hbm>>) target(%arg7 : memref<25x100xi32, #tpu.memory_space<vmem>>) target_semaphore(%run_scoped3A_213 : memref<!tpu.dma_semaphore, #tpu.memory_space<semaphore_mem>>)
      %dma_wait3A_222 = arith.constant 0 : i32
      %dma_wait3A_223 = arith.constant 0 : i32
      %dma_wait3A_224 = tpu.memref_slice %arg2[%run_scoped3A_105, %add3A, %run_scoped3A_106, %dma_wait3A_222, %dma_wait3A_223] : memref<2x32x4x25x100xi32, #tpu.memory_space<hbm>> -> memref<1x1x1x25x100xi32, #tpu.memory_space<hbm>>
      %dma_wait3A_225 = tpu.memref_squeeze %dma_wait3A_224 : memref<1x1x1x25x100xi32, #tpu.memory_space<hbm>> -> memref<25x100xi32, #tpu.memory_space<hbm>>
      %dma_wait3A_226 = arith.constant 0 : i32
      %dma_wait3A_227 = arith.constant 0 : i32
      %dma_wait3A_228 = tpu.memref_slice %arg2[%run_scoped3A_105, %add3A, %run_scoped3A_106, %dma_wait3A_226, %dma_wait3A_227] : memref<2x32x4x25x100xi32, #tpu.memory_space<hbm>> -> memref<1x1x1x25x100xi32, #tpu.memory_space<hbm>>
      %dma_wait3A_229 = tpu.memref_squeeze %dma_wait3A_228 : memref<1x1x1x25x100xi32, #tpu.memory_space<hbm>> -> memref<25x100xi32, #tpu.memory_space<hbm>>
      tpu.wait_dma2 semaphore(%run_scoped3A_213 : memref<!tpu.dma_semaphore, #tpu.memory_space<semaphore_mem>>) src(%dma_wait3A_229 : memref<25x100xi32, #tpu.memory_space<hbm>>) dst(%arg7 : memref<25x100xi32, #tpu.memory_space<vmem>>)
      tpu.yield
    }) : () -> ()
    %dma_start3A_107 = arith.constant 0 : i32
    %dma_start3A_108 = arith.constant 0 : i32
    %dma_start3A_109 = tpu.memref_slice %arg6[%dma_start3A_107, %dma_start3A_108] : memref<25x100xi32, #tpu.memory_space<vmem>> -> memref<1x100xi32, #tpu.memory_space<vmem>>
    %dma_start3A_110 = tpu.memref_squeeze %dma_start3A_109 : memref<1x100xi32, #tpu.memory_space<vmem>> -> memref<100xi32, #tpu.memory_space<vmem>>
    %dma_start3A_111 = arith.constant 0 : i32
    %dma_start3A_112 = arith.constant 0 : i32
    %dma_start3A_113 = tpu.memref_slice %arg3[%dma_start3A_111, %dma_start3A_112] : memref<10000x128xf32, #tpu.memory_space<hbm>> -> memref<10000x128xf32, #tpu.memory_space<hbm>>
    tpu.enqueue_indirect_dma source(%dma_start3A_113 : memref<10000x128xf32, #tpu.memory_space<hbm>>) target(%arg8 : memref<100x128xf32, #tpu.memory_space<vmem>>) offsets(%dma_start3A_110 : memref<100xi32, #tpu.memory_space<vmem>>) semaphore(%arg12 : memref<!tpu.dma_semaphore, #tpu.memory_space<semaphore_mem>>)
    %dma_start3A_114 = arith.constant 1 : i32
    %dma_start3A_115 = arith.constant 0 : i32
    %dma_start3A_116 = tpu.memref_slice %arg6[%dma_start3A_114, %dma_start3A_115] : memref<25x100xi32, #tpu.memory_space<vmem>> -> memref<1x100xi32, #tpu.memory_space<vmem>>
    %dma_start3A_117 = tpu.memref_squeeze %dma_start3A_116 : memref<1x100xi32, #tpu.memory_space<vmem>> -> memref<100xi32, #tpu.memory_space<vmem>>
    %dma_start3A_118 = arith.constant 0 : i32
    %dma_start3A_119 = arith.constant 0 : i32
    %dma_start3A_120 = tpu.memref_slice %arg3[%dma_start3A_118, %dma_start3A_119] : memref<10000x128xf32, #tpu.memory_space<hbm>> -> memref<10000x128xf32, #tpu.memory_space<hbm>>
    tpu.enqueue_indirect_dma source(%dma_start3A_120 : memref<10000x128xf32, #tpu.memory_space<hbm>>) target(%arg9 : memref<100x128xf32, #tpu.memory_space<vmem>>) offsets(%dma_start3A_117 : memref<100xi32, #tpu.memory_space<vmem>>) semaphore(%arg12 : memref<!tpu.dma_semaphore, #tpu.memory_space<semaphore_mem>>)
    %scan3A_121 = arith.constant 0 : i32
    %scan3A_122 = arith.constant 0 : i32
    %scan3A_123 = arith.constant 8 : i32
    %scan3A_124 = arith.addi %scan3A_122, %scan3A_123 : i32
    %scan3A_125 = arith.constant 1 : i32
    scf.for %scan3A_213 = %scan3A_122 to %scan3A_124 step %scan3A_125  : i32 {
      %mul3A_214 = arith.constant 3 : i32
      %mul3A_215 = arith.muli %scan3A_213, %mul3A_214 : i32
      %add3A_216 = arith.constant 0 : i32
      %add3A_217 = arith.addi %mul3A_215, %add3A_216 : i32
      %dma_wait3A_218 = arith.constant 0 : i32
      %dma_wait3A_219 = tpu.memref_slice %arg6[%add3A_217, %dma_wait3A_218] : memref<25x100xi32, #tpu.memory_space<vmem>> -> memref<1x100xi32, #tpu.memory_space<vmem>>
      %dma_wait3A_220 = tpu.memref_squeeze %dma_wait3A_219 : memref<1x100xi32, #tpu.memory_space<vmem>> -> memref<100xi32, #tpu.memory_space<vmem>>
      %dma_wait3A_221 = arith.constant 0 : i32
      %dma_wait3A_222 = arith.constant 0 : i32
      %dma_wait3A_223 = tpu.memref_slice %arg3[%dma_wait3A_221, %dma_wait3A_222] : memref<10000x128xf32, #tpu.memory_space<hbm>> -> memref<10000x128xf32, #tpu.memory_space<hbm>>
      tpu.wait_indirect_dma semaphore(%arg12 : memref<!tpu.dma_semaphore, #tpu.memory_space<semaphore_mem>>) src(%dma_wait3A_223 : memref<10000x128xf32, #tpu.memory_space<hbm>>) dst(%arg8 : memref<100x128xf32, #tpu.memory_space<vmem>>)
      %gt3A = arith.constant 0 : i32
      %gt3A_224 = arith.cmpi sgt, %add3A_217, %gt3A : i32
      %convert_element_type3A = arith.extui %gt3A_224 : i1 to i32
      %cond3A = arith.constant 0 : i32
      %cond3A_225 = arith.cmpi ne, %convert_element_type3A, %cond3A : i32
      scf.if %cond3A_225 {
        %sub3A_299 = arith.constant 1 : i32
        %sub3A_300 = arith.subi %add3A_217, %sub3A_299 : i32
        %dma_wait3A_301 = arith.constant 0 : i32
        %dma_wait3A_302 = tpu.memref_slice %arg7[%sub3A_300, %dma_wait3A_301] : memref<25x100xi32, #tpu.memory_space<vmem>> -> memref<1x100xi32, #tpu.memory_space<vmem>>
        %dma_wait3A_303 = tpu.memref_squeeze %dma_wait3A_302 : memref<1x100xi32, #tpu.memory_space<vmem>> -> memref<100xi32, #tpu.memory_space<vmem>>
        %dma_wait3A_304 = arith.constant 0 : i32
        %dma_wait3A_305 = arith.constant 0 : i32
        %dma_wait3A_306 = tpu.memref_slice %arg11[%dma_wait3A_304, %dma_wait3A_305] : memref<10240x128xf32, #tpu.memory_space<vmem_shared>> -> memref<10240x128xf32, #tpu.memory_space<vmem_shared>>
        tpu.wait_indirect_dma semaphore(%arg13 : memref<!tpu.dma_semaphore, #tpu.memory_space<semaphore_mem>>) src(%arg10 : memref<100x128xf32, #tpu.memory_space<vmem>>) dst(%dma_wait3A_306 : memref<10240x128xf32, #tpu.memory_space<vmem_shared>>)
      } else {
      }
      %dma_start3A_226 = arith.constant 0 : i32
      %dma_start3A_227 = tpu.memref_slice %arg7[%add3A_217, %dma_start3A_226] : memref<25x100xi32, #tpu.memory_space<vmem>> -> memref<1x100xi32, #tpu.memory_space<vmem>>
      %dma_start3A_228 = tpu.memref_squeeze %dma_start3A_227 : memref<1x100xi32, #tpu.memory_space<vmem>> -> memref<100xi32, #tpu.memory_space<vmem>>
      %dma_start3A_229 = arith.constant 0 : i32
      %dma_start3A_230 = arith.constant 0 : i32
      %dma_start3A_231 = tpu.memref_slice %arg11[%dma_start3A_229, %dma_start3A_230] : memref<10240x128xf32, #tpu.memory_space<vmem_shared>> -> memref<10240x128xf32, #tpu.memory_space<vmem_shared>>
      tpu.enqueue_indirect_dma source(%arg8 : memref<100x128xf32, #tpu.memory_space<vmem>>) target(%dma_start3A_231 : memref<10240x128xf32, #tpu.memory_space<vmem_shared>>) offsets(%dma_start3A_228 : memref<100xi32, #tpu.memory_space<vmem>>) semaphore(%arg13 : memref<!tpu.dma_semaphore, #tpu.memory_space<semaphore_mem>>) {add = true}
      %add3A_232 = arith.constant 3 : i32
      %add3A_233 = arith.addi %add3A_217, %add3A_232 : i32
      %sub3A = arith.constant 1 : i32
      %sub3A_234 = arith.subi %add3A_233, %sub3A : i32
      %lt3A = arith.constant 25 : i32
      %lt3A_235 = arith.cmpi slt, %sub3A_234, %lt3A : i32
      %convert_element_type3A_236 = arith.extui %lt3A_235 : i1 to i32
      %cond3A_237 = arith.constant 0 : i32
      %cond3A_238 = arith.cmpi ne, %convert_element_type3A_236, %cond3A_237 : i32
      scf.if %cond3A_238 {
        %add3A_299 = arith.constant 3 : i32
        %add3A_300 = arith.addi %add3A_217, %add3A_299 : i32
        %sub3A_301 = arith.constant 1 : i32
        %sub3A_302 = arith.subi %add3A_300, %sub3A_301 : i32
        %dma_start3A_303 = arith.constant 0 : i32
        %dma_start3A_304 = tpu.memref_slice %arg6[%sub3A_302, %dma_start3A_303] : memref<25x100xi32, #tpu.memory_space<vmem>> -> memref<1x100xi32, #tpu.memory_space<vmem>>
        %dma_start3A_305 = tpu.memref_squeeze %dma_start3A_304 : memref<1x100xi32, #tpu.memory_space<vmem>> -> memref<100xi32, #tpu.memory_space<vmem>>
        %dma_start3A_306 = arith.constant 0 : i32
        %dma_start3A_307 = arith.constant 0 : i32
        %dma_start3A_308 = tpu.memref_slice %arg3[%dma_start3A_306, %dma_start3A_307] : memref<10000x128xf32, #tpu.memory_space<hbm>> -> memref<10000x128xf32, #tpu.memory_space<hbm>>
        tpu.enqueue_indirect_dma source(%dma_start3A_308 : memref<10000x128xf32, #tpu.memory_space<hbm>>) target(%arg10 : memref<100x128xf32, #tpu.memory_space<vmem>>) offsets(%dma_start3A_305 : memref<100xi32, #tpu.memory_space<vmem>>) semaphore(%arg12 : memref<!tpu.dma_semaphore, #tpu.memory_space<semaphore_mem>>)
      } else {
      }
      %mul3A_239 = arith.constant 3 : i32
      %mul3A_240 = arith.muli %scan3A_213, %mul3A_239 : i32
      %add3A_241 = arith.constant 1 : i32
      %add3A_242 = arith.addi %mul3A_240, %add3A_241 : i32
      %dma_wait3A_243 = arith.constant 0 : i32
      %dma_wait3A_244 = tpu.memref_slice %arg6[%add3A_242, %dma_wait3A_243] : memref<25x100xi32, #tpu.memory_space<vmem>> -> memref<1x100xi32, #tpu.memory_space<vmem>>
      %dma_wait3A_245 = tpu.memref_squeeze %dma_wait3A_244 : memref<1x100xi32, #tpu.memory_space<vmem>> -> memref<100xi32, #tpu.memory_space<vmem>>
      %dma_wait3A_246 = arith.constant 0 : i32
      %dma_wait3A_247 = arith.constant 0 : i32
      %dma_wait3A_248 = tpu.memref_slice %arg3[%dma_wait3A_246, %dma_wait3A_247] : memref<10000x128xf32, #tpu.memory_space<hbm>> -> memref<10000x128xf32, #tpu.memory_space<hbm>>
      tpu.wait_indirect_dma semaphore(%arg12 : memref<!tpu.dma_semaphore, #tpu.memory_space<semaphore_mem>>) src(%dma_wait3A_248 : memref<10000x128xf32, #tpu.memory_space<hbm>>) dst(%arg9 : memref<100x128xf32, #tpu.memory_space<vmem>>)
      %gt3A_249 = arith.constant 0 : i32
      %gt3A_250 = arith.cmpi sgt, %add3A_242, %gt3A_249 : i32
      %convert_element_type3A_251 = arith.extui %gt3A_250 : i1 to i32
      %cond3A_252 = arith.constant 0 : i32
      %cond3A_253 = arith.cmpi ne, %convert_element_type3A_251, %cond3A_252 : i32
      scf.if %cond3A_253 {
        %sub3A_299 = arith.constant 1 : i32
        %sub3A_300 = arith.subi %add3A_242, %sub3A_299 : i32
        %dma_wait3A_301 = arith.constant 0 : i32
        %dma_wait3A_302 = tpu.memref_slice %arg7[%sub3A_300, %dma_wait3A_301] : memref<25x100xi32, #tpu.memory_space<vmem>> -> memref<1x100xi32, #tpu.memory_space<vmem>>
        %dma_wait3A_303 = tpu.memref_squeeze %dma_wait3A_302 : memref<1x100xi32, #tpu.memory_space<vmem>> -> memref<100xi32, #tpu.memory_space<vmem>>
        %dma_wait3A_304 = arith.constant 0 : i32
        %dma_wait3A_305 = arith.constant 0 : i32
        %dma_wait3A_306 = tpu.memref_slice %arg11[%dma_wait3A_304, %dma_wait3A_305] : memref<10240x128xf32, #tpu.memory_space<vmem_shared>> -> memref<10240x128xf32, #tpu.memory_space<vmem_shared>>
        tpu.wait_indirect_dma semaphore(%arg13 : memref<!tpu.dma_semaphore, #tpu.memory_space<semaphore_mem>>) src(%arg8 : memref<100x128xf32, #tpu.memory_space<vmem>>) dst(%dma_wait3A_306 : memref<10240x128xf32, #tpu.memory_space<vmem_shared>>)
      } else {
      }
      %dma_start3A_254 = arith.constant 0 : i32
      %dma_start3A_255 = tpu.memref_slice %arg7[%add3A_242, %dma_start3A_254] : memref<25x100xi32, #tpu.memory_space<vmem>> -> memref<1x100xi32, #tpu.memory_space<vmem>>
      %dma_start3A_256 = tpu.memref_squeeze %dma_start3A_255 : memref<1x100xi32, #tpu.memory_space<vmem>> -> memref<100xi32, #tpu.memory_space<vmem>>
      %dma_start3A_257 = arith.constant 0 : i32
      %dma_start3A_258 = arith.constant 0 : i32
      %dma_start3A_259 = tpu.memref_slice %arg11[%dma_start3A_257, %dma_start3A_258] : memref<10240x128xf32, #tpu.memory_space<vmem_shared>> -> memref<10240x128xf32, #tpu.memory_space<vmem_shared>>
      tpu.enqueue_indirect_dma source(%arg9 : memref<100x128xf32, #tpu.memory_space<vmem>>) target(%dma_start3A_259 : memref<10240x128xf32, #tpu.memory_space<vmem_shared>>) offsets(%dma_start3A_256 : memref<100xi32, #tpu.memory_space<vmem>>) semaphore(%arg13 : memref<!tpu.dma_semaphore, #tpu.memory_space<semaphore_mem>>) {add = true}
      %add3A_260 = arith.constant 3 : i32
      %add3A_261 = arith.addi %add3A_242, %add3A_260 : i32
      %sub3A_262 = arith.constant 1 : i32
      %sub3A_263 = arith.subi %add3A_261, %sub3A_262 : i32
      %lt3A_264 = arith.constant 25 : i32
      %lt3A_265 = arith.cmpi slt, %sub3A_263, %lt3A_264 : i32
      %convert_element_type3A_266 = arith.extui %lt3A_265 : i1 to i32
      %cond3A_267 = arith.constant 0 : i32
      %cond3A_268 = arith.cmpi ne, %convert_element_type3A_266, %cond3A_267 : i32
      scf.if %cond3A_268 {
        %add3A_299 = arith.constant 3 : i32
        %add3A_300 = arith.addi %add3A_242, %add3A_299 : i32
        %sub3A_301 = arith.constant 1 : i32
        %sub3A_302 = arith.subi %add3A_300, %sub3A_301 : i32
        %dma_start3A_303 = arith.constant 0 : i32
        %dma_start3A_304 = tpu.memref_slice %arg6[%sub3A_302, %dma_start3A_303] : memref<25x100xi32, #tpu.memory_space<vmem>> -> memref<1x100xi32, #tpu.memory_space<vmem>>
        %dma_start3A_305 = tpu.memref_squeeze %dma_start3A_304 : memref<1x100xi32, #tpu.memory_space<vmem>> -> memref<100xi32, #tpu.memory_space<vmem>>
        %dma_start3A_306 = arith.constant 0 : i32
        %dma_start3A_307 = arith.constant 0 : i32
        %dma_start3A_308 = tpu.memref_slice %arg3[%dma_start3A_306, %dma_start3A_307] : memref<10000x128xf32, #tpu.memory_space<hbm>> -> memref<10000x128xf32, #tpu.memory_space<hbm>>
        tpu.enqueue_indirect_dma source(%dma_start3A_308 : memref<10000x128xf32, #tpu.memory_space<hbm>>) target(%arg8 : memref<100x128xf32, #tpu.memory_space<vmem>>) offsets(%dma_start3A_305 : memref<100xi32, #tpu.memory_space<vmem>>) semaphore(%arg12 : memref<!tpu.dma_semaphore, #tpu.memory_space<semaphore_mem>>)
      } else {
      }
      %mul3A_269 = arith.constant 3 : i32
      %mul3A_270 = arith.muli %scan3A_213, %mul3A_269 : i32
      %add3A_271 = arith.constant 2 : i32
      %add3A_272 = arith.addi %mul3A_270, %add3A_271 : i32
      %dma_wait3A_273 = arith.constant 0 : i32
      %dma_wait3A_274 = tpu.memref_slice %arg6[%add3A_272, %dma_wait3A_273] : memref<25x100xi32, #tpu.memory_space<vmem>> -> memref<1x100xi32, #tpu.memory_space<vmem>>
      %dma_wait3A_275 = tpu.memref_squeeze %dma_wait3A_274 : memref<1x100xi32, #tpu.memory_space<vmem>> -> memref<100xi32, #tpu.memory_space<vmem>>
      %dma_wait3A_276 = arith.constant 0 : i32
      %dma_wait3A_277 = arith.constant 0 : i32
      %dma_wait3A_278 = tpu.memref_slice %arg3[%dma_wait3A_276, %dma_wait3A_277] : memref<10000x128xf32, #tpu.memory_space<hbm>> -> memref<10000x128xf32, #tpu.memory_space<hbm>>
      tpu.wait_indirect_dma semaphore(%arg12 : memref<!tpu.dma_semaphore, #tpu.memory_space<semaphore_mem>>) src(%dma_wait3A_278 : memref<10000x128xf32, #tpu.memory_space<hbm>>) dst(%arg10 : memref<100x128xf32, #tpu.memory_space<vmem>>)
      %gt3A_279 = arith.constant 0 : i32
      %gt3A_280 = arith.cmpi sgt, %add3A_272, %gt3A_279 : i32
      %convert_element_type3A_281 = arith.extui %gt3A_280 : i1 to i32
      %cond3A_282 = arith.constant 0 : i32
      %cond3A_283 = arith.cmpi ne, %convert_element_type3A_281, %cond3A_282 : i32
      scf.if %cond3A_283 {
        %sub3A_299 = arith.constant 1 : i32
        %sub3A_300 = arith.subi %add3A_272, %sub3A_299 : i32
        %dma_wait3A_301 = arith.constant 0 : i32
        %dma_wait3A_302 = tpu.memref_slice %arg7[%sub3A_300, %dma_wait3A_301] : memref<25x100xi32, #tpu.memory_space<vmem>> -> memref<1x100xi32, #tpu.memory_space<vmem>>
        %dma_wait3A_303 = tpu.memref_squeeze %dma_wait3A_302 : memref<1x100xi32, #tpu.memory_space<vmem>> -> memref<100xi32, #tpu.memory_space<vmem>>
        %dma_wait3A_304 = arith.constant 0 : i32
        %dma_wait3A_305 = arith.constant 0 : i32
        %dma_wait3A_306 = tpu.memref_slice %arg11[%dma_wait3A_304, %dma_wait3A_305] : memref<10240x128xf32, #tpu.memory_space<vmem_shared>> -> memref<10240x128xf32, #tpu.memory_space<vmem_shared>>
        tpu.wait_indirect_dma semaphore(%arg13 : memref<!tpu.dma_semaphore, #tpu.memory_space<semaphore_mem>>) src(%arg9 : memref<100x128xf32, #tpu.memory_space<vmem>>) dst(%dma_wait3A_306 : memref<10240x128xf32, #tpu.memory_space<vmem_shared>>)
      } else {
      }
      %dma_start3A_284 = arith.constant 0 : i32
      %dma_start3A_285 = tpu.memref_slice %arg7[%add3A_272, %dma_start3A_284] : memref<25x100xi32, #tpu.memory_space<vmem>> -> memref<1x100xi32, #tpu.memory_space<vmem>>
      %dma_start3A_286 = tpu.memref_squeeze %dma_start3A_285 : memref<1x100xi32, #tpu.memory_space<vmem>> -> memref<100xi32, #tpu.memory_space<vmem>>
      %dma_start3A_287 = arith.constant 0 : i32
      %dma_start3A_288 = arith.constant 0 : i32
      %dma_start3A_289 = tpu.memref_slice %arg11[%dma_start3A_287, %dma_start3A_288] : memref<10240x128xf32, #tpu.memory_space<vmem_shared>> -> memref<10240x128xf32, #tpu.memory_space<vmem_shared>>
      tpu.enqueue_indirect_dma source(%arg10 : memref<100x128xf32, #tpu.memory_space<vmem>>) target(%dma_start3A_289 : memref<10240x128xf32, #tpu.memory_space<vmem_shared>>) offsets(%dma_start3A_286 : memref<100xi32, #tpu.memory_space<vmem>>) semaphore(%arg13 : memref<!tpu.dma_semaphore, #tpu.memory_space<semaphore_mem>>) {add = true}
      %add3A_290 = arith.constant 3 : i32
      %add3A_291 = arith.addi %add3A_272, %add3A_290 : i32
      %sub3A_292 = arith.constant 1 : i32
      %sub3A_293 = arith.subi %add3A_291, %sub3A_292 : i32
      %lt3A_294 = arith.constant 25 : i32
      %lt3A_295 = arith.cmpi slt, %sub3A_293, %lt3A_294 : i32
      %convert_element_type3A_296 = arith.extui %lt3A_295 : i1 to i32
      %cond3A_297 = arith.constant 0 : i32
      %cond3A_298 = arith.cmpi ne, %convert_element_type3A_296, %cond3A_297 : i32
      scf.if %cond3A_298 {
        %add3A_299 = arith.constant 3 : i32
        %add3A_300 = arith.addi %add3A_272, %add3A_299 : i32
        %sub3A_301 = arith.constant 1 : i32
        %sub3A_302 = arith.subi %add3A_300, %sub3A_301 : i32
        %dma_start3A_303 = arith.constant 0 : i32
        %dma_start3A_304 = tpu.memref_slice %arg6[%sub3A_302, %dma_start3A_303] : memref<25x100xi32, #tpu.memory_space<vmem>> -> memref<1x100xi32, #tpu.memory_space<vmem>>
        %dma_start3A_305 = tpu.memref_squeeze %dma_start3A_304 : memref<1x100xi32, #tpu.memory_space<vmem>> -> memref<100xi32, #tpu.memory_space<vmem>>
        %dma_start3A_306 = arith.constant 0 : i32
        %dma_start3A_307 = arith.constant 0 : i32
        %dma_start3A_308 = tpu.memref_slice %arg3[%dma_start3A_306, %dma_start3A_307] : memref<10000x128xf32, #tpu.memory_space<hbm>> -> memref<10000x128xf32, #tpu.memory_space<hbm>>
        tpu.enqueue_indirect_dma source(%dma_start3A_308 : memref<10000x128xf32, #tpu.memory_space<hbm>>) target(%arg9 : memref<100x128xf32, #tpu.memory_space<vmem>>) offsets(%dma_start3A_305 : memref<100xi32, #tpu.memory_space<vmem>>) semaphore(%arg12 : memref<!tpu.dma_semaphore, #tpu.memory_space<semaphore_mem>>)
      } else {
      }
    }
    %scan3A_126 = arith.constant 8 : i32
    %dma_wait3A_127 = arith.constant 24 : i32
    %dma_wait3A_128 = arith.constant 0 : i32
    %dma_wait3A_129 = tpu.memref_slice %arg6[%dma_wait3A_127, %dma_wait3A_128] : memref<25x100xi32, #tpu.memory_space<vmem>> -> memref<1x100xi32, #tpu.memory_space<vmem>>
    %dma_wait3A_130 = tpu.memref_squeeze %dma_wait3A_129 : memref<1x100xi32, #tpu.memory_space<vmem>> -> memref<100xi32, #tpu.memory_space<vmem>>
    %dma_wait3A_131 = arith.constant 0 : i32
    %dma_wait3A_132 = arith.constant 0 : i32
    %dma_wait3A_133 = tpu.memref_slice %arg3[%dma_wait3A_131, %dma_wait3A_132] : memref<10000x128xf32, #tpu.memory_space<hbm>> -> memref<10000x128xf32, #tpu.memory_space<hbm>>
    tpu.wait_indirect_dma semaphore(%arg12 : memref<!tpu.dma_semaphore, #tpu.memory_space<semaphore_mem>>) src(%dma_wait3A_133 : memref<10000x128xf32, #tpu.memory_space<hbm>>) dst(%arg8 : memref<100x128xf32, #tpu.memory_space<vmem>>)
    %dma_wait3A_134 = arith.constant 23 : i32
    %dma_wait3A_135 = arith.constant 0 : i32
    %dma_wait3A_136 = tpu.memref_slice %arg7[%dma_wait3A_134, %dma_wait3A_135] : memref<25x100xi32, #tpu.memory_space<vmem>> -> memref<1x100xi32, #tpu.memory_space<vmem>>
    %dma_wait3A_137 = tpu.memref_squeeze %dma_wait3A_136 : memref<1x100xi32, #tpu.memory_space<vmem>> -> memref<100xi32, #tpu.memory_space<vmem>>
    %dma_wait3A_138 = arith.constant 0 : i32
    %dma_wait3A_139 = arith.constant 0 : i32
    %dma_wait3A_140 = tpu.memref_slice %arg11[%dma_wait3A_138, %dma_wait3A_139] : memref<10240x128xf32, #tpu.memory_space<vmem_shared>> -> memref<10240x128xf32, #tpu.memory_space<vmem_shared>>
    tpu.wait_indirect_dma semaphore(%arg13 : memref<!tpu.dma_semaphore, #tpu.memory_space<semaphore_mem>>) src(%arg10 : memref<100x128xf32, #tpu.memory_space<vmem>>) dst(%dma_wait3A_140 : memref<10240x128xf32, #tpu.memory_space<vmem_shared>>)
    %dma_start3A_141 = arith.constant 24 : i32
    %dma_start3A_142 = arith.constant 0 : i32
    %dma_start3A_143 = tpu.memref_slice %arg7[%dma_start3A_141, %dma_start3A_142] : memref<25x100xi32, #tpu.memory_space<vmem>> -> memref<1x100xi32, #tpu.memory_space<vmem>>
    %dma_start3A_144 = tpu.memref_squeeze %dma_start3A_143 : memref<1x100xi32, #tpu.memory_space<vmem>> -> memref<100xi32, #tpu.memory_space<vmem>>
    %dma_start3A_145 = arith.constant 0 : i32
    %dma_start3A_146 = arith.constant 0 : i32
    %dma_start3A_147 = tpu.memref_slice %arg11[%dma_start3A_145, %dma_start3A_146] : memref<10240x128xf32, #tpu.memory_space<vmem_shared>> -> memref<10240x128xf32, #tpu.memory_space<vmem_shared>>
    tpu.enqueue_indirect_dma source(%arg8 : memref<100x128xf32, #tpu.memory_space<vmem>>) target(%dma_start3A_147 : memref<10240x128xf32, #tpu.memory_space<vmem_shared>>) offsets(%dma_start3A_144 : memref<100xi32, #tpu.memory_space<vmem>>) semaphore(%arg13 : memref<!tpu.dma_semaphore, #tpu.memory_space<semaphore_mem>>) {add = true}
    %dma_wait3A_148 = arith.constant 24 : i32
    %dma_wait3A_149 = arith.constant 0 : i32
    %dma_wait3A_150 = tpu.memref_slice %arg7[%dma_wait3A_148, %dma_wait3A_149] : memref<25x100xi32, #tpu.memory_space<vmem>> -> memref<1x100xi32, #tpu.memory_space<vmem>>
    %dma_wait3A_151 = tpu.memref_squeeze %dma_wait3A_150 : memref<1x100xi32, #tpu.memory_space<vmem>> -> memref<100xi32, #tpu.memory_space<vmem>>
    %dma_wait3A_152 = arith.constant 0 : i32
    %dma_wait3A_153 = arith.constant 0 : i32
    %dma_wait3A_154 = tpu.memref_slice %arg11[%dma_wait3A_152, %dma_wait3A_153] : memref<10240x128xf32, #tpu.memory_space<vmem_shared>> -> memref<10240x128xf32, #tpu.memory_space<vmem_shared>>
    tpu.wait_indirect_dma semaphore(%arg13 : memref<!tpu.dma_semaphore, #tpu.memory_space<semaphore_mem>>) src(%arg8 : memref<100x128xf32, #tpu.memory_space<vmem>>) dst(%dma_wait3A_154 : memref<10240x128xf32, #tpu.memory_space<vmem_shared>>)
    %run_scoped3A_155 = arith.constant 0 : i32
    %run_scoped3A_156 = arith.constant 3 : i32
    "tpu.region"() ({
      %run_scoped3A_213 = tpu.sem_alloc : memref<!tpu.dma_semaphore, #tpu.memory_space<semaphore_mem>>
      %dma_start3A_214 = arith.constant 0 : i32
      %dma_start3A_215 = arith.constant 0 : i32
      %dma_start3A_216 = tpu.memref_slice %arg2[%run_scoped3A_155, %add3A, %run_scoped3A_156, %dma_start3A_214, %dma_start3A_215] : memref<2x32x4x25x100xi32, #tpu.memory_space<hbm>> -> memref<1x1x1x25x100xi32, #tpu.memory_space<hbm>>
      %dma_start3A_217 = tpu.memref_squeeze %dma_start3A_216 : memref<1x1x1x25x100xi32, #tpu.memory_space<hbm>> -> memref<25x100xi32, #tpu.memory_space<hbm>>
      %dma_start3A_218 = arith.constant 0 : i32
      %dma_start3A_219 = arith.constant 0 : i32
      %dma_start3A_220 = tpu.memref_slice %arg2[%run_scoped3A_155, %add3A, %run_scoped3A_156, %dma_start3A_218, %dma_start3A_219] : memref<2x32x4x25x100xi32, #tpu.memory_space<hbm>> -> memref<1x1x1x25x100xi32, #tpu.memory_space<hbm>>
      %dma_start3A_221 = tpu.memref_squeeze %dma_start3A_220 : memref<1x1x1x25x100xi32, #tpu.memory_space<hbm>> -> memref<25x100xi32, #tpu.memory_space<hbm>>
      tpu.enqueue_dma source(%dma_start3A_221 : memref<25x100xi32, #tpu.memory_space<hbm>>) target(%arg6 : memref<25x100xi32, #tpu.memory_space<vmem>>) target_semaphore(%run_scoped3A_213 : memref<!tpu.dma_semaphore, #tpu.memory_space<semaphore_mem>>)
      %dma_wait3A_222 = arith.constant 0 : i32
      %dma_wait3A_223 = arith.constant 0 : i32
      %dma_wait3A_224 = tpu.memref_slice %arg2[%run_scoped3A_155, %add3A, %run_scoped3A_156, %dma_wait3A_222, %dma_wait3A_223] : memref<2x32x4x25x100xi32, #tpu.memory_space<hbm>> -> memref<1x1x1x25x100xi32, #tpu.memory_space<hbm>>
      %dma_wait3A_225 = tpu.memref_squeeze %dma_wait3A_224 : memref<1x1x1x25x100xi32, #tpu.memory_space<hbm>> -> memref<25x100xi32, #tpu.memory_space<hbm>>
      %dma_wait3A_226 = arith.constant 0 : i32
      %dma_wait3A_227 = arith.constant 0 : i32
      %dma_wait3A_228 = tpu.memref_slice %arg2[%run_scoped3A_155, %add3A, %run_scoped3A_156, %dma_wait3A_226, %dma_wait3A_227] : memref<2x32x4x25x100xi32, #tpu.memory_space<hbm>> -> memref<1x1x1x25x100xi32, #tpu.memory_space<hbm>>
      %dma_wait3A_229 = tpu.memref_squeeze %dma_wait3A_228 : memref<1x1x1x25x100xi32, #tpu.memory_space<hbm>> -> memref<25x100xi32, #tpu.memory_space<hbm>>
      tpu.wait_dma2 semaphore(%run_scoped3A_213 : memref<!tpu.dma_semaphore, #tpu.memory_space<semaphore_mem>>) src(%dma_wait3A_229 : memref<25x100xi32, #tpu.memory_space<hbm>>) dst(%arg6 : memref<25x100xi32, #tpu.memory_space<vmem>>)
      tpu.yield
    }) : () -> ()
    %run_scoped3A_157 = arith.constant 1 : i32
    %run_scoped3A_158 = arith.constant 3 : i32
    "tpu.region"() ({
      %run_scoped3A_213 = tpu.sem_alloc : memref<!tpu.dma_semaphore, #tpu.memory_space<semaphore_mem>>
      %dma_start3A_214 = arith.constant 0 : i32
      %dma_start3A_215 = arith.constant 0 : i32
      %dma_start3A_216 = tpu.memref_slice %arg2[%run_scoped3A_157, %add3A, %run_scoped3A_158, %dma_start3A_214, %dma_start3A_215] : memref<2x32x4x25x100xi32, #tpu.memory_space<hbm>> -> memref<1x1x1x25x100xi32, #tpu.memory_space<hbm>>
      %dma_start3A_217 = tpu.memref_squeeze %dma_start3A_216 : memref<1x1x1x25x100xi32, #tpu.memory_space<hbm>> -> memref<25x100xi32, #tpu.memory_space<hbm>>
      %dma_start3A_218 = arith.constant 0 : i32
      %dma_start3A_219 = arith.constant 0 : i32
      %dma_start3A_220 = tpu.memref_slice %arg2[%run_scoped3A_157, %add3A, %run_scoped3A_158, %dma_start3A_218, %dma_start3A_219] : memref<2x32x4x25x100xi32, #tpu.memory_space<hbm>> -> memref<1x1x1x25x100xi32, #tpu.memory_space<hbm>>
      %dma_start3A_221 = tpu.memref_squeeze %dma_start3A_220 : memref<1x1x1x25x100xi32, #tpu.memory_space<hbm>> -> memref<25x100xi32, #tpu.memory_space<hbm>>
      tpu.enqueue_dma source(%dma_start3A_221 : memref<25x100xi32, #tpu.memory_space<hbm>>) target(%arg7 : memref<25x100xi32, #tpu.memory_space<vmem>>) target_semaphore(%run_scoped3A_213 : memref<!tpu.dma_semaphore, #tpu.memory_space<semaphore_mem>>)
      %dma_wait3A_222 = arith.constant 0 : i32
      %dma_wait3A_223 = arith.constant 0 : i32
      %dma_wait3A_224 = tpu.memref_slice %arg2[%run_scoped3A_157, %add3A, %run_scoped3A_158, %dma_wait3A_222, %dma_wait3A_223] : memref<2x32x4x25x100xi32, #tpu.memory_space<hbm>> -> memref<1x1x1x25x100xi32, #tpu.memory_space<hbm>>
      %dma_wait3A_225 = tpu.memref_squeeze %dma_wait3A_224 : memref<1x1x1x25x100xi32, #tpu.memory_space<hbm>> -> memref<25x100xi32, #tpu.memory_space<hbm>>
      %dma_wait3A_226 = arith.constant 0 : i32
      %dma_wait3A_227 = arith.constant 0 : i32
      %dma_wait3A_228 = tpu.memref_slice %arg2[%run_scoped3A_157, %add3A, %run_scoped3A_158, %dma_wait3A_226, %dma_wait3A_227] : memref<2x32x4x25x100xi32, #tpu.memory_space<hbm>> -> memref<1x1x1x25x100xi32, #tpu.memory_space<hbm>>
      %dma_wait3A_229 = tpu.memref_squeeze %dma_wait3A_228 : memref<1x1x1x25x100xi32, #tpu.memory_space<hbm>> -> memref<25x100xi32, #tpu.memory_space<hbm>>
      tpu.wait_dma2 semaphore(%run_scoped3A_213 : memref<!tpu.dma_semaphore, #tpu.memory_space<semaphore_mem>>) src(%dma_wait3A_229 : memref<25x100xi32, #tpu.memory_space<hbm>>) dst(%arg7 : memref<25x100xi32, #tpu.memory_space<vmem>>)
      tpu.yield
    }) : () -> ()
    %dma_start3A_159 = arith.constant 0 : i32
    %dma_start3A_160 = arith.constant 0 : i32
    %dma_start3A_161 = tpu.memref_slice %arg6[%dma_start3A_159, %dma_start3A_160] : memref<25x100xi32, #tpu.memory_space<vmem>> -> memref<1x100xi32, #tpu.memory_space<vmem>>
    %dma_start3A_162 = tpu.memref_squeeze %dma_start3A_161 : memref<1x100xi32, #tpu.memory_space<vmem>> -> memref<100xi32, #tpu.memory_space<vmem>>
    %dma_start3A_163 = arith.constant 0 : i32
    %dma_start3A_164 = arith.constant 0 : i32
    %dma_start3A_165 = tpu.memref_slice %arg3[%dma_start3A_163, %dma_start3A_164] : memref<10000x128xf32, #tpu.memory_space<hbm>> -> memref<10000x128xf32, #tpu.memory_space<hbm>>
    tpu.enqueue_indirect_dma source(%dma_start3A_165 : memref<10000x128xf32, #tpu.memory_space<hbm>>) target(%arg8 : memref<100x128xf32, #tpu.memory_space<vmem>>) offsets(%dma_start3A_162 : memref<100xi32, #tpu.memory_space<vmem>>) semaphore(%arg12 : memref<!tpu.dma_semaphore, #tpu.memory_space<semaphore_mem>>)
    %dma_start3A_166 = arith.constant 1 : i32
    %dma_start3A_167 = arith.constant 0 : i32
    %dma_start3A_168 = tpu.memref_slice %arg6[%dma_start3A_166, %dma_start3A_167] : memref<25x100xi32, #tpu.memory_space<vmem>> -> memref<1x100xi32, #tpu.memory_space<vmem>>
    %dma_start3A_169 = tpu.memref_squeeze %dma_start3A_168 : memref<1x100xi32, #tpu.memory_space<vmem>> -> memref<100xi32, #tpu.memory_space<vmem>>
    %dma_start3A_170 = arith.constant 0 : i32
    %dma_start3A_171 = arith.constant 0 : i32
    %dma_start3A_172 = tpu.memref_slice %arg3[%dma_start3A_170, %dma_start3A_171] : memref<10000x128xf32, #tpu.memory_space<hbm>> -> memref<10000x128xf32, #tpu.memory_space<hbm>>
    tpu.enqueue_indirect_dma source(%dma_start3A_172 : memref<10000x128xf32, #tpu.memory_space<hbm>>) target(%arg9 : memref<100x128xf32, #tpu.memory_space<vmem>>) offsets(%dma_start3A_169 : memref<100xi32, #tpu.memory_space<vmem>>) semaphore(%arg12 : memref<!tpu.dma_semaphore, #tpu.memory_space<semaphore_mem>>)
    %scan3A_173 = arith.constant 0 : i32
    %scan3A_174 = arith.constant 0 : i32
    %scan3A_175 = arith.constant 8 : i32
    %scan3A_176 = arith.addi %scan3A_174, %scan3A_175 : i32
    %scan3A_177 = arith.constant 1 : i32
    scf.for %scan3A_213 = %scan3A_174 to %scan3A_176 step %scan3A_177  : i32 {
      %mul3A_214 = arith.constant 3 : i32
      %mul3A_215 = arith.muli %scan3A_213, %mul3A_214 : i32
      %add3A_216 = arith.constant 0 : i32
      %add3A_217 = arith.addi %mul3A_215, %add3A_216 : i32
      %dma_wait3A_218 = arith.constant 0 : i32
      %dma_wait3A_219 = tpu.memref_slice %arg6[%add3A_217, %dma_wait3A_218] : memref<25x100xi32, #tpu.memory_space<vmem>> -> memref<1x100xi32, #tpu.memory_space<vmem>>
      %dma_wait3A_220 = tpu.memref_squeeze %dma_wait3A_219 : memref<1x100xi32, #tpu.memory_space<vmem>> -> memref<100xi32, #tpu.memory_space<vmem>>
      %dma_wait3A_221 = arith.constant 0 : i32
      %dma_wait3A_222 = arith.constant 0 : i32
      %dma_wait3A_223 = tpu.memref_slice %arg3[%dma_wait3A_221, %dma_wait3A_222] : memref<10000x128xf32, #tpu.memory_space<hbm>> -> memref<10000x128xf32, #tpu.memory_space<hbm>>
      tpu.wait_indirect_dma semaphore(%arg12 : memref<!tpu.dma_semaphore, #tpu.memory_space<semaphore_mem>>) src(%dma_wait3A_223 : memref<10000x128xf32, #tpu.memory_space<hbm>>) dst(%arg8 : memref<100x128xf32, #tpu.memory_space<vmem>>)
      %gt3A = arith.constant 0 : i32
      %gt3A_224 = arith.cmpi sgt, %add3A_217, %gt3A : i32
      %convert_element_type3A = arith.extui %gt3A_224 : i1 to i32
      %cond3A = arith.constant 0 : i32
      %cond3A_225 = arith.cmpi ne, %convert_element_type3A, %cond3A : i32
      scf.if %cond3A_225 {
        %sub3A_299 = arith.constant 1 : i32
        %sub3A_300 = arith.subi %add3A_217, %sub3A_299 : i32
        %dma_wait3A_301 = arith.constant 0 : i32
        %dma_wait3A_302 = tpu.memref_slice %arg7[%sub3A_300, %dma_wait3A_301] : memref<25x100xi32, #tpu.memory_space<vmem>> -> memref<1x100xi32, #tpu.memory_space<vmem>>
        %dma_wait3A_303 = tpu.memref_squeeze %dma_wait3A_302 : memref<1x100xi32, #tpu.memory_space<vmem>> -> memref<100xi32, #tpu.memory_space<vmem>>
        %dma_wait3A_304 = arith.constant 0 : i32
        %dma_wait3A_305 = arith.constant 0 : i32
        %dma_wait3A_306 = tpu.memref_slice %arg11[%dma_wait3A_304, %dma_wait3A_305] : memref<10240x128xf32, #tpu.memory_space<vmem_shared>> -> memref<10240x128xf32, #tpu.memory_space<vmem_shared>>
        tpu.wait_indirect_dma semaphore(%arg13 : memref<!tpu.dma_semaphore, #tpu.memory_space<semaphore_mem>>) src(%arg10 : memref<100x128xf32, #tpu.memory_space<vmem>>) dst(%dma_wait3A_306 : memref<10240x128xf32, #tpu.memory_space<vmem_shared>>)
      } else {
      }
      %dma_start3A_226 = arith.constant 0 : i32
      %dma_start3A_227 = tpu.memref_slice %arg7[%add3A_217, %dma_start3A_226] : memref<25x100xi32, #tpu.memory_space<vmem>> -> memref<1x100xi32, #tpu.memory_space<vmem>>
      %dma_start3A_228 = tpu.memref_squeeze %dma_start3A_227 : memref<1x100xi32, #tpu.memory_space<vmem>> -> memref<100xi32, #tpu.memory_space<vmem>>
      %dma_start3A_229 = arith.constant 0 : i32
      %dma_start3A_230 = arith.constant 0 : i32
      %dma_start3A_231 = tpu.memref_slice %arg11[%dma_start3A_229, %dma_start3A_230] : memref<10240x128xf32, #tpu.memory_space<vmem_shared>> -> memref<10240x128xf32, #tpu.memory_space<vmem_shared>>
      tpu.enqueue_indirect_dma source(%arg8 : memref<100x128xf32, #tpu.memory_space<vmem>>) target(%dma_start3A_231 : memref<10240x128xf32, #tpu.memory_space<vmem_shared>>) offsets(%dma_start3A_228 : memref<100xi32, #tpu.memory_space<vmem>>) semaphore(%arg13 : memref<!tpu.dma_semaphore, #tpu.memory_space<semaphore_mem>>) {add = true}
      %add3A_232 = arith.constant 3 : i32
      %add3A_233 = arith.addi %add3A_217, %add3A_232 : i32
      %sub3A = arith.constant 1 : i32
      %sub3A_234 = arith.subi %add3A_233, %sub3A : i32
      %lt3A = arith.constant 25 : i32
      %lt3A_235 = arith.cmpi slt, %sub3A_234, %lt3A : i32
      %convert_element_type3A_236 = arith.extui %lt3A_235 : i1 to i32
      %cond3A_237 = arith.constant 0 : i32
      %cond3A_238 = arith.cmpi ne, %convert_element_type3A_236, %cond3A_237 : i32
      scf.if %cond3A_238 {
        %add3A_299 = arith.constant 3 : i32
        %add3A_300 = arith.addi %add3A_217, %add3A_299 : i32
        %sub3A_301 = arith.constant 1 : i32
        %sub3A_302 = arith.subi %add3A_300, %sub3A_301 : i32
        %dma_start3A_303 = arith.constant 0 : i32
        %dma_start3A_304 = tpu.memref_slice %arg6[%sub3A_302, %dma_start3A_303] : memref<25x100xi32, #tpu.memory_space<vmem>> -> memref<1x100xi32, #tpu.memory_space<vmem>>
        %dma_start3A_305 = tpu.memref_squeeze %dma_start3A_304 : memref<1x100xi32, #tpu.memory_space<vmem>> -> memref<100xi32, #tpu.memory_space<vmem>>
        %dma_start3A_306 = arith.constant 0 : i32
        %dma_start3A_307 = arith.constant 0 : i32
        %dma_start3A_308 = tpu.memref_slice %arg3[%dma_start3A_306, %dma_start3A_307] : memref<10000x128xf32, #tpu.memory_space<hbm>> -> memref<10000x128xf32, #tpu.memory_space<hbm>>
        tpu.enqueue_indirect_dma source(%dma_start3A_308 : memref<10000x128xf32, #tpu.memory_space<hbm>>) target(%arg10 : memref<100x128xf32, #tpu.memory_space<vmem>>) offsets(%dma_start3A_305 : memref<100xi32, #tpu.memory_space<vmem>>) semaphore(%arg12 : memref<!tpu.dma_semaphore, #tpu.memory_space<semaphore_mem>>)
      } else {
      }
      %mul3A_239 = arith.constant 3 : i32
      %mul3A_240 = arith.muli %scan3A_213, %mul3A_239 : i32
      %add3A_241 = arith.constant 1 : i32
      %add3A_242 = arith.addi %mul3A_240, %add3A_241 : i32
      %dma_wait3A_243 = arith.constant 0 : i32
      %dma_wait3A_244 = tpu.memref_slice %arg6[%add3A_242, %dma_wait3A_243] : memref<25x100xi32, #tpu.memory_space<vmem>> -> memref<1x100xi32, #tpu.memory_space<vmem>>
      %dma_wait3A_245 = tpu.memref_squeeze %dma_wait3A_244 : memref<1x100xi32, #tpu.memory_space<vmem>> -> memref<100xi32, #tpu.memory_space<vmem>>
      %dma_wait3A_246 = arith.constant 0 : i32
      %dma_wait3A_247 = arith.constant 0 : i32
      %dma_wait3A_248 = tpu.memref_slice %arg3[%dma_wait3A_246, %dma_wait3A_247] : memref<10000x128xf32, #tpu.memory_space<hbm>> -> memref<10000x128xf32, #tpu.memory_space<hbm>>
      tpu.wait_indirect_dma semaphore(%arg12 : memref<!tpu.dma_semaphore, #tpu.memory_space<semaphore_mem>>) src(%dma_wait3A_248 : memref<10000x128xf32, #tpu.memory_space<hbm>>) dst(%arg9 : memref<100x128xf32, #tpu.memory_space<vmem>>)
      %gt3A_249 = arith.constant 0 : i32
      %gt3A_250 = arith.cmpi sgt, %add3A_242, %gt3A_249 : i32
      %convert_element_type3A_251 = arith.extui %gt3A_250 : i1 to i32
      %cond3A_252 = arith.constant 0 : i32
      %cond3A_253 = arith.cmpi ne, %convert_element_type3A_251, %cond3A_252 : i32
      scf.if %cond3A_253 {
        %sub3A_299 = arith.constant 1 : i32
        %sub3A_300 = arith.subi %add3A_242, %sub3A_299 : i32
        %dma_wait3A_301 = arith.constant 0 : i32
        %dma_wait3A_302 = tpu.memref_slice %arg7[%sub3A_300, %dma_wait3A_301] : memref<25x100xi32, #tpu.memory_space<vmem>> -> memref<1x100xi32, #tpu.memory_space<vmem>>
        %dma_wait3A_303 = tpu.memref_squeeze %dma_wait3A_302 : memref<1x100xi32, #tpu.memory_space<vmem>> -> memref<100xi32, #tpu.memory_space<vmem>>
        %dma_wait3A_304 = arith.constant 0 : i32
        %dma_wait3A_305 = arith.constant 0 : i32
        %dma_wait3A_306 = tpu.memref_slice %arg11[%dma_wait3A_304, %dma_wait3A_305] : memref<10240x128xf32, #tpu.memory_space<vmem_shared>> -> memref<10240x128xf32, #tpu.memory_space<vmem_shared>>
        tpu.wait_indirect_dma semaphore(%arg13 : memref<!tpu.dma_semaphore, #tpu.memory_space<semaphore_mem>>) src(%arg8 : memref<100x128xf32, #tpu.memory_space<vmem>>) dst(%dma_wait3A_306 : memref<10240x128xf32, #tpu.memory_space<vmem_shared>>)
      } else {
      }
      %dma_start3A_254 = arith.constant 0 : i32
      %dma_start3A_255 = tpu.memref_slice %arg7[%add3A_242, %dma_start3A_254] : memref<25x100xi32, #tpu.memory_space<vmem>> -> memref<1x100xi32, #tpu.memory_space<vmem>>
      %dma_start3A_256 = tpu.memref_squeeze %dma_start3A_255 : memref<1x100xi32, #tpu.memory_space<vmem>> -> memref<100xi32, #tpu.memory_space<vmem>>
      %dma_start3A_257 = arith.constant 0 : i32
      %dma_start3A_258 = arith.constant 0 : i32
      %dma_start3A_259 = tpu.memref_slice %arg11[%dma_start3A_257, %dma_start3A_258] : memref<10240x128xf32, #tpu.memory_space<vmem_shared>> -> memref<10240x128xf32, #tpu.memory_space<vmem_shared>>
      tpu.enqueue_indirect_dma source(%arg9 : memref<100x128xf32, #tpu.memory_space<vmem>>) target(%dma_start3A_259 : memref<10240x128xf32, #tpu.memory_space<vmem_shared>>) offsets(%dma_start3A_256 : memref<100xi32, #tpu.memory_space<vmem>>) semaphore(%arg13 : memref<!tpu.dma_semaphore, #tpu.memory_space<semaphore_mem>>) {add = true}
      %add3A_260 = arith.constant 3 : i32
      %add3A_261 = arith.addi %add3A_242, %add3A_260 : i32
      %sub3A_262 = arith.constant 1 : i32
      %sub3A_263 = arith.subi %add3A_261, %sub3A_262 : i32
      %lt3A_264 = arith.constant 25 : i32
      %lt3A_265 = arith.cmpi slt, %sub3A_263, %lt3A_264 : i32
      %convert_element_type3A_266 = arith.extui %lt3A_265 : i1 to i32
      %cond3A_267 = arith.constant 0 : i32
      %cond3A_268 = arith.cmpi ne, %convert_element_type3A_266, %cond3A_267 : i32
      scf.if %cond3A_268 {
        %add3A_299 = arith.constant 3 : i32
        %add3A_300 = arith.addi %add3A_242, %add3A_299 : i32
        %sub3A_301 = arith.constant 1 : i32
        %sub3A_302 = arith.subi %add3A_300, %sub3A_301 : i32
        %dma_start3A_303 = arith.constant 0 : i32
        %dma_start3A_304 = tpu.memref_slice %arg6[%sub3A_302, %dma_start3A_303] : memref<25x100xi32, #tpu.memory_space<vmem>> -> memref<1x100xi32, #tpu.memory_space<vmem>>
        %dma_start3A_305 = tpu.memref_squeeze %dma_start3A_304 : memref<1x100xi32, #tpu.memory_space<vmem>> -> memref<100xi32, #tpu.memory_space<vmem>>
        %dma_start3A_306 = arith.constant 0 : i32
        %dma_start3A_307 = arith.constant 0 : i32
        %dma_start3A_308 = tpu.memref_slice %arg3[%dma_start3A_306, %dma_start3A_307] : memref<10000x128xf32, #tpu.memory_space<hbm>> -> memref<10000x128xf32, #tpu.memory_space<hbm>>
        tpu.enqueue_indirect_dma source(%dma_start3A_308 : memref<10000x128xf32, #tpu.memory_space<hbm>>) target(%arg8 : memref<100x128xf32, #tpu.memory_space<vmem>>) offsets(%dma_start3A_305 : memref<100xi32, #tpu.memory_space<vmem>>) semaphore(%arg12 : memref<!tpu.dma_semaphore, #tpu.memory_space<semaphore_mem>>)
      } else {
      }
      %mul3A_269 = arith.constant 3 : i32
      %mul3A_270 = arith.muli %scan3A_213, %mul3A_269 : i32
      %add3A_271 = arith.constant 2 : i32
      %add3A_272 = arith.addi %mul3A_270, %add3A_271 : i32
      %dma_wait3A_273 = arith.constant 0 : i32
      %dma_wait3A_274 = tpu.memref_slice %arg6[%add3A_272, %dma_wait3A_273] : memref<25x100xi32, #tpu.memory_space<vmem>> -> memref<1x100xi32, #tpu.memory_space<vmem>>
      %dma_wait3A_275 = tpu.memref_squeeze %dma_wait3A_274 : memref<1x100xi32, #tpu.memory_space<vmem>> -> memref<100xi32, #tpu.memory_space<vmem>>
      %dma_wait3A_276 = arith.constant 0 : i32
      %dma_wait3A_277 = arith.constant 0 : i32
      %dma_wait3A_278 = tpu.memref_slice %arg3[%dma_wait3A_276, %dma_wait3A_277] : memref<10000x128xf32, #tpu.memory_space<hbm>> -> memref<10000x128xf32, #tpu.memory_space<hbm>>
      tpu.wait_indirect_dma semaphore(%arg12 : memref<!tpu.dma_semaphore, #tpu.memory_space<semaphore_mem>>) src(%dma_wait3A_278 : memref<10000x128xf32, #tpu.memory_space<hbm>>) dst(%arg10 : memref<100x128xf32, #tpu.memory_space<vmem>>)
      %gt3A_279 = arith.constant 0 : i32
      %gt3A_280 = arith.cmpi sgt, %add3A_272, %gt3A_279 : i32
      %convert_element_type3A_281 = arith.extui %gt3A_280 : i1 to i32
      %cond3A_282 = arith.constant 0 : i32
      %cond3A_283 = arith.cmpi ne, %convert_element_type3A_281, %cond3A_282 : i32
      scf.if %cond3A_283 {
        %sub3A_299 = arith.constant 1 : i32
        %sub3A_300 = arith.subi %add3A_272, %sub3A_299 : i32
        %dma_wait3A_301 = arith.constant 0 : i32
        %dma_wait3A_302 = tpu.memref_slice %arg7[%sub3A_300, %dma_wait3A_301] : memref<25x100xi32, #tpu.memory_space<vmem>> -> memref<1x100xi32, #tpu.memory_space<vmem>>
        %dma_wait3A_303 = tpu.memref_squeeze %dma_wait3A_302 : memref<1x100xi32, #tpu.memory_space<vmem>> -> memref<100xi32, #tpu.memory_space<vmem>>
        %dma_wait3A_304 = arith.constant 0 : i32
        %dma_wait3A_305 = arith.constant 0 : i32
        %dma_wait3A_306 = tpu.memref_slice %arg11[%dma_wait3A_304, %dma_wait3A_305] : memref<10240x128xf32, #tpu.memory_space<vmem_shared>> -> memref<10240x128xf32, #tpu.memory_space<vmem_shared>>
        tpu.wait_indirect_dma semaphore(%arg13 : memref<!tpu.dma_semaphore, #tpu.memory_space<semaphore_mem>>) src(%arg9 : memref<100x128xf32, #tpu.memory_space<vmem>>) dst(%dma_wait3A_306 : memref<10240x128xf32, #tpu.memory_space<vmem_shared>>)
      } else {
      }
      %dma_start3A_284 = arith.constant 0 : i32
      %dma_start3A_285 = tpu.memref_slice %arg7[%add3A_272, %dma_start3A_284] : memref<25x100xi32, #tpu.memory_space<vmem>> -> memref<1x100xi32, #tpu.memory_space<vmem>>
      %dma_start3A_286 = tpu.memref_squeeze %dma_start3A_285 : memref<1x100xi32, #tpu.memory_space<vmem>> -> memref<100xi32, #tpu.memory_space<vmem>>
      %dma_start3A_287 = arith.constant 0 : i32
      %dma_start3A_288 = arith.constant 0 : i32
      %dma_start3A_289 = tpu.memref_slice %arg11[%dma_start3A_287, %dma_start3A_288] : memref<10240x128xf32, #tpu.memory_space<vmem_shared>> -> memref<10240x128xf32, #tpu.memory_space<vmem_shared>>
      tpu.enqueue_indirect_dma source(%arg10 : memref<100x128xf32, #tpu.memory_space<vmem>>) target(%dma_start3A_289 : memref<10240x128xf32, #tpu.memory_space<vmem_shared>>) offsets(%dma_start3A_286 : memref<100xi32, #tpu.memory_space<vmem>>) semaphore(%arg13 : memref<!tpu.dma_semaphore, #tpu.memory_space<semaphore_mem>>) {add = true}
      %add3A_290 = arith.constant 3 : i32
      %add3A_291 = arith.addi %add3A_272, %add3A_290 : i32
      %sub3A_292 = arith.constant 1 : i32
      %sub3A_293 = arith.subi %add3A_291, %sub3A_292 : i32
      %lt3A_294 = arith.constant 25 : i32
      %lt3A_295 = arith.cmpi slt, %sub3A_293, %lt3A_294 : i32
      %convert_element_type3A_296 = arith.extui %lt3A_295 : i1 to i32
      %cond3A_297 = arith.constant 0 : i32
      %cond3A_298 = arith.cmpi ne, %convert_element_type3A_296, %cond3A_297 : i32
      scf.if %cond3A_298 {
        %add3A_299 = arith.constant 3 : i32
        %add3A_300 = arith.addi %add3A_272, %add3A_299 : i32
        %sub3A_301 = arith.constant 1 : i32
        %sub3A_302 = arith.subi %add3A_300, %sub3A_301 : i32
        %dma_start3A_303 = arith.constant 0 : i32
        %dma_start3A_304 = tpu.memref_slice %arg6[%sub3A_302, %dma_start3A_303] : memref<25x100xi32, #tpu.memory_space<vmem>> -> memref<1x100xi32, #tpu.memory_space<vmem>>
        %dma_start3A_305 = tpu.memref_squeeze %dma_start3A_304 : memref<1x100xi32, #tpu.memory_space<vmem>> -> memref<100xi32, #tpu.memory_space<vmem>>
        %dma_start3A_306 = arith.constant 0 : i32
        %dma_start3A_307 = arith.constant 0 : i32
        %dma_start3A_308 = tpu.memref_slice %arg3[%dma_start3A_306, %dma_start3A_307] : memref<10000x128xf32, #tpu.memory_space<hbm>> -> memref<10000x128xf32, #tpu.memory_space<hbm>>
        tpu.enqueue_indirect_dma source(%dma_start3A_308 : memref<10000x128xf32, #tpu.memory_space<hbm>>) target(%arg9 : memref<100x128xf32, #tpu.memory_space<vmem>>) offsets(%dma_start3A_305 : memref<100xi32, #tpu.memory_space<vmem>>) semaphore(%arg12 : memref<!tpu.dma_semaphore, #tpu.memory_space<semaphore_mem>>)
      } else {
      }
    }
    %scan3A_178 = arith.constant 8 : i32
    %dma_wait3A_179 = arith.constant 24 : i32
    %dma_wait3A_180 = arith.constant 0 : i32
    %dma_wait3A_181 = tpu.memref_slice %arg6[%dma_wait3A_179, %dma_wait3A_180] : memref<25x100xi32, #tpu.memory_space<vmem>> -> memref<1x100xi32, #tpu.memory_space<vmem>>
    %dma_wait3A_182 = tpu.memref_squeeze %dma_wait3A_181 : memref<1x100xi32, #tpu.memory_space<vmem>> -> memref<100xi32, #tpu.memory_space<vmem>>
    %dma_wait3A_183 = arith.constant 0 : i32
    %dma_wait3A_184 = arith.constant 0 : i32
    %dma_wait3A_185 = tpu.memref_slice %arg3[%dma_wait3A_183, %dma_wait3A_184] : memref<10000x128xf32, #tpu.memory_space<hbm>> -> memref<10000x128xf32, #tpu.memory_space<hbm>>
    tpu.wait_indirect_dma semaphore(%arg12 : memref<!tpu.dma_semaphore, #tpu.memory_space<semaphore_mem>>) src(%dma_wait3A_185 : memref<10000x128xf32, #tpu.memory_space<hbm>>) dst(%arg8 : memref<100x128xf32, #tpu.memory_space<vmem>>)
    %dma_wait3A_186 = arith.constant 23 : i32
    %dma_wait3A_187 = arith.constant 0 : i32
    %dma_wait3A_188 = tpu.memref_slice %arg7[%dma_wait3A_186, %dma_wait3A_187] : memref<25x100xi32, #tpu.memory_space<vmem>> -> memref<1x100xi32, #tpu.memory_space<vmem>>
    %dma_wait3A_189 = tpu.memref_squeeze %dma_wait3A_188 : memref<1x100xi32, #tpu.memory_space<vmem>> -> memref<100xi32, #tpu.memory_space<vmem>>
    %dma_wait3A_190 = arith.constant 0 : i32
    %dma_wait3A_191 = arith.constant 0 : i32
    %dma_wait3A_192 = tpu.memref_slice %arg11[%dma_wait3A_190, %dma_wait3A_191] : memref<10240x128xf32, #tpu.memory_space<vmem_shared>> -> memref<10240x128xf32, #tpu.memory_space<vmem_shared>>
    tpu.wait_indirect_dma semaphore(%arg13 : memref<!tpu.dma_semaphore, #tpu.memory_space<semaphore_mem>>) src(%arg10 : memref<100x128xf32, #tpu.memory_space<vmem>>) dst(%dma_wait3A_192 : memref<10240x128xf32, #tpu.memory_space<vmem_shared>>)
    %dma_start3A_193 = arith.constant 24 : i32
    %dma_start3A_194 = arith.constant 0 : i32
    %dma_start3A_195 = tpu.memref_slice %arg7[%dma_start3A_193, %dma_start3A_194] : memref<25x100xi32, #tpu.memory_space<vmem>> -> memref<1x100xi32, #tpu.memory_space<vmem>>
    %dma_start3A_196 = tpu.memref_squeeze %dma_start3A_195 : memref<1x100xi32, #tpu.memory_space<vmem>> -> memref<100xi32, #tpu.memory_space<vmem>>
    %dma_start3A_197 = arith.constant 0 : i32
    %dma_start3A_198 = arith.constant 0 : i32
    %dma_start3A_199 = tpu.memref_slice %arg11[%dma_start3A_197, %dma_start3A_198] : memref<10240x128xf32, #tpu.memory_space<vmem_shared>> -> memref<10240x128xf32, #tpu.memory_space<vmem_shared>>
    tpu.enqueue_indirect_dma source(%arg8 : memref<100x128xf32, #tpu.memory_space<vmem>>) target(%dma_start3A_199 : memref<10240x128xf32, #tpu.memory_space<vmem_shared>>) offsets(%dma_start3A_196 : memref<100xi32, #tpu.memory_space<vmem>>) semaphore(%arg13 : memref<!tpu.dma_semaphore, #tpu.memory_space<semaphore_mem>>) {add = true}
    %dma_wait3A_200 = arith.constant 24 : i32
    %dma_wait3A_201 = arith.constant 0 : i32
    %dma_wait3A_202 = tpu.memref_slice %arg7[%dma_wait3A_200, %dma_wait3A_201] : memref<25x100xi32, #tpu.memory_space<vmem>> -> memref<1x100xi32, #tpu.memory_space<vmem>>
    %dma_wait3A_203 = tpu.memref_squeeze %dma_wait3A_202 : memref<1x100xi32, #tpu.memory_space<vmem>> -> memref<100xi32, #tpu.memory_space<vmem>>
    %dma_wait3A_204 = arith.constant 0 : i32
    %dma_wait3A_205 = arith.constant 0 : i32
    %dma_wait3A_206 = tpu.memref_slice %arg11[%dma_wait3A_204, %dma_wait3A_205] : memref<10240x128xf32, #tpu.memory_space<vmem_shared>> -> memref<10240x128xf32, #tpu.memory_space<vmem_shared>>
    tpu.wait_indirect_dma semaphore(%arg13 : memref<!tpu.dma_semaphore, #tpu.memory_space<semaphore_mem>>) src(%arg8 : memref<100x128xf32, #tpu.memory_space<vmem>>) dst(%dma_wait3A_206 : memref<10240x128xf32, #tpu.memory_space<vmem_shared>>)
    %barrier3A_207 = arith.constant 0 : index
    tpu.barrier barrier_id(%barrier3A_207)
    %mul3A_208 = arith.constant 10240 : i32
    %mul3A_209 = arith.muli %arg0, %mul3A_208 : i32
    %mul3A_210 = arith.constant 640 : i32
    %mul3A_211 = arith.muli %arg1, %mul3A_210 : i32
    %add3A_212 = arith.addi %mul3A_209, %mul3A_211 : i32
    "tpu.region"() ({
      %run_scoped3A_213 = tpu.sem_alloc : memref<!tpu.dma_semaphore, #tpu.memory_space<semaphore_mem>>
      %dma_start3A_214 = arith.constant 0 : i32
      %dma_start3A_215 = tpu.memref_slice %arg5[%add3A_212, %dma_start3A_214] : memref<20480x128xf32, #tpu.memory_space<hbm>> -> memref<640x128xf32, #tpu.memory_space<hbm>>
      %dma_start3A_216 = arith.constant 0 : i32
      %dma_start3A_217 = tpu.memref_slice %arg11[%mul3A_2, %dma_start3A_216] : memref<10240x128xf32, #tpu.memory_space<vmem_shared>> -> memref<640x128xf32, #tpu.memory_space<vmem_shared>>
      tpu.enqueue_dma source(%dma_start3A_217 : memref<640x128xf32, #tpu.memory_space<vmem_shared>>) target(%dma_start3A_215 : memref<640x128xf32, #tpu.memory_space<hbm>>) target_semaphore(%run_scoped3A_213 : memref<!tpu.dma_semaphore, #tpu.memory_space<semaphore_mem>>)
      %dma_wait3A_218 = arith.constant 0 : i32
      %dma_wait3A_219 = tpu.memref_slice %arg5[%add3A_212, %dma_wait3A_218] : memref<20480x128xf32, #tpu.memory_space<hbm>> -> memref<640x128xf32, #tpu.memory_space<hbm>>
      %dma_wait3A_220 = arith.constant 0 : i32
      %dma_wait3A_221 = tpu.memref_slice %arg11[%mul3A_2, %dma_wait3A_220] : memref<10240x128xf32, #tpu.memory_space<vmem_shared>> -> memref<640x128xf32, #tpu.memory_space<vmem_shared>>
      tpu.wait_dma2 semaphore(%run_scoped3A_213 : memref<!tpu.dma_semaphore, #tpu.memory_space<semaphore_mem>>) src(%dma_wait3A_221 : memref<640x128xf32, #tpu.memory_space<vmem_shared>>) dst(%dma_wait3A_219 : memref<640x128xf32, #tpu.memory_space<hbm>>)
      tpu.yield
    }) : () -> ()
    return
  }
}

module attributes {stable_mosaic.version = 14 : i64} {
  func.func @body(%arg0: i32, %arg1: memref<5120x128xf32, #tpu.memory_space<vmem>>, %arg2: memref<5120x128xf32, #tpu.memory_space<vmem>>, %arg3: memref<1x128xf32, #tpu.memory_space<vmem>>, %arg4: memref<1x128xf32, #tpu.memory_space<vmem>>, %arg5: memref<5120x128xf32, #tpu.memory_space<vmem>>) attributes {dimension_semantics = [#tpu.dimension_semantics<arbitrary>], iteration_bounds = array<i64: 2>, scalar_prefetch = 0 : i64, scratch_operands = 0 : i64, tpu.core_type = #tpu.core_type<tc>, window_params = [{transform_indices = @transform_0, window_bounds = array<i64: 5120, 128>}, {transform_indices = @transform_1, window_bounds = array<i64: 5120, 128>}, {pipeline_mode = #tpu.pipeline_mode<synchronous>, transform_indices = @transform_2, window_bounds = array<i64: 1, 128>}, {pipeline_mode = #tpu.pipeline_mode<synchronous>, transform_indices = @transform_3, window_bounds = array<i64: 1, 128>}, {transform_indices = @transform_4, window_bounds = array<i64: 5120, 128>}]} {
    %get3A = arith.constant 0 : index
    %get3A_0 = arith.constant 0 : index
    %get3A_1 = vector.load %arg1[%get3A, %get3A_0] : memref<5120x128xf32, #tpu.memory_space<vmem>>, vector<5120x128xf32>
    %get3A_2 = arith.constant 0 : index
    %get3A_3 = arith.constant 0 : index
    %get3A_4 = vector.load %arg2[%get3A_2, %get3A_3] : memref<5120x128xf32, #tpu.memory_space<vmem>>, vector<5120x128xf32>
    %add3A = arith.addf %get3A_1, %get3A_4 : vector<5120x128xf32>
    %reduce_sum3A = arith.constant dense<0.000000e+00> : vector<5120xf32>
    %reduce_sum3A_5 = vector.multi_reduction <add>, %add3A, %reduce_sum3A [1] : vector<5120x128xf32> to vector<5120xf32>
    %broadcast_in_dim3A = vector.shape_cast %reduce_sum3A_5 : vector<5120xf32> to vector<5120x1xf32>
    %div3A = arith.constant 1.280000e+02 : f32
    %div3A_6 = vector.broadcast %div3A : f32 to vector<5120x1xf32>
    %div3A_7 = arith.divf %broadcast_in_dim3A, %div3A_6 : vector<5120x1xf32>
    %sub3A = vector.broadcast %div3A_7 : vector<5120x1xf32> to vector<5120x128xf32>
    %sub3A_8 = arith.subf %add3A, %sub3A : vector<5120x128xf32>
    %mul3A = arith.mulf %sub3A_8, %sub3A_8 : vector<5120x128xf32>
    %reduce_sum3A_9 = arith.constant dense<0.000000e+00> : vector<5120xf32>
    %reduce_sum3A_10 = vector.multi_reduction <add>, %mul3A, %reduce_sum3A_9 [1] : vector<5120x128xf32> to vector<5120xf32>
    %broadcast_in_dim3A_11 = vector.shape_cast %reduce_sum3A_10 : vector<5120xf32> to vector<5120x1xf32>
    %div3A_12 = arith.constant 1.280000e+02 : f32
    %div3A_13 = vector.broadcast %div3A_12 : f32 to vector<5120x1xf32>
    %div3A_14 = arith.divf %broadcast_in_dim3A_11, %div3A_13 : vector<5120x1xf32>
    %add3A_15 = arith.constant 9.99999974E-6 : f32
    %add3A_16 = vector.broadcast %add3A_15 : f32 to vector<5120x1xf32>
    %add3A_17 = arith.addf %div3A_14, %add3A_16 : vector<5120x1xf32>
    %rsqrt3A = math.rsqrt %add3A_17 : vector<5120x1xf32>
    %mul3A_18 = vector.broadcast %rsqrt3A : vector<5120x1xf32> to vector<5120x128xf32>
    %mul3A_19 = arith.mulf %sub3A_8, %mul3A_18 : vector<5120x128xf32>
    %get3A_20 = arith.constant 0 : index
    %get3A_21 = arith.constant 0 : index
    %get3A_22 = vector.load %arg3[%get3A_20, %get3A_21] : memref<1x128xf32, #tpu.memory_space<vmem>>, vector<1x128xf32>
    %mul3A_23 = vector.broadcast %get3A_22 : vector<1x128xf32> to vector<5120x128xf32>
    %mul3A_24 = arith.mulf %mul3A_19, %mul3A_23 : vector<5120x128xf32>
    %get3A_25 = arith.constant 0 : index
    %get3A_26 = arith.constant 0 : index
    %get3A_27 = vector.load %arg4[%get3A_25, %get3A_26] : memref<1x128xf32, #tpu.memory_space<vmem>>, vector<1x128xf32>
    %add3A_28 = vector.broadcast %get3A_27 : vector<1x128xf32> to vector<5120x128xf32>
    %add3A_29 = arith.addf %mul3A_24, %add3A_28 : vector<5120x128xf32>
    %swap3A = arith.constant 0 : index
    %swap3A_30 = arith.constant 0 : index
    %swap3A_31 = vector.load %arg5[%swap3A, %swap3A_30] : memref<5120x128xf32, #tpu.memory_space<vmem>>, vector<5120x128xf32>
    tpu.vector_store %arg5[%swap3A, %swap3A_30], %add3A_29 {strides = array<i32>} : memref<5120x128xf32, #tpu.memory_space<vmem>>, vector<5120x128xf32>,
    return
  }
  func.func @transform_0(%arg0: i32) -> (i32, i32) {
    %c0_i32 = arith.constant 0 : i32
    %c0_i32_0 = arith.constant 0 : i32
    return %arg0, %c0_i32 : i32, i32
  }
  func.func @transform_1(%arg0: i32) -> (i32, i32) {
    %add3A = arith.constant 2 : i32
    %add3A_0 = arith.addi %arg0, %add3A : i32
    %c0_i32 = arith.constant 0 : i32
    %c0_i32_1 = arith.constant 0 : i32
    return %add3A_0, %c0_i32 : i32, i32
  }
  func.func @transform_2(%arg0: i32) -> (i32, i32) {
    %c0_i32 = arith.constant 0 : i32
    %c0_i32_0 = arith.constant 0 : i32
    %c0_i32_1 = arith.constant 0 : i32
    return %c0_i32, %c0_i32_0 : i32, i32
  }
  func.func @transform_3(%arg0: i32) -> (i32, i32) {
    %c0_i32 = arith.constant 0 : i32
    %c0_i32_0 = arith.constant 0 : i32
    %c0_i32_1 = arith.constant 0 : i32
    return %c0_i32, %c0_i32_0 : i32, i32
  }
  func.func @transform_4(%arg0: i32) -> (i32, i32) {
    %c0_i32 = arith.constant 0 : i32
    %c0_i32_0 = arith.constant 0 : i32
    return %arg0, %c0_i32 : i32, i32
  }
}

module attributes {stable_mosaic.version = 14 : i64} {
  func.func @body(%arg0: i32, %arg1: memref<5120x128xf32, #tpu.memory_space<vmem>>, %arg2: memref<128x128xf32, #tpu.memory_space<vmem>>, %arg3: memref<1x128xf32, #tpu.memory_space<vmem>>, %arg4: memref<128x128xf32, #tpu.memory_space<vmem>>, %arg5: memref<1x128xf32, #tpu.memory_space<vmem>>, %arg6: memref<128x128xf32, #tpu.memory_space<vmem>>, %arg7: memref<5120x128xf32, #tpu.memory_space<vmem>>, %arg8: memref<5120x128xf32, #tpu.memory_space<vmem>>) attributes {dimension_semantics = [#tpu.dimension_semantics<arbitrary>], iteration_bounds = array<i64: 2>, scalar_prefetch = 0 : i64, scratch_operands = 0 : i64, tpu.core_type = #tpu.core_type<tc>, window_params = [{transform_indices = @transform_0, window_bounds = array<i64: 5120, 128>}, {pipeline_mode = #tpu.pipeline_mode<synchronous>, transform_indices = @transform_1, window_bounds = array<i64: 128, 128>}, {pipeline_mode = #tpu.pipeline_mode<synchronous>, transform_indices = @transform_2, window_bounds = array<i64: 1, 128>}, {pipeline_mode = #tpu.pipeline_mode<synchronous>, transform_indices = @transform_3, window_bounds = array<i64: 128, 128>}, {pipeline_mode = #tpu.pipeline_mode<synchronous>, transform_indices = @transform_4, window_bounds = array<i64: 1, 128>}, {pipeline_mode = #tpu.pipeline_mode<synchronous>, transform_indices = @transform_5, window_bounds = array<i64: 128, 128>}, {transform_indices = @transform_6, window_bounds = array<i64: 5120, 128>}, {transform_indices = @transform_7, window_bounds = array<i64: 5120, 128>}]} {
    %get3A = arith.constant 0 : index
    %get3A_0 = arith.constant 0 : index
    %get3A_1 = vector.load %arg1[%get3A, %get3A_0] : memref<5120x128xf32, #tpu.memory_space<vmem>>, vector<5120x128xf32>
    %get3A_2 = arith.constant 0 : index
    %get3A_3 = arith.constant 0 : index
    %get3A_4 = vector.load %arg2[%get3A_2, %get3A_3] : memref<128x128xf32, #tpu.memory_space<vmem>>, vector<128x128xf32>
    %dot_general3A = arith.constant dense<0.000000e+00> : vector<5120x128xf32>
    %dot_general3A_5 = tpu.matmul %get3A_1, %get3A_4, %dot_general3A {dimension_numbers = #tpu.dot_dimension_numbers<[1], [1], [0], [0], [0, 0, 1, 0], [], []>, transpose_lhs_hint = false} : vector<5120x128xf32>, vector<128x128xf32>, vector<5120x128xf32> -> vector<5120x128xf32>
    %get3A_6 = arith.constant 0 : index
    %get3A_7 = arith.constant 0 : index
    %get3A_8 = vector.load %arg3[%get3A_6, %get3A_7] : memref<1x128xf32, #tpu.memory_space<vmem>>, vector<1x128xf32>
    %add3A = vector.broadcast %get3A_8 : vector<1x128xf32> to vector<5120x128xf32>
    %add3A_9 = arith.addf %dot_general3A_5, %add3A : vector<5120x128xf32>
    %max3A = arith.constant 0.000000e+00 : f32
    %max3A_10 = vector.broadcast %max3A : f32 to vector<5120x128xf32>
    %max3A_11 = arith.maximumf %add3A_9, %max3A_10 : vector<5120x128xf32>
    %get3A_12 = arith.constant 0 : index
    %get3A_13 = arith.constant 0 : index
    %get3A_14 = vector.load %arg4[%get3A_12, %get3A_13] : memref<128x128xf32, #tpu.memory_space<vmem>>, vector<128x128xf32>
    %dot_general3A_15 = arith.constant dense<0.000000e+00> : vector<5120x128xf32>
    %dot_general3A_16 = tpu.matmul %max3A_11, %get3A_14, %dot_general3A_15 {dimension_numbers = #tpu.dot_dimension_numbers<[1], [1], [0], [0], [0, 0, 1, 0], [], []>, transpose_lhs_hint = false} : vector<5120x128xf32>, vector<128x128xf32>, vector<5120x128xf32> -> vector<5120x128xf32>
    %swap3A = arith.constant 0 : index
    %swap3A_17 = arith.constant 0 : index
    %swap3A_18 = vector.load %arg7[%swap3A, %swap3A_17] : memref<5120x128xf32, #tpu.memory_space<vmem>>, vector<5120x128xf32>
    tpu.vector_store %arg7[%swap3A, %swap3A_17], %dot_general3A_16 {strides = array<i32>} : memref<5120x128xf32, #tpu.memory_space<vmem>>, vector<5120x128xf32>,
    %get3A_19 = arith.constant 0 : index
    %get3A_20 = arith.constant 0 : index
    %get3A_21 = vector.load %arg6[%get3A_19, %get3A_20] : memref<128x128xf32, #tpu.memory_space<vmem>>, vector<128x128xf32>
    %dot_general3A_22 = arith.constant dense<0.000000e+00> : vector<5120x128xf32>
    %dot_general3A_23 = tpu.matmul %get3A_1, %get3A_21, %dot_general3A_22 {dimension_numbers = #tpu.dot_dimension_numbers<[1], [1], [0], [0], [0, 0, 1, 0], [], []>, transpose_lhs_hint = false} : vector<5120x128xf32>, vector<128x128xf32>, vector<5120x128xf32> -> vector<5120x128xf32>
    %get3A_24 = arith.constant 0 : index
    %get3A_25 = arith.constant 0 : index
    %get3A_26 = vector.load %arg5[%get3A_24, %get3A_25] : memref<1x128xf32, #tpu.memory_space<vmem>>, vector<1x128xf32>
    %add3A_27 = vector.broadcast %get3A_26 : vector<1x128xf32> to vector<5120x128xf32>
    %add3A_28 = arith.addf %dot_general3A_23, %add3A_27 : vector<5120x128xf32>
    %mul3A = arith.constant 5.000000e-01 : f32
    %mul3A_29 = vector.broadcast %mul3A : f32 to vector<5120x128xf32>
    %mul3A_30 = arith.mulf %mul3A_29, %add3A_28 : vector<5120x128xf32>
    %swap3A_31 = arith.constant 0 : index
    %swap3A_32 = arith.constant 0 : index
    %swap3A_33 = vector.load %arg8[%swap3A_31, %swap3A_32] : memref<5120x128xf32, #tpu.memory_space<vmem>>, vector<5120x128xf32>
    tpu.vector_store %arg8[%swap3A_31, %swap3A_32], %mul3A_30 {strides = array<i32>} : memref<5120x128xf32, #tpu.memory_space<vmem>>, vector<5120x128xf32>,
    return
  }
  func.func @transform_0(%arg0: i32) -> (i32, i32) {
    %c0_i32 = arith.constant 0 : i32
    %c0_i32_0 = arith.constant 0 : i32
    return %arg0, %c0_i32 : i32, i32
  }
  func.func @transform_1(%arg0: i32) -> (i32, i32) {
    %c0_i32 = arith.constant 0 : i32
    %c0_i32_0 = arith.constant 0 : i32
    %c0_i32_1 = arith.constant 0 : i32
    return %c0_i32, %c0_i32_0 : i32, i32
  }
  func.func @transform_2(%arg0: i32) -> (i32, i32) {
    %c0_i32 = arith.constant 0 : i32
    %c0_i32_0 = arith.constant 0 : i32
    %c0_i32_1 = arith.constant 0 : i32
    return %c0_i32, %c0_i32_0 : i32, i32
  }
  func.func @transform_3(%arg0: i32) -> (i32, i32) {
    %c0_i32 = arith.constant 0 : i32
    %c0_i32_0 = arith.constant 0 : i32
    %c0_i32_1 = arith.constant 0 : i32
    return %c0_i32, %c0_i32_0 : i32, i32
  }
  func.func @transform_4(%arg0: i32) -> (i32, i32) {
    %c0_i32 = arith.constant 0 : i32
    %c0_i32_0 = arith.constant 0 : i32
    %c0_i32_1 = arith.constant 0 : i32
    return %c0_i32, %c0_i32_0 : i32, i32
  }
  func.func @transform_5(%arg0: i32) -> (i32, i32) {
    %c0_i32 = arith.constant 0 : i32
    %c0_i32_0 = arith.constant 0 : i32
    %c0_i32_1 = arith.constant 0 : i32
    return %c0_i32, %c0_i32_0 : i32, i32
  }
  func.func @transform_6(%arg0: i32) -> (i32, i32) {
    %c0_i32 = arith.constant 0 : i32
    %c0_i32_0 = arith.constant 0 : i32
    return %arg0, %c0_i32 : i32, i32
  }
  func.func @transform_7(%arg0: i32) -> (i32, i32) {
    %c0_i32 = arith.constant 0 : i32
    %c0_i32_0 = arith.constant 0 : i32
    return %arg0, %c0_i32 : i32, i32
  }
}

</mosaic_0001>

<sc_bundles>
// kernel: kernel.5.cloned.1.call-start
scs
__scs_entry_jumppad:
0x0: {  	(pc) =	sbr.rel $0x88, $3  }
0x1: {  	(tag) =	ssettag $0x0;
	lr =	simm.s32 $0x1  }
0x2: {  	[smem:$0x3F98] =	sst lr;
	_ =	strace $0xD0000000  }
0x3: {  	_ = 	snop  }
0x4: {  	_ = 	snop  }
0x5: {  	_ = 	snop  }
0x6: {  	_ = 	snop  }
0x7: {  	_ = 	snop  }
__scs_overlays_trampoline_lowered:
0x8: {  	[smem:$0x3FA7] =	sst s0  }
0x9: {  	[smem:$0x3FA8] =	sst s1  }
0xa: {  	[smem:$0x3FA9] =	sst s2  }
0xb: {  	[smem:$0x3FAA] =	sst s3  }
0xc: {  	[smem:$0x3FAB] =	sst s4  }
0xd: {  	[smem:$0x3FAC] =	sst s5  }
0xe: {  	[smem:$0x3FAD] =	sst s6  }
0xf: {  	[smem:$0x3FAE] =	sst s7  }
0x10: {  	[smem:$0x3FAF] =	sst s8  }
0x11: {  	[smem:$0x3FB0] =	sst s9;
	s0 =	simm.s32 @!p0 $0x0  }
0x12: {  	s1 =	sld [smem:$0x3F96];
	s0 =	simm.s32 @p0 $0x1  }
0x13: {  	[smem:$0x3FB1] =	sst s0;
	s0 =	simm.s32 @!p1 $0x0  }
0x14: {  	s2 =	sld [smem:$0x3F95];
	s0 =	simm.s32 @p1 $0x1  }
0x15: {  	[smem:$0x3FB2] =	sst s0;
	s0 =	simm.s32 @!p2 $0x0  }
0x16: {  	s3 =	sld [smem:$0x3FDB];
	s0 =	simm.s32 @p2 $0x1  }
0x17: {  	s4 =	simm.s32 $0x1BF5;
	[smem:$0x3FB4] =	sst s0  }
0x18: {  	s0 =	sld [smem:$0x3F97];
	_ =	swait.ge [sflag:s4], $0x0  }
0x19: {  	s7 =	sld [smem:$0x3F98]  }
0x1a: {  	s8 =	sadd.s32 $0xFFFFE003, lr  }
0x1b: {  	s9 =	sadd.s32 $0xFFFFFEF7, lr;
	s5 =	simm.s32 $0xFFFFFFFF;
	p2 =	slt.u32 s8, $0xFFFFF086  }
0x1c: {  	p1 =	slt.u32 s9, $0xF7A;
	s5 =	simm.s32 @!p2 $0x0  }
0x1d: {  	s5 =	simm.s32 @p1 $0x1;
	p0 =	seq.s32 s7, s2  }
0x1e: {  	s7 =	smul.u32 @!p0 $0xF7A, s2;
	p2 =	seq.s32 @!p0 s5, $0x0  }
0x1f: {  	s9 =	smul.u32 $0xF7A, s1;
	s8 =	simm.s32 @!p0 $0x1BF5;
	p2 =	por !p2, p0  }
0x20: {  	[sflag:s8] =	ssyncset.s32 @!p0 $0xFFFFF086;
	s6 =	sadd.s32 @!p0 s3, s7;
	s7 =	simm.s32 @!p0 $0x108  }
0x21: {  	s3 =	sadd.s32 s3, s9;
	s6 =	sadd.s32 @!p0 $0x88, s6;
	s7 =	simm.s32 @p2 $0x1082  }
0x22: {  	[simem:s7], [sflag:s8] =	dma.local @!p0 [hbm:s6], $0xF7A  }
0x23: {  	s9 =	sor.u32 $0xD0000000, s2;
	s6 =	simm.s32 $0x108;
	_ =	swait.ge @!p0 [sflag:s8], $0x0  }
0x24: {  	s3 =	sadd.s32 $0x88, s3;
	s6 =	simm.s32 @!p1 $0x1082;
	[sflag:s4] =	ssyncset.s32 $0xFFFFF086  }
0x25: {  	[simem:s6], [sflag:s4] =	dma.local [hbm:s3], $0xF7A  }
0x26: {  	[smem:$0x3F98] =	sst s1;
	(tag) =	ssettag s2;
	_ =	strace s9  }
0x27: {  	s1 =	sld [smem:$0x3FA8]  }
0x28: {  	s2 =	sld [smem:$0x3FA9]  }
0x29: {  	s4 =	sld [smem:$0x3FAB]  }
0x2a: {  	p0 =	seq.s32 s5, $0x0;
	s5 =	sld [smem:$0x3FAC]  }
0x2b: {  	s6 =	sld [smem:$0x3FAD]  }
0x2c: {  	s7 =	sld [smem:$0x3FAE]  }
0x2d: {  	s3 =	simm.s32 $0x108;
	s8 =	sld [smem:$0x3FAF]  }
0x2e: {  	s3 =	simm.s32 @!p0 $0x1082;
	s9 =	sld [smem:$0x3FB0]  }
0x2f: {  	lr =	sadd.s32 s0, s3;
	s0 =	sld [smem:$0x3FA7]  }
0x30: {  	s3 =	sld [smem:$0x3FAA]  }
0x31: {  	[smem:$0x3FB3] =	sst s10  }
0x32: {  	s10 =	sld [smem:$0x3FB1];
	_ =	sdelay $0x3  }
0x33: {  	p0 =	seq.s32 s10, $0x1;
	s10 =	sld [smem:$0x3FB3];
	_ =	sdelay $0x3  }
0x34: {  	[smem:$0x3FB3] =	sst s10  }
0x35: {  	s10 =	sld [smem:$0x3FB2];
	_ =	sdelay $0x3  }
0x36: {  	p1 =	seq.s32 s10, $0x1;
	s10 =	sld [smem:$0x3FB3];
	_ =	sdelay $0x3  }
0x37: {  	[smem:$0x3FB3] =	sst s10  }
0x38: {  	s10 =	sld [smem:$0x3FB4]  }
0x39: {  	_ = 	snop;
	(pc) =	sbr.ind lr, $3  }
0x3a: {  	_ = 	snop  }
0x3b: {  	_ = 	snop  }
0x3c: {  	p2 =	seq.s32 s10, $0x1;
	s10 =	sld [smem:$0x3FB3]  }
0x3d: {  	_ =	shalt  }
0x3e: {  	_ =	shalt  }
0x3f: {  	_ =	shalt  }
0x40: {  	_ =	shalt  }
0x41: {  	_ =	shalt  }
0x42: {  	_ =	shalt  }
0x43: {  	_ =	shalt  }
0x44: {  	_ =	shalt  }
0x45: {  	_ =	shalt  }
0x46: {  	_ =	shalt  }
0x47: {  	_ =	shalt  }
0x48: {  	_ =	shalt  }
0x49: {  	_ =	shalt  }
0x4a: {  	_ =	shalt  }
0x4b: {  	_ =	shalt  }
0x4c: {  	_ =	shalt  }
0x4d: {  	_ =	shalt  }
0x4e: {  	_ =	shalt  }
0x4f: {  	_ =	shalt  }
0x50: {  	_ =	shalt  }
0x51: {  	_ =	shalt  }
0x52: {  	_ =	shalt  }
0x53: {  	_ =	shalt  }
0x54: {  	_ =	shalt  }
0x55: {  	_ =	shalt  }
0x56: {  	_ =	shalt  }
0x57: {  	_ =	shalt  }
0x58: {  	_ =	shalt  }
0x59: {  	_ =	shalt  }
0x5a: {  	_ =	shalt  }
0x5b: {  	_ =	shalt  }
0x5c: {  	_ =	shalt  }
0x5d: {  	_ =	shalt  }
0x5e: {  	_ =	shalt  }
0x5f: {  	_ =	shalt  }
0x60: {  	_ =	shalt  }
0x61: {  	_ =	shalt  }
0x62: {  	_ =	shalt  }
0x63: {  	_ =	shalt  }
0x64: {  	_ =	shalt  }
0x65: {  	_ =	shalt  }
0x66: {  	_ =	shalt  }
0x67: {  	_ =	shalt  }
0x68: {  	_ =	shalt  }
0x69: {  	_ =	shalt  }
0x6a: {  	_ =	shalt  }
0x6b: {  	_ =	shalt  }
0x6c: {  	_ =	shalt  }
0x6d: {  	_ =	shalt  }
0x6e: {  	_ =	shalt  }
0x6f: {  	_ =	shalt  }
0x70: {  	_ =	shalt  }
0x71: {  	_ =	shalt  }
0x72: {  	_ =	shalt  }
0x73: {  	_ =	shalt  }
0x74: {  	_ =	shalt  }
0x75: {  	_ =	shalt  }
0x76: {  	_ =	shalt  }
0x77: {  	_ =	shalt  }
0x78: {  	_ =	shalt  }
0x79: {  	_ =	shalt  }
0x7a: {  	_ =	shalt  }
0x7b: {  	_ =	shalt  }
0x7c: {  	_ =	shalt  }
0x7d: {  	_ =	shalt  }
0x7e: {  	_ =	shalt  }
0x7f: {  	_ =	shalt  }
0x80: {  	_ =	shalt  }
0x81: {  	_ =	shalt  }
0x82: {  	_ =	shalt  }
0x83: {  	_ =	shalt  }
0x84: {  	_ =	shalt  }
0x85: {  	_ =	shalt  }
0x86: {  	_ =	shalt  }
0x87: {  	_ =	shalt  }
.Lfunc_end0:
.L_simem_size_0:
called_computation_lowered:
.L_overlay_start_0:
0x88: {  	s2 =	sld [smem:$0x3FD9]  }
0x89: {  	s3 =	sld [smem:$0x3FFE];
	_ =	sdelay $0x1  }
0x8a: {  	s1 =	srdreg.scid  }
0x8b: {  	s0 =	sand.u32 $0x1, s1  }
0x8c: {  	s17 =	sshll.u32 s0, $0xA;
	s2 =	sadd.s32 s3, s2  }
0x8d: {  	s2 =	sadd.s32 s2, s17  }
0x8e: {  	[smem:$0x3FBF] =	sst s2  }
0x8f: {  	_ = 	snop  }
0x90: {  	s2 =	sld [smem:$0x3FD0];
	(tm) =	ssettm $0x1  }
0x91: {  	s18 =	sld [smem:$0x3FFB];
	_ =	sdelay $0x3  }
0x92: {  	_ =	strace s18  }
0x93: {  	s3 =	sld [smem:$0x3FFC];
	_ =	sdelay $0x3  }
0x94: {  	_ =	strace s3  }
0x95: {  	s3 =	sld [smem:$0x3FFD];
	_ =	sdelay $0x3  }
0x96: {  	_ =	strace s3  }
0x97: {  	_ =	strace $0x8FFFFFFF  }
0x98: {  	s19 =	sld [smem:$0x3FDB];
	_ =	sdelay $0x1  }
0x99: {  	s4 =	simm.s32 $_scs_section_size  }
0x9a: {  	s5 =	simm.s32 $_size__tile_overlayer_lowered;
	s6 =	simm.s32 $_tile_overlayer_lowered  }
0x9b: {  	s22 =	simm.s32 $0x1BFF;
	s21 =	sshll.u32 s6, $0x1;
	s3 =	sadd.s32 s4, s19  }
0x9c: {  	s7 =	simm.s32 $0x0;
	s20 =	sshll.u32 s5, $0x1;
	s5 =	sadd.s32 s21, s3  }
0x9d: {  	[timem:s7], [sflag:s22] =	dma.local [hbm:s5], s20  }
0x9e: {  	_ =	swait.ge [sflag:s22], s20  }
0x9f: {  	s4 =	ssub.s32 $0x0, s20;
	[sflag:s22] =	ssyncset.done $0x0  }
0xa0: {  	[sflag:s22] =	ssyncadd.s32 s4;
	_ =	sdelay $0x1  }
0xa1: {  	s23 =	simm.s32 $0x1B8B  }
0xa2: {  	_ =	swait.ge [sflag:s23], $0x1  }
0xa3: {  	[sflag:s23] =	ssyncset.done $0x0  }
0xa4: {  	s25 =	simm.s32 $0x1B8E;
	s24 =	sld [smem:$0x3FFE];
	[sflag:s23] =	ssyncadd.s32 $0xFFFFFFFF  }
0xa5: {  	s26 =	simm.s32 $execute0_lowered;
	[smem:$0x3FD2] =	sst s25  }
0xa6: {  	s5 =	sshll.u32 s26, $0x1;
	_ =	strace $0x80000046;
	[dreg:$0x1] =	wrdreg $0xFFFFFFFF  }
0xa7: {  	s28 =	simm.s32 $_size_execute0_lowered;
	s3 =	sadd.s32 s3, s5;
	[dreg:$0x0] =	wrdreg $0x0  }
0xa8: {  	s5 =	sshll.u32 s28, $0x1;
	[dreg:$0x2] =	wrdreg s3  }
0xa9: {  	[dreg:$0x3] =	wrdreg s5  }
0xaa: {  	[dreg:$0x4] =	wrdreg $0xC0  }
0xab: {  	_ =	task [dreg:s7], $0x5FFFF  }
0xac: {  	[dreg:$0x1] =	wrdreg $0xFFFFFFFF  }
0xad: {  	[dreg:$0x0] =	wrdreg $0x60  }
0xae: {  	[dreg:$0x2] =	wrdreg s24  }
0xaf: {  	[dreg:$0x3] =	wrdreg s2  }
0xb0: {  	[dreg:$0x4] =	wrdreg $0xBC000  }
0xb1: {  	[dreg:$0x5] =	wrdreg $0x9  }
0xb2: {  	_ =	task.clear_ibuf [dreg:s7], $0x6FFFF;
	_ =	strace $0x90000046  }
0xb3: {  	s29 =	simm.s32 $0x9;
	_ =	strace $0x80000048  }
0xb4: {  	_ =	swait.ge [sflag:s29], $0x1  }
0xb5: {  	[sflag:s29] =	ssyncadd.s32 $0xFFFFFFFF  }
0xb6: {  	_ =	strace $0x90000048  }
0xb7: {  	_ =	sfence  }
0xb8: {  	s30 =	sld [smem:$0x0];
	_ =	sdelay $0x2  }
0xb9: {  	s31 =	sshll.u32 s1, $0xD;
	s1 =	sshrl.u32 s1, $0x2  }
0xba: {  	s3 =	sand.u32 $0x4000, s31;
	s1 =	sadd.s32 s1, s30  }
0xbb: {  	s0 =	sor.u32 s3, s0;
	s1 =	sshll.u32 s1, $0x11  }
0xbc: {  	s0 =	sor.u32 s1, s0  }
0xbd: {  	s0 =	sadd.s32 $0x8F2B, s0  }
0xbe: {  	[sflag:s0] =	ssyncadd.remote.s32 $0x1  }
0xbf: {  	_ =	sfence.sel $0xFFFF  }
0xc0: {  	[dreg:$0x0] =	wrdreg $0xFFFFFFFF;
	(pc) =	sbr.abs _section_cstart, $3  }
0xc1: {  	[dreg:$0x1] =	wrdreg $0xFFFFFFFF  }
0xc2: {  	_ =	task.clear_ibuf [dreg:s7], $0x2FFFF;
	_ =	strace $0x9FFFFFFF  }
0xc3: {  	(tm) =	ssettm $0x7FFFFFFF  }
tec
execute0_lowered:
.L_overlay_start_1:
0x0: {  	(tag) =	ssettag $0x1  }
0x1: {  	s0 =	rddreg [dreg:$0x0]  }
0x2: {  	s3 =	rddreg [dreg:$0x1]  }
0x3: {  	s2 =	rddreg [dreg:$0x2]  }
0x4: {  	s13 =	simm.s32 $0x0;
	s1 =	srdreg.scid;
	s8 =	stileid.u32  }
0x5: {  	s12 =	simm.s32 $0x5400;
	s10 =	simm.s32 $0x1;
	s11 =	simm.s32 $0x8800  }
0x6: {  	s9 =	simm.s32 $0x2;
	p0 =	por $0x0, $0x0;
	[smem:$0x7FF] =	sst s13  }
0x7: {  	s1 =	sand.u32 $0x1, s1;
	s4 =	smul.u32 $0x2800, s8;
	s6 =	sshll.u32 s8, $0xB  }
0x8: {  	s21 =	smul.u32 $0x50000, s8;
	s28 =	sshll.u32 s8, $0x6;
	s8 =	simm.s32 $0x2000  }
0x9: {  	s5 =	sshll.u32 s1, $0xF;
	s7 =	smul.u32 $0x28000, s1;
	_ =	strace $0x80000047  }
0xa: {  	s30 =	sor.u32 $0x1C03, s28;
	s5 =	sor.u32 s6, s5;
	s16 =	sadd.s32 s4, s0  }
0xb: {  	[dreg:$0xe] =	wrdreg s30;
	s5 =	sadd.s32 s5, s0;
	s6 =	sadd.s32 $0x21C00, s16  }
0xc: {  	s1 =	ssub.s32 $0x2, s1;
	[dreg:$0x4] =	wrdreg s6;
	s17 =	sadd.s32 $0x1C00, s5  }
0xd: {  	s19 =	sshrl.u32 s1, $0x1;
	s18 =	sadd.s32 $0x11C00, s5;
	[dreg:$0x5] =	wrdreg s17  }
0xe: {  	s24 =	sshrl.u32 s21, $0x2;
	s20 =	sadd.s32 $0x1E00, s5;
	[dreg:$0x6] =	wrdreg s18  }
0xf: {  	s4 =	sadd.s32 s4, s7;
	s22 =	sadd.s32 $0x11E00, s5;
	[dreg:$0x7] =	wrdreg s20  }
0x10: {  	s1 =	ssub.s32 s1, s19;
	s23 =	sadd.s32 $0x2000, s5;
	[dreg:$0x8] =	wrdreg s22  }
0x11: {  	s25 =	sadd.s32 $0x12000, s5;
	s19 =	smax.u32 s1, $0x1;
	[dreg:$0x9] =	wrdreg s23  }
0x12: {  	s26 =	sadd.s32 $0x2200, s5;
	[dreg:$0xa] =	wrdreg s25;
	p1 =	sne.s32 s19, $0x1  }
.Ltmp0:
0x13: {  	s29 =	sadd.s32 $0x12200, s5;
	[dreg:$0xb] =	wrdreg s26;
	(pc) =	sbr.rel @!p1 .LBB2_1-.Ltmp0, $4  }
0x14: {  	s7 =	simm.s32 $0x64;
	s0 =	sadd.s32 s4, s0;
	[dreg:$0xc] =	wrdreg s29  }
0x15: {  	s6 =	sadd.s32 s24, s2;
	s0 =	sadd.s32 $0x49C00, s0;
	s20 =	rddreg [dreg:$0x4]  }
0x16: {  	s5 =	simm.s32 $0x3;
	s31 =	sshrl.u32 s6, $0x3;
	[dreg:$0xd] =	wrdreg s0  }
0x17: {  	s4 =	simm.s32 $0x1000;
	[dreg:$0xf] =	wrdreg s31;
	s0 =	sadd.s32 $0xFFFFFFFF, s19  }
0x18: {  	s1 =	rddreg [dreg:$0xe]  }
0x19: {  	s6 =	rddreg [dreg:$0xf]  }
0x1a: {  	[spmem:s6], [sflag:s1] =	dma.local [hbm:s20], $0x2800  }
0x1b: {  	_ =	swait.ge [sflag:s5], $0x2800  }
0x1c: {  	[sflag:s5] =	ssyncset.done $0x0  }
0x1d: {  	[sflag:s5] =	ssyncadd.s32 $0xFFFFD800  }
0x1e: {  	[bflag:$0x0] =	sbarrier.arrive $0xFFFF  }
0x1f: {  	s23 =	rddreg [dreg:$0x5]  }
0x20: {  	[tilespmem:s13], [sflag:$0x3] =	stream.linear.gather [hbm4b:s23+s13], $0xC80, $0x38;
	[tilespmem:$0x1FC00] =	vst v63  }
0x21: {  	_ =	swait.ge [sflag:s5], $0xC80  }
0x22: {  	[sflag:s5] =	ssyncset.done $0x0  }
0x23: {  	s24 =	rddreg [dreg:$0x6];
	[sflag:s5] =	ssyncadd.s32 $0xFFFFF380  }
0x24: {  	[tilespmem:s4], [sflag:$0x3] =	stream.linear.gather [hbm4b:s24+s13], $0xC80, $0x38;
	[tilespmem:$0x1FC00] =	vst v63  }
0x25: {  	_ =	swait.ge [sflag:s5], $0xC80  }
0x26: {  	[sflag:s5] =	ssyncset.done $0x0  }
0x27: {  	[sflag:s5] =	ssyncadd.s32 $0xFFFFF380  }
0x28: {  	[tilespmem:s8], [sflag:$0x1] =	stream.indirect.gather [hbm4b:s3+s7], $0x80, s13, s7, $0xb8;
	[tilespmem:$0x1FC00] =	vst v63  }
0x29: {  	s25 =	simm.s32 $0x80  }
0x2a: {  	[tilespmem:s12], [sflag:$0x1] =	stream.indirect.gather [hbm4b:s3+s7], $0x80, s25, s7, $0xb8;
	[tilespmem:$0x1FC00] =	vst v63  }
0x2b: {  	_ =	swait.ge [sflag:s10], $0x3200  }
0x2c: {  	[sflag:s10] =	ssyncset.done $0x0  }
0x2d: {  	s26 =	simm.s32 $0x1000;
	[sflag:s10] =	ssyncadd.s32 $0xFFFFCE00  }
0x2e: {  	[spmem:s2] =	stream.indirect.scatter.add.f32 [tilespmem:s8], [sflag:$0x2], $0x80, s26, s7, $0xb8;
	[tilespmem:$0x1FC00] =	vst v63  }
0x2f: {  	s28 =	simm.s32 $0x100  }
0x30: {  	[tilespmem:s11], [sflag:$0x1] =	stream.indirect.gather [hbm4b:s3+s7], $0x80, s28, s7, $0xb8;
	[tilespmem:$0x1FC00] =	vst v63  }
0x31: {  	_ =	swait.ge [sflag:s10], $0x3200  }
0x32: {  	[sflag:s10] =	ssyncset.done $0x0  }
0x33: {  	[sflag:s10] =	ssyncadd.s32 $0xFFFFCE00  }
0x34: {  	_ =	swait.ge [sflag:s9], $0x3200  }
0x35: {  	[sflag:s9] =	ssyncset.done $0x0  }
0x36: {  	s29 =	simm.s32 $0x1080;
	[sflag:s9] =	ssyncadd.s32 $0xFFFFCE00  }
0x37: {  	[spmem:s2] =	stream.indirect.scatter.add.f32 [tilespmem:s12], [sflag:$0x2], $0x80, s29, s7, $0xb8;
	[tilespmem:$0x1FC00] =	vst v63  }
0x38: {  	s30 =	simm.s32 $0x180  }
0x39: {  	[tilespmem:s8], [sflag:$0x1] =	stream.indirect.gather [hbm4b:s3+s7], $0x80, s30, s7, $0xb8;
	[tilespmem:$0x1FC00] =	vst v63  }
0x3a: {  	_ =	swait.ge [sflag:s10], $0x3200  }
0x3b: {  	[sflag:s10] =	ssyncset.done $0x0  }
0x3c: {  	[sflag:s10] =	ssyncadd.s32 $0xFFFFCE00  }
0x3d: {  	_ =	swait.ge [sflag:s9], $0x3200  }
0x3e: {  	[sflag:s9] =	ssyncset.done $0x0  }
0x3f: {  	s31 =	simm.s32 $0x1100;
	[sflag:s9] =	ssyncadd.s32 $0xFFFFCE00  }
0x40: {  	[spmem:s2] =	stream.indirect.scatter.add.f32 [tilespmem:s11], [sflag:$0x2], $0x80, s31, s7, $0xb8;
	[tilespmem:$0x1FC00] =	vst v63  }
0x41: {  	s4 =	simm.s32 $0x200  }
0x42: {  	[tilespmem:s12], [sflag:$0x1] =	stream.indirect.gather [hbm4b:s3+s7], $0x80, s4, s7, $0xb8;
	[tilespmem:$0x1FC00] =	vst v63  }
0x43: {  	_ =	swait.ge [sflag:s10], $0x3200  }
0x44: {  	[sflag:s10] =	ssyncset.done $0x0  }
0x45: {  	[sflag:s10] =	ssyncadd.s32 $0xFFFFCE00  }
0x46: {  	_ =	swait.ge [sflag:s9], $0x3200  }
0x47: {  	[sflag:s9] =	ssyncset.done $0x0  }
0x48: {  	s6 =	simm.s32 $0x1180;
	[sflag:s9] =	ssyncadd.s32 $0xFFFFCE00  }
0x49: {  	[spmem:s2] =	stream.indirect.scatter.add.f32 [tilespmem:s8], [sflag:$0x2], $0x80, s6, s7, $0xb8;
	[tilespmem:$0x1FC00] =	vst v63  }
0x4a: {  	s14 =	simm.s32 $0x280  }
0x4b: {  	[tilespmem:s11], [sflag:$0x1] =	stream.indirect.gather [hbm4b:s3+s7], $0x80, s14, s7, $0xb8;
	[tilespmem:$0x1FC00] =	vst v63  }
0x4c: {  	_ =	swait.ge [sflag:s10], $0x3200  }
0x4d: {  	[sflag:s10] =	ssyncset.done $0x0  }
0x4e: {  	[sflag:s10] =	ssyncadd.s32 $0xFFFFCE00  }
0x4f: {  	_ =	swait.ge [sflag:s9], $0x3200  }
0x50: {  	[sflag:s9] =	ssyncset.done $0x0  }
0x51: {  	s15 =	simm.s32 $0x1200;
	[sflag:s9] =	ssyncadd.s32 $0xFFFFCE00  }
0x52: {  	[spmem:s2] =	stream.indirect.scatter.add.f32 [tilespmem:s12], [sflag:$0x2], $0x80, s15, s7, $0xb8;
	[tilespmem:$0x1FC00] =	vst v63  }
0x53: {  	s16 =	simm.s32 $0x300  }
0x54: {  	[tilespmem:s8], [sflag:$0x1] =	stream.indirect.gather [hbm4b:s3+s7], $0x80, s16, s7, $0xb8;
	[tilespmem:$0x1FC00] =	vst v63  }
0x55: {  	_ =	swait.ge [sflag:s10], $0x3200  }
0x56: {  	[sflag:s10] =	ssyncset.done $0x0  }
0x57: {  	[sflag:s10] =	ssyncadd.s32 $0xFFFFCE00  }
0x58: {  	_ =	swait.ge [sflag:s9], $0x3200  }
0x59: {  	[sflag:s9] =	ssyncset.done $0x0  }
0x5a: {  	s14 =	simm.s32 $0x1280;
	[sflag:s9] =	ssyncadd.s32 $0xFFFFCE00  }
0x5b: {  	[spmem:s2] =	stream.indirect.scatter.add.f32 [tilespmem:s11], [sflag:$0x2], $0x80, s14, s7, $0xb8;
	[tilespmem:$0x1FC00] =	vst v63  }
0x5c: {  	s17 =	simm.s32 $0x380  }
0x5d: {  	[tilespmem:s12], [sflag:$0x1] =	stream.indirect.gather [hbm4b:s3+s7], $0x80, s17, s7, $0xb8;
	[tilespmem:$0x1FC00] =	vst v63  }
0x5e: {  	_ =	swait.ge [sflag:s10], $0x3200  }
0x5f: {  	[sflag:s10] =	ssyncset.done $0x0  }
0x60: {  	[sflag:s10] =	ssyncadd.s32 $0xFFFFCE00  }
0x61: {  	_ =	swait.ge [sflag:s9], $0x3200  }
0x62: {  	[sflag:s9] =	ssyncset.done $0x0  }
0x63: {  	s20 =	simm.s32 $0x1300;
	[sflag:s9] =	ssyncadd.s32 $0xFFFFCE00  }
0x64: {  	[spmem:s2] =	stream.indirect.scatter.add.f32 [tilespmem:s8], [sflag:$0x2], $0x80, s20, s7, $0xb8;
	[tilespmem:$0x1FC00] =	vst v63  }
0x65: {  	s28 =	simm.s32 $0x400  }
0x66: {  	[tilespmem:s11], [sflag:$0x1] =	stream.indirect.gather [hbm4b:s3+s7], $0x80, s28, s7, $0xb8;
	[tilespmem:$0x1FC00] =	vst v63  }
0x67: {  	_ =	swait.ge [sflag:s10], $0x3200  }
0x68: {  	[sflag:s10] =	ssyncset.done $0x0  }
0x69: {  	[sflag:s10] =	ssyncadd.s32 $0xFFFFCE00  }
0x6a: {  	_ =	swait.ge [sflag:s9], $0x3200  }
0x6b: {  	[sflag:s9] =	ssyncset.done $0x0  }
0x6c: {  	s29 =	simm.s32 $0x1380;
	[sflag:s9] =	ssyncadd.s32 $0xFFFFCE00  }
0x6d: {  	[spmem:s2] =	stream.indirect.scatter.add.f32 [tilespmem:s12], [sflag:$0x2], $0x80, s29, s7, $0xb8;
	[tilespmem:$0x1FC00] =	vst v63  }
0x6e: {  	s30 =	simm.s32 $0x480;
	[dreg:$0x10] =	wrdreg s0  }
0x6f: {  	[tilespmem:s8], [sflag:$0x1] =	stream.indirect.gather [hbm4b:s3+s7], $0x80, s30, s7, $0xb8;
	[tilespmem:$0x1FC00] =	vst v63  }
0x70: {  	_ =	swait.ge [sflag:s10], $0x3200  }
0x71: {  	[sflag:s10] =	ssyncset.done $0x0  }
0x72: {  	[sflag:s10] =	ssyncadd.s32 $0xFFFFCE00  }
0x73: {  	_ =	swait.ge [sflag:s9], $0x3200  }
0x74: {  	[sflag:s9] =	ssyncset.done $0x0  }
0x75: {  	s31 =	simm.s32 $0x1400;
	[sflag:s9] =	ssyncadd.s32 $0xFFFFCE00  }
0x76: {  	[spmem:s2] =	stream.indirect.scatter.add.f32 [tilespmem:s11], [sflag:$0x2], $0x80, s31, s7, $0xb8;
	[tilespmem:$0x1FC00] =	vst v63  }
0x77: {  	s1 =	simm.s32 $0x500  }
0x78: {  	[tilespmem:s12], [sflag:$0x1] =	stream.indirect.gather [hbm4b:s3+s7], $0x80, s1, s7, $0xb8;
	[tilespmem:$0x1FC00] =	vst v63  }
0x79: {  	_ =	swait.ge [sflag:s10], $0x3200  }
0x7a: {  	[sflag:s10] =	ssyncset.done $0x0  }
0x7b: {  	[sflag:s10] =	ssyncadd.s32 $0xFFFFCE00  }
0x7c: {  	_ =	swait.ge [sflag:s9], $0x3200  }
0x7d: {  	[sflag:s9] =	ssyncset.done $0x0  }
0x7e: {  	s6 =	simm.s32 $0x1480;
	[sflag:s9] =	ssyncadd.s32 $0xFFFFCE00  }
0x7f: {  	[spmem:s2] =	stream.indirect.scatter.add.f32 [tilespmem:s8], [sflag:$0x2], $0x80, s6, s7, $0xb8;
	[tilespmem:$0x1FC00] =	vst v63  }
0x80: {  	s14 =	simm.s32 $0x580  }
0x81: {  	[tilespmem:s11], [sflag:$0x1] =	stream.indirect.gather [hbm4b:s3+s7], $0x80, s14, s7, $0xb8;
	[tilespmem:$0x1FC00] =	vst v63  }
0x82: {  	_ =	swait.ge [sflag:s10], $0x3200  }
0x83: {  	[sflag:s10] =	ssyncset.done $0x0  }
0x84: {  	[sflag:s10] =	ssyncadd.s32 $0xFFFFCE00  }
0x85: {  	_ =	swait.ge [sflag:s9], $0x3200  }
0x86: {  	[sflag:s9] =	ssyncset.done $0x0  }
0x87: {  	s20 =	simm.s32 $0x1500;
	[sflag:s9] =	ssyncadd.s32 $0xFFFFCE00  }
0x88: {  	[spmem:s2] =	stream.indirect.scatter.add.f32 [tilespmem:s12], [sflag:$0x2], $0x80, s20, s7, $0xb8;
	[tilespmem:$0x1FC00] =	vst v63  }
0x89: {  	s28 =	simm.s32 $0x600  }
0x8a: {  	[tilespmem:s8], [sflag:$0x1] =	stream.indirect.gather [hbm4b:s3+s7], $0x80, s28, s7, $0xb8;
	[tilespmem:$0x1FC00] =	vst v63  }
0x8b: {  	_ =	swait.ge [sflag:s10], $0x3200  }
0x8c: {  	[sflag:s10] =	ssyncset.done $0x0  }
0x8d: {  	[sflag:s10] =	ssyncadd.s32 $0xFFFFCE00  }
0x8e: {  	_ =	swait.ge [sflag:s9], $0x3200  }
0x8f: {  	[sflag:s9] =	ssyncset.done $0x0  }
0x90: {  	s29 =	simm.s32 $0x1580;
	[sflag:s9] =	ssyncadd.s32 $0xFFFFCE00  }
0x91: {  	[spmem:s2] =	stream.indirect.scatter.add.f32 [tilespmem:s11], [sflag:$0x2], $0x80, s29, s7, $0xb8;
	[tilespmem:$0x1FC00] =	vst v63  }
0x92: {  	s30 =	simm.s32 $0x680  }
0x93: {  	[tilespmem:s12], [sflag:$0x1] =	stream.indirect.gather [hbm4b:s3+s7], $0x80, s30, s7, $0xb8;
	[tilespmem:$0x1FC00] =	vst v63  }
0x94: {  	_ =	swait.ge [sflag:s10], $0x3200  }
0x95: {  	[sflag:s10] =	ssyncset.done $0x0  }
0x96: {  	[sflag:s10] =	ssyncadd.s32 $0xFFFFCE00  }
0x97: {  	_ =	swait.ge [sflag:s9], $0x3200  }
0x98: {  	[sflag:s9] =	ssyncset.done $0x0  }
0x99: {  	s31 =	simm.s32 $0x1600;
	[sflag:s9] =	ssyncadd.s32 $0xFFFFCE00  }
0x9a: {  	[spmem:s2] =	stream.indirect.scatter.add.f32 [tilespmem:s8], [sflag:$0x2], $0x80, s31, s7, $0xb8;
	[tilespmem:$0x1FC00] =	vst v63  }
0x9b: {  	s1 =	simm.s32 $0x700  }
0x9c: {  	[tilespmem:s11], [sflag:$0x1] =	stream.indirect.gather [hbm4b:s3+s7], $0x80, s1, s7, $0xb8;
	[tilespmem:$0x1FC00] =	vst v63  }
0x9d: {  	_ =	swait.ge [sflag:s10], $0x3200  }
0x9e: {  	[sflag:s10] =	ssyncset.done $0x0  }
0x9f: {  	[sflag:s10] =	ssyncadd.s32 $0xFFFFCE00  }
0xa0: {  	_ =	swait.ge [sflag:s9], $0x3200  }
0xa1: {  	[sflag:s9] =	ssyncset.done $0x0  }
0xa2: {  	s20 =	simm.s32 $0x1680;
	[sflag:s9] =	ssyncadd.s32 $0xFFFFCE00  }
0xa3: {  	[spmem:s2] =	stream.indirect.scatter.add.f32 [tilespmem:s12], [sflag:$0x2], $0x80, s20, s7, $0xb8;
	[tilespmem:$0x1FC00] =	vst v63  }
0xa4: {  	s28 =	simm.s32 $0x780  }
0xa5: {  	[tilespmem:s8], [sflag:$0x1] =	stream.indirect.gather [hbm4b:s3+s7], $0x80, s28, s7, $0xb8;
	[tilespmem:$0x1FC00] =	vst v63  }
0xa6: {  	_ =	swait.ge [sflag:s10], $0x3200  }
0xa7: {  	[sflag:s10] =	ssyncset.done $0x0  }
0xa8: {  	[sflag:s10] =	ssyncadd.s32 $0xFFFFCE00  }
0xa9: {  	_ =	swait.ge [sflag:s9], $0x3200  }
0xaa: {  	[sflag:s9] =	ssyncset.done $0x0  }
0xab: {  	s29 =	simm.s32 $0x1700;
	[sflag:s9] =	ssyncadd.s32 $0xFFFFCE00  }
0xac: {  	[spmem:s2] =	stream.indirect.scatter.add.f32 [tilespmem:s11], [sflag:$0x2], $0x80, s29, s7, $0xb8;
	[tilespmem:$0x1FC00] =	vst v63  }
0xad: {  	s30 =	simm.s32 $0x800  }
0xae: {  	[tilespmem:s12], [sflag:$0x1] =	stream.indirect.gather [hbm4b:s3+s7], $0x80, s30, s7, $0xb8;
	[tilespmem:$0x1FC00] =	vst v63  }
0xaf: {  	_ =	swait.ge [sflag:s10], $0x3200  }
0xb0: {  	[sflag:s10] =	ssyncset.done $0x0  }
0xb1: {  	[sflag:s10] =	ssyncadd.s32 $0xFFFFCE00  }
0xb2: {  	_ =	swait.ge [sflag:s9], $0x3200  }
0xb3: {  	[sflag:s9] =	ssyncset.done $0x0  }
0xb4: {  	s31 =	simm.s32 $0x1780;
	[sflag:s9] =	ssyncadd.s32 $0xFFFFCE00  }
0xb5: {  	[spmem:s2] =	stream.indirect.scatter.add.f32 [tilespmem:s8], [sflag:$0x2], $0x80, s31, s7, $0xb8;
	[tilespmem:$0x1FC00] =	vst v63  }
0xb6: {  	s0 =	simm.s32 $0x880  }
0xb7: {  	[tilespmem:s11], [sflag:$0x1] =	stream.indirect.gather [hbm4b:s3+s7], $0x80, s0, s7, $0xb8;
	[tilespmem:$0x1FC00] =	vst v63  }
0xb8: {  	_ =	swait.ge [sflag:s10], $0x3200  }
0xb9: {  	[sflag:s10] =	ssyncset.done $0x0  }
0xba: {  	[sflag:s10] =	ssyncadd.s32 $0xFFFFCE00  }
0xbb: {  	_ =	swait.ge [sflag:s9], $0x3200  }
0xbc: {  	[sflag:s9] =	ssyncset.done $0x0  }
0xbd: {  	s1 =	simm.s32 $0x1800;
	[sflag:s9] =	ssyncadd.s32 $0xFFFFCE00  }
0xbe: {  	[spmem:s2] =	stream.indirect.scatter.add.f32 [tilespmem:s12], [sflag:$0x2], $0x80, s1, s7, $0xb8;
	[tilespmem:$0x1FC00] =	vst v63  }
0xbf: {  	s28 =	simm.s32 $0x900  }
0xc0: {  	[tilespmem:s8], [sflag:$0x1] =	stream.indirect.gather [hbm4b:s3+s7], $0x80, s28, s7, $0xb8;
	[tilespmem:$0x1FC00] =	vst v63  }
0xc1: {  	_ =	swait.ge [sflag:s10], $0x3200  }
0xc2: {  	[sflag:s10] =	ssyncset.done $0x0  }
0xc3: {  	[sflag:s10] =	ssyncadd.s32 $0xFFFFCE00  }
0xc4: {  	_ =	swait.ge [sflag:s9], $0x3200  }
0xc5: {  	[sflag:s9] =	ssyncset.done $0x0  }
0xc6: {  	s29 =	simm.s32 $0x1880;
	[sflag:s9] =	ssyncadd.s32 $0xFFFFCE00  }
0xc7: {  	[spmem:s2] =	stream.indirect.scatter.add.f32 [tilespmem:s11], [sflag:$0x2], $0x80, s29, s7, $0xb8;
	[tilespmem:$0x1FC00] =	vst v63  }
0xc8: {  	s30 =	simm.s32 $0x980  }
0xc9: {  	[tilespmem:s12], [sflag:$0x1] =	stream.indirect.gather [hbm4b:s3+s7], $0x80, s30, s7, $0xb8;
	[tilespmem:$0x1FC00] =	vst v63  }
0xca: {  	_ =	swait.ge [sflag:s10], $0x3200  }
0xcb: {  	[sflag:s10] =	ssyncset.done $0x0  }
0xcc: {  	[sflag:s10] =	ssyncadd.s32 $0xFFFFCE00  }
0xcd: {  	_ =	swait.ge [sflag:s9], $0x3200  }
0xce: {  	[sflag:s9] =	ssyncset.done $0x0  }
0xcf: {  	s31 =	simm.s32 $0x1900;
	[sflag:s9] =	ssyncadd.s32 $0xFFFFCE00  }
0xd0: {  	[spmem:s2] =	stream.indirect.scatter.add.f32 [tilespmem:s8], [sflag:$0x2], $0x80, s31, s7, $0xb8;
	[tilespmem:$0x1FC00] =	vst v63  }
0xd1: {  	s0 =	simm.s32 $0xA00  }
0xd2: {  	[tilespmem:s11], [sflag:$0x1] =	stream.indirect.gather [hbm4b:s3+s7], $0x80, s0, s7, $0xb8;
	[tilespmem:$0x1FC00] =	vst v63  }
0xd3: {  	_ =	swait.ge [sflag:s10], $0x3200  }
0xd4: {  	[sflag:s10] =	ssyncset.done $0x0  }
0xd5: {  	[sflag:s10] =	ssyncadd.s32 $0xFFFFCE00  }
0xd6: {  	_ =	swait.ge [sflag:s9], $0x3200  }
0xd7: {  	[sflag:s9] =	ssyncset.done $0x0  }
0xd8: {  	s1 =	simm.s32 $0x1980;
	[sflag:s9] =	ssyncadd.s32 $0xFFFFCE00  }
0xd9: {  	[spmem:s2] =	stream.indirect.scatter.add.f32 [tilespmem:s12], [sflag:$0x2], $0x80, s1, s7, $0xb8;
	[tilespmem:$0x1FC00] =	vst v63  }
0xda: {  	s31 =	simm.s32 $0xA80  }
0xdb: {  	[tilespmem:s8], [sflag:$0x1] =	stream.indirect.gather [hbm4b:s3+s7], $0x80, s31, s7, $0xb8;
	[tilespmem:$0x1FC00] =	vst v63  }
0xdc: {  	_ =	swait.ge [sflag:s10], $0x3200  }
0xdd: {  	[sflag:s10] =	ssyncset.done $0x0  }
0xde: {  	[sflag:s10] =	ssyncadd.s32 $0xFFFFCE00  }
0xdf: {  	_ =	swait.ge [sflag:s9], $0x3200  }
0xe0: {  	[sflag:s9] =	ssyncset.done $0x0  }
0xe1: {  	s0 =	simm.s32 $0x1A00;
	[sflag:s9] =	ssyncadd.s32 $0xFFFFCE00  }
0xe2: {  	[spmem:s2] =	stream.indirect.scatter.add.f32 [tilespmem:s11], [sflag:$0x2], $0x80, s0, s7, $0xb8;
	[tilespmem:$0x1FC00] =	vst v63  }
0xe3: {  	s1 =	simm.s32 $0xB00  }
0xe4: {  	[tilespmem:s12], [sflag:$0x1] =	stream.indirect.gather [hbm4b:s3+s7], $0x80, s1, s7, $0xb8;
	[tilespmem:$0x1FC00] =	vst v63  }
0xe5: {  	_ =	swait.ge [sflag:s10], $0x3200  }
0xe6: {  	[sflag:s10] =	ssyncset.done $0x0  }
0xe7: {  	[sflag:s10] =	ssyncadd.s32 $0xFFFFCE00  }
0xe8: {  	_ =	swait.ge [sflag:s9], $0x3200  }
0xe9: {  	[sflag:s9] =	ssyncset.done $0x0  }
0xea: {  	s0 =	simm.s32 $0x1A80;
	[sflag:s9] =	ssyncadd.s32 $0xFFFFCE00  }
0xeb: {  	[spmem:s2] =	stream.indirect.scatter.add.f32 [tilespmem:s8], [sflag:$0x2], $0x80, s0, s7, $0xb8;
	[tilespmem:$0x1FC00] =	vst v63  }
0xec: {  	s1 =	simm.s32 $0xB80  }
0xed: {  	[tilespmem:s11], [sflag:$0x1] =	stream.indirect.gather [hbm4b:s3+s7], $0x80, s1, s7, $0xb8;
	[tilespmem:$0x1FC00] =	vst v63  }
0xee: {  	_ =	swait.ge [sflag:s10], $0x3200  }
0xef: {  	[sflag:s10] =	ssyncset.done $0x0  }
0xf0: {  	[sflag:s10] =	ssyncadd.s32 $0xFFFFCE00  }
0xf1: {  	_ =	swait.ge [sflag:s9], $0x3200  }
0xf2: {  	[sflag:s9] =	ssyncset.done $0x0  }
0xf3: {  	s0 =	simm.s32 $0x1B00;
	[sflag:s9] =	ssyncadd.s32 $0xFFFFCE00  }
0xf4: {  	[spmem:s2] =	stream.indirect.scatter.add.f32 [tilespmem:s12], [sflag:$0x2], $0x80, s0, s7, $0xb8;
	[tilespmem:$0x1FC00] =	vst v63  }
0xf5: {  	s1 =	simm.s32 $0xC00  }
0xf6: {  	[tilespmem:s8], [sflag:$0x1] =	stream.indirect.gather [hbm4b:s3+s7], $0x80, s1, s7, $0xb8;
	[tilespmem:$0x1FC00] =	vst v63  }
0xf7: {  	_ =	swait.ge [sflag:s10], $0x3200  }
0xf8: {  	[sflag:s10] =	ssyncset.done $0x0  }
0xf9: {  	[sflag:s10] =	ssyncadd.s32 $0xFFFFCE00  }
0xfa: {  	_ =	swait.ge [sflag:s9], $0x3200  }
0xfb: {  	[sflag:s9] =	ssyncset.done $0x0  }
0xfc: {  	s0 =	simm.s32 $0x1B80;
	[sflag:s9] =	ssyncadd.s32 $0xFFFFCE00  }
0xfd: {  	[spmem:s2] =	stream.indirect.scatter.add.f32 [tilespmem:s11], [sflag:$0x2], $0x80, s0, s7, $0xb8;
	[tilespmem:$0x1FC00] =	vst v63  }
0xfe: {  	_ =	swait.ge [sflag:s10], $0x3200  }
0xff: {  	[sflag:s10] =	ssyncset.done $0x0  }
0x100: {  	[sflag:s10] =	ssyncadd.s32 $0xFFFFCE00  }
0x101: {  	_ =	swait.ge [sflag:s9], $0x3200  }
0x102: {  	[sflag:s9] =	ssyncset.done $0x0  }
0x103: {  	s1 =	simm.s32 $0x1C00;
	[sflag:s9] =	ssyncadd.s32 $0xFFFFCE00  }
0x104: {  	[spmem:s2] =	stream.indirect.scatter.add.f32 [tilespmem:s8], [sflag:$0x2], $0x80, s1, s7, $0xb8;
	[tilespmem:$0x1FC00] =	vst v63  }
0x105: {  	_ =	swait.ge [sflag:s9], $0x3200  }
0x106: {  	[sflag:s9] =	ssyncset.done $0x0  }
0x107: {  	s0 =	rddreg [dreg:$0x7];
	[sflag:s9] =	ssyncadd.s32 $0xFFFFCE00  }
0x108: {  	[tilespmem:s13], [sflag:$0x3] =	stream.linear.gather [hbm4b:s0+s13], $0xC80, $0x38;
	[tilespmem:$0x1FC00] =	vst v63  }
0x109: {  	_ =	swait.ge [sflag:s5], $0xC80  }
0x10a: {  	[sflag:s5] =	ssyncset.done $0x0  }
0x10b: {  	s1 =	rddreg [dreg:$0x8];
	[sflag:s5] =	ssyncadd.s32 $0xFFFFF380  }
0x10c: {  	[tilespmem:s26], [sflag:$0x3] =	stream.linear.gather [hbm4b:s1+s13], $0xC80, $0x38;
	[tilespmem:$0x1FC00] =	vst v63  }
0x10d: {  	_ =	swait.ge [sflag:s5], $0xC80  }
0x10e: {  	[sflag:s5] =	ssyncset.done $0x0  }
0x10f: {  	[sflag:s5] =	ssyncadd.s32 $0xFFFFF380  }
0x110: {  	[tilespmem:s8], [sflag:$0x1] =	stream.indirect.gather [hbm4b:s3+s7], $0x80, s13, s7, $0xb8;
	[tilespmem:$0x1FC00] =	vst v63  }
0x111: {  	s25 =	simm.s32 $0x80  }
0x112: {  	[tilespmem:s12], [sflag:$0x1] =	stream.indirect.gather [hbm4b:s3+s7], $0x80, s25, s7, $0xb8;
	[tilespmem:$0x1FC00] =	vst v63  }
0x113: {  	_ =	swait.ge [sflag:s10], $0x3200  }
0x114: {  	[sflag:s10] =	ssyncset.done $0x0  }
0x115: {  	[sflag:s10] =	ssyncadd.s32 $0xFFFFCE00  }
0x116: {  	[spmem:s2] =	stream.indirect.scatter.add.f32 [tilespmem:s8], [sflag:$0x2], $0x80, s26, s7, $0xb8;
	[tilespmem:$0x1FC00] =	vst v63  }
0x117: {  	s25 =	simm.s32 $0x100  }
0x118: {  	[tilespmem:s11], [sflag:$0x1] =	stream.indirect.gather [hbm4b:s3+s7], $0x80, s25, s7, $0xb8;
	[tilespmem:$0x1FC00] =	vst v63  }
0x119: {  	_ =	swait.ge [sflag:s10], $0x3200  }
0x11a: {  	[sflag:s10] =	ssyncset.done $0x0  }
0x11b: {  	[sflag:s10] =	ssyncadd.s32 $0xFFFFCE00  }
0x11c: {  	_ =	swait.ge [sflag:s9], $0x3200  }
0x11d: {  	[sflag:s9] =	ssyncset.done $0x0  }
0x11e: {  	s23 =	simm.s32 $0x1080;
	[sflag:s9] =	ssyncadd.s32 $0xFFFFCE00  }
0x11f: {  	[spmem:s2] =	stream.indirect.scatter.add.f32 [tilespmem:s12], [sflag:$0x2], $0x80, s23, s7, $0xb8;
	[tilespmem:$0x1FC00] =	vst v63  }
0x120: {  	s24 =	simm.s32 $0x180  }
0x121: {  	[tilespmem:s8], [sflag:$0x1] =	stream.indirect.gather [hbm4b:s3+s7], $0x80, s24, s7, $0xb8;
	[tilespmem:$0x1FC00] =	vst v63  }
0x122: {  	_ =	swait.ge [sflag:s10], $0x3200  }
0x123: {  	[sflag:s10] =	ssyncset.done $0x0  }
0x124: {  	[sflag:s10] =	ssyncadd.s32 $0xFFFFCE00  }
0x125: {  	_ =	swait.ge [sflag:s9], $0x3200  }
0x126: {  	[sflag:s9] =	ssyncset.done $0x0  }
0x127: {  	s23 =	simm.s32 $0x1100;
	[sflag:s9] =	ssyncadd.s32 $0xFFFFCE00  }
0x128: {  	[spmem:s2] =	stream.indirect.scatter.add.f32 [tilespmem:s11], [sflag:$0x2], $0x80, s23, s7, $0xb8;
	[tilespmem:$0x1FC00] =	vst v63  }
0x129: {  	s24 =	simm.s32 $0x200  }
0x12a: {  	[tilespmem:s12], [sflag:$0x1] =	stream.indirect.gather [hbm4b:s3+s7], $0x80, s24, s7, $0xb8;
	[tilespmem:$0x1FC00] =	vst v63  }
0x12b: {  	_ =	swait.ge [sflag:s10], $0x3200  }
0x12c: {  	[sflag:s10] =	ssyncset.done $0x0  }
0x12d: {  	[sflag:s10] =	ssyncadd.s32 $0xFFFFCE00  }
0x12e: {  	_ =	swait.ge [sflag:s9], $0x3200  }
0x12f: {  	[sflag:s9] =	ssyncset.done $0x0  }
0x130: {  	s21 =	simm.s32 $0x1180;
	[sflag:s9] =	ssyncadd.s32 $0xFFFFCE00  }
0x131: {  	[spmem:s2] =	stream.indirect.scatter.add.f32 [tilespmem:s8], [sflag:$0x2], $0x80, s21, s7, $0xb8;
	[tilespmem:$0x1FC00] =	vst v63  }
0x132: {  	s22 =	simm.s32 $0x280  }
0x133: {  	[tilespmem:s11], [sflag:$0x1] =	stream.indirect.gather [hbm4b:s3+s7], $0x80, s22, s7, $0xb8;
	[tilespmem:$0x1FC00] =	vst v63  }
0x134: {  	_ =	swait.ge [sflag:s10], $0x3200  }
0x135: {  	[sflag:s10] =	ssyncset.done $0x0  }
0x136: {  	[sflag:s10] =	ssyncadd.s32 $0xFFFFCE00  }
0x137: {  	_ =	swait.ge [sflag:s9], $0x3200  }
0x138: {  	[sflag:s9] =	ssyncset.done $0x0  }
0x139: {  	s18 =	simm.s32 $0x1200;
	[sflag:s9] =	ssyncadd.s32 $0xFFFFCE00  }
0x13a: {  	[spmem:s2] =	stream.indirect.scatter.add.f32 [tilespmem:s12], [sflag:$0x2], $0x80, s18, s7, $0xb8;
	[tilespmem:$0x1FC00] =	vst v63  }
0x13b: {  	s19 =	simm.s32 $0x300  }
0x13c: {  	[tilespmem:s8], [sflag:$0x1] =	stream.indirect.gather [hbm4b:s3+s7], $0x80, s19, s7, $0xb8;
	[tilespmem:$0x1FC00] =	vst v63  }
0x13d: {  	_ =	swait.ge [sflag:s10], $0x3200  }
0x13e: {  	[sflag:s10] =	ssyncset.done $0x0  }
0x13f: {  	[sflag:s10] =	ssyncadd.s32 $0xFFFFCE00  }
0x140: {  	_ =	swait.ge [sflag:s9], $0x3200  }
0x141: {  	[sflag:s9] =	ssyncset.done $0x0  }
0x142: {  	s16 =	simm.s32 $0x1280;
	[sflag:s9] =	ssyncadd.s32 $0xFFFFCE00  }
0x143: {  	[spmem:s2] =	stream.indirect.scatter.add.f32 [tilespmem:s11], [sflag:$0x2], $0x80, s16, s7, $0xb8;
	[tilespmem:$0x1FC00] =	vst v63  }
0x144: {  	s17 =	simm.s32 $0x380  }
0x145: {  	[tilespmem:s12], [sflag:$0x1] =	stream.indirect.gather [hbm4b:s3+s7], $0x80, s17, s7, $0xb8;
	[tilespmem:$0x1FC00] =	vst v63  }
0x146: {  	_ =	swait.ge [sflag:s10], $0x3200  }
0x147: {  	[sflag:s10] =	ssyncset.done $0x0  }
0x148: {  	[sflag:s10] =	ssyncadd.s32 $0xFFFFCE00  }
0x149: {  	_ =	swait.ge [sflag:s9], $0x3200  }
0x14a: {  	[sflag:s9] =	ssyncset.done $0x0  }
0x14b: {  	s21 =	simm.s32 $0x1300;
	[sflag:s9] =	ssyncadd.s32 $0xFFFFCE00  }
0x14c: {  	[spmem:s2] =	stream.indirect.scatter.add.f32 [tilespmem:s8], [sflag:$0x2], $0x80, s21, s7, $0xb8;
	[tilespmem:$0x1FC00] =	vst v63  }
0x14d: {  	s4 =	simm.s32 $0x400  }
0x14e: {  	[tilespmem:s11], [sflag:$0x1] =	stream.indirect.gather [hbm4b:s3+s7], $0x80, s4, s7, $0xb8;
	[tilespmem:$0x1FC00] =	vst v63  }
0x14f: {  	_ =	swait.ge [sflag:s10], $0x3200  }
0x150: {  	[sflag:s10] =	ssyncset.done $0x0  }
0x151: {  	[sflag:s10] =	ssyncadd.s32 $0xFFFFCE00  }
0x152: {  	_ =	swait.ge [sflag:s9], $0x3200  }
0x153: {  	[sflag:s9] =	ssyncset.done $0x0  }
0x154: {  	s18 =	simm.s32 $0x1380;
	[sflag:s9] =	ssyncadd.s32 $0xFFFFCE00  }
0x155: {  	[spmem:s2] =	stream.indirect.scatter.add.f32 [tilespmem:s12], [sflag:$0x2], $0x80, s18, s7, $0xb8;
	[tilespmem:$0x1FC00] =	vst v63  }
0x156: {  	s15 =	simm.s32 $0x480  }
0x157: {  	[tilespmem:s8], [sflag:$0x1] =	stream.indirect.gather [hbm4b:s3+s7], $0x80, s15, s7, $0xb8;
	[tilespmem:$0x1FC00] =	vst v63  }
0x158: {  	_ =	swait.ge [sflag:s10], $0x3200  }
0x159: {  	[sflag:s10] =	ssyncset.done $0x0  }
0x15a: {  	[sflag:s10] =	ssyncadd.s32 $0xFFFFCE00  }
0x15b: {  	_ =	swait.ge [sflag:s9], $0x3200  }
0x15c: {  	[sflag:s9] =	ssyncset.done $0x0  }
0x15d: {  	s4 =	simm.s32 $0x1400;
	[sflag:s9] =	ssyncadd.s32 $0xFFFFCE00  }
0x15e: {  	[spmem:s2] =	stream.indirect.scatter.add.f32 [tilespmem:s11], [sflag:$0x2], $0x80, s4, s7, $0xb8;
	[tilespmem:$0x1FC00] =	vst v63  }
0x15f: {  	s16 =	simm.s32 $0x500  }
0x160: {  	[tilespmem:s12], [sflag:$0x1] =	stream.indirect.gather [hbm4b:s3+s7], $0x80, s16, s7, $0xb8;
	[tilespmem:$0x1FC00] =	vst v63  }
0x161: {  	_ =	swait.ge [sflag:s10], $0x3200  }
0x162: {  	[sflag:s10] =	ssyncset.done $0x0  }
0x163: {  	[sflag:s10] =	ssyncadd.s32 $0xFFFFCE00  }
0x164: {  	_ =	swait.ge [sflag:s9], $0x3200  }
0x165: {  	[sflag:s9] =	ssyncset.done $0x0  }
0x166: {  	s15 =	simm.s32 $0x1480;
	[sflag:s9] =	ssyncadd.s32 $0xFFFFCE00  }
0x167: {  	[spmem:s2] =	stream.indirect.scatter.add.f32 [tilespmem:s8], [sflag:$0x2], $0x80, s15, s7, $0xb8;
	[tilespmem:$0x1FC00] =	vst v63  }
0x168: {  	s17 =	simm.s32 $0x580  }
0x169: {  	[tilespmem:s11], [sflag:$0x1] =	stream.indirect.gather [hbm4b:s3+s7], $0x80, s17, s7, $0xb8;
	[tilespmem:$0x1FC00] =	vst v63  }
0x16a: {  	_ =	swait.ge [sflag:s10], $0x3200  }
0x16b: {  	[sflag:s10] =	ssyncset.done $0x0  }
0x16c: {  	[sflag:s10] =	ssyncadd.s32 $0xFFFFCE00  }
0x16d: {  	_ =	swait.ge [sflag:s9], $0x3200  }
0x16e: {  	[sflag:s9] =	ssyncset.done $0x0  }
0x16f: {  	s14 =	simm.s32 $0x1500;
	[sflag:s9] =	ssyncadd.s32 $0xFFFFCE00  }
0x170: {  	[spmem:s2] =	stream.indirect.scatter.add.f32 [tilespmem:s12], [sflag:$0x2], $0x80, s14, s7, $0xb8;
	[tilespmem:$0x1FC00] =	vst v63  }
0x171: {  	s0 =	simm.s32 $0x600  }
0x172: {  	[tilespmem:s8], [sflag:$0x1] =	stream.indirect.gather [hbm4b:s3+s7], $0x80, s0, s7, $0xb8;
	[tilespmem:$0x1FC00] =	vst v63  }
0x173: {  	_ =	swait.ge [sflag:s10], $0x3200  }
0x174: {  	[sflag:s10] =	ssyncset.done $0x0  }
0x175: {  	[sflag:s10] =	ssyncadd.s32 $0xFFFFCE00  }
0x176: {  	_ =	swait.ge [sflag:s9], $0x3200  }
0x177: {  	[sflag:s9] =	ssyncset.done $0x0  }
0x178: {  	s14 =	simm.s32 $0x1580;
	[sflag:s9] =	ssyncadd.s32 $0xFFFFCE00  }
0x179: {  	[spmem:s2] =	stream.indirect.scatter.add.f32 [tilespmem:s11], [sflag:$0x2], $0x80, s14, s7, $0xb8;
	[tilespmem:$0x1FC00] =	vst v63  }
0x17a: {  	s19 =	simm.s32 $0x680  }
0x17b: {  	[tilespmem:s12], [sflag:$0x1] =	stream.indirect.gather [hbm4b:s3+s7], $0x80, s19, s7, $0xb8;
	[tilespmem:$0x1FC00] =	vst v63  }
0x17c: {  	_ =	swait.ge [sflag:s10], $0x3200  }
0x17d: {  	[sflag:s10] =	ssyncset.done $0x0  }
0x17e: {  	[sflag:s10] =	ssyncadd.s32 $0xFFFFCE00  }
0x17f: {  	_ =	swait.ge [sflag:s9], $0x3200  }
0x180: {  	[sflag:s9] =	ssyncset.done $0x0  }
0x181: {  	s6 =	simm.s32 $0x1600;
	[sflag:s9] =	ssyncadd.s32 $0xFFFFCE00  }
0x182: {  	[spmem:s2] =	stream.indirect.scatter.add.f32 [tilespmem:s8], [sflag:$0x2], $0x80, s6, s7, $0xb8;
	[tilespmem:$0x1FC00] =	vst v63  }
0x183: {  	s1 =	simm.s32 $0x700  }
0x184: {  	[tilespmem:s11], [sflag:$0x1] =	stream.indirect.gather [hbm4b:s3+s7], $0x80, s1, s7, $0xb8;
	[tilespmem:$0x1FC00] =	vst v63  }
0x185: {  	_ =	swait.ge [sflag:s10], $0x3200  }
0x186: {  	[sflag:s10] =	ssyncset.done $0x0  }
0x187: {  	[sflag:s10] =	ssyncadd.s32 $0xFFFFCE00  }
0x188: {  	_ =	swait.ge [sflag:s9], $0x3200  }
0x189: {  	[sflag:s9] =	ssyncset.done $0x0  }
0x18a: {  	s6 =	simm.s32 $0x1680;
	[sflag:s9] =	ssyncadd.s32 $0xFFFFCE00  }
0x18b: {  	[spmem:s2] =	stream.indirect.scatter.add.f32 [tilespmem:s12], [sflag:$0x2], $0x80, s6, s7, $0xb8;
	[tilespmem:$0x1FC00] =	vst v63  }
0x18c: {  	s22 =	simm.s32 $0x780  }
0x18d: {  	[tilespmem:s8], [sflag:$0x1] =	stream.indirect.gather [hbm4b:s3+s7], $0x80, s22, s7, $0xb8;
	[tilespmem:$0x1FC00] =	vst v63  }
0x18e: {  	_ =	swait.ge [sflag:s10], $0x3200  }
0x18f: {  	[sflag:s10] =	ssyncset.done $0x0  }
0x190: {  	[sflag:s10] =	ssyncadd.s32 $0xFFFFCE00  }
0x191: {  	_ =	swait.ge [sflag:s9], $0x3200  }
0x192: {  	[sflag:s9] =	ssyncset.done $0x0  }
0x193: {  	s20 =	simm.s32 $0x1700;
	[sflag:s9] =	ssyncadd.s32 $0xFFFFCE00  }
0x194: {  	[spmem:s2] =	stream.indirect.scatter.add.f32 [tilespmem:s11], [sflag:$0x2], $0x80, s20, s7, $0xb8;
	[tilespmem:$0x1FC00] =	vst v63  }
0x195: {  	s20 =	simm.s32 $0x800  }
0x196: {  	[tilespmem:s12], [sflag:$0x1] =	stream.indirect.gather [hbm4b:s3+s7], $0x80, s20, s7, $0xb8;
	[tilespmem:$0x1FC00] =	vst v63  }
0x197: {  	_ =	swait.ge [sflag:s10], $0x3200  }
0x198: {  	[sflag:s10] =	ssyncset.done $0x0  }
0x199: {  	[sflag:s10] =	ssyncadd.s32 $0xFFFFCE00  }
0x19a: {  	_ =	swait.ge [sflag:s9], $0x3200  }
0x19b: {  	[sflag:s9] =	ssyncset.done $0x0  }
0x19c: {  	s20 =	simm.s32 $0x1780;
	[sflag:s9] =	ssyncadd.s32 $0xFFFFCE00  }
0x19d: {  	[spmem:s2] =	stream.indirect.scatter.add.f32 [tilespmem:s8], [sflag:$0x2], $0x80, s20, s7, $0xb8;
	[tilespmem:$0x1FC00] =	vst v63  }
0x19e: {  	s20 =	simm.s32 $0x880  }
0x19f: {  	[tilespmem:s11], [sflag:$0x1] =	stream.indirect.gather [hbm4b:s3+s7], $0x80, s20, s7, $0xb8;
	[tilespmem:$0x1FC00] =	vst v63  }
0x1a0: {  	_ =	swait.ge [sflag:s10], $0x3200  }
0x1a1: {  	[sflag:s10] =	ssyncset.done $0x0  }
0x1a2: {  	[sflag:s10] =	ssyncadd.s32 $0xFFFFCE00  }
0x1a3: {  	_ =	swait.ge [sflag:s9], $0x3200  }
0x1a4: {  	[sflag:s9] =	ssyncset.done $0x0  }
0x1a5: {  	s20 =	simm.s32 $0x1800;
	[sflag:s9] =	ssyncadd.s32 $0xFFFFCE00  }
0x1a6: {  	[spmem:s2] =	stream.indirect.scatter.add.f32 [tilespmem:s12], [sflag:$0x2], $0x80, s20, s7, $0xb8;
	[tilespmem:$0x1FC00] =	vst v63  }
0x1a7: {  	s28 =	simm.s32 $0x900  }
0x1a8: {  	[tilespmem:s8], [sflag:$0x1] =	stream.indirect.gather [hbm4b:s3+s7], $0x80, s28, s7, $0xb8;
	[tilespmem:$0x1FC00] =	vst v63  }
0x1a9: {  	_ =	swait.ge [sflag:s10], $0x3200  }
0x1aa: {  	[sflag:s10] =	ssyncset.done $0x0  }
0x1ab: {  	[sflag:s10] =	ssyncadd.s32 $0xFFFFCE00  }
0x1ac: {  	_ =	swait.ge [sflag:s9], $0x3200  }
0x1ad: {  	[sflag:s9] =	ssyncset.done $0x0  }
0x1ae: {  	s28 =	simm.s32 $0x1880;
	[sflag:s9] =	ssyncadd.s32 $0xFFFFCE00  }
0x1af: {  	[spmem:s2] =	stream.indirect.scatter.add.f32 [tilespmem:s11], [sflag:$0x2], $0x80, s28, s7, $0xb8;
	[tilespmem:$0x1FC00] =	vst v63  }
0x1b0: {  	s29 =	simm.s32 $0x980  }
0x1b1: {  	[tilespmem:s12], [sflag:$0x1] =	stream.indirect.gather [hbm4b:s3+s7], $0x80, s29, s7, $0xb8;
	[tilespmem:$0x1FC00] =	vst v63  }
0x1b2: {  	_ =	swait.ge [sflag:s10], $0x3200  }
0x1b3: {  	[sflag:s10] =	ssyncset.done $0x0  }
0x1b4: {  	[sflag:s10] =	ssyncadd.s32 $0xFFFFCE00  }
0x1b5: {  	_ =	swait.ge [sflag:s9], $0x3200  }
0x1b6: {  	[sflag:s9] =	ssyncset.done $0x0  }
0x1b7: {  	s29 =	simm.s32 $0x1900;
	[sflag:s9] =	ssyncadd.s32 $0xFFFFCE00  }
0x1b8: {  	[spmem:s2] =	stream.indirect.scatter.add.f32 [tilespmem:s8], [sflag:$0x2], $0x80, s29, s7, $0xb8;
	[tilespmem:$0x1FC00] =	vst v63  }
0x1b9: {  	s30 =	simm.s32 $0xA00  }
0x1ba: {  	[tilespmem:s11], [sflag:$0x1] =	stream.indirect.gather [hbm4b:s3+s7], $0x80, s30, s7, $0xb8;
	[tilespmem:$0x1FC00] =	vst v63  }
0x1bb: {  	_ =	swait.ge [sflag:s10], $0x3200  }
0x1bc: {  	[sflag:s10] =	ssyncset.done $0x0  }
0x1bd: {  	[sflag:s10] =	ssyncadd.s32 $0xFFFFCE00  }
0x1be: {  	_ =	swait.ge [sflag:s9], $0x3200  }
0x1bf: {  	[sflag:s9] =	ssyncset.done $0x0  }
0x1c0: {  	s30 =	simm.s32 $0x1980;
	[sflag:s9] =	ssyncadd.s32 $0xFFFFCE00  }
0x1c1: {  	[spmem:s2] =	stream.indirect.scatter.add.f32 [tilespmem:s12], [sflag:$0x2], $0x80, s30, s7, $0xb8;
	[tilespmem:$0x1FC00] =	vst v63  }
0x1c2: {  	s31 =	simm.s32 $0xA80  }
0x1c3: {  	[tilespmem:s8], [sflag:$0x1] =	stream.indirect.gather [hbm4b:s3+s7], $0x80, s31, s7, $0xb8;
	[tilespmem:$0x1FC00] =	vst v63  }
0x1c4: {  	_ =	swait.ge [sflag:s10], $0x3200  }
0x1c5: {  	[sflag:s10] =	ssyncset.done $0x0  }
0x1c6: {  	[sflag:s10] =	ssyncadd.s32 $0xFFFFCE00  }
0x1c7: {  	_ =	swait.ge [sflag:s9], $0x3200  }
0x1c8: {  	[sflag:s9] =	ssyncset.done $0x0  }
0x1c9: {  	s28 =	simm.s32 $0x1A00;
	[sflag:s9] =	ssyncadd.s32 $0xFFFFCE00  }
0x1ca: {  	[spmem:s2] =	stream.indirect.scatter.add.f32 [tilespmem:s11], [sflag:$0x2], $0x80, s28, s7, $0xb8;
	[tilespmem:$0x1FC00] =	vst v63  }
0x1cb: {  	s30 =	simm.s32 $0xB00  }
0x1cc: {  	[tilespmem:s12], [sflag:$0x1] =	stream.indirect.gather [hbm4b:s3+s7], $0x80, s30, s7, $0xb8;
	[tilespmem:$0x1FC00] =	vst v63  }
0x1cd: {  	_ =	swait.ge [sflag:s10], $0x3200  }
0x1ce: {  	[sflag:s10] =	ssyncset.done $0x0  }
0x1cf: {  	[sflag:s10] =	ssyncadd.s32 $0xFFFFCE00  }
0x1d0: {  	_ =	swait.ge [sflag:s9], $0x3200  }
0x1d1: {  	[sflag:s9] =	ssyncset.done $0x0  }
0x1d2: {  	s31 =	simm.s32 $0x1A80;
	[sflag:s9] =	ssyncadd.s32 $0xFFFFCE00  }
0x1d3: {  	[spmem:s2] =	stream.indirect.scatter.add.f32 [tilespmem:s8], [sflag:$0x2], $0x80, s31, s7, $0xb8;
	[tilespmem:$0x1FC00] =	vst v63  }
0x1d4: {  	s28 =	simm.s32 $0xB80  }
0x1d5: {  	[tilespmem:s11], [sflag:$0x1] =	stream.indirect.gather [hbm4b:s3+s7], $0x80, s28, s7, $0xb8;
	[tilespmem:$0x1FC00] =	vst v63  }
0x1d6: {  	_ =	swait.ge [sflag:s10], $0x3200  }
0x1d7: {  	[sflag:s10] =	ssyncset.done $0x0  }
0x1d8: {  	[sflag:s10] =	ssyncadd.s32 $0xFFFFCE00  }
0x1d9: {  	_ =	swait.ge [sflag:s9], $0x3200  }
0x1da: {  	[sflag:s9] =	ssyncset.done $0x0  }
0x1db: {  	s30 =	simm.s32 $0x1B00;
	[sflag:s9] =	ssyncadd.s32 $0xFFFFCE00  }
0x1dc: {  	[spmem:s2] =	stream.indirect.scatter.add.f32 [tilespmem:s12], [sflag:$0x2], $0x80, s30, s7, $0xb8;
	[tilespmem:$0x1FC00] =	vst v63  }
0x1dd: {  	s31 =	simm.s32 $0xC00  }
0x1de: {  	[tilespmem:s8], [sflag:$0x1] =	stream.indirect.gather [hbm4b:s3+s7], $0x80, s31, s7, $0xb8;
	[tilespmem:$0x1FC00] =	vst v63  }
0x1df: {  	_ =	swait.ge [sflag:s10], $0x3200  }
0x1e0: {  	[sflag:s10] =	ssyncset.done $0x0  }
0x1e1: {  	[sflag:s10] =	ssyncadd.s32 $0xFFFFCE00  }
0x1e2: {  	_ =	swait.ge [sflag:s9], $0x3200  }
0x1e3: {  	[sflag:s9] =	ssyncset.done $0x0  }
0x1e4: {  	s28 =	simm.s32 $0x1B80;
	[sflag:s9] =	ssyncadd.s32 $0xFFFFCE00  }
0x1e5: {  	[spmem:s2] =	stream.indirect.scatter.add.f32 [tilespmem:s11], [sflag:$0x2], $0x80, s28, s7, $0xb8;
	[tilespmem:$0x1FC00] =	vst v63  }
0x1e6: {  	_ =	swait.ge [sflag:s10], $0x3200  }
0x1e7: {  	[sflag:s10] =	ssyncset.done $0x0  }
0x1e8: {  	[sflag:s10] =	ssyncadd.s32 $0xFFFFCE00  }
0x1e9: {  	_ =	swait.ge [sflag:s9], $0x3200  }
0x1ea: {  	[sflag:s9] =	ssyncset.done $0x0  }
0x1eb: {  	s30 =	simm.s32 $0x1C00;
	[sflag:s9] =	ssyncadd.s32 $0xFFFFCE00  }
0x1ec: {  	[spmem:s2] =	stream.indirect.scatter.add.f32 [tilespmem:s8], [sflag:$0x2], $0x80, s30, s7, $0xb8;
	[tilespmem:$0x1FC00] =	vst v63  }
0x1ed: {  	_ =	swait.ge [sflag:s9], $0x3200  }
0x1ee: {  	[sflag:s9] =	ssyncset.done $0x0  }
0x1ef: {  	s31 =	rddreg [dreg:$0x9];
	[sflag:s9] =	ssyncadd.s32 $0xFFFFCE00  }
0x1f0: {  	[tilespmem:s13], [sflag:$0x3] =	stream.linear.gather [hbm4b:s31+s13], $0xC80, $0x38;
	[tilespmem:$0x1FC00] =	vst v63  }
0x1f1: {  	_ =	swait.ge [sflag:s5], $0xC80  }
0x1f2: {  	[sflag:s5] =	ssyncset.done $0x0  }
0x1f3: {  	s28 =	rddreg [dreg:$0xa];
	[sflag:s5] =	ssyncadd.s32 $0xFFFFF380  }
0x1f4: {  	[tilespmem:s26], [sflag:$0x3] =	stream.linear.gather [hbm4b:s28+s13], $0xC80, $0x38;
	[tilespmem:$0x1FC00] =	vst v63  }
0x1f5: {  	_ =	swait.ge [sflag:s5], $0xC80  }
0x1f6: {  	[sflag:s5] =	ssyncset.done $0x0  }
0x1f7: {  	[sflag:s5] =	ssyncadd.s32 $0xFFFFF380  }
0x1f8: {  	[tilespmem:s8], [sflag:$0x1] =	stream.indirect.gather [hbm4b:s3+s7], $0x80, s13, s7, $0xb8;
	[tilespmem:$0x1FC00] =	vst v63  }
0x1f9: {  	s30 =	simm.s32 $0x80  }
0x1fa: {  	[tilespmem:s12], [sflag:$0x1] =	stream.indirect.gather [hbm4b:s3+s7], $0x80, s30, s7, $0xb8;
	[tilespmem:$0x1FC00] =	vst v63  }
0x1fb: {  	_ =	swait.ge [sflag:s10], $0x3200  }
0x1fc: {  	[sflag:s10] =	ssyncset.done $0x0  }
0x1fd: {  	[sflag:s10] =	ssyncadd.s32 $0xFFFFCE00  }
0x1fe: {  	[spmem:s2] =	stream.indirect.scatter.add.f32 [tilespmem:s8], [sflag:$0x2], $0x80, s26, s7, $0xb8;
	[tilespmem:$0x1FC00] =	vst v63  }
0x1ff: {  	_ = 	snop  }
0x200: {  	[tilespmem:s11], [sflag:$0x1] =	stream.indirect.gather [hbm4b:s3+s7], $0x80, s25, s7, $0xb8;
	[tilespmem:$0x1FC00] =	vst v63  }
0x201: {  	_ =	swait.ge [sflag:s10], $0x3200  }
0x202: {  	[sflag:s10] =	ssyncset.done $0x0  }
0x203: {  	[sflag:s10] =	ssyncadd.s32 $0xFFFFCE00  }
0x204: {  	_ =	swait.ge [sflag:s9], $0x3200  }
0x205: {  	[sflag:s9] =	ssyncset.done $0x0  }
0x206: {  	s31 =	simm.s32 $0x1080;
	[sflag:s9] =	ssyncadd.s32 $0xFFFFCE00  }
0x207: {  	[spmem:s2] =	stream.indirect.scatter.add.f32 [tilespmem:s12], [sflag:$0x2], $0x80, s31, s7, $0xb8;
	[tilespmem:$0x1FC00] =	vst v63  }
0x208: {  	s25 =	simm.s32 $0x180  }
0x209: {  	[tilespmem:s8], [sflag:$0x1] =	stream.indirect.gather [hbm4b:s3+s7], $0x80, s25, s7, $0xb8;
	[tilespmem:$0x1FC00] =	vst v63  }
0x20a: {  	_ =	swait.ge [sflag:s10], $0x3200  }
0x20b: {  	[sflag:s10] =	ssyncset.done $0x0  }
0x20c: {  	[sflag:s10] =	ssyncadd.s32 $0xFFFFCE00  }
0x20d: {  	_ =	swait.ge [sflag:s9], $0x3200  }
0x20e: {  	[sflag:s9] =	ssyncset.done $0x0  }
0x20f: {  	[sflag:s9] =	ssyncadd.s32 $0xFFFFCE00  }
0x210: {  	[spmem:s2] =	stream.indirect.scatter.add.f32 [tilespmem:s11], [sflag:$0x2], $0x80, s23, s7, $0xb8;
	[tilespmem:$0x1FC00] =	vst v63  }
0x211: {  	_ = 	snop  }
0x212: {  	[tilespmem:s12], [sflag:$0x1] =	stream.indirect.gather [hbm4b:s3+s7], $0x80, s24, s7, $0xb8;
	[tilespmem:$0x1FC00] =	vst v63  }
0x213: {  	_ =	swait.ge [sflag:s10], $0x3200  }
0x214: {  	[sflag:s10] =	ssyncset.done $0x0  }
0x215: {  	[sflag:s10] =	ssyncadd.s32 $0xFFFFCE00  }
0x216: {  	_ =	swait.ge [sflag:s9], $0x3200  }
0x217: {  	[sflag:s9] =	ssyncset.done $0x0  }
0x218: {  	s30 =	simm.s32 $0x1180;
	[sflag:s9] =	ssyncadd.s32 $0xFFFFCE00  }
0x219: {  	[spmem:s2] =	stream.indirect.scatter.add.f32 [tilespmem:s8], [sflag:$0x2], $0x80, s30, s7, $0xb8;
	[tilespmem:$0x1FC00] =	vst v63  }
0x21a: {  	s31 =	simm.s32 $0x280  }
0x21b: {  	[tilespmem:s11], [sflag:$0x1] =	stream.indirect.gather [hbm4b:s3+s7], $0x80, s31, s7, $0xb8;
	[tilespmem:$0x1FC00] =	vst v63  }
0x21c: {  	_ =	swait.ge [sflag:s10], $0x3200  }
0x21d: {  	[sflag:s10] =	ssyncset.done $0x0  }
0x21e: {  	[sflag:s10] =	ssyncadd.s32 $0xFFFFCE00  }
0x21f: {  	_ =	swait.ge [sflag:s9], $0x3200  }
0x220: {  	[sflag:s9] =	ssyncset.done $0x0  }
0x221: {  	s25 =	simm.s32 $0x1200;
	[sflag:s9] =	ssyncadd.s32 $0xFFFFCE00  }
0x222: {  	[spmem:s2] =	stream.indirect.scatter.add.f32 [tilespmem:s12], [sflag:$0x2], $0x80, s25, s7, $0xb8;
	[tilespmem:$0x1FC00] =	vst v63  }
0x223: {  	s30 =	simm.s32 $0x300  }
0x224: {  	[tilespmem:s8], [sflag:$0x1] =	stream.indirect.gather [hbm4b:s3+s7], $0x80, s30, s7, $0xb8;
	[tilespmem:$0x1FC00] =	vst v63  }
0x225: {  	_ =	swait.ge [sflag:s10], $0x3200  }
0x226: {  	[sflag:s10] =	ssyncset.done $0x0  }
0x227: {  	[sflag:s10] =	ssyncadd.s32 $0xFFFFCE00  }
0x228: {  	_ =	swait.ge [sflag:s9], $0x3200  }
0x229: {  	[sflag:s9] =	ssyncset.done $0x0  }
0x22a: {  	s31 =	simm.s32 $0x1280;
	[sflag:s9] =	ssyncadd.s32 $0xFFFFCE00  }
0x22b: {  	[spmem:s2] =	stream.indirect.scatter.add.f32 [tilespmem:s11], [sflag:$0x2], $0x80, s31, s7, $0xb8;
	[tilespmem:$0x1FC00] =	vst v63  }
0x22c: {  	s25 =	simm.s32 $0x380  }
0x22d: {  	[tilespmem:s12], [sflag:$0x1] =	stream.indirect.gather [hbm4b:s3+s7], $0x80, s25, s7, $0xb8;
	[tilespmem:$0x1FC00] =	vst v63  }
0x22e: {  	_ =	swait.ge [sflag:s10], $0x3200  }
0x22f: {  	[sflag:s10] =	ssyncset.done $0x0  }
0x230: {  	[sflag:s10] =	ssyncadd.s32 $0xFFFFCE00  }
0x231: {  	_ =	swait.ge [sflag:s9], $0x3200  }
0x232: {  	[sflag:s9] =	ssyncset.done $0x0  }
0x233: {  	[sflag:s9] =	ssyncadd.s32 $0xFFFFCE00  }
0x234: {  	[spmem:s2] =	stream.indirect.scatter.add.f32 [tilespmem:s8], [sflag:$0x2], $0x80, s21, s7, $0xb8;
	[tilespmem:$0x1FC00] =	vst v63  }
0x235: {  	s30 =	simm.s32 $0x400  }
0x236: {  	[tilespmem:s11], [sflag:$0x1] =	stream.indirect.gather [hbm4b:s3+s7], $0x80, s30, s7, $0xb8;
	[tilespmem:$0x1FC00] =	vst v63  }
0x237: {  	_ =	swait.ge [sflag:s10], $0x3200  }
0x238: {  	[sflag:s10] =	ssyncset.done $0x0  }
0x239: {  	[sflag:s10] =	ssyncadd.s32 $0xFFFFCE00  }
0x23a: {  	_ =	swait.ge [sflag:s9], $0x3200  }
0x23b: {  	[sflag:s9] =	ssyncset.done $0x0  }
0x23c: {  	[sflag:s9] =	ssyncadd.s32 $0xFFFFCE00  }
0x23d: {  	[spmem:s2] =	stream.indirect.scatter.add.f32 [tilespmem:s12], [sflag:$0x2], $0x80, s18, s7, $0xb8;
	[tilespmem:$0x1FC00] =	vst v63  }
0x23e: {  	s31 =	simm.s32 $0x480  }
0x23f: {  	[tilespmem:s8], [sflag:$0x1] =	stream.indirect.gather [hbm4b:s3+s7], $0x80, s31, s7, $0xb8;
	[tilespmem:$0x1FC00] =	vst v63  }
0x240: {  	_ =	swait.ge [sflag:s10], $0x3200  }
0x241: {  	[sflag:s10] =	ssyncset.done $0x0  }
0x242: {  	[sflag:s10] =	ssyncadd.s32 $0xFFFFCE00  }
0x243: {  	_ =	swait.ge [sflag:s9], $0x3200  }
0x244: {  	[sflag:s9] =	ssyncset.done $0x0  }
0x245: {  	[sflag:s9] =	ssyncadd.s32 $0xFFFFCE00  }
0x246: {  	[spmem:s2] =	stream.indirect.scatter.add.f32 [tilespmem:s11], [sflag:$0x2], $0x80, s4, s7, $0xb8;
	[tilespmem:$0x1FC00] =	vst v63  }
0x247: {  	_ = 	snop  }
0x248: {  	[tilespmem:s12], [sflag:$0x1] =	stream.indirect.gather [hbm4b:s3+s7], $0x80, s16, s7, $0xb8;
	[tilespmem:$0x1FC00] =	vst v63  }
0x249: {  	_ =	swait.ge [sflag:s10], $0x3200  }
0x24a: {  	[sflag:s10] =	ssyncset.done $0x0  }
0x24b: {  	[sflag:s10] =	ssyncadd.s32 $0xFFFFCE00  }
0x24c: {  	_ =	swait.ge [sflag:s9], $0x3200  }
0x24d: {  	[sflag:s9] =	ssyncset.done $0x0  }
0x24e: {  	[sflag:s9] =	ssyncadd.s32 $0xFFFFCE00  }
0x24f: {  	[spmem:s2] =	stream.indirect.scatter.add.f32 [tilespmem:s8], [sflag:$0x2], $0x80, s15, s7, $0xb8;
	[tilespmem:$0x1FC00] =	vst v63  }
0x250: {  	_ = 	snop  }
0x251: {  	[tilespmem:s11], [sflag:$0x1] =	stream.indirect.gather [hbm4b:s3+s7], $0x80, s17, s7, $0xb8;
	[tilespmem:$0x1FC00] =	vst v63  }
0x252: {  	_ =	swait.ge [sflag:s10], $0x3200  }
0x253: {  	[sflag:s10] =	ssyncset.done $0x0  }
0x254: {  	[sflag:s10] =	ssyncadd.s32 $0xFFFFCE00  }
0x255: {  	_ =	swait.ge [sflag:s9], $0x3200  }
0x256: {  	[sflag:s9] =	ssyncset.done $0x0  }
0x257: {  	s20 =	simm.s32 $0x1500;
	[sflag:s9] =	ssyncadd.s32 $0xFFFFCE00  }
0x258: {  	[spmem:s2] =	stream.indirect.scatter.add.f32 [tilespmem:s12], [sflag:$0x2], $0x80, s20, s7, $0xb8;
	[tilespmem:$0x1FC00] =	vst v63  }
0x259: {  	_ = 	snop  }
0x25a: {  	[tilespmem:s8], [sflag:$0x1] =	stream.indirect.gather [hbm4b:s3+s7], $0x80, s0, s7, $0xb8;
	[tilespmem:$0x1FC00] =	vst v63  }
0x25b: {  	_ =	swait.ge [sflag:s10], $0x3200  }
0x25c: {  	[sflag:s10] =	ssyncset.done $0x0  }
0x25d: {  	[sflag:s10] =	ssyncadd.s32 $0xFFFFCE00  }
0x25e: {  	_ =	swait.ge [sflag:s9], $0x3200  }
0x25f: {  	[sflag:s9] =	ssyncset.done $0x0  }
0x260: {  	[sflag:s9] =	ssyncadd.s32 $0xFFFFCE00  }
0x261: {  	[spmem:s2] =	stream.indirect.scatter.add.f32 [tilespmem:s11], [sflag:$0x2], $0x80, s14, s7, $0xb8;
	[tilespmem:$0x1FC00] =	vst v63  }
0x262: {  	_ = 	snop  }
0x263: {  	[tilespmem:s12], [sflag:$0x1] =	stream.indirect.gather [hbm4b:s3+s7], $0x80, s19, s7, $0xb8;
	[tilespmem:$0x1FC00] =	vst v63  }
0x264: {  	_ =	swait.ge [sflag:s10], $0x3200  }
0x265: {  	[sflag:s10] =	ssyncset.done $0x0  }
0x266: {  	[sflag:s10] =	ssyncadd.s32 $0xFFFFCE00  }
0x267: {  	_ =	swait.ge [sflag:s9], $0x3200  }
0x268: {  	[sflag:s9] =	ssyncset.done $0x0  }
0x269: {  	s30 =	simm.s32 $0x1600;
	[sflag:s9] =	ssyncadd.s32 $0xFFFFCE00  }
0x26a: {  	[spmem:s2] =	stream.indirect.scatter.add.f32 [tilespmem:s8], [sflag:$0x2], $0x80, s30, s7, $0xb8;
	[tilespmem:$0x1FC00] =	vst v63  }
0x26b: {  	_ = 	snop  }
0x26c: {  	[tilespmem:s11], [sflag:$0x1] =	stream.indirect.gather [hbm4b:s3+s7], $0x80, s1, s7, $0xb8;
	[tilespmem:$0x1FC00] =	vst v63  }
0x26d: {  	_ =	swait.ge [sflag:s10], $0x3200  }
0x26e: {  	[sflag:s10] =	ssyncset.done $0x0  }
0x26f: {  	[sflag:s10] =	ssyncadd.s32 $0xFFFFCE00  }
0x270: {  	_ =	swait.ge [sflag:s9], $0x3200  }
0x271: {  	[sflag:s9] =	ssyncset.done $0x0  }
0x272: {  	[sflag:s9] =	ssyncadd.s32 $0xFFFFCE00  }
0x273: {  	[spmem:s2] =	stream.indirect.scatter.add.f32 [tilespmem:s12], [sflag:$0x2], $0x80, s6, s7, $0xb8;
	[tilespmem:$0x1FC00] =	vst v63  }
0x274: {  	_ = 	snop  }
0x275: {  	[tilespmem:s8], [sflag:$0x1] =	stream.indirect.gather [hbm4b:s3+s7], $0x80, s22, s7, $0xb8;
	[tilespmem:$0x1FC00] =	vst v63  }
0x276: {  	_ =	swait.ge [sflag:s10], $0x3200  }
0x277: {  	[sflag:s10] =	ssyncset.done $0x0  }
0x278: {  	[sflag:s10] =	ssyncadd.s32 $0xFFFFCE00  }
0x279: {  	_ =	swait.ge [sflag:s9], $0x3200  }
0x27a: {  	[sflag:s9] =	ssyncset.done $0x0  }
0x27b: {  	s31 =	simm.s32 $0x1700;
	[sflag:s9] =	ssyncadd.s32 $0xFFFFCE00  }
0x27c: {  	[spmem:s2] =	stream.indirect.scatter.add.f32 [tilespmem:s11], [sflag:$0x2], $0x80, s31, s7, $0xb8;
	[tilespmem:$0x1FC00] =	vst v63  }
0x27d: {  	s20 =	simm.s32 $0x800  }
0x27e: {  	[tilespmem:s12], [sflag:$0x1] =	stream.indirect.gather [hbm4b:s3+s7], $0x80, s20, s7, $0xb8;
	[tilespmem:$0x1FC00] =	vst v63  }
0x27f: {  	_ =	swait.ge [sflag:s10], $0x3200  }
0x280: {  	[sflag:s10] =	ssyncset.done $0x0  }
0x281: {  	[sflag:s10] =	ssyncadd.s32 $0xFFFFCE00  }
0x282: {  	_ =	swait.ge [sflag:s9], $0x3200  }
0x283: {  	[sflag:s9] =	ssyncset.done $0x0  }
0x284: {  	s30 =	simm.s32 $0x1780;
	[sflag:s9] =	ssyncadd.s32 $0xFFFFCE00  }
0x285: {  	[spmem:s2] =	stream.indirect.scatter.add.f32 [tilespmem:s8], [sflag:$0x2], $0x80, s30, s7, $0xb8;
	[tilespmem:$0x1FC00] =	vst v63  }
0x286: {  	s31 =	simm.s32 $0x880  }
0x287: {  	[tilespmem:s11], [sflag:$0x1] =	stream.indirect.gather [hbm4b:s3+s7], $0x80, s31, s7, $0xb8;
	[tilespmem:$0x1FC00] =	vst v63  }
0x288: {  	_ =	swait.ge [sflag:s10], $0x3200  }
0x289: {  	[sflag:s10] =	ssyncset.done $0x0  }
0x28a: {  	[sflag:s10] =	ssyncadd.s32 $0xFFFFCE00  }
0x28b: {  	_ =	swait.ge [sflag:s9], $0x3200  }
0x28c: {  	[sflag:s9] =	ssyncset.done $0x0  }
0x28d: {  	s20 =	simm.s32 $0x1800;
	[sflag:s9] =	ssyncadd.s32 $0xFFFFCE00  }
0x28e: {  	[spmem:s2] =	stream.indirect.scatter.add.f32 [tilespmem:s12], [sflag:$0x2], $0x80, s20, s7, $0xb8;
	[tilespmem:$0x1FC00] =	vst v63  }
0x28f: {  	s30 =	simm.s32 $0x900  }
0x290: {  	[tilespmem:s8], [sflag:$0x1] =	stream.indirect.gather [hbm4b:s3+s7], $0x80, s30, s7, $0xb8;
	[tilespmem:$0x1FC00] =	vst v63  }
0x291: {  	_ =	swait.ge [sflag:s10], $0x3200  }
0x292: {  	[sflag:s10] =	ssyncset.done $0x0  }
0x293: {  	[sflag:s10] =	ssyncadd.s32 $0xFFFFCE00  }
0x294: {  	_ =	swait.ge [sflag:s9], $0x3200  }
0x295: {  	[sflag:s9] =	ssyncset.done $0x0  }
0x296: {  	s31 =	simm.s32 $0x1880;
	[sflag:s9] =	ssyncadd.s32 $0xFFFFCE00  }
0x297: {  	[spmem:s2] =	stream.indirect.scatter.add.f32 [tilespmem:s11], [sflag:$0x2], $0x80, s31, s7, $0xb8;
	[tilespmem:$0x1FC00] =	vst v63  }
0x298: {  	s20 =	simm.s32 $0x980  }
0x299: {  	[tilespmem:s12], [sflag:$0x1] =	stream.indirect.gather [hbm4b:s3+s7], $0x80, s20, s7, $0xb8;
	[tilespmem:$0x1FC00] =	vst v63  }
0x29a: {  	_ =	swait.ge [sflag:s10], $0x3200  }
0x29b: {  	[sflag:s10] =	ssyncset.done $0x0  }
0x29c: {  	[sflag:s10] =	ssyncadd.s32 $0xFFFFCE00  }
0x29d: {  	_ =	swait.ge [sflag:s9], $0x3200  }
0x29e: {  	[sflag:s9] =	ssyncset.done $0x0  }
0x29f: {  	s30 =	simm.s32 $0x1900;
	[sflag:s9] =	ssyncadd.s32 $0xFFFFCE00  }
0x2a0: {  	[spmem:s2] =	stream.indirect.scatter.add.f32 [tilespmem:s8], [sflag:$0x2], $0x80, s30, s7, $0xb8;
	[tilespmem:$0x1FC00] =	vst v63  }
0x2a1: {  	s20 =	simm.s32 $0xA00  }
0x2a2: {  	[tilespmem:s11], [sflag:$0x1] =	stream.indirect.gather [hbm4b:s3+s7], $0x80, s20, s7, $0xb8;
	[tilespmem:$0x1FC00] =	vst v63  }
0x2a3: {  	_ =	swait.ge [sflag:s10], $0x3200  }
0x2a4: {  	[sflag:s10] =	ssyncset.done $0x0  }
0x2a5: {  	[sflag:s10] =	ssyncadd.s32 $0xFFFFCE00  }
0x2a6: {  	_ =	swait.ge [sflag:s9], $0x3200  }
0x2a7: {  	[sflag:s9] =	ssyncset.done $0x0  }
0x2a8: {  	s29 =	simm.s32 $0x1980;
	[sflag:s9] =	ssyncadd.s32 $0xFFFFCE00  }
0x2a9: {  	[spmem:s2] =	stream.indirect.scatter.add.f32 [tilespmem:s12], [sflag:$0x2], $0x80, s29, s7, $0xb8;
	[tilespmem:$0x1FC00] =	vst v63  }
0x2aa: {  	s20 =	simm.s32 $0xA80  }
0x2ab: {  	[tilespmem:s8], [sflag:$0x1] =	stream.indirect.gather [hbm4b:s3+s7], $0x80, s20, s7, $0xb8;
	[tilespmem:$0x1FC00] =	vst v63  }
0x2ac: {  	_ =	swait.ge [sflag:s10], $0x3200  }
0x2ad: {  	[sflag:s10] =	ssyncset.done $0x0  }
0x2ae: {  	[sflag:s10] =	ssyncadd.s32 $0xFFFFCE00  }
0x2af: {  	_ =	swait.ge [sflag:s9], $0x3200  }
0x2b0: {  	[sflag:s9] =	ssyncset.done $0x0  }
0x2b1: {  	s20 =	simm.s32 $0x1A00;
	[sflag:s9] =	ssyncadd.s32 $0xFFFFCE00  }
0x2b2: {  	[spmem:s2] =	stream.indirect.scatter.add.f32 [tilespmem:s11], [sflag:$0x2], $0x80, s20, s7, $0xb8;
	[tilespmem:$0x1FC00] =	vst v63  }
0x2b3: {  	s20 =	simm.s32 $0xB00  }
0x2b4: {  	[tilespmem:s12], [sflag:$0x1] =	stream.indirect.gather [hbm4b:s3+s7], $0x80, s20, s7, $0xb8;
	[tilespmem:$0x1FC00] =	vst v63  }
0x2b5: {  	_ =	swait.ge [sflag:s10], $0x3200  }
0x2b6: {  	[sflag:s10] =	ssyncset.done $0x0  }
0x2b7: {  	[sflag:s10] =	ssyncadd.s32 $0xFFFFCE00  }
0x2b8: {  	_ =	swait.ge [sflag:s9], $0x3200  }
0x2b9: {  	[sflag:s9] =	ssyncset.done $0x0  }
0x2ba: {  	s20 =	simm.s32 $0x1A80;
	[sflag:s9] =	ssyncadd.s32 $0xFFFFCE00  }
0x2bb: {  	[spmem:s2] =	stream.indirect.scatter.add.f32 [tilespmem:s8], [sflag:$0x2], $0x80, s20, s7, $0xb8;
	[tilespmem:$0x1FC00] =	vst v63  }
0x2bc: {  	s20 =	simm.s32 $0xB80  }
0x2bd: {  	[tilespmem:s11], [sflag:$0x1] =	stream.indirect.gather [hbm4b:s3+s7], $0x80, s20, s7, $0xb8;
	[tilespmem:$0x1FC00] =	vst v63  }
0x2be: {  	_ =	swait.ge [sflag:s10], $0x3200  }
0x2bf: {  	[sflag:s10] =	ssyncset.done $0x0  }
0x2c0: {  	[sflag:s10] =	ssyncadd.s32 $0xFFFFCE00  }
0x2c1: {  	_ =	swait.ge [sflag:s9], $0x3200  }
0x2c2: {  	[sflag:s9] =	ssyncset.done $0x0  }
0x2c3: {  	s20 =	simm.s32 $0x1B00;
	[sflag:s9] =	ssyncadd.s32 $0xFFFFCE00  }
0x2c4: {  	[spmem:s2] =	stream.indirect.scatter.add.f32 [tilespmem:s12], [sflag:$0x2], $0x80, s20, s7, $0xb8;
	[tilespmem:$0x1FC00] =	vst v63  }
0x2c5: {  	s20 =	simm.s32 $0xC00  }
0x2c6: {  	[tilespmem:s8], [sflag:$0x1] =	stream.indirect.gather [hbm4b:s3+s7], $0x80, s20, s7, $0xb8;
	[tilespmem:$0x1FC00] =	vst v63  }
0x2c7: {  	_ =	swait.ge [sflag:s10], $0x3200  }
0x2c8: {  	[sflag:s10] =	ssyncset.done $0x0  }
0x2c9: {  	[sflag:s10] =	ssyncadd.s32 $0xFFFFCE00  }
0x2ca: {  	_ =	swait.ge [sflag:s9], $0x3200  }
0x2cb: {  	[sflag:s9] =	ssyncset.done $0x0  }
0x2cc: {  	s20 =	simm.s32 $0x1B80;
	[sflag:s9] =	ssyncadd.s32 $0xFFFFCE00  }
0x2cd: {  	[spmem:s2] =	stream.indirect.scatter.add.f32 [tilespmem:s11], [sflag:$0x2], $0x80, s20, s7, $0xb8;
	[tilespmem:$0x1FC00] =	vst v63  }
0x2ce: {  	_ =	swait.ge [sflag:s10], $0x3200  }
0x2cf: {  	[sflag:s10] =	ssyncset.done $0x0  }
0x2d0: {  	[sflag:s10] =	ssyncadd.s32 $0xFFFFCE00  }
0x2d1: {  	_ =	swait.ge [sflag:s9], $0x3200  }
0x2d2: {  	[sflag:s9] =	ssyncset.done $0x0  }
0x2d3: {  	s20 =	simm.s32 $0x1C00;
	[sflag:s9] =	ssyncadd.s32 $0xFFFFCE00  }
0x2d4: {  	[spmem:s2] =	stream.indirect.scatter.add.f32 [tilespmem:s8], [sflag:$0x2], $0x80, s20, s7, $0xb8;
	[tilespmem:$0x1FC00] =	vst v63  }
0x2d5: {  	_ =	swait.ge [sflag:s9], $0x3200  }
0x2d6: {  	[sflag:s9] =	ssyncset.done $0x0  }
0x2d7: {  	s4 =	rddreg [dreg:$0xb];
	[sflag:s9] =	ssyncadd.s32 $0xFFFFCE00  }
0x2d8: {  	[tilespmem:s13], [sflag:$0x3] =	stream.linear.gather [hbm4b:s4+s13], $0xC80, $0x38;
	[tilespmem:$0x1FC00] =	vst v63  }
0x2d9: {  	_ =	swait.ge [sflag:s5], $0xC80  }
0x2da: {  	[sflag:s5] =	ssyncset.done $0x0  }
0x2db: {  	s4 =	rddreg [dreg:$0xc];
	[sflag:s5] =	ssyncadd.s32 $0xFFFFF380  }
0x2dc: {  	[tilespmem:s26], [sflag:$0x3] =	stream.linear.gather [hbm4b:s4+s13], $0xC80, $0x38;
	[tilespmem:$0x1FC00] =	vst v63  }
0x2dd: {  	_ =	swait.ge [sflag:s5], $0xC80  }
0x2de: {  	[sflag:s5] =	ssyncset.done $0x0  }
0x2df: {  	[sflag:s5] =	ssyncadd.s32 $0xFFFFF380  }
0x2e0: {  	[tilespmem:s8], [sflag:$0x1] =	stream.indirect.gather [hbm4b:s3+s7], $0x80, s13, s7, $0xb8;
	[tilespmem:$0x1FC00] =	vst v63  }
0x2e1: {  	s20 =	simm.s32 $0x80  }
0x2e2: {  	[tilespmem:s12], [sflag:$0x1] =	stream.indirect.gather [hbm4b:s3+s7], $0x80, s20, s7, $0xb8;
	[tilespmem:$0x1FC00] =	vst v63  }
0x2e3: {  	_ =	swait.ge [sflag:s10], $0x3200  }
0x2e4: {  	[sflag:s10] =	ssyncset.done $0x0  }
0x2e5: {  	s4 =	simm.s32 $0x1000;
	[sflag:s10] =	ssyncadd.s32 $0xFFFFCE00  }
0x2e6: {  	[spmem:s2] =	stream.indirect.scatter.add.f32 [tilespmem:s8], [sflag:$0x2], $0x80, s4, s7, $0xb8;
	[tilespmem:$0x1FC00] =	vst v63  }
0x2e7: {  	s28 =	simm.s32 $0x100  }
0x2e8: {  	[tilespmem:s11], [sflag:$0x1] =	stream.indirect.gather [hbm4b:s3+s7], $0x80, s28, s7, $0xb8;
	[tilespmem:$0x1FC00] =	vst v63  }
0x2e9: {  	_ =	swait.ge [sflag:s10], $0x3200  }
0x2ea: {  	[sflag:s10] =	ssyncset.done $0x0  }
0x2eb: {  	[sflag:s10] =	ssyncadd.s32 $0xFFFFCE00  }
0x2ec: {  	_ =	swait.ge [sflag:s9], $0x3200  }
0x2ed: {  	[sflag:s9] =	ssyncset.done $0x0  }
0x2ee: {  	s26 =	simm.s32 $0x1080;
	[sflag:s9] =	ssyncadd.s32 $0xFFFFCE00  }
0x2ef: {  	[spmem:s2] =	stream.indirect.scatter.add.f32 [tilespmem:s12], [sflag:$0x2], $0x80, s26, s7, $0xb8;
	[tilespmem:$0x1FC00] =	vst v63  }
0x2f0: {  	s28 =	simm.s32 $0x180  }
0x2f1: {  	[tilespmem:s8], [sflag:$0x1] =	stream.indirect.gather [hbm4b:s3+s7], $0x80, s28, s7, $0xb8;
	[tilespmem:$0x1FC00] =	vst v63  }
0x2f2: {  	_ =	swait.ge [sflag:s10], $0x3200  }
0x2f3: {  	[sflag:s10] =	ssyncset.done $0x0  }
0x2f4: {  	[sflag:s10] =	ssyncadd.s32 $0xFFFFCE00  }
0x2f5: {  	_ =	swait.ge [sflag:s9], $0x3200  }
0x2f6: {  	[sflag:s9] =	ssyncset.done $0x0  }
0x2f7: {  	s23 =	simm.s32 $0x1100;
	[sflag:s9] =	ssyncadd.s32 $0xFFFFCE00  }
0x2f8: {  	[spmem:s2] =	stream.indirect.scatter.add.f32 [tilespmem:s11], [sflag:$0x2], $0x80, s23, s7, $0xb8;
	[tilespmem:$0x1FC00] =	vst v63  }
0x2f9: {  	s24 =	simm.s32 $0x200  }
0x2fa: {  	[tilespmem:s12], [sflag:$0x1] =	stream.indirect.gather [hbm4b:s3+s7], $0x80, s24, s7, $0xb8;
	[tilespmem:$0x1FC00] =	vst v63  }
0x2fb: {  	_ =	swait.ge [sflag:s10], $0x3200  }
0x2fc: {  	[sflag:s10] =	ssyncset.done $0x0  }
0x2fd: {  	[sflag:s10] =	ssyncadd.s32 $0xFFFFCE00  }
0x2fe: {  	_ =	swait.ge [sflag:s9], $0x3200  }
0x2ff: {  	[sflag:s9] =	ssyncset.done $0x0  }
0x300: {  	s20 =	simm.s32 $0x1180;
	[sflag:s9] =	ssyncadd.s32 $0xFFFFCE00  }
0x301: {  	[spmem:s2] =	stream.indirect.scatter.add.f32 [tilespmem:s8], [sflag:$0x2], $0x80, s20, s7, $0xb8;
	[tilespmem:$0x1FC00] =	vst v63  }
0x302: {  	s23 =	simm.s32 $0x280  }
0x303: {  	[tilespmem:s11], [sflag:$0x1] =	stream.indirect.gather [hbm4b:s3+s7], $0x80, s23, s7, $0xb8;
	[tilespmem:$0x1FC00] =	vst v63  }
0x304: {  	_ =	swait.ge [sflag:s10], $0x3200  }
0x305: {  	[sflag:s10] =	ssyncset.done $0x0  }
0x306: {  	[sflag:s10] =	ssyncadd.s32 $0xFFFFCE00  }
0x307: {  	_ =	swait.ge [sflag:s9], $0x3200  }
0x308: {  	[sflag:s9] =	ssyncset.done $0x0  }
0x309: {  	s24 =	simm.s32 $0x1200;
	[sflag:s9] =	ssyncadd.s32 $0xFFFFCE00  }
0x30a: {  	[spmem:s2] =	stream.indirect.scatter.add.f32 [tilespmem:s12], [sflag:$0x2], $0x80, s24, s7, $0xb8;
	[tilespmem:$0x1FC00] =	vst v63  }
0x30b: {  	s26 =	simm.s32 $0x300  }
0x30c: {  	[tilespmem:s8], [sflag:$0x1] =	stream.indirect.gather [hbm4b:s3+s7], $0x80, s26, s7, $0xb8;
	[tilespmem:$0x1FC00] =	vst v63  }
0x30d: {  	_ =	swait.ge [sflag:s10], $0x3200  }
0x30e: {  	[sflag:s10] =	ssyncset.done $0x0  }
0x30f: {  	[sflag:s10] =	ssyncadd.s32 $0xFFFFCE00  }
0x310: {  	_ =	swait.ge [sflag:s9], $0x3200  }
0x311: {  	[sflag:s9] =	ssyncset.done $0x0  }
0x312: {  	s28 =	simm.s32 $0x1280;
	[sflag:s9] =	ssyncadd.s32 $0xFFFFCE00  }
0x313: {  	[spmem:s2] =	stream.indirect.scatter.add.f32 [tilespmem:s11], [sflag:$0x2], $0x80, s28, s7, $0xb8;
	[tilespmem:$0x1FC00] =	vst v63  }
0x314: {  	s20 =	simm.s32 $0x380  }
0x315: {  	[tilespmem:s12], [sflag:$0x1] =	stream.indirect.gather [hbm4b:s3+s7], $0x80, s20, s7, $0xb8;
	[tilespmem:$0x1FC00] =	vst v63  }
0x316: {  	_ =	swait.ge [sflag:s10], $0x3200  }
0x317: {  	[sflag:s10] =	ssyncset.done $0x0  }
0x318: {  	[sflag:s10] =	ssyncadd.s32 $0xFFFFCE00  }
0x319: {  	_ =	swait.ge [sflag:s9], $0x3200  }
0x31a: {  	[sflag:s9] =	ssyncset.done $0x0  }
0x31b: {  	s21 =	simm.s32 $0x1300;
	[sflag:s9] =	ssyncadd.s32 $0xFFFFCE00  }
0x31c: {  	[spmem:s2] =	stream.indirect.scatter.add.f32 [tilespmem:s8], [sflag:$0x2], $0x80, s21, s7, $0xb8;
	[tilespmem:$0x1FC00] =	vst v63  }
0x31d: {  	s23 =	simm.s32 $0x400  }
0x31e: {  	[tilespmem:s11], [sflag:$0x1] =	stream.indirect.gather [hbm4b:s3+s7], $0x80, s23, s7, $0xb8;
	[tilespmem:$0x1FC00] =	vst v63  }
0x31f: {  	_ =	swait.ge [sflag:s10], $0x3200  }
0x320: {  	[sflag:s10] =	ssyncset.done $0x0  }
0x321: {  	[sflag:s10] =	ssyncadd.s32 $0xFFFFCE00  }
0x322: {  	_ =	swait.ge [sflag:s9], $0x3200  }
0x323: {  	[sflag:s9] =	ssyncset.done $0x0  }
0x324: {  	s18 =	simm.s32 $0x1380;
	[sflag:s9] =	ssyncadd.s32 $0xFFFFCE00  }
0x325: {  	[spmem:s2] =	stream.indirect.scatter.add.f32 [tilespmem:s12], [sflag:$0x2], $0x80, s18, s7, $0xb8;
	[tilespmem:$0x1FC00] =	vst v63  }
0x326: {  	s24 =	simm.s32 $0x480  }
0x327: {  	[tilespmem:s8], [sflag:$0x1] =	stream.indirect.gather [hbm4b:s3+s7], $0x80, s24, s7, $0xb8;
	[tilespmem:$0x1FC00] =	vst v63  }
0x328: {  	_ =	swait.ge [sflag:s10], $0x3200  }
0x329: {  	[sflag:s10] =	ssyncset.done $0x0  }
0x32a: {  	[sflag:s10] =	ssyncadd.s32 $0xFFFFCE00  }
0x32b: {  	_ =	swait.ge [sflag:s9], $0x3200  }
0x32c: {  	[sflag:s9] =	ssyncset.done $0x0  }
0x32d: {  	s25 =	simm.s32 $0x1400;
	[sflag:s9] =	ssyncadd.s32 $0xFFFFCE00  }
0x32e: {  	[spmem:s2] =	stream.indirect.scatter.add.f32 [tilespmem:s11], [sflag:$0x2], $0x80, s25, s7, $0xb8;
	[tilespmem:$0x1FC00] =	vst v63  }
0x32f: {  	s16 =	simm.s32 $0x500  }
0x330: {  	[tilespmem:s12], [sflag:$0x1] =	stream.indirect.gather [hbm4b:s3+s7], $0x80, s16, s7, $0xb8;
	[tilespmem:$0x1FC00] =	vst v63  }
0x331: {  	_ =	swait.ge [sflag:s10], $0x3200  }
0x332: {  	[sflag:s10] =	ssyncset.done $0x0  }
0x333: {  	[sflag:s10] =	ssyncadd.s32 $0xFFFFCE00  }
0x334: {  	_ =	swait.ge [sflag:s9], $0x3200  }
0x335: {  	[sflag:s9] =	ssyncset.done $0x0  }
0x336: {  	s15 =	simm.s32 $0x1480;
	[sflag:s9] =	ssyncadd.s32 $0xFFFFCE00  }
0x337: {  	[spmem:s2] =	stream.indirect.scatter.add.f32 [tilespmem:s8], [sflag:$0x2], $0x80, s15, s7, $0xb8;
	[tilespmem:$0x1FC00] =	vst v63  }
0x338: {  	s17 =	simm.s32 $0x580  }
0x339: {  	[tilespmem:s11], [sflag:$0x1] =	stream.indirect.gather [hbm4b:s3+s7], $0x80, s17, s7, $0xb8;
	[tilespmem:$0x1FC00] =	vst v63  }
0x33a: {  	_ =	swait.ge [sflag:s10], $0x3200  }
0x33b: {  	[sflag:s10] =	ssyncset.done $0x0  }
0x33c: {  	[sflag:s10] =	ssyncadd.s32 $0xFFFFCE00  }
0x33d: {  	_ =	swait.ge [sflag:s9], $0x3200  }
0x33e: {  	[sflag:s9] =	ssyncset.done $0x0  }
0x33f: {  	s26 =	simm.s32 $0x1500;
	[sflag:s9] =	ssyncadd.s32 $0xFFFFCE00  }
0x340: {  	[spmem:s2] =	stream.indirect.scatter.add.f32 [tilespmem:s12], [sflag:$0x2], $0x80, s26, s7, $0xb8;
	[tilespmem:$0x1FC00] =	vst v63  }
0x341: {  	s0 =	simm.s32 $0x600  }
0x342: {  	[tilespmem:s8], [sflag:$0x1] =	stream.indirect.gather [hbm4b:s3+s7], $0x80, s0, s7, $0xb8;
	[tilespmem:$0x1FC00] =	vst v63  }
0x343: {  	_ =	swait.ge [sflag:s10], $0x3200  }
0x344: {  	[sflag:s10] =	ssyncset.done $0x0  }
0x345: {  	[sflag:s10] =	ssyncadd.s32 $0xFFFFCE00  }
0x346: {  	_ =	swait.ge [sflag:s9], $0x3200  }
0x347: {  	[sflag:s9] =	ssyncset.done $0x0  }
0x348: {  	s14 =	simm.s32 $0x1580;
	[sflag:s9] =	ssyncadd.s32 $0xFFFFCE00  }
0x349: {  	[spmem:s2] =	stream.indirect.scatter.add.f32 [tilespmem:s11], [sflag:$0x2], $0x80, s14, s7, $0xb8;
	[tilespmem:$0x1FC00] =	vst v63  }
0x34a: {  	s19 =	simm.s32 $0x680  }
0x34b: {  	[tilespmem:s12], [sflag:$0x1] =	stream.indirect.gather [hbm4b:s3+s7], $0x80, s19, s7, $0xb8;
	[tilespmem:$0x1FC00] =	vst v63  }
0x34c: {  	_ =	swait.ge [sflag:s10], $0x3200  }
0x34d: {  	[sflag:s10] =	ssyncset.done $0x0  }
0x34e: {  	[sflag:s10] =	ssyncadd.s32 $0xFFFFCE00  }
0x34f: {  	_ =	swait.ge [sflag:s9], $0x3200  }
0x350: {  	[sflag:s9] =	ssyncset.done $0x0  }
0x351: {  	s28 =	simm.s32 $0x1600;
	[sflag:s9] =	ssyncadd.s32 $0xFFFFCE00  }
0x352: {  	[spmem:s2] =	stream.indirect.scatter.add.f32 [tilespmem:s8], [sflag:$0x2], $0x80, s28, s7, $0xb8;
	[tilespmem:$0x1FC00] =	vst v63  }
0x353: {  	s1 =	simm.s32 $0x700  }
0x354: {  	[tilespmem:s11], [sflag:$0x1] =	stream.indirect.gather [hbm4b:s3+s7], $0x80, s1, s7, $0xb8;
	[tilespmem:$0x1FC00] =	vst v63  }
0x355: {  	_ =	swait.ge [sflag:s10], $0x3200  }
0x356: {  	[sflag:s10] =	ssyncset.done $0x0  }
0x357: {  	[sflag:s10] =	ssyncadd.s32 $0xFFFFCE00  }
0x358: {  	_ =	swait.ge [sflag:s9], $0x3200  }
0x359: {  	[sflag:s9] =	ssyncset.done $0x0  }
0x35a: {  	s6 =	simm.s32 $0x1680;
	[sflag:s9] =	ssyncadd.s32 $0xFFFFCE00  }
0x35b: {  	[spmem:s2] =	stream.indirect.scatter.add.f32 [tilespmem:s12], [sflag:$0x2], $0x80, s6, s7, $0xb8;
	[tilespmem:$0x1FC00] =	vst v63  }
0x35c: {  	s22 =	simm.s32 $0x780  }
0x35d: {  	[tilespmem:s8], [sflag:$0x1] =	stream.indirect.gather [hbm4b:s3+s7], $0x80, s22, s7, $0xb8;
	[tilespmem:$0x1FC00] =	vst v63  }
0x35e: {  	_ =	swait.ge [sflag:s10], $0x3200  }
0x35f: {  	[sflag:s10] =	ssyncset.done $0x0  }
0x360: {  	[sflag:s10] =	ssyncadd.s32 $0xFFFFCE00  }
0x361: {  	_ =	swait.ge [sflag:s9], $0x3200  }
0x362: {  	[sflag:s9] =	ssyncset.done $0x0  }
0x363: {  	s1 =	simm.s32 $0x1700;
	[sflag:s9] =	ssyncadd.s32 $0xFFFFCE00  }
0x364: {  	[spmem:s2] =	stream.indirect.scatter.add.f32 [tilespmem:s11], [sflag:$0x2], $0x80, s1, s7, $0xb8;
	[tilespmem:$0x1FC00] =	vst v63  }
0x365: {  	s6 =	simm.s32 $0x800  }
0x366: {  	[tilespmem:s12], [sflag:$0x1] =	stream.indirect.gather [hbm4b:s3+s7], $0x80, s6, s7, $0xb8;
	[tilespmem:$0x1FC00] =	vst v63  }
0x367: {  	_ =	swait.ge [sflag:s10], $0x3200  }
0x368: {  	[sflag:s10] =	ssyncset.done $0x0  }
0x369: {  	[sflag:s10] =	ssyncadd.s32 $0xFFFFCE00  }
0x36a: {  	_ =	swait.ge [sflag:s9], $0x3200  }
0x36b: {  	[sflag:s9] =	ssyncset.done $0x0  }
0x36c: {  	s13 =	simm.s32 $0x1780;
	[sflag:s9] =	ssyncadd.s32 $0xFFFFCE00  }
0x36d: {  	[spmem:s2] =	stream.indirect.scatter.add.f32 [tilespmem:s8], [sflag:$0x2], $0x80, s13, s7, $0xb8;
	[tilespmem:$0x1FC00] =	vst v63  }
0x36e: {  	s14 =	simm.s32 $0x880  }
0x36f: {  	[tilespmem:s11], [sflag:$0x1] =	stream.indirect.gather [hbm4b:s3+s7], $0x80, s14, s7, $0xb8;
	[tilespmem:$0x1FC00] =	vst v63  }
0x370: {  	_ =	swait.ge [sflag:s10], $0x3200  }
0x371: {  	[sflag:s10] =	ssyncset.done $0x0  }
0x372: {  	[sflag:s10] =	ssyncadd.s32 $0xFFFFCE00  }
0x373: {  	_ =	swait.ge [sflag:s9], $0x3200  }
0x374: {  	[sflag:s9] =	ssyncset.done $0x0  }
0x375: {  	s15 =	simm.s32 $0x1800;
	[sflag:s9] =	ssyncadd.s32 $0xFFFFCE00  }
0x376: {  	[spmem:s2] =	stream.indirect.scatter.add.f32 [tilespmem:s12], [sflag:$0x2], $0x80, s15, s7, $0xb8;
	[tilespmem:$0x1FC00] =	vst v63  }
0x377: {  	s16 =	simm.s32 $0x900  }
0x378: {  	[tilespmem:s8], [sflag:$0x1] =	stream.indirect.gather [hbm4b:s3+s7], $0x80, s16, s7, $0xb8;
	[tilespmem:$0x1FC00] =	vst v63  }
0x379: {  	_ =	swait.ge [sflag:s10], $0x3200  }
0x37a: {  	[sflag:s10] =	ssyncset.done $0x0  }
0x37b: {  	[sflag:s10] =	ssyncadd.s32 $0xFFFFCE00  }
0x37c: {  	_ =	swait.ge [sflag:s9], $0x3200  }
0x37d: {  	[sflag:s9] =	ssyncset.done $0x0  }
0x37e: {  	s31 =	simm.s32 $0x1880;
	[sflag:s9] =	ssyncadd.s32 $0xFFFFCE00  }
0x37f: {  	[spmem:s2] =	stream.indirect.scatter.add.f32 [tilespmem:s11], [sflag:$0x2], $0x80, s31, s7, $0xb8;
	[tilespmem:$0x1FC00] =	vst v63  }
0x380: {  	s17 =	simm.s32 $0x980  }
0x381: {  	[tilespmem:s12], [sflag:$0x1] =	stream.indirect.gather [hbm4b:s3+s7], $0x80, s17, s7, $0xb8;
	[tilespmem:$0x1FC00] =	vst v63  }
0x382: {  	_ =	swait.ge [sflag:s10], $0x3200  }
0x383: {  	[sflag:s10] =	ssyncset.done $0x0  }
0x384: {  	[sflag:s10] =	ssyncadd.s32 $0xFFFFCE00  }
0x385: {  	_ =	swait.ge [sflag:s9], $0x3200  }
0x386: {  	[sflag:s9] =	ssyncset.done $0x0  }
0x387: {  	s30 =	simm.s32 $0x1900;
	[sflag:s9] =	ssyncadd.s32 $0xFFFFCE00  }
0x388: {  	[spmem:s2] =	stream.indirect.scatter.add.f32 [tilespmem:s8], [sflag:$0x2], $0x80, s30, s7, $0xb8;
	[tilespmem:$0x1FC00] =	vst v63  }
0x389: {  	s18 =	simm.s32 $0xA00  }
0x38a: {  	[tilespmem:s11], [sflag:$0x1] =	stream.indirect.gather [hbm4b:s3+s7], $0x80, s18, s7, $0xb8;
	[tilespmem:$0x1FC00] =	vst v63  }
0x38b: {  	_ =	swait.ge [sflag:s10], $0x3200  }
0x38c: {  	[sflag:s10] =	ssyncset.done $0x0  }
0x38d: {  	[sflag:s10] =	ssyncadd.s32 $0xFFFFCE00  }
0x38e: {  	_ =	swait.ge [sflag:s9], $0x3200  }
0x38f: {  	[sflag:s9] =	ssyncset.done $0x0  }
0x390: {  	s29 =	simm.s32 $0x1980;
	[sflag:s9] =	ssyncadd.s32 $0xFFFFCE00  }
0x391: {  	[spmem:s2] =	stream.indirect.scatter.add.f32 [tilespmem:s12], [sflag:$0x2], $0x80, s29, s7, $0xb8;
	[tilespmem:$0x1FC00] =	vst v63  }
0x392: {  	s19 =	simm.s32 $0xA80  }
0x393: {  	[tilespmem:s8], [sflag:$0x1] =	stream.indirect.gather [hbm4b:s3+s7], $0x80, s19, s7, $0xb8;
	[tilespmem:$0x1FC00] =	vst v63  }
0x394: {  	_ =	swait.ge [sflag:s10], $0x3200  }
0x395: {  	[sflag:s10] =	ssyncset.done $0x0  }
0x396: {  	[sflag:s10] =	ssyncadd.s32 $0xFFFFCE00  }
0x397: {  	_ =	swait.ge [sflag:s9], $0x3200  }
0x398: {  	[sflag:s9] =	ssyncset.done $0x0  }
0x399: {  	s20 =	simm.s32 $0x1A00;
	[sflag:s9] =	ssyncadd.s32 $0xFFFFCE00  }
0x39a: {  	[spmem:s2] =	stream.indirect.scatter.add.f32 [tilespmem:s11], [sflag:$0x2], $0x80, s20, s7, $0xb8;
	[tilespmem:$0x1FC00] =	vst v63  }
0x39b: {  	s21 =	simm.s32 $0xB00  }
0x39c: {  	[tilespmem:s12], [sflag:$0x1] =	stream.indirect.gather [hbm4b:s3+s7], $0x80, s21, s7, $0xb8;
	[tilespmem:$0x1FC00] =	vst v63  }
0x39d: {  	_ =	swait.ge [sflag:s10], $0x3200  }
0x39e: {  	[sflag:s10] =	ssyncset.done $0x0  }
0x39f: {  	[sflag:s10] =	ssyncadd.s32 $0xFFFFCE00  }
0x3a0: {  	_ =	swait.ge [sflag:s9], $0x3200  }
0x3a1: {  	[sflag:s9] =	ssyncset.done $0x0  }
0x3a2: {  	s22 =	simm.s32 $0x1A80;
	[sflag:s9] =	ssyncadd.s32 $0xFFFFCE00  }
0x3a3: {  	[spmem:s2] =	stream.indirect.scatter.add.f32 [tilespmem:s8], [sflag:$0x2], $0x80, s22, s7, $0xb8;
	[tilespmem:$0x1FC00] =	vst v63  }
0x3a4: {  	s23 =	simm.s32 $0xB80  }
0x3a5: {  	[tilespmem:s11], [sflag:$0x1] =	stream.indirect.gather [hbm4b:s3+s7], $0x80, s23, s7, $0xb8;
	[tilespmem:$0x1FC00] =	vst v63  }
0x3a6: {  	_ =	swait.ge [sflag:s10], $0x3200  }
0x3a7: {  	[sflag:s10] =	ssyncset.done $0x0  }
0x3a8: {  	[sflag:s10] =	ssyncadd.s32 $0xFFFFCE00  }
0x3a9: {  	_ =	swait.ge [sflag:s9], $0x3200  }
0x3aa: {  	[sflag:s9] =	ssyncset.done $0x0  }
0x3ab: {  	s24 =	simm.s32 $0x1B00;
	[sflag:s9] =	ssyncadd.s32 $0xFFFFCE00  }
0x3ac: {  	[spmem:s2] =	stream.indirect.scatter.add.f32 [tilespmem:s12], [sflag:$0x2], $0x80, s24, s7, $0xb8;
	[tilespmem:$0x1FC00] =	vst v63  }
0x3ad: {  	s25 =	simm.s32 $0xC00  }
0x3ae: {  	[tilespmem:s8], [sflag:$0x1] =	stream.indirect.gather [hbm4b:s3+s7], $0x80, s25, s7, $0xb8;
	[tilespmem:$0x1FC00] =	vst v63  }
0x3af: {  	_ =	swait.ge [sflag:s10], $0x3200  }
0x3b0: {  	[sflag:s10] =	ssyncset.done $0x0  }
0x3b1: {  	[sflag:s10] =	ssyncadd.s32 $0xFFFFCE00  }
0x3b2: {  	_ =	swait.ge [sflag:s9], $0x3200  }
0x3b3: {  	[sflag:s9] =	ssyncset.done $0x0  }
0x3b4: {  	s26 =	simm.s32 $0x1B80;
	[sflag:s9] =	ssyncadd.s32 $0xFFFFCE00  }
0x3b5: {  	[spmem:s2] =	stream.indirect.scatter.add.f32 [tilespmem:s11], [sflag:$0x2], $0x80, s26, s7, $0xb8;
	[tilespmem:$0x1FC00] =	vst v63  }
0x3b6: {  	_ =	swait.ge [sflag:s10], $0x3200  }
0x3b7: {  	[sflag:s10] =	ssyncset.done $0x0  }
0x3b8: {  	[sflag:s10] =	ssyncadd.s32 $0xFFFFCE00  }
0x3b9: {  	_ =	swait.ge [sflag:s9], $0x3200  }
0x3ba: {  	[sflag:s9] =	ssyncset.done $0x0  }
0x3bb: {  	s28 =	simm.s32 $0x1C00;
	[sflag:s9] =	ssyncadd.s32 $0xFFFFCE00  }
0x3bc: {  	[spmem:s2] =	stream.indirect.scatter.add.f32 [tilespmem:s8], [sflag:$0x2], $0x80, s28, s7, $0xb8;
	[tilespmem:$0x1FC00] =	vst v63  }
0x3bd: {  	_ =	swait.ge [sflag:s9], $0x3200  }
0x3be: {  	[sflag:s9] =	ssyncset.done $0x0  }
0x3bf: {  	[sflag:s9] =	ssyncadd.s32 $0xFFFFCE00  }
0x3c0: {  	[bflag:$0x0] =	sbarrier.arrive $0xFFFF  }
0x3c1: {  	s29 =	rddreg [dreg:$0xd]  }
0x3c2: {  	s30 =	rddreg [dreg:$0xe]  }
0x3c3: {  	s31 =	rddreg [dreg:$0xf]  }
0x3c4: {  	[hbm:s29], [sflag:s30] =	dma.local [spmem:s31], $0x2800  }
0x3c5: {  	s0 =	rddreg [dreg:$0x10]  }
0x3c6: {  	p1 =	sne.s32 s0, $0x1  }
.Ltmp1:
0x3c7: {  	_ = 	snop;
	(pc) =	sbr.rel @!p1 .LBB2_7-.Ltmp1, $3  }
0x3c8: {  	_ =	sdelay $0x1  }
0x3c9: {  	p0 =	por $0x1, $0x1;
	_ =	swait.ge [sflag:s5], $0x2800;
	s19 =	sadd.s32 $0xFFFFFFFF, s0  }
0x3ca: {  	s20 =	rddreg [dreg:$0x4];
	[sflag:s5] =	ssyncset.done $0x0;
	s0 =	simm.s32 $0x0  }
0x3cb: {  	s28 =	simm.s32 $0x1000  }
.LBB2_4:
0x3cc: {  	s1 =	rddreg [dreg:$0xe]  }
0x3cd: {  	[sflag:s5] =	ssyncadd.s32 $0xFFFFD800;
	s6 =	rddreg [dreg:$0xf]  }
0x3ce: {  	[spmem:s6], [sflag:s1] =	dma.local [hbm:s20], $0x2800  }
0x3cf: {  	_ =	swait.ge [sflag:s5], $0x2800  }
0x3d0: {  	[sflag:s5] =	ssyncset.done $0x0  }
0x3d1: {  	[sflag:s5] =	ssyncadd.s32 $0xFFFFD800  }
0x3d2: {  	[bflag:$0x0] =	sbarrier.arrive $0xFFFF  }
0x3d3: {  	s6 =	rddreg [dreg:$0x5]  }
0x3d4: {  	[tilespmem:s0], [sflag:$0x3] =	stream.linear.gather [hbm4b:s6+s0], $0xC80, $0x38;
	[tilespmem:$0x1FC00] =	vst v63  }
0x3d5: {  	_ =	swait.ge [sflag:s5], $0xC80  }
0x3d6: {  	[sflag:s5] =	ssyncset.done $0x0  }
0x3d7: {  	s13 =	rddreg [dreg:$0x6];
	[sflag:s5] =	ssyncadd.s32 $0xFFFFF380  }
0x3d8: {  	[tilespmem:s4], [sflag:$0x3] =	stream.linear.gather [hbm4b:s13+s0], $0xC80, $0x38;
	[tilespmem:$0x1FC00] =	vst v63  }
0x3d9: {  	_ =	swait.ge [sflag:s5], $0xC80  }
0x3da: {  	[sflag:s5] =	ssyncset.done $0x0  }
0x3db: {  	[sflag:s5] =	ssyncadd.s32 $0xFFFFF380  }
0x3dc: {  	[tilespmem:s8], [sflag:$0x1] =	stream.indirect.gather [hbm4b:s3+s7], $0x80, s0, s7, $0xb8;
	[tilespmem:$0x1FC00] =	vst v63  }
0x3dd: {  	s14 =	simm.s32 $0x80  }
0x3de: {  	[tilespmem:s12], [sflag:$0x1] =	stream.indirect.gather [hbm4b:s3+s7], $0x80, s14, s7, $0xb8;
	[tilespmem:$0x1FC00] =	vst v63  }
0x3df: {  	_ =	swait.ge [sflag:s10], $0x3200  }
0x3e0: {  	[sflag:s10] =	ssyncset.done $0x0  }
0x3e1: {  	[sflag:s10] =	ssyncadd.s32 $0xFFFFCE00  }
0x3e2: {  	[spmem:s2] =	stream.indirect.scatter.add.f32 [tilespmem:s8], [sflag:$0x2], $0x80, s28, s7, $0xb8;
	[tilespmem:$0x1FC00] =	vst v63  }
0x3e3: {  	s15 =	simm.s32 $0x100  }
0x3e4: {  	[tilespmem:s11], [sflag:$0x1] =	stream.indirect.gather [hbm4b:s3+s7], $0x80, s15, s7, $0xb8;
	[tilespmem:$0x1FC00] =	vst v63  }
0x3e5: {  	_ =	swait.ge [sflag:s10], $0x3200  }
0x3e6: {  	[sflag:s10] =	ssyncset.done $0x0  }
0x3e7: {  	[sflag:s10] =	ssyncadd.s32 $0xFFFFCE00  }
0x3e8: {  	_ =	swait.ge [sflag:s9], $0x3200  }
0x3e9: {  	[sflag:s9] =	ssyncset.done $0x0  }
0x3ea: {  	s16 =	simm.s32 $0x1080;
	[sflag:s9] =	ssyncadd.s32 $0xFFFFCE00  }
0x3eb: {  	[spmem:s2] =	stream.indirect.scatter.add.f32 [tilespmem:s12], [sflag:$0x2], $0x80, s16, s7, $0xb8;
	[tilespmem:$0x1FC00] =	vst v63  }
0x3ec: {  	s17 =	simm.s32 $0x180  }
0x3ed: {  	[tilespmem:s8], [sflag:$0x1] =	stream.indirect.gather [hbm4b:s3+s7], $0x80, s17, s7, $0xb8;
	[tilespmem:$0x1FC00] =	vst v63  }
0x3ee: {  	_ =	swait.ge [sflag:s10], $0x3200  }
0x3ef: {  	[sflag:s10] =	ssyncset.done $0x0  }
0x3f0: {  	[sflag:s10] =	ssyncadd.s32 $0xFFFFCE00  }
0x3f1: {  	_ =	swait.ge [sflag:s9], $0x3200  }
0x3f2: {  	[sflag:s9] =	ssyncset.done $0x0  }
0x3f3: {  	s18 =	simm.s32 $0x1100;
	[sflag:s9] =	ssyncadd.s32 $0xFFFFCE00  }
0x3f4: {  	[spmem:s2] =	stream.indirect.scatter.add.f32 [tilespmem:s11], [sflag:$0x2], $0x80, s18, s7, $0xb8;
	[tilespmem:$0x1FC00] =	vst v63  }
0x3f5: {  	s20 =	simm.s32 $0x200  }
0x3f6: {  	[tilespmem:s12], [sflag:$0x1] =	stream.indirect.gather [hbm4b:s3+s7], $0x80, s20, s7, $0xb8;
	[tilespmem:$0x1FC00] =	vst v63  }
0x3f7: {  	_ =	swait.ge [sflag:s10], $0x3200  }
0x3f8: {  	[sflag:s10] =	ssyncset.done $0x0  }
0x3f9: {  	[sflag:s10] =	ssyncadd.s32 $0xFFFFCE00  }
0x3fa: {  	_ =	swait.ge [sflag:s9], $0x3200  }
0x3fb: {  	[sflag:s9] =	ssyncset.done $0x0  }
0x3fc: {  	s22 =	simm.s32 $0x1180;
	[sflag:s9] =	ssyncadd.s32 $0xFFFFCE00  }
0x3fd: {  	[spmem:s2] =	stream.indirect.scatter.add.f32 [tilespmem:s8], [sflag:$0x2], $0x80, s22, s7, $0xb8;
	[tilespmem:$0x1FC00] =	vst v63  }
0x3fe: {  	s23 =	simm.s32 $0x280  }
0x3ff: {  	[tilespmem:s11], [sflag:$0x1] =	stream.indirect.gather [hbm4b:s3+s7], $0x80, s23, s7, $0xb8;
	[tilespmem:$0x1FC00] =	vst v63  }
0x400: {  	_ =	swait.ge [sflag:s10], $0x3200  }
0x401: {  	[sflag:s10] =	ssyncset.done $0x0  }
0x402: {  	[sflag:s10] =	ssyncadd.s32 $0xFFFFCE00  }
0x403: {  	_ =	swait.ge [sflag:s9], $0x3200  }
0x404: {  	[sflag:s9] =	ssyncset.done $0x0  }
0x405: {  	s24 =	simm.s32 $0x1200;
	[sflag:s9] =	ssyncadd.s32 $0xFFFFCE00  }
0x406: {  	[spmem:s2] =	stream.indirect.scatter.add.f32 [tilespmem:s12], [sflag:$0x2], $0x80, s24, s7, $0xb8;
	[tilespmem:$0x1FC00] =	vst v63  }
0x407: {  	s25 =	simm.s32 $0x300  }
0x408: {  	[tilespmem:s8], [sflag:$0x1] =	stream.indirect.gather [hbm4b:s3+s7], $0x80, s25, s7, $0xb8;
	[tilespmem:$0x1FC00] =	vst v63  }
0x409: {  	_ =	swait.ge [sflag:s10], $0x3200  }
0x40a: {  	[sflag:s10] =	ssyncset.done $0x0  }
0x40b: {  	[sflag:s10] =	ssyncadd.s32 $0xFFFFCE00  }
0x40c: {  	_ =	swait.ge [sflag:s9], $0x3200  }
0x40d: {  	[sflag:s9] =	ssyncset.done $0x0  }
0x40e: {  	s14 =	simm.s32 $0x1280;
	[sflag:s9] =	ssyncadd.s32 $0xFFFFCE00  }
0x40f: {  	[spmem:s2] =	stream.indirect.scatter.add.f32 [tilespmem:s11], [sflag:$0x2], $0x80, s14, s7, $0xb8;
	[tilespmem:$0x1FC00] =	vst v63  }
0x410: {  	s29 =	simm.s32 $0x380  }
0x411: {  	[tilespmem:s12], [sflag:$0x1] =	stream.indirect.gather [hbm4b:s3+s7], $0x80, s29, s7, $0xb8;
	[tilespmem:$0x1FC00] =	vst v63  }
0x412: {  	_ =	swait.ge [sflag:s10], $0x3200  }
0x413: {  	[sflag:s10] =	ssyncset.done $0x0  }
0x414: {  	[sflag:s10] =	ssyncadd.s32 $0xFFFFCE00  }
0x415: {  	_ =	swait.ge [sflag:s9], $0x3200  }
0x416: {  	[sflag:s9] =	ssyncset.done $0x0  }
0x417: {  	s30 =	simm.s32 $0x1300;
	[sflag:s9] =	ssyncadd.s32 $0xFFFFCE00  }
0x418: {  	[spmem:s2] =	stream.indirect.scatter.add.f32 [tilespmem:s8], [sflag:$0x2], $0x80, s30, s7, $0xb8;
	[tilespmem:$0x1FC00] =	vst v63  }
0x419: {  	s31 =	simm.s32 $0x400  }
0x41a: {  	[tilespmem:s11], [sflag:$0x1] =	stream.indirect.gather [hbm4b:s3+s7], $0x80, s31, s7, $0xb8;
	[tilespmem:$0x1FC00] =	vst v63  }
0x41b: {  	_ =	swait.ge [sflag:s10], $0x3200  }
0x41c: {  	[sflag:s10] =	ssyncset.done $0x0  }
0x41d: {  	[sflag:s10] =	ssyncadd.s32 $0xFFFFCE00  }
0x41e: {  	_ =	swait.ge [sflag:s9], $0x3200  }
0x41f: {  	[sflag:s9] =	ssyncset.done $0x0  }
0x420: {  	s1 =	simm.s32 $0x1380;
	[sflag:s9] =	ssyncadd.s32 $0xFFFFCE00  }
0x421: {  	[spmem:s2] =	stream.indirect.scatter.add.f32 [tilespmem:s12], [sflag:$0x2], $0x80, s1, s7, $0xb8;
	[tilespmem:$0x1FC00] =	vst v63  }
0x422: {  	s15 =	simm.s32 $0x480  }
0x423: {  	[tilespmem:s8], [sflag:$0x1] =	stream.indirect.gather [hbm4b:s3+s7], $0x80, s15, s7, $0xb8;
	[tilespmem:$0x1FC00] =	vst v63  }
0x424: {  	_ =	swait.ge [sflag:s10], $0x3200  }
0x425: {  	[sflag:s10] =	ssyncset.done $0x0  }
0x426: {  	[sflag:s10] =	ssyncadd.s32 $0xFFFFCE00  }
0x427: {  	_ =	swait.ge [sflag:s9], $0x3200  }
0x428: {  	[sflag:s9] =	ssyncset.done $0x0  }
0x429: {  	s20 =	simm.s32 $0x1400;
	[sflag:s9] =	ssyncadd.s32 $0xFFFFCE00  }
0x42a: {  	[spmem:s2] =	stream.indirect.scatter.add.f32 [tilespmem:s11], [sflag:$0x2], $0x80, s20, s7, $0xb8;
	[tilespmem:$0x1FC00] =	vst v63  }
0x42b: {  	s22 =	simm.s32 $0x500  }
0x42c: {  	[tilespmem:s12], [sflag:$0x1] =	stream.indirect.gather [hbm4b:s3+s7], $0x80, s22, s7, $0xb8;
	[tilespmem:$0x1FC00] =	vst v63  }
0x42d: {  	_ =	swait.ge [sflag:s10], $0x3200  }
0x42e: {  	[sflag:s10] =	ssyncset.done $0x0  }
0x42f: {  	[sflag:s10] =	ssyncadd.s32 $0xFFFFCE00  }
0x430: {  	_ =	swait.ge [sflag:s9], $0x3200  }
0x431: {  	[sflag:s9] =	ssyncset.done $0x0  }
0x432: {  	s23 =	simm.s32 $0x1480;
	[sflag:s9] =	ssyncadd.s32 $0xFFFFCE00  }
0x433: {  	[spmem:s2] =	stream.indirect.scatter.add.f32 [tilespmem:s8], [sflag:$0x2], $0x80, s23, s7, $0xb8;
	[tilespmem:$0x1FC00] =	vst v63  }
0x434: {  	s24 =	simm.s32 $0x580  }
0x435: {  	[tilespmem:s11], [sflag:$0x1] =	stream.indirect.gather [hbm4b:s3+s7], $0x80, s24, s7, $0xb8;
	[tilespmem:$0x1FC00] =	vst v63  }
0x436: {  	_ =	swait.ge [sflag:s10], $0x3200  }
0x437: {  	[sflag:s10] =	ssyncset.done $0x0  }
0x438: {  	[sflag:s10] =	ssyncadd.s32 $0xFFFFCE00  }
0x439: {  	_ =	swait.ge [sflag:s9], $0x3200  }
0x43a: {  	[sflag:s9] =	ssyncset.done $0x0  }
0x43b: {  	s29 =	simm.s32 $0x1500;
	[sflag:s9] =	ssyncadd.s32 $0xFFFFCE00  }
0x43c: {  	[spmem:s2] =	stream.indirect.scatter.add.f32 [tilespmem:s12], [sflag:$0x2], $0x80, s29, s7, $0xb8;
	[tilespmem:$0x1FC00] =	vst v63  }
0x43d: {  	s30 =	simm.s32 $0x600  }
0x43e: {  	[tilespmem:s8], [sflag:$0x1] =	stream.indirect.gather [hbm4b:s3+s7], $0x80, s30, s7, $0xb8;
	[tilespmem:$0x1FC00] =	vst v63  }
0x43f: {  	_ =	swait.ge [sflag:s10], $0x3200  }
0x440: {  	[sflag:s10] =	ssyncset.done $0x0  }
0x441: {  	[sflag:s10] =	ssyncadd.s32 $0xFFFFCE00  }
0x442: {  	_ =	swait.ge [sflag:s9], $0x3200  }
0x443: {  	[sflag:s9] =	ssyncset.done $0x0  }
0x444: {  	s31 =	simm.s32 $0x1580;
	[sflag:s9] =	ssyncadd.s32 $0xFFFFCE00  }
0x445: {  	[spmem:s2] =	stream.indirect.scatter.add.f32 [tilespmem:s11], [sflag:$0x2], $0x80, s31, s7, $0xb8;
	[tilespmem:$0x1FC00] =	vst v63  }
0x446: {  	s14 =	simm.s32 $0x680  }
0x447: {  	[tilespmem:s12], [sflag:$0x1] =	stream.indirect.gather [hbm4b:s3+s7], $0x80, s14, s7, $0xb8;
	[tilespmem:$0x1FC00] =	vst v63  }
0x448: {  	_ =	swait.ge [sflag:s10], $0x3200  }
0x449: {  	[sflag:s10] =	ssyncset.done $0x0  }
0x44a: {  	[sflag:s10] =	ssyncadd.s32 $0xFFFFCE00  }
0x44b: {  	_ =	swait.ge [sflag:s9], $0x3200  }
0x44c: {  	[sflag:s9] =	ssyncset.done $0x0  }
0x44d: {  	s29 =	simm.s32 $0x1600;
	[sflag:s9] =	ssyncadd.s32 $0xFFFFCE00  }
0x44e: {  	[spmem:s2] =	stream.indirect.scatter.add.f32 [tilespmem:s8], [sflag:$0x2], $0x80, s29, s7, $0xb8;
	[tilespmem:$0x1FC00] =	vst v63  }
0x44f: {  	s30 =	simm.s32 $0x700  }
0x450: {  	[tilespmem:s11], [sflag:$0x1] =	stream.indirect.gather [hbm4b:s3+s7], $0x80, s30, s7, $0xb8;
	[tilespmem:$0x1FC00] =	vst v63  }
0x451: {  	_ =	swait.ge [sflag:s10], $0x3200  }
0x452: {  	[sflag:s10] =	ssyncset.done $0x0  }
0x453: {  	[sflag:s10] =	ssyncadd.s32 $0xFFFFCE00  }
0x454: {  	_ =	swait.ge [sflag:s9], $0x3200  }
0x455: {  	[sflag:s9] =	ssyncset.done $0x0  }
0x456: {  	s31 =	simm.s32 $0x1680;
	[sflag:s9] =	ssyncadd.s32 $0xFFFFCE00  }
0x457: {  	[spmem:s2] =	stream.indirect.scatter.add.f32 [tilespmem:s12], [sflag:$0x2], $0x80, s31, s7, $0xb8;
	[tilespmem:$0x1FC00] =	vst v63  }
0x458: {  	s14 =	simm.s32 $0x780  }
0x459: {  	[tilespmem:s8], [sflag:$0x1] =	stream.indirect.gather [hbm4b:s3+s7], $0x80, s14, s7, $0xb8;
	[tilespmem:$0x1FC00] =	vst v63  }
0x45a: {  	_ =	swait.ge [sflag:s10], $0x3200  }
0x45b: {  	[sflag:s10] =	ssyncset.done $0x0  }
0x45c: {  	[sflag:s10] =	ssyncadd.s32 $0xFFFFCE00  }
0x45d: {  	_ =	swait.ge [sflag:s9], $0x3200  }
0x45e: {  	[sflag:s9] =	ssyncset.done $0x0  }
0x45f: {  	s29 =	simm.s32 $0x1700;
	[sflag:s9] =	ssyncadd.s32 $0xFFFFCE00  }
0x460: {  	[spmem:s2] =	stream.indirect.scatter.add.f32 [tilespmem:s11], [sflag:$0x2], $0x80, s29, s7, $0xb8;
	[tilespmem:$0x1FC00] =	vst v63  }
0x461: {  	s30 =	simm.s32 $0x800  }
0x462: {  	[tilespmem:s12], [sflag:$0x1] =	stream.indirect.gather [hbm4b:s3+s7], $0x80, s30, s7, $0xb8;
	[tilespmem:$0x1FC00] =	vst v63  }
0x463: {  	_ =	swait.ge [sflag:s10], $0x3200  }
0x464: {  	[sflag:s10] =	ssyncset.done $0x0  }
0x465: {  	[sflag:s10] =	ssyncadd.s32 $0xFFFFCE00  }
0x466: {  	_ =	swait.ge [sflag:s9], $0x3200  }
0x467: {  	[sflag:s9] =	ssyncset.done $0x0  }
0x468: {  	s31 =	simm.s32 $0x1780;
	[sflag:s9] =	ssyncadd.s32 $0xFFFFCE00  }
0x469: {  	[spmem:s2] =	stream.indirect.scatter.add.f32 [tilespmem:s8], [sflag:$0x2], $0x80, s31, s7, $0xb8;
	[tilespmem:$0x1FC00] =	vst v63  }
0x46a: {  	s1 =	simm.s32 $0x880  }
0x46b: {  	[tilespmem:s11], [sflag:$0x1] =	stream.indirect.gather [hbm4b:s3+s7], $0x80, s1, s7, $0xb8;
	[tilespmem:$0x1FC00] =	vst v63  }
0x46c: {  	_ =	swait.ge [sflag:s10], $0x3200  }
0x46d: {  	[sflag:s10] =	ssyncset.done $0x0  }
0x46e: {  	[sflag:s10] =	ssyncadd.s32 $0xFFFFCE00  }
0x46f: {  	_ =	swait.ge [sflag:s9], $0x3200  }
0x470: {  	[sflag:s9] =	ssyncset.done $0x0  }
0x471: {  	s14 =	simm.s32 $0x1800;
	[sflag:s9] =	ssyncadd.s32 $0xFFFFCE00  }
0x472: {  	[spmem:s2] =	stream.indirect.scatter.add.f32 [tilespmem:s12], [sflag:$0x2], $0x80, s14, s7, $0xb8;
	[tilespmem:$0x1FC00] =	vst v63  }
0x473: {  	s31 =	simm.s32 $0x900  }
0x474: {  	[tilespmem:s8], [sflag:$0x1] =	stream.indirect.gather [hbm4b:s3+s7], $0x80, s31, s7, $0xb8;
	[tilespmem:$0x1FC00] =	vst v63  }
0x475: {  	_ =	swait.ge [sflag:s10], $0x3200  }
0x476: {  	[sflag:s10] =	ssyncset.done $0x0  }
0x477: {  	[sflag:s10] =	ssyncadd.s32 $0xFFFFCE00  }
0x478: {  	_ =	swait.ge [sflag:s9], $0x3200  }
0x479: {  	[sflag:s9] =	ssyncset.done $0x0  }
0x47a: {  	s1 =	simm.s32 $0x1880;
	[sflag:s9] =	ssyncadd.s32 $0xFFFFCE00  }
0x47b: {  	[spmem:s2] =	stream.indirect.scatter.add.f32 [tilespmem:s11], [sflag:$0x2], $0x80, s1, s7, $0xb8;
	[tilespmem:$0x1FC00] =	vst v63  }
0x47c: {  	s14 =	simm.s32 $0x980  }
0x47d: {  	[tilespmem:s12], [sflag:$0x1] =	stream.indirect.gather [hbm4b:s3+s7], $0x80, s14, s7, $0xb8;
	[tilespmem:$0x1FC00] =	vst v63  }
0x47e: {  	_ =	swait.ge [sflag:s10], $0x3200  }
0x47f: {  	[sflag:s10] =	ssyncset.done $0x0  }
0x480: {  	[sflag:s10] =	ssyncadd.s32 $0xFFFFCE00  }
0x481: {  	_ =	swait.ge [sflag:s9], $0x3200  }
0x482: {  	[sflag:s9] =	ssyncset.done $0x0  }
0x483: {  	s31 =	simm.s32 $0x1900;
	[sflag:s9] =	ssyncadd.s32 $0xFFFFCE00  }
0x484: {  	[spmem:s2] =	stream.indirect.scatter.add.f32 [tilespmem:s8], [sflag:$0x2], $0x80, s31, s7, $0xb8;
	[tilespmem:$0x1FC00] =	vst v63  }
0x485: {  	s1 =	simm.s32 $0xA00  }
0x486: {  	[tilespmem:s11], [sflag:$0x1] =	stream.indirect.gather [hbm4b:s3+s7], $0x80, s1, s7, $0xb8;
	[tilespmem:$0x1FC00] =	vst v63  }
0x487: {  	_ =	swait.ge [sflag:s10], $0x3200  }
0x488: {  	[sflag:s10] =	ssyncset.done $0x0  }
0x489: {  	[sflag:s10] =	ssyncadd.s32 $0xFFFFCE00  }
0x48a: {  	_ =	swait.ge [sflag:s9], $0x3200  }
0x48b: {  	[sflag:s9] =	ssyncset.done $0x0  }
0x48c: {  	s14 =	simm.s32 $0x1980;
	[sflag:s9] =	ssyncadd.s32 $0xFFFFCE00  }
0x48d: {  	[spmem:s2] =	stream.indirect.scatter.add.f32 [tilespmem:s12], [sflag:$0x2], $0x80, s14, s7, $0xb8;
	[tilespmem:$0x1FC00] =	vst v63  }
0x48e: {  	s31 =	simm.s32 $0xA80  }
0x48f: {  	[tilespmem:s8], [sflag:$0x1] =	stream.indirect.gather [hbm4b:s3+s7], $0x80, s31, s7, $0xb8;
	[tilespmem:$0x1FC00] =	vst v63  }
0x490: {  	_ =	swait.ge [sflag:s10], $0x3200  }
0x491: {  	[sflag:s10] =	ssyncset.done $0x0  }
0x492: {  	[sflag:s10] =	ssyncadd.s32 $0xFFFFCE00  }
0x493: {  	_ =	swait.ge [sflag:s9], $0x3200  }
0x494: {  	[sflag:s9] =	ssyncset.done $0x0  }
0x495: {  	s1 =	simm.s32 $0x1A00;
	[sflag:s9] =	ssyncadd.s32 $0xFFFFCE00  }
0x496: {  	[spmem:s2] =	stream.indirect.scatter.add.f32 [tilespmem:s11], [sflag:$0x2], $0x80, s1, s7, $0xb8;
	[tilespmem:$0x1FC00] =	vst v63  }
0x497: {  	s14 =	simm.s32 $0xB00  }
0x498: {  	[tilespmem:s12], [sflag:$0x1] =	stream.indirect.gather [hbm4b:s3+s7], $0x80, s14, s7, $0xb8;
	[tilespmem:$0x1FC00] =	vst v63  }
0x499: {  	_ =	swait.ge [sflag:s10], $0x3200  }
0x49a: {  	[sflag:s10] =	ssyncset.done $0x0  }
0x49b: {  	[sflag:s10] =	ssyncadd.s32 $0xFFFFCE00  }
0x49c: {  	_ =	swait.ge [sflag:s9], $0x3200  }
0x49d: {  	[sflag:s9] =	ssyncset.done $0x0  }
0x49e: {  	s31 =	simm.s32 $0x1A80;
	[sflag:s9] =	ssyncadd.s32 $0xFFFFCE00  }
0x49f: {  	[spmem:s2] =	stream.indirect.scatter.add.f32 [tilespmem:s8], [sflag:$0x2], $0x80, s31, s7, $0xb8;
	[tilespmem:$0x1FC00] =	vst v63  }
0x4a0: {  	s1 =	simm.s32 $0xB80  }
0x4a1: {  	[tilespmem:s11], [sflag:$0x1] =	stream.indirect.gather [hbm4b:s3+s7], $0x80, s1, s7, $0xb8;
	[tilespmem:$0x1FC00] =	vst v63  }
0x4a2: {  	_ =	swait.ge [sflag:s10], $0x3200  }
0x4a3: {  	[sflag:s10] =	ssyncset.done $0x0  }
0x4a4: {  	[sflag:s10] =	ssyncadd.s32 $0xFFFFCE00  }
0x4a5: {  	_ =	swait.ge [sflag:s9], $0x3200  }
0x4a6: {  	[sflag:s9] =	ssyncset.done $0x0  }
0x4a7: {  	s14 =	simm.s32 $0x1B00;
	[sflag:s9] =	ssyncadd.s32 $0xFFFFCE00  }
0x4a8: {  	[spmem:s2] =	stream.indirect.scatter.add.f32 [tilespmem:s12], [sflag:$0x2], $0x80, s14, s7, $0xb8;
	[tilespmem:$0x1FC00] =	vst v63  }
0x4a9: {  	s31 =	simm.s32 $0xC00  }
0x4aa: {  	[tilespmem:s8], [sflag:$0x1] =	stream.indirect.gather [hbm4b:s3+s7], $0x80, s31, s7, $0xb8;
	[tilespmem:$0x1FC00] =	vst v63  }
0x4ab: {  	_ =	swait.ge [sflag:s10], $0x3200  }
0x4ac: {  	[sflag:s10] =	ssyncset.done $0x0  }
0x4ad: {  	[sflag:s10] =	ssyncadd.s32 $0xFFFFCE00  }
0x4ae: {  	_ =	swait.ge [sflag:s9], $0x3200  }
0x4af: {  	[sflag:s9] =	ssyncset.done $0x0  }
0x4b0: {  	s1 =	simm.s32 $0x1B80;
	[sflag:s9] =	ssyncadd.s32 $0xFFFFCE00  }
0x4b1: {  	[spmem:s2] =	stream.indirect.scatter.add.f32 [tilespmem:s11], [sflag:$0x2], $0x80, s1, s7, $0xb8;
	[tilespmem:$0x1FC00] =	vst v63  }
0x4b2: {  	_ =	swait.ge [sflag:s10], $0x3200  }
0x4b3: {  	[sflag:s10] =	ssyncset.done $0x0  }
0x4b4: {  	[sflag:s10] =	ssyncadd.s32 $0xFFFFCE00  }
0x4b5: {  	_ =	swait.ge [sflag:s9], $0x3200  }
0x4b6: {  	[sflag:s9] =	ssyncset.done $0x0  }
0x4b7: {  	s14 =	simm.s32 $0x1C00;
	[sflag:s9] =	ssyncadd.s32 $0xFFFFCE00  }
0x4b8: {  	[spmem:s2] =	stream.indirect.scatter.add.f32 [tilespmem:s8], [sflag:$0x2], $0x80, s14, s7, $0xb8;
	[tilespmem:$0x1FC00] =	vst v63  }
0x4b9: {  	_ =	swait.ge [sflag:s9], $0x3200  }
0x4ba: {  	[sflag:s9] =	ssyncset.done $0x0  }
0x4bb: {  	s0 =	simm.s32 $0x0;
	s1 =	rddreg [dreg:$0x7];
	[sflag:s9] =	ssyncadd.s32 $0xFFFFCE00  }
0x4bc: {  	[tilespmem:s0], [sflag:$0x3] =	stream.linear.gather [hbm4b:s1+s0], $0xC80, $0x38;
	[tilespmem:$0x1FC00] =	vst v63  }
0x4bd: {  	_ =	swait.ge [sflag:s5], $0xC80  }
0x4be: {  	[sflag:s5] =	ssyncset.done $0x0  }
0x4bf: {  	s14 =	rddreg [dreg:$0x8];
	[sflag:s5] =	ssyncadd.s32 $0xFFFFF380  }
0x4c0: {  	[tilespmem:s28], [sflag:$0x3] =	stream.linear.gather [hbm4b:s14+s0], $0xC80, $0x38;
	[tilespmem:$0x1FC00] =	vst v63  }
0x4c1: {  	_ =	swait.ge [sflag:s5], $0xC80  }
0x4c2: {  	[sflag:s5] =	ssyncset.done $0x0  }
0x4c3: {  	[sflag:s5] =	ssyncadd.s32 $0xFFFFF380  }
0x4c4: {  	[tilespmem:s8], [sflag:$0x1] =	stream.indirect.gather [hbm4b:s3+s7], $0x80, s0, s7, $0xb8;
	[tilespmem:$0x1FC00] =	vst v63  }
0x4c5: {  	s26 =	simm.s32 $0x80  }
0x4c6: {  	[tilespmem:s12], [sflag:$0x1] =	stream.indirect.gather [hbm4b:s3+s7], $0x80, s26, s7, $0xb8;
	[tilespmem:$0x1FC00] =	vst v63  }
0x4c7: {  	_ =	swait.ge [sflag:s10], $0x3200  }
0x4c8: {  	[sflag:s10] =	ssyncset.done $0x0  }
0x4c9: {  	[sflag:s10] =	ssyncadd.s32 $0xFFFFCE00  }
0x4ca: {  	[spmem:s2] =	stream.indirect.scatter.add.f32 [tilespmem:s8], [sflag:$0x2], $0x80, s28, s7, $0xb8;
	[tilespmem:$0x1FC00] =	vst v63  }
0x4cb: {  	s26 =	simm.s32 $0x100  }
0x4cc: {  	[tilespmem:s11], [sflag:$0x1] =	stream.indirect.gather [hbm4b:s3+s7], $0x80, s26, s7, $0xb8;
	[tilespmem:$0x1FC00] =	vst v63  }
0x4cd: {  	_ =	swait.ge [sflag:s10], $0x3200  }
0x4ce: {  	[sflag:s10] =	ssyncset.done $0x0  }
0x4cf: {  	[sflag:s10] =	ssyncadd.s32 $0xFFFFCE00  }
0x4d0: {  	_ =	swait.ge [sflag:s9], $0x3200  }
0x4d1: {  	[sflag:s9] =	ssyncset.done $0x0  }
0x4d2: {  	s16 =	simm.s32 $0x1080;
	[sflag:s9] =	ssyncadd.s32 $0xFFFFCE00  }
0x4d3: {  	[spmem:s2] =	stream.indirect.scatter.add.f32 [tilespmem:s12], [sflag:$0x2], $0x80, s16, s7, $0xb8;
	[tilespmem:$0x1FC00] =	vst v63  }
0x4d4: {  	s21 =	simm.s32 $0x180  }
0x4d5: {  	[tilespmem:s8], [sflag:$0x1] =	stream.indirect.gather [hbm4b:s3+s7], $0x80, s21, s7, $0xb8;
	[tilespmem:$0x1FC00] =	vst v63  }
0x4d6: {  	_ =	swait.ge [sflag:s10], $0x3200  }
0x4d7: {  	[sflag:s10] =	ssyncset.done $0x0  }
0x4d8: {  	[sflag:s10] =	ssyncadd.s32 $0xFFFFCE00  }
0x4d9: {  	_ =	swait.ge [sflag:s9], $0x3200  }
0x4da: {  	[sflag:s9] =	ssyncset.done $0x0  }
0x4db: {  	s13 =	simm.s32 $0x1100;
	[sflag:s9] =	ssyncadd.s32 $0xFFFFCE00  }
0x4dc: {  	[spmem:s2] =	stream.indirect.scatter.add.f32 [tilespmem:s11], [sflag:$0x2], $0x80, s13, s7, $0xb8;
	[tilespmem:$0x1FC00] =	vst v63  }
0x4dd: {  	s21 =	simm.s32 $0x200  }
0x4de: {  	[tilespmem:s12], [sflag:$0x1] =	stream.indirect.gather [hbm4b:s3+s7], $0x80, s21, s7, $0xb8;
	[tilespmem:$0x1FC00] =	vst v63  }
0x4df: {  	_ =	swait.ge [sflag:s10], $0x3200  }
0x4e0: {  	[sflag:s10] =	ssyncset.done $0x0  }
0x4e1: {  	[sflag:s10] =	ssyncadd.s32 $0xFFFFCE00  }
0x4e2: {  	_ =	swait.ge [sflag:s9], $0x3200  }
0x4e3: {  	[sflag:s9] =	ssyncset.done $0x0  }
0x4e4: {  	s6 =	simm.s32 $0x1180;
	[sflag:s9] =	ssyncadd.s32 $0xFFFFCE00  }
0x4e5: {  	[spmem:s2] =	stream.indirect.scatter.add.f32 [tilespmem:s8], [sflag:$0x2], $0x80, s6, s7, $0xb8;
	[tilespmem:$0x1FC00] =	vst v63  }
0x4e6: {  	s18 =	simm.s32 $0x280  }
0x4e7: {  	[tilespmem:s11], [sflag:$0x1] =	stream.indirect.gather [hbm4b:s3+s7], $0x80, s18, s7, $0xb8;
	[tilespmem:$0x1FC00] =	vst v63  }
0x4e8: {  	_ =	swait.ge [sflag:s10], $0x3200  }
0x4e9: {  	[sflag:s10] =	ssyncset.done $0x0  }
0x4ea: {  	[sflag:s10] =	ssyncadd.s32 $0xFFFFCE00  }
0x4eb: {  	_ =	swait.ge [sflag:s9], $0x3200  }
0x4ec: {  	[sflag:s9] =	ssyncset.done $0x0  }
0x4ed: {  	s4 =	simm.s32 $0x1200;
	[sflag:s9] =	ssyncadd.s32 $0xFFFFCE00  }
0x4ee: {  	[spmem:s2] =	stream.indirect.scatter.add.f32 [tilespmem:s12], [sflag:$0x2], $0x80, s4, s7, $0xb8;
	[tilespmem:$0x1FC00] =	vst v63  }
0x4ef: {  	s17 =	simm.s32 $0x300  }
0x4f0: {  	[tilespmem:s8], [sflag:$0x1] =	stream.indirect.gather [hbm4b:s3+s7], $0x80, s17, s7, $0xb8;
	[tilespmem:$0x1FC00] =	vst v63  }
0x4f1: {  	_ =	swait.ge [sflag:s10], $0x3200  }
0x4f2: {  	[sflag:s10] =	ssyncset.done $0x0  }
0x4f3: {  	[sflag:s10] =	ssyncadd.s32 $0xFFFFCE00  }
0x4f4: {  	_ =	swait.ge [sflag:s9], $0x3200  }
0x4f5: {  	[sflag:s9] =	ssyncset.done $0x0  }
0x4f6: {  	s4 =	simm.s32 $0x1280;
	[sflag:s9] =	ssyncadd.s32 $0xFFFFCE00  }
0x4f7: {  	[spmem:s2] =	stream.indirect.scatter.add.f32 [tilespmem:s11], [sflag:$0x2], $0x80, s4, s7, $0xb8;
	[tilespmem:$0x1FC00] =	vst v63  }
0x4f8: {  	s6 =	simm.s32 $0x380  }
0x4f9: {  	[tilespmem:s12], [sflag:$0x1] =	stream.indirect.gather [hbm4b:s3+s7], $0x80, s6, s7, $0xb8;
	[tilespmem:$0x1FC00] =	vst v63  }
0x4fa: {  	_ =	swait.ge [sflag:s10], $0x3200  }
0x4fb: {  	[sflag:s10] =	ssyncset.done $0x0  }
0x4fc: {  	[sflag:s10] =	ssyncadd.s32 $0xFFFFCE00  }
0x4fd: {  	_ =	swait.ge [sflag:s9], $0x3200  }
0x4fe: {  	[sflag:s9] =	ssyncset.done $0x0  }
0x4ff: {  	s18 =	simm.s32 $0x1300;
	[sflag:s9] =	ssyncadd.s32 $0xFFFFCE00  }
0x500: {  	[spmem:s2] =	stream.indirect.scatter.add.f32 [tilespmem:s8], [sflag:$0x2], $0x80, s18, s7, $0xb8;
	[tilespmem:$0x1FC00] =	vst v63  }
0x501: {  	s13 =	simm.s32 $0x400  }
0x502: {  	[tilespmem:s11], [sflag:$0x1] =	stream.indirect.gather [hbm4b:s3+s7], $0x80, s13, s7, $0xb8;
	[tilespmem:$0x1FC00] =	vst v63  }
0x503: {  	_ =	swait.ge [sflag:s10], $0x3200  }
0x504: {  	[sflag:s10] =	ssyncset.done $0x0  }
0x505: {  	[sflag:s10] =	ssyncadd.s32 $0xFFFFCE00  }
0x506: {  	_ =	swait.ge [sflag:s9], $0x3200  }
0x507: {  	[sflag:s9] =	ssyncset.done $0x0  }
0x508: {  	s1 =	simm.s32 $0x1380;
	[sflag:s9] =	ssyncadd.s32 $0xFFFFCE00  }
0x509: {  	[spmem:s2] =	stream.indirect.scatter.add.f32 [tilespmem:s12], [sflag:$0x2], $0x80, s1, s7, $0xb8;
	[tilespmem:$0x1FC00] =	vst v63  }
0x50a: {  	s14 =	simm.s32 $0x480  }
0x50b: {  	[tilespmem:s8], [sflag:$0x1] =	stream.indirect.gather [hbm4b:s3+s7], $0x80, s14, s7, $0xb8;
	[tilespmem:$0x1FC00] =	vst v63  }
0x50c: {  	_ =	swait.ge [sflag:s10], $0x3200  }
0x50d: {  	[sflag:s10] =	ssyncset.done $0x0  }
0x50e: {  	[sflag:s10] =	ssyncadd.s32 $0xFFFFCE00  }
0x50f: {  	_ =	swait.ge [sflag:s9], $0x3200  }
0x510: {  	[sflag:s9] =	ssyncset.done $0x0  }
0x511: {  	s15 =	simm.s32 $0x1400;
	[sflag:s9] =	ssyncadd.s32 $0xFFFFCE00  }
0x512: {  	[spmem:s2] =	stream.indirect.scatter.add.f32 [tilespmem:s11], [sflag:$0x2], $0x80, s15, s7, $0xb8;
	[tilespmem:$0x1FC00] =	vst v63  }
0x513: {  	s22 =	simm.s32 $0x500  }
0x514: {  	[tilespmem:s12], [sflag:$0x1] =	stream.indirect.gather [hbm4b:s3+s7], $0x80, s22, s7, $0xb8;
	[tilespmem:$0x1FC00] =	vst v63  }
0x515: {  	_ =	swait.ge [sflag:s10], $0x3200  }
0x516: {  	[sflag:s10] =	ssyncset.done $0x0  }
0x517: {  	[sflag:s10] =	ssyncadd.s32 $0xFFFFCE00  }
0x518: {  	_ =	swait.ge [sflag:s9], $0x3200  }
0x519: {  	[sflag:s9] =	ssyncset.done $0x0  }
0x51a: {  	s25 =	simm.s32 $0x1480;
	[sflag:s9] =	ssyncadd.s32 $0xFFFFCE00  }
0x51b: {  	[spmem:s2] =	stream.indirect.scatter.add.f32 [tilespmem:s8], [sflag:$0x2], $0x80, s25, s7, $0xb8;
	[tilespmem:$0x1FC00] =	vst v63  }
0x51c: {  	s24 =	simm.s32 $0x580  }
0x51d: {  	[tilespmem:s11], [sflag:$0x1] =	stream.indirect.gather [hbm4b:s3+s7], $0x80, s24, s7, $0xb8;
	[tilespmem:$0x1FC00] =	vst v63  }
0x51e: {  	_ =	swait.ge [sflag:s10], $0x3200  }
0x51f: {  	[sflag:s10] =	ssyncset.done $0x0  }
0x520: {  	[sflag:s10] =	ssyncadd.s32 $0xFFFFCE00  }
0x521: {  	_ =	swait.ge [sflag:s9], $0x3200  }
0x522: {  	[sflag:s9] =	ssyncset.done $0x0  }
0x523: {  	s25 =	simm.s32 $0x1500;
	[sflag:s9] =	ssyncadd.s32 $0xFFFFCE00  }
0x524: {  	[spmem:s2] =	stream.indirect.scatter.add.f32 [tilespmem:s12], [sflag:$0x2], $0x80, s25, s7, $0xb8;
	[tilespmem:$0x1FC00] =	vst v63  }
0x525: {  	s24 =	simm.s32 $0x600  }
0x526: {  	[tilespmem:s8], [sflag:$0x1] =	stream.indirect.gather [hbm4b:s3+s7], $0x80, s24, s7, $0xb8;
	[tilespmem:$0x1FC00] =	vst v63  }
0x527: {  	_ =	swait.ge [sflag:s10], $0x3200  }
0x528: {  	[sflag:s10] =	ssyncset.done $0x0  }
0x529: {  	[sflag:s10] =	ssyncadd.s32 $0xFFFFCE00  }
0x52a: {  	_ =	swait.ge [sflag:s9], $0x3200  }
0x52b: {  	[sflag:s9] =	ssyncset.done $0x0  }
0x52c: {  	s23 =	simm.s32 $0x1580;
	[sflag:s9] =	ssyncadd.s32 $0xFFFFCE00  }
0x52d: {  	[spmem:s2] =	stream.indirect.scatter.add.f32 [tilespmem:s11], [sflag:$0x2], $0x80, s23, s7, $0xb8;
	[tilespmem:$0x1FC00] =	vst v63  }
0x52e: {  	s15 =	simm.s32 $0x680  }
0x52f: {  	[tilespmem:s12], [sflag:$0x1] =	stream.indirect.gather [hbm4b:s3+s7], $0x80, s15, s7, $0xb8;
	[tilespmem:$0x1FC00] =	vst v63  }
0x530: {  	_ =	swait.ge [sflag:s10], $0x3200  }
0x531: {  	[sflag:s10] =	ssyncset.done $0x0  }
0x532: {  	[sflag:s10] =	ssyncadd.s32 $0xFFFFCE00  }
0x533: {  	_ =	swait.ge [sflag:s9], $0x3200  }
0x534: {  	[sflag:s9] =	ssyncset.done $0x0  }
0x535: {  	s23 =	simm.s32 $0x1600;
	[sflag:s9] =	ssyncadd.s32 $0xFFFFCE00  }
0x536: {  	[spmem:s2] =	stream.indirect.scatter.add.f32 [tilespmem:s8], [sflag:$0x2], $0x80, s23, s7, $0xb8;
	[tilespmem:$0x1FC00] =	vst v63  }
0x537: {  	s16 =	simm.s32 $0x700  }
0x538: {  	[tilespmem:s11], [sflag:$0x1] =	stream.indirect.gather [hbm4b:s3+s7], $0x80, s16, s7, $0xb8;
	[tilespmem:$0x1FC00] =	vst v63  }
0x539: {  	_ =	swait.ge [sflag:s10], $0x3200  }
0x53a: {  	[sflag:s10] =	ssyncset.done $0x0  }
0x53b: {  	[sflag:s10] =	ssyncadd.s32 $0xFFFFCE00  }
0x53c: {  	_ =	swait.ge [sflag:s9], $0x3200  }
0x53d: {  	[sflag:s9] =	ssyncset.done $0x0  }
0x53e: {  	s22 =	simm.s32 $0x1680;
	[sflag:s9] =	ssyncadd.s32 $0xFFFFCE00  }
0x53f: {  	[spmem:s2] =	stream.indirect.scatter.add.f32 [tilespmem:s12], [sflag:$0x2], $0x80, s22, s7, $0xb8;
	[tilespmem:$0x1FC00] =	vst v63  }
0x540: {  	s17 =	simm.s32 $0x780  }
0x541: {  	[tilespmem:s8], [sflag:$0x1] =	stream.indirect.gather [hbm4b:s3+s7], $0x80, s17, s7, $0xb8;
	[tilespmem:$0x1FC00] =	vst v63  }
0x542: {  	_ =	swait.ge [sflag:s10], $0x3200  }
0x543: {  	[sflag:s10] =	ssyncset.done $0x0  }
0x544: {  	[sflag:s10] =	ssyncadd.s32 $0xFFFFCE00  }
0x545: {  	_ =	swait.ge [sflag:s9], $0x3200  }
0x546: {  	[sflag:s9] =	ssyncset.done $0x0  }
0x547: {  	s20 =	simm.s32 $0x1700;
	[sflag:s9] =	ssyncadd.s32 $0xFFFFCE00  }
0x548: {  	[spmem:s2] =	stream.indirect.scatter.add.f32 [tilespmem:s11], [sflag:$0x2], $0x80, s20, s7, $0xb8;
	[tilespmem:$0x1FC00] =	vst v63  }
0x549: {  	s30 =	simm.s32 $0x800  }
0x54a: {  	[tilespmem:s12], [sflag:$0x1] =	stream.indirect.gather [hbm4b:s3+s7], $0x80, s30, s7, $0xb8;
	[tilespmem:$0x1FC00] =	vst v63  }
0x54b: {  	_ =	swait.ge [sflag:s10], $0x3200  }
0x54c: {  	[sflag:s10] =	ssyncset.done $0x0  }
0x54d: {  	[sflag:s10] =	ssyncadd.s32 $0xFFFFCE00  }
0x54e: {  	_ =	swait.ge [sflag:s9], $0x3200  }
0x54f: {  	[sflag:s9] =	ssyncset.done $0x0  }
0x550: {  	s29 =	simm.s32 $0x1780;
	[sflag:s9] =	ssyncadd.s32 $0xFFFFCE00  }
0x551: {  	[spmem:s2] =	stream.indirect.scatter.add.f32 [tilespmem:s8], [sflag:$0x2], $0x80, s29, s7, $0xb8;
	[tilespmem:$0x1FC00] =	vst v63  }
0x552: {  	s29 =	simm.s32 $0x880  }
0x553: {  	[tilespmem:s11], [sflag:$0x1] =	stream.indirect.gather [hbm4b:s3+s7], $0x80, s29, s7, $0xb8;
	[tilespmem:$0x1FC00] =	vst v63  }
0x554: {  	_ =	swait.ge [sflag:s10], $0x3200  }
0x555: {  	[sflag:s10] =	ssyncset.done $0x0  }
0x556: {  	[sflag:s10] =	ssyncadd.s32 $0xFFFFCE00  }
0x557: {  	_ =	swait.ge [sflag:s9], $0x3200  }
0x558: {  	[sflag:s9] =	ssyncset.done $0x0  }
0x559: {  	s30 =	simm.s32 $0x1800;
	[sflag:s9] =	ssyncadd.s32 $0xFFFFCE00  }
0x55a: {  	[spmem:s2] =	stream.indirect.scatter.add.f32 [tilespmem:s12], [sflag:$0x2], $0x80, s30, s7, $0xb8;
	[tilespmem:$0x1FC00] =	vst v63  }
0x55b: {  	s29 =	simm.s32 $0x900  }
0x55c: {  	[tilespmem:s8], [sflag:$0x1] =	stream.indirect.gather [hbm4b:s3+s7], $0x80, s29, s7, $0xb8;
	[tilespmem:$0x1FC00] =	vst v63  }
0x55d: {  	_ =	swait.ge [sflag:s10], $0x3200  }
0x55e: {  	[sflag:s10] =	ssyncset.done $0x0  }
0x55f: {  	[sflag:s10] =	ssyncadd.s32 $0xFFFFCE00  }
0x560: {  	_ =	swait.ge [sflag:s9], $0x3200  }
0x561: {  	[sflag:s9] =	ssyncset.done $0x0  }
0x562: {  	s30 =	simm.s32 $0x1880;
	[sflag:s9] =	ssyncadd.s32 $0xFFFFCE00  }
0x563: {  	[spmem:s2] =	stream.indirect.scatter.add.f32 [tilespmem:s11], [sflag:$0x2], $0x80, s30, s7, $0xb8;
	[tilespmem:$0x1FC00] =	vst v63  }
0x564: {  	s29 =	simm.s32 $0x980  }
0x565: {  	[tilespmem:s12], [sflag:$0x1] =	stream.indirect.gather [hbm4b:s3+s7], $0x80, s29, s7, $0xb8;
	[tilespmem:$0x1FC00] =	vst v63  }
0x566: {  	_ =	swait.ge [sflag:s10], $0x3200  }
0x567: {  	[sflag:s10] =	ssyncset.done $0x0  }
0x568: {  	[sflag:s10] =	ssyncadd.s32 $0xFFFFCE00  }
0x569: {  	_ =	swait.ge [sflag:s9], $0x3200  }
0x56a: {  	[sflag:s9] =	ssyncset.done $0x0  }
0x56b: {  	s30 =	simm.s32 $0x1900;
	[sflag:s9] =	ssyncadd.s32 $0xFFFFCE00  }
0x56c: {  	[spmem:s2] =	stream.indirect.scatter.add.f32 [tilespmem:s8], [sflag:$0x2], $0x80, s30, s7, $0xb8;
	[tilespmem:$0x1FC00] =	vst v63  }
0x56d: {  	s29 =	simm.s32 $0xA00  }
0x56e: {  	[tilespmem:s11], [sflag:$0x1] =	stream.indirect.gather [hbm4b:s3+s7], $0x80, s29, s7, $0xb8;
	[tilespmem:$0x1FC00] =	vst v63  }
0x56f: {  	_ =	swait.ge [sflag:s10], $0x3200  }
0x570: {  	[sflag:s10] =	ssyncset.done $0x0  }
0x571: {  	[sflag:s10] =	ssyncadd.s32 $0xFFFFCE00  }
0x572: {  	_ =	swait.ge [sflag:s9], $0x3200  }
0x573: {  	[sflag:s9] =	ssyncset.done $0x0  }
0x574: {  	s30 =	simm.s32 $0x1980;
	[sflag:s9] =	ssyncadd.s32 $0xFFFFCE00  }
0x575: {  	[spmem:s2] =	stream.indirect.scatter.add.f32 [tilespmem:s12], [sflag:$0x2], $0x80, s30, s7, $0xb8;
	[tilespmem:$0x1FC00] =	vst v63  }
0x576: {  	s29 =	simm.s32 $0xA80  }
0x577: {  	[tilespmem:s8], [sflag:$0x1] =	stream.indirect.gather [hbm4b:s3+s7], $0x80, s29, s7, $0xb8;
	[tilespmem:$0x1FC00] =	vst v63  }
0x578: {  	_ =	swait.ge [sflag:s10], $0x3200  }
0x579: {  	[sflag:s10] =	ssyncset.done $0x0  }
0x57a: {  	[sflag:s10] =	ssyncadd.s32 $0xFFFFCE00  }
0x57b: {  	_ =	swait.ge [sflag:s9], $0x3200  }
0x57c: {  	[sflag:s9] =	ssyncset.done $0x0  }
0x57d: {  	s30 =	simm.s32 $0x1A00;
	[sflag:s9] =	ssyncadd.s32 $0xFFFFCE00  }
0x57e: {  	[spmem:s2] =	stream.indirect.scatter.add.f32 [tilespmem:s11], [sflag:$0x2], $0x80, s30, s7, $0xb8;
	[tilespmem:$0x1FC00] =	vst v63  }
0x57f: {  	s29 =	simm.s32 $0xB00  }
0x580: {  	[tilespmem:s12], [sflag:$0x1] =	stream.indirect.gather [hbm4b:s3+s7], $0x80, s29, s7, $0xb8;
	[tilespmem:$0x1FC00] =	vst v63  }
0x581: {  	_ =	swait.ge [sflag:s10], $0x3200  }
0x582: {  	[sflag:s10] =	ssyncset.done $0x0  }
0x583: {  	[sflag:s10] =	ssyncadd.s32 $0xFFFFCE00  }
0x584: {  	_ =	swait.ge [sflag:s9], $0x3200  }
0x585: {  	[sflag:s9] =	ssyncset.done $0x0  }
0x586: {  	s30 =	simm.s32 $0x1A80;
	[sflag:s9] =	ssyncadd.s32 $0xFFFFCE00  }
0x587: {  	[spmem:s2] =	stream.indirect.scatter.add.f32 [tilespmem:s8], [sflag:$0x2], $0x80, s30, s7, $0xb8;
	[tilespmem:$0x1FC00] =	vst v63  }
0x588: {  	s29 =	simm.s32 $0xB80  }
0x589: {  	[tilespmem:s11], [sflag:$0x1] =	stream.indirect.gather [hbm4b:s3+s7], $0x80, s29, s7, $0xb8;
	[tilespmem:$0x1FC00] =	vst v63  }
0x58a: {  	_ =	swait.ge [sflag:s10], $0x3200  }
0x58b: {  	[sflag:s10] =	ssyncset.done $0x0  }
0x58c: {  	[sflag:s10] =	ssyncadd.s32 $0xFFFFCE00  }
0x58d: {  	_ =	swait.ge [sflag:s9], $0x3200  }
0x58e: {  	[sflag:s9] =	ssyncset.done $0x0  }
0x58f: {  	s30 =	simm.s32 $0x1B00;
	[sflag:s9] =	ssyncadd.s32 $0xFFFFCE00  }
0x590: {  	[spmem:s2] =	stream.indirect.scatter.add.f32 [tilespmem:s12], [sflag:$0x2], $0x80, s30, s7, $0xb8;
	[tilespmem:$0x1FC00] =	vst v63  }
0x591: {  	s29 =	simm.s32 $0xC00  }
0x592: {  	[tilespmem:s8], [sflag:$0x1] =	stream.indirect.gather [hbm4b:s3+s7], $0x80, s29, s7, $0xb8;
	[tilespmem:$0x1FC00] =	vst v63  }
0x593: {  	_ =	swait.ge [sflag:s10], $0x3200  }
0x594: {  	[sflag:s10] =	ssyncset.done $0x0  }
0x595: {  	[sflag:s10] =	ssyncadd.s32 $0xFFFFCE00  }
0x596: {  	_ =	swait.ge [sflag:s9], $0x3200  }
0x597: {  	[sflag:s9] =	ssyncset.done $0x0  }
0x598: {  	s31 =	simm.s32 $0x1B80;
	[sflag:s9] =	ssyncadd.s32 $0xFFFFCE00  }
0x599: {  	[spmem:s2] =	stream.indirect.scatter.add.f32 [tilespmem:s11], [sflag:$0x2], $0x80, s31, s7, $0xb8;
	[tilespmem:$0x1FC00] =	vst v63  }
0x59a: {  	_ =	swait.ge [sflag:s10], $0x3200  }
0x59b: {  	[sflag:s10] =	ssyncset.done $0x0  }
0x59c: {  	[sflag:s10] =	ssyncadd.s32 $0xFFFFCE00  }
0x59d: {  	_ =	swait.ge [sflag:s9], $0x3200  }
0x59e: {  	[sflag:s9] =	ssyncset.done $0x0  }
0x59f: {  	s30 =	simm.s32 $0x1C00;
	[sflag:s9] =	ssyncadd.s32 $0xFFFFCE00  }
0x5a0: {  	[spmem:s2] =	stream.indirect.scatter.add.f32 [tilespmem:s8], [sflag:$0x2], $0x80, s30, s7, $0xb8;
	[tilespmem:$0x1FC00] =	vst v63  }
0x5a1: {  	_ =	swait.ge [sflag:s9], $0x3200  }
0x5a2: {  	[sflag:s9] =	ssyncset.done $0x0  }
0x5a3: {  	s31 =	rddreg [dreg:$0x9];
	[sflag:s9] =	ssyncadd.s32 $0xFFFFCE00  }
0x5a4: {  	[tilespmem:s0], [sflag:$0x3] =	stream.linear.gather [hbm4b:s31+s0], $0xC80, $0x38;
	[tilespmem:$0x1FC00] =	vst v63  }
0x5a5: {  	_ =	swait.ge [sflag:s5], $0xC80  }
0x5a6: {  	[sflag:s5] =	ssyncset.done $0x0  }
0x5a7: {  	s29 =	rddreg [dreg:$0xa];
	[sflag:s5] =	ssyncadd.s32 $0xFFFFF380  }
0x5a8: {  	[tilespmem:s28], [sflag:$0x3] =	stream.linear.gather [hbm4b:s29+s0], $0xC80, $0x38;
	[tilespmem:$0x1FC00] =	vst v63  }
0x5a9: {  	_ =	swait.ge [sflag:s5], $0xC80  }
0x5aa: {  	[sflag:s5] =	ssyncset.done $0x0  }
0x5ab: {  	[sflag:s5] =	ssyncadd.s32 $0xFFFFF380  }
0x5ac: {  	[tilespmem:s8], [sflag:$0x1] =	stream.indirect.gather [hbm4b:s3+s7], $0x80, s0, s7, $0xb8;
	[tilespmem:$0x1FC00] =	vst v63  }
0x5ad: {  	s30 =	simm.s32 $0x80  }
0x5ae: {  	[tilespmem:s12], [sflag:$0x1] =	stream.indirect.gather [hbm4b:s3+s7], $0x80, s30, s7, $0xb8;
	[tilespmem:$0x1FC00] =	vst v63  }
0x5af: {  	_ =	swait.ge [sflag:s10], $0x3200  }
0x5b0: {  	[sflag:s10] =	ssyncset.done $0x0  }
0x5b1: {  	[sflag:s10] =	ssyncadd.s32 $0xFFFFCE00  }
0x5b2: {  	[spmem:s2] =	stream.indirect.scatter.add.f32 [tilespmem:s8], [sflag:$0x2], $0x80, s28, s7, $0xb8;
	[tilespmem:$0x1FC00] =	vst v63  }
0x5b3: {  	_ = 	snop  }
0x5b4: {  	[tilespmem:s11], [sflag:$0x1] =	stream.indirect.gather [hbm4b:s3+s7], $0x80, s26, s7, $0xb8;
	[tilespmem:$0x1FC00] =	vst v63  }
0x5b5: {  	_ =	swait.ge [sflag:s10], $0x3200  }
0x5b6: {  	[sflag:s10] =	ssyncset.done $0x0  }
0x5b7: {  	[sflag:s10] =	ssyncadd.s32 $0xFFFFCE00  }
0x5b8: {  	_ =	swait.ge [sflag:s9], $0x3200  }
0x5b9: {  	[sflag:s9] =	ssyncset.done $0x0  }
0x5ba: {  	s31 =	simm.s32 $0x1080;
	[sflag:s9] =	ssyncadd.s32 $0xFFFFCE00  }
0x5bb: {  	[spmem:s2] =	stream.indirect.scatter.add.f32 [tilespmem:s12], [sflag:$0x2], $0x80, s31, s7, $0xb8;
	[tilespmem:$0x1FC00] =	vst v63  }
0x5bc: {  	s26 =	simm.s32 $0x180  }
0x5bd: {  	[tilespmem:s8], [sflag:$0x1] =	stream.indirect.gather [hbm4b:s3+s7], $0x80, s26, s7, $0xb8;
	[tilespmem:$0x1FC00] =	vst v63  }
0x5be: {  	_ =	swait.ge [sflag:s10], $0x3200  }
0x5bf: {  	[sflag:s10] =	ssyncset.done $0x0  }
0x5c0: {  	[sflag:s10] =	ssyncadd.s32 $0xFFFFCE00  }
0x5c1: {  	_ =	swait.ge [sflag:s9], $0x3200  }
0x5c2: {  	[sflag:s9] =	ssyncset.done $0x0  }
0x5c3: {  	s29 =	simm.s32 $0x1100;
	[sflag:s9] =	ssyncadd.s32 $0xFFFFCE00  }
0x5c4: {  	[spmem:s2] =	stream.indirect.scatter.add.f32 [tilespmem:s11], [sflag:$0x2], $0x80, s29, s7, $0xb8;
	[tilespmem:$0x1FC00] =	vst v63  }
0x5c5: {  	_ = 	snop  }
0x5c6: {  	[tilespmem:s12], [sflag:$0x1] =	stream.indirect.gather [hbm4b:s3+s7], $0x80, s21, s7, $0xb8;
	[tilespmem:$0x1FC00] =	vst v63  }
0x5c7: {  	_ =	swait.ge [sflag:s10], $0x3200  }
0x5c8: {  	[sflag:s10] =	ssyncset.done $0x0  }
0x5c9: {  	[sflag:s10] =	ssyncadd.s32 $0xFFFFCE00  }
0x5ca: {  	_ =	swait.ge [sflag:s9], $0x3200  }
0x5cb: {  	[sflag:s9] =	ssyncset.done $0x0  }
0x5cc: {  	s31 =	simm.s32 $0x1180;
	[sflag:s9] =	ssyncadd.s32 $0xFFFFCE00  }
0x5cd: {  	[spmem:s2] =	stream.indirect.scatter.add.f32 [tilespmem:s8], [sflag:$0x2], $0x80, s31, s7, $0xb8;
	[tilespmem:$0x1FC00] =	vst v63  }
0x5ce: {  	s21 =	simm.s32 $0x280  }
0x5cf: {  	[tilespmem:s11], [sflag:$0x1] =	stream.indirect.gather [hbm4b:s3+s7], $0x80, s21, s7, $0xb8;
	[tilespmem:$0x1FC00] =	vst v63  }
0x5d0: {  	_ =	swait.ge [sflag:s10], $0x3200  }
0x5d1: {  	[sflag:s10] =	ssyncset.done $0x0  }
0x5d2: {  	[sflag:s10] =	ssyncadd.s32 $0xFFFFCE00  }
0x5d3: {  	_ =	swait.ge [sflag:s9], $0x3200  }
0x5d4: {  	[sflag:s9] =	ssyncset.done $0x0  }
0x5d5: {  	s29 =	simm.s32 $0x1200;
	[sflag:s9] =	ssyncadd.s32 $0xFFFFCE00  }
0x5d6: {  	[spmem:s2] =	stream.indirect.scatter.add.f32 [tilespmem:s12], [sflag:$0x2], $0x80, s29, s7, $0xb8;
	[tilespmem:$0x1FC00] =	vst v63  }
0x5d7: {  	s31 =	simm.s32 $0x300  }
0x5d8: {  	[tilespmem:s8], [sflag:$0x1] =	stream.indirect.gather [hbm4b:s3+s7], $0x80, s31, s7, $0xb8;
	[tilespmem:$0x1FC00] =	vst v63  }
0x5d9: {  	_ =	swait.ge [sflag:s10], $0x3200  }
0x5da: {  	[sflag:s10] =	ssyncset.done $0x0  }
0x5db: {  	[sflag:s10] =	ssyncadd.s32 $0xFFFFCE00  }
0x5dc: {  	_ =	swait.ge [sflag:s9], $0x3200  }
0x5dd: {  	[sflag:s9] =	ssyncset.done $0x0  }
0x5de: {  	[sflag:s9] =	ssyncadd.s32 $0xFFFFCE00  }
0x5df: {  	[spmem:s2] =	stream.indirect.scatter.add.f32 [tilespmem:s11], [sflag:$0x2], $0x80, s4, s7, $0xb8;
	[tilespmem:$0x1FC00] =	vst v63  }
0x5e0: {  	_ = 	snop  }
0x5e1: {  	[tilespmem:s12], [sflag:$0x1] =	stream.indirect.gather [hbm4b:s3+s7], $0x80, s6, s7, $0xb8;
	[tilespmem:$0x1FC00] =	vst v63  }
0x5e2: {  	_ =	swait.ge [sflag:s10], $0x3200  }
0x5e3: {  	[sflag:s10] =	ssyncset.done $0x0  }
0x5e4: {  	[sflag:s10] =	ssyncadd.s32 $0xFFFFCE00  }
0x5e5: {  	_ =	swait.ge [sflag:s9], $0x3200  }
0x5e6: {  	[sflag:s9] =	ssyncset.done $0x0  }
0x5e7: {  	[sflag:s9] =	ssyncadd.s32 $0xFFFFCE00  }
0x5e8: {  	[spmem:s2] =	stream.indirect.scatter.add.f32 [tilespmem:s8], [sflag:$0x2], $0x80, s18, s7, $0xb8;
	[tilespmem:$0x1FC00] =	vst v63  }
0x5e9: {  	_ = 	snop  }
0x5ea: {  	[tilespmem:s11], [sflag:$0x1] =	stream.indirect.gather [hbm4b:s3+s7], $0x80, s13, s7, $0xb8;
	[tilespmem:$0x1FC00] =	vst v63  }
0x5eb: {  	_ =	swait.ge [sflag:s10], $0x3200  }
0x5ec: {  	[sflag:s10] =	ssyncset.done $0x0  }
0x5ed: {  	[sflag:s10] =	ssyncadd.s32 $0xFFFFCE00  }
0x5ee: {  	_ =	swait.ge [sflag:s9], $0x3200  }
0x5ef: {  	[sflag:s9] =	ssyncset.done $0x0  }
0x5f0: {  	[sflag:s9] =	ssyncadd.s32 $0xFFFFCE00  }
0x5f1: {  	[spmem:s2] =	stream.indirect.scatter.add.f32 [tilespmem:s12], [sflag:$0x2], $0x80, s1, s7, $0xb8;
	[tilespmem:$0x1FC00] =	vst v63  }
0x5f2: {  	_ = 	snop  }
0x5f3: {  	[tilespmem:s8], [sflag:$0x1] =	stream.indirect.gather [hbm4b:s3+s7], $0x80, s14, s7, $0xb8;
	[tilespmem:$0x1FC00] =	vst v63  }
0x5f4: {  	_ =	swait.ge [sflag:s10], $0x3200  }
0x5f5: {  	[sflag:s10] =	ssyncset.done $0x0  }
0x5f6: {  	[sflag:s10] =	ssyncadd.s32 $0xFFFFCE00  }
0x5f7: {  	_ =	swait.ge [sflag:s9], $0x3200  }
0x5f8: {  	[sflag:s9] =	ssyncset.done $0x0  }
0x5f9: {  	s21 =	simm.s32 $0x1400;
	[sflag:s9] =	ssyncadd.s32 $0xFFFFCE00  }
0x5fa: {  	[spmem:s2] =	stream.indirect.scatter.add.f32 [tilespmem:s11], [sflag:$0x2], $0x80, s21, s7, $0xb8;
	[tilespmem:$0x1FC00] =	vst v63  }
0x5fb: {  	s31 =	simm.s32 $0x500  }
0x5fc: {  	[tilespmem:s12], [sflag:$0x1] =	stream.indirect.gather [hbm4b:s3+s7], $0x80, s31, s7, $0xb8;
	[tilespmem:$0x1FC00] =	vst v63  }
0x5fd: {  	_ =	swait.ge [sflag:s10], $0x3200  }
0x5fe: {  	[sflag:s10] =	ssyncset.done $0x0  }
0x5ff: {  	[sflag:s10] =	ssyncadd.s32 $0xFFFFCE00  }
0x600: {  	_ =	swait.ge [sflag:s9], $0x3200  }
0x601: {  	[sflag:s9] =	ssyncset.done $0x0  }
0x602: {  	s20 =	simm.s32 $0x1480;
	[sflag:s9] =	ssyncadd.s32 $0xFFFFCE00  }
0x603: {  	[spmem:s2] =	stream.indirect.scatter.add.f32 [tilespmem:s8], [sflag:$0x2], $0x80, s20, s7, $0xb8;
	[tilespmem:$0x1FC00] =	vst v63  }
0x604: {  	s21 =	simm.s32 $0x580  }
0x605: {  	[tilespmem:s11], [sflag:$0x1] =	stream.indirect.gather [hbm4b:s3+s7], $0x80, s21, s7, $0xb8;
	[tilespmem:$0x1FC00] =	vst v63  }
0x606: {  	_ =	swait.ge [sflag:s10], $0x3200  }
0x607: {  	[sflag:s10] =	ssyncset.done $0x0  }
0x608: {  	[sflag:s10] =	ssyncadd.s32 $0xFFFFCE00  }
0x609: {  	_ =	swait.ge [sflag:s9], $0x3200  }
0x60a: {  	[sflag:s9] =	ssyncset.done $0x0  }
0x60b: {  	[sflag:s9] =	ssyncadd.s32 $0xFFFFCE00  }
0x60c: {  	[spmem:s2] =	stream.indirect.scatter.add.f32 [tilespmem:s12], [sflag:$0x2], $0x80, s25, s7, $0xb8;
	[tilespmem:$0x1FC00] =	vst v63  }
0x60d: {  	_ = 	snop  }
0x60e: {  	[tilespmem:s8], [sflag:$0x1] =	stream.indirect.gather [hbm4b:s3+s7], $0x80, s24, s7, $0xb8;
	[tilespmem:$0x1FC00] =	vst v63  }
0x60f: {  	_ =	swait.ge [sflag:s10], $0x3200  }
0x610: {  	[sflag:s10] =	ssyncset.done $0x0  }
0x611: {  	[sflag:s10] =	ssyncadd.s32 $0xFFFFCE00  }
0x612: {  	_ =	swait.ge [sflag:s9], $0x3200  }
0x613: {  	[sflag:s9] =	ssyncset.done $0x0  }
0x614: {  	s31 =	simm.s32 $0x1580;
	[sflag:s9] =	ssyncadd.s32 $0xFFFFCE00  }
0x615: {  	[spmem:s2] =	stream.indirect.scatter.add.f32 [tilespmem:s11], [sflag:$0x2], $0x80, s31, s7, $0xb8;
	[tilespmem:$0x1FC00] =	vst v63  }
0x616: {  	_ = 	snop  }
0x617: {  	[tilespmem:s12], [sflag:$0x1] =	stream.indirect.gather [hbm4b:s3+s7], $0x80, s15, s7, $0xb8;
	[tilespmem:$0x1FC00] =	vst v63  }
0x618: {  	_ =	swait.ge [sflag:s10], $0x3200  }
0x619: {  	[sflag:s10] =	ssyncset.done $0x0  }
0x61a: {  	[sflag:s10] =	ssyncadd.s32 $0xFFFFCE00  }
0x61b: {  	_ =	swait.ge [sflag:s9], $0x3200  }
0x61c: {  	[sflag:s9] =	ssyncset.done $0x0  }
0x61d: {  	[sflag:s9] =	ssyncadd.s32 $0xFFFFCE00  }
0x61e: {  	[spmem:s2] =	stream.indirect.scatter.add.f32 [tilespmem:s8], [sflag:$0x2], $0x80, s23, s7, $0xb8;
	[tilespmem:$0x1FC00] =	vst v63  }
0x61f: {  	_ = 	snop  }
0x620: {  	[tilespmem:s11], [sflag:$0x1] =	stream.indirect.gather [hbm4b:s3+s7], $0x80, s16, s7, $0xb8;
	[tilespmem:$0x1FC00] =	vst v63  }
0x621: {  	_ =	swait.ge [sflag:s10], $0x3200  }
0x622: {  	[sflag:s10] =	ssyncset.done $0x0  }
0x623: {  	[sflag:s10] =	ssyncadd.s32 $0xFFFFCE00  }
0x624: {  	_ =	swait.ge [sflag:s9], $0x3200  }
0x625: {  	[sflag:s9] =	ssyncset.done $0x0  }
0x626: {  	[sflag:s9] =	ssyncadd.s32 $0xFFFFCE00  }
0x627: {  	[spmem:s2] =	stream.indirect.scatter.add.f32 [tilespmem:s12], [sflag:$0x2], $0x80, s22, s7, $0xb8;
	[tilespmem:$0x1FC00] =	vst v63  }
0x628: {  	_ = 	snop  }
0x629: {  	[tilespmem:s8], [sflag:$0x1] =	stream.indirect.gather [hbm4b:s3+s7], $0x80, s17, s7, $0xb8;
	[tilespmem:$0x1FC00] =	vst v63  }
0x62a: {  	_ =	swait.ge [sflag:s10], $0x3200  }
0x62b: {  	[sflag:s10] =	ssyncset.done $0x0  }
0x62c: {  	[sflag:s10] =	ssyncadd.s32 $0xFFFFCE00  }
0x62d: {  	_ =	swait.ge [sflag:s9], $0x3200  }
0x62e: {  	[sflag:s9] =	ssyncset.done $0x0  }
0x62f: {  	s20 =	simm.s32 $0x1700;
	[sflag:s9] =	ssyncadd.s32 $0xFFFFCE00  }
0x630: {  	[spmem:s2] =	stream.indirect.scatter.add.f32 [tilespmem:s11], [sflag:$0x2], $0x80, s20, s7, $0xb8;
	[tilespmem:$0x1FC00] =	vst v63  }
0x631: {  	s24 =	simm.s32 $0x800  }
0x632: {  	[tilespmem:s12], [sflag:$0x1] =	stream.indirect.gather [hbm4b:s3+s7], $0x80, s24, s7, $0xb8;
	[tilespmem:$0x1FC00] =	vst v63  }
0x633: {  	_ =	swait.ge [sflag:s10], $0x3200  }
0x634: {  	[sflag:s10] =	ssyncset.done $0x0  }
0x635: {  	[sflag:s10] =	ssyncadd.s32 $0xFFFFCE00  }
0x636: {  	_ =	swait.ge [sflag:s9], $0x3200  }
0x637: {  	[sflag:s9] =	ssyncset.done $0x0  }
0x638: {  	s31 =	simm.s32 $0x1780;
	[sflag:s9] =	ssyncadd.s32 $0xFFFFCE00  }
0x639: {  	[spmem:s2] =	stream.indirect.scatter.add.f32 [tilespmem:s8], [sflag:$0x2], $0x80, s31, s7, $0xb8;
	[tilespmem:$0x1FC00] =	vst v63  }
0x63a: {  	s20 =	simm.s32 $0x880  }
0x63b: {  	[tilespmem:s11], [sflag:$0x1] =	stream.indirect.gather [hbm4b:s3+s7], $0x80, s20, s7, $0xb8;
	[tilespmem:$0x1FC00] =	vst v63  }
0x63c: {  	_ =	swait.ge [sflag:s10], $0x3200  }
0x63d: {  	[sflag:s10] =	ssyncset.done $0x0  }
0x63e: {  	[sflag:s10] =	ssyncadd.s32 $0xFFFFCE00  }
0x63f: {  	_ =	swait.ge [sflag:s9], $0x3200  }
0x640: {  	[sflag:s9] =	ssyncset.done $0x0  }
0x641: {  	s24 =	simm.s32 $0x1800;
	[sflag:s9] =	ssyncadd.s32 $0xFFFFCE00  }
0x642: {  	[spmem:s2] =	stream.indirect.scatter.add.f32 [tilespmem:s12], [sflag:$0x2], $0x80, s24, s7, $0xb8;
	[tilespmem:$0x1FC00] =	vst v63  }
0x643: {  	s31 =	simm.s32 $0x900  }
0x644: {  	[tilespmem:s8], [sflag:$0x1] =	stream.indirect.gather [hbm4b:s3+s7], $0x80, s31, s7, $0xb8;
	[tilespmem:$0x1FC00] =	vst v63  }
0x645: {  	_ =	swait.ge [sflag:s10], $0x3200  }
0x646: {  	[sflag:s10] =	ssyncset.done $0x0  }
0x647: {  	[sflag:s10] =	ssyncadd.s32 $0xFFFFCE00  }
0x648: {  	_ =	swait.ge [sflag:s9], $0x3200  }
0x649: {  	[sflag:s9] =	ssyncset.done $0x0  }
0x64a: {  	s20 =	simm.s32 $0x1880;
	[sflag:s9] =	ssyncadd.s32 $0xFFFFCE00  }
0x64b: {  	[spmem:s2] =	stream.indirect.scatter.add.f32 [tilespmem:s11], [sflag:$0x2], $0x80, s20, s7, $0xb8;
	[tilespmem:$0x1FC00] =	vst v63  }
0x64c: {  	s24 =	simm.s32 $0x980  }
0x64d: {  	[tilespmem:s12], [sflag:$0x1] =	stream.indirect.gather [hbm4b:s3+s7], $0x80, s24, s7, $0xb8;
	[tilespmem:$0x1FC00] =	vst v63  }
0x64e: {  	_ =	swait.ge [sflag:s10], $0x3200  }
0x64f: {  	[sflag:s10] =	ssyncset.done $0x0  }
0x650: {  	[sflag:s10] =	ssyncadd.s32 $0xFFFFCE00  }
0x651: {  	_ =	swait.ge [sflag:s9], $0x3200  }
0x652: {  	[sflag:s9] =	ssyncset.done $0x0  }
0x653: {  	s31 =	simm.s32 $0x1900;
	[sflag:s9] =	ssyncadd.s32 $0xFFFFCE00  }
0x654: {  	[spmem:s2] =	stream.indirect.scatter.add.f32 [tilespmem:s8], [sflag:$0x2], $0x80, s31, s7, $0xb8;
	[tilespmem:$0x1FC00] =	vst v63  }
0x655: {  	s20 =	simm.s32 $0xA00  }
0x656: {  	[tilespmem:s11], [sflag:$0x1] =	stream.indirect.gather [hbm4b:s3+s7], $0x80, s20, s7, $0xb8;
	[tilespmem:$0x1FC00] =	vst v63  }
0x657: {  	_ =	swait.ge [sflag:s10], $0x3200  }
0x658: {  	[sflag:s10] =	ssyncset.done $0x0  }
0x659: {  	[sflag:s10] =	ssyncadd.s32 $0xFFFFCE00  }
0x65a: {  	_ =	swait.ge [sflag:s9], $0x3200  }
0x65b: {  	[sflag:s9] =	ssyncset.done $0x0  }
0x65c: {  	s24 =	simm.s32 $0x1980;
	[sflag:s9] =	ssyncadd.s32 $0xFFFFCE00  }
0x65d: {  	[spmem:s2] =	stream.indirect.scatter.add.f32 [tilespmem:s12], [sflag:$0x2], $0x80, s24, s7, $0xb8;
	[tilespmem:$0x1FC00] =	vst v63  }
0x65e: {  	s20 =	simm.s32 $0xA80  }
0x65f: {  	[tilespmem:s8], [sflag:$0x1] =	stream.indirect.gather [hbm4b:s3+s7], $0x80, s20, s7, $0xb8;
	[tilespmem:$0x1FC00] =	vst v63  }
0x660: {  	_ =	swait.ge [sflag:s10], $0x3200  }
0x661: {  	[sflag:s10] =	ssyncset.done $0x0  }
0x662: {  	[sflag:s10] =	ssyncadd.s32 $0xFFFFCE00  }
0x663: {  	_ =	swait.ge [sflag:s9], $0x3200  }
0x664: {  	[sflag:s9] =	ssyncset.done $0x0  }
0x665: {  	s20 =	simm.s32 $0x1A00;
	[sflag:s9] =	ssyncadd.s32 $0xFFFFCE00  }
0x666: {  	[spmem:s2] =	stream.indirect.scatter.add.f32 [tilespmem:s11], [sflag:$0x2], $0x80, s20, s7, $0xb8;
	[tilespmem:$0x1FC00] =	vst v63  }
0x667: {  	s20 =	simm.s32 $0xB00  }
0x668: {  	[tilespmem:s12], [sflag:$0x1] =	stream.indirect.gather [hbm4b:s3+s7], $0x80, s20, s7, $0xb8;
	[tilespmem:$0x1FC00] =	vst v63  }
0x669: {  	_ =	swait.ge [sflag:s10], $0x3200  }
0x66a: {  	[sflag:s10] =	ssyncset.done $0x0  }
0x66b: {  	[sflag:s10] =	ssyncadd.s32 $0xFFFFCE00  }
0x66c: {  	_ =	swait.ge [sflag:s9], $0x3200  }
0x66d: {  	[sflag:s9] =	ssyncset.done $0x0  }
0x66e: {  	s20 =	simm.s32 $0x1A80;
	[sflag:s9] =	ssyncadd.s32 $0xFFFFCE00  }
0x66f: {  	[spmem:s2] =	stream.indirect.scatter.add.f32 [tilespmem:s8], [sflag:$0x2], $0x80, s20, s7, $0xb8;
	[tilespmem:$0x1FC00] =	vst v63  }
0x670: {  	s20 =	simm.s32 $0xB80  }
0x671: {  	[tilespmem:s11], [sflag:$0x1] =	stream.indirect.gather [hbm4b:s3+s7], $0x80, s20, s7, $0xb8;
	[tilespmem:$0x1FC00] =	vst v63  }
0x672: {  	_ =	swait.ge [sflag:s10], $0x3200  }
0x673: {  	[sflag:s10] =	ssyncset.done $0x0  }
0x674: {  	[sflag:s10] =	ssyncadd.s32 $0xFFFFCE00  }
0x675: {  	_ =	swait.ge [sflag:s9], $0x3200  }
0x676: {  	[sflag:s9] =	ssyncset.done $0x0  }
0x677: {  	s20 =	simm.s32 $0x1B00;
	[sflag:s9] =	ssyncadd.s32 $0xFFFFCE00  }
0x678: {  	[spmem:s2] =	stream.indirect.scatter.add.f32 [tilespmem:s12], [sflag:$0x2], $0x80, s20, s7, $0xb8;
	[tilespmem:$0x1FC00] =	vst v63  }
0x679: {  	s20 =	simm.s32 $0xC00  }
0x67a: {  	[tilespmem:s8], [sflag:$0x1] =	stream.indirect.gather [hbm4b:s3+s7], $0x80, s20, s7, $0xb8;
	[tilespmem:$0x1FC00] =	vst v63  }
0x67b: {  	_ =	swait.ge [sflag:s10], $0x3200  }
0x67c: {  	[sflag:s10] =	ssyncset.done $0x0  }
0x67d: {  	[sflag:s10] =	ssyncadd.s32 $0xFFFFCE00  }
0x67e: {  	_ =	swait.ge [sflag:s9], $0x3200  }
0x67f: {  	[sflag:s9] =	ssyncset.done $0x0  }
0x680: {  	s20 =	simm.s32 $0x1B80;
	[sflag:s9] =	ssyncadd.s32 $0xFFFFCE00  }
0x681: {  	[spmem:s2] =	stream.indirect.scatter.add.f32 [tilespmem:s11], [sflag:$0x2], $0x80, s20, s7, $0xb8;
	[tilespmem:$0x1FC00] =	vst v63  }
0x682: {  	_ =	swait.ge [sflag:s10], $0x3200  }
0x683: {  	[sflag:s10] =	ssyncset.done $0x0  }
0x684: {  	[sflag:s10] =	ssyncadd.s32 $0xFFFFCE00  }
0x685: {  	_ =	swait.ge [sflag:s9], $0x3200  }
0x686: {  	[sflag:s9] =	ssyncset.done $0x0  }
0x687: {  	s20 =	simm.s32 $0x1C00;
	[sflag:s9] =	ssyncadd.s32 $0xFFFFCE00  }
0x688: {  	[spmem:s2] =	stream.indirect.scatter.add.f32 [tilespmem:s8], [sflag:$0x2], $0x80, s20, s7, $0xb8;
	[tilespmem:$0x1FC00] =	vst v63  }
0x689: {  	_ =	swait.ge [sflag:s9], $0x3200  }
0x68a: {  	[sflag:s9] =	ssyncset.done $0x0  }
0x68b: {  	s4 =	rddreg [dreg:$0xb];
	[sflag:s9] =	ssyncadd.s32 $0xFFFFCE00  }
0x68c: {  	[tilespmem:s0], [sflag:$0x3] =	stream.linear.gather [hbm4b:s4+s0], $0xC80, $0x38;
	[tilespmem:$0x1FC00] =	vst v63  }
0x68d: {  	_ =	swait.ge [sflag:s5], $0xC80  }
0x68e: {  	[sflag:s5] =	ssyncset.done $0x0  }
0x68f: {  	s4 =	rddreg [dreg:$0xc];
	[sflag:s5] =	ssyncadd.s32 $0xFFFFF380  }
0x690: {  	[tilespmem:s28], [sflag:$0x3] =	stream.linear.gather [hbm4b:s4+s0], $0xC80, $0x38;
	[tilespmem:$0x1FC00] =	vst v63  }
0x691: {  	_ =	swait.ge [sflag:s5], $0xC80  }
0x692: {  	[sflag:s5] =	ssyncset.done $0x0  }
0x693: {  	s0 =	simm.s32 $0x0;
	[sflag:s5] =	ssyncadd.s32 $0xFFFFF380  }
0x694: {  	[tilespmem:s8], [sflag:$0x1] =	stream.indirect.gather [hbm4b:s3+s7], $0x80, s0, s7, $0xb8;
	[tilespmem:$0x1FC00] =	vst v63  }
0x695: {  	s20 =	simm.s32 $0x80  }
0x696: {  	[tilespmem:s12], [sflag:$0x1] =	stream.indirect.gather [hbm4b:s3+s7], $0x80, s20, s7, $0xb8;
	[tilespmem:$0x1FC00] =	vst v63  }
0x697: {  	_ =	swait.ge [sflag:s10], $0x3200  }
0x698: {  	[sflag:s10] =	ssyncset.done $0x0  }
0x699: {  	s4 =	simm.s32 $0x1000;
	[sflag:s10] =	ssyncadd.s32 $0xFFFFCE00  }
0x69a: {  	[spmem:s2] =	stream.indirect.scatter.add.f32 [tilespmem:s8], [sflag:$0x2], $0x80, s4, s7, $0xb8;
	[tilespmem:$0x1FC00] =	vst v63  }
0x69b: {  	s30 =	simm.s32 $0x100  }
0x69c: {  	[tilespmem:s11], [sflag:$0x1] =	stream.indirect.gather [hbm4b:s3+s7], $0x80, s30, s7, $0xb8;
	[tilespmem:$0x1FC00] =	vst v63  }
0x69d: {  	_ =	swait.ge [sflag:s10], $0x3200  }
0x69e: {  	[sflag:s10] =	ssyncset.done $0x0  }
0x69f: {  	[sflag:s10] =	ssyncadd.s32 $0xFFFFCE00  }
0x6a0: {  	_ =	swait.ge [sflag:s9], $0x3200  }
0x6a1: {  	[sflag:s9] =	ssyncset.done $0x0  }
0x6a2: {  	s30 =	simm.s32 $0x1080;
	[sflag:s9] =	ssyncadd.s32 $0xFFFFCE00  }
0x6a3: {  	[spmem:s2] =	stream.indirect.scatter.add.f32 [tilespmem:s12], [sflag:$0x2], $0x80, s30, s7, $0xb8;
	[tilespmem:$0x1FC00] =	vst v63  }
0x6a4: {  	s30 =	simm.s32 $0x180  }
0x6a5: {  	[tilespmem:s8], [sflag:$0x1] =	stream.indirect.gather [hbm4b:s3+s7], $0x80, s30, s7, $0xb8;
	[tilespmem:$0x1FC00] =	vst v63  }
0x6a6: {  	_ =	swait.ge [sflag:s10], $0x3200  }
0x6a7: {  	[sflag:s10] =	ssyncset.done $0x0  }
0x6a8: {  	[sflag:s10] =	ssyncadd.s32 $0xFFFFCE00  }
0x6a9: {  	_ =	swait.ge [sflag:s9], $0x3200  }
0x6aa: {  	[sflag:s9] =	ssyncset.done $0x0  }
0x6ab: {  	s30 =	simm.s32 $0x1100;
	[sflag:s9] =	ssyncadd.s32 $0xFFFFCE00  }
0x6ac: {  	[spmem:s2] =	stream.indirect.scatter.add.f32 [tilespmem:s11], [sflag:$0x2], $0x80, s30, s7, $0xb8;
	[tilespmem:$0x1FC00] =	vst v63  }
0x6ad: {  	s26 =	simm.s32 $0x200  }
0x6ae: {  	[tilespmem:s12], [sflag:$0x1] =	stream.indirect.gather [hbm4b:s3+s7], $0x80, s26, s7, $0xb8;
	[tilespmem:$0x1FC00] =	vst v63  }
0x6af: {  	_ =	swait.ge [sflag:s10], $0x3200  }
0x6b0: {  	[sflag:s10] =	ssyncset.done $0x0  }
0x6b1: {  	[sflag:s10] =	ssyncadd.s32 $0xFFFFCE00  }
0x6b2: {  	_ =	swait.ge [sflag:s9], $0x3200  }
0x6b3: {  	[sflag:s9] =	ssyncset.done $0x0  }
0x6b4: {  	s26 =	simm.s32 $0x1180;
	[sflag:s9] =	ssyncadd.s32 $0xFFFFCE00  }
0x6b5: {  	[spmem:s2] =	stream.indirect.scatter.add.f32 [tilespmem:s8], [sflag:$0x2], $0x80, s26, s7, $0xb8;
	[tilespmem:$0x1FC00] =	vst v63  }
0x6b6: {  	s30 =	simm.s32 $0x280  }
0x6b7: {  	[tilespmem:s11], [sflag:$0x1] =	stream.indirect.gather [hbm4b:s3+s7], $0x80, s30, s7, $0xb8;
	[tilespmem:$0x1FC00] =	vst v63  }
0x6b8: {  	_ =	swait.ge [sflag:s10], $0x3200  }
0x6b9: {  	[sflag:s10] =	ssyncset.done $0x0  }
0x6ba: {  	[sflag:s10] =	ssyncadd.s32 $0xFFFFCE00  }
0x6bb: {  	_ =	swait.ge [sflag:s9], $0x3200  }
0x6bc: {  	[sflag:s9] =	ssyncset.done $0x0  }
0x6bd: {  	s26 =	simm.s32 $0x1200;
	[sflag:s9] =	ssyncadd.s32 $0xFFFFCE00  }
0x6be: {  	[spmem:s2] =	stream.indirect.scatter.add.f32 [tilespmem:s12], [sflag:$0x2], $0x80, s26, s7, $0xb8;
	[tilespmem:$0x1FC00] =	vst v63  }
0x6bf: {  	s30 =	simm.s32 $0x300  }
0x6c0: {  	[tilespmem:s8], [sflag:$0x1] =	stream.indirect.gather [hbm4b:s3+s7], $0x80, s30, s7, $0xb8;
	[tilespmem:$0x1FC00] =	vst v63  }
0x6c1: {  	_ =	swait.ge [sflag:s10], $0x3200  }
0x6c2: {  	[sflag:s10] =	ssyncset.done $0x0  }
0x6c3: {  	[sflag:s10] =	ssyncadd.s32 $0xFFFFCE00  }
0x6c4: {  	_ =	swait.ge [sflag:s9], $0x3200  }
0x6c5: {  	[sflag:s9] =	ssyncset.done $0x0  }
0x6c6: {  	s29 =	simm.s32 $0x1280;
	[sflag:s9] =	ssyncadd.s32 $0xFFFFCE00  }
0x6c7: {  	[spmem:s2] =	stream.indirect.scatter.add.f32 [tilespmem:s11], [sflag:$0x2], $0x80, s29, s7, $0xb8;
	[tilespmem:$0x1FC00] =	vst v63  }
0x6c8: {  	s6 =	simm.s32 $0x380  }
0x6c9: {  	[tilespmem:s12], [sflag:$0x1] =	stream.indirect.gather [hbm4b:s3+s7], $0x80, s6, s7, $0xb8;
	[tilespmem:$0x1FC00] =	vst v63  }
0x6ca: {  	_ =	swait.ge [sflag:s10], $0x3200  }
0x6cb: {  	[sflag:s10] =	ssyncset.done $0x0  }
0x6cc: {  	[sflag:s10] =	ssyncadd.s32 $0xFFFFCE00  }
0x6cd: {  	_ =	swait.ge [sflag:s9], $0x3200  }
0x6ce: {  	[sflag:s9] =	ssyncset.done $0x0  }
0x6cf: {  	s18 =	simm.s32 $0x1300;
	[sflag:s9] =	ssyncadd.s32 $0xFFFFCE00  }
0x6d0: {  	[spmem:s2] =	stream.indirect.scatter.add.f32 [tilespmem:s8], [sflag:$0x2], $0x80, s18, s7, $0xb8;
	[tilespmem:$0x1FC00] =	vst v63  }
0x6d1: {  	s13 =	simm.s32 $0x400  }
0x6d2: {  	[tilespmem:s11], [sflag:$0x1] =	stream.indirect.gather [hbm4b:s3+s7], $0x80, s13, s7, $0xb8;
	[tilespmem:$0x1FC00] =	vst v63  }
0x6d3: {  	_ =	swait.ge [sflag:s10], $0x3200  }
0x6d4: {  	[sflag:s10] =	ssyncset.done $0x0  }
0x6d5: {  	[sflag:s10] =	ssyncadd.s32 $0xFFFFCE00  }
0x6d6: {  	_ =	swait.ge [sflag:s9], $0x3200  }
0x6d7: {  	[sflag:s9] =	ssyncset.done $0x0  }
0x6d8: {  	s1 =	simm.s32 $0x1380;
	[sflag:s9] =	ssyncadd.s32 $0xFFFFCE00  }
0x6d9: {  	[spmem:s2] =	stream.indirect.scatter.add.f32 [tilespmem:s12], [sflag:$0x2], $0x80, s1, s7, $0xb8;
	[tilespmem:$0x1FC00] =	vst v63  }
0x6da: {  	s14 =	simm.s32 $0x480  }
0x6db: {  	[tilespmem:s8], [sflag:$0x1] =	stream.indirect.gather [hbm4b:s3+s7], $0x80, s14, s7, $0xb8;
	[tilespmem:$0x1FC00] =	vst v63  }
0x6dc: {  	_ =	swait.ge [sflag:s10], $0x3200  }
0x6dd: {  	[sflag:s10] =	ssyncset.done $0x0  }
0x6de: {  	[sflag:s10] =	ssyncadd.s32 $0xFFFFCE00  }
0x6df: {  	_ =	swait.ge [sflag:s9], $0x3200  }
0x6e0: {  	[sflag:s9] =	ssyncset.done $0x0  }
0x6e1: {  	s13 =	simm.s32 $0x1400;
	[sflag:s9] =	ssyncadd.s32 $0xFFFFCE00  }
0x6e2: {  	[spmem:s2] =	stream.indirect.scatter.add.f32 [tilespmem:s11], [sflag:$0x2], $0x80, s13, s7, $0xb8;
	[tilespmem:$0x1FC00] =	vst v63  }
0x6e3: {  	s14 =	simm.s32 $0x500  }
0x6e4: {  	[tilespmem:s12], [sflag:$0x1] =	stream.indirect.gather [hbm4b:s3+s7], $0x80, s14, s7, $0xb8;
	[tilespmem:$0x1FC00] =	vst v63  }
0x6e5: {  	_ =	swait.ge [sflag:s10], $0x3200  }
0x6e6: {  	[sflag:s10] =	ssyncset.done $0x0  }
0x6e7: {  	[sflag:s10] =	ssyncadd.s32 $0xFFFFCE00  }
0x6e8: {  	_ =	swait.ge [sflag:s9], $0x3200  }
0x6e9: {  	[sflag:s9] =	ssyncset.done $0x0  }
0x6ea: {  	s18 =	simm.s32 $0x1480;
	[sflag:s9] =	ssyncadd.s32 $0xFFFFCE00  }
0x6eb: {  	[spmem:s2] =	stream.indirect.scatter.add.f32 [tilespmem:s8], [sflag:$0x2], $0x80, s18, s7, $0xb8;
	[tilespmem:$0x1FC00] =	vst v63  }
0x6ec: {  	s20 =	simm.s32 $0x580  }
0x6ed: {  	[tilespmem:s11], [sflag:$0x1] =	stream.indirect.gather [hbm4b:s3+s7], $0x80, s20, s7, $0xb8;
	[tilespmem:$0x1FC00] =	vst v63  }
0x6ee: {  	_ =	swait.ge [sflag:s10], $0x3200  }
0x6ef: {  	[sflag:s10] =	ssyncset.done $0x0  }
0x6f0: {  	[sflag:s10] =	ssyncadd.s32 $0xFFFFCE00  }
0x6f1: {  	_ =	swait.ge [sflag:s9], $0x3200  }
0x6f2: {  	[sflag:s9] =	ssyncset.done $0x0  }
0x6f3: {  	s25 =	simm.s32 $0x1500;
	[sflag:s9] =	ssyncadd.s32 $0xFFFFCE00  }
0x6f4: {  	[spmem:s2] =	stream.indirect.scatter.add.f32 [tilespmem:s12], [sflag:$0x2], $0x80, s25, s7, $0xb8;
	[tilespmem:$0x1FC00] =	vst v63  }
0x6f5: {  	s21 =	simm.s32 $0x600  }
0x6f6: {  	[tilespmem:s8], [sflag:$0x1] =	stream.indirect.gather [hbm4b:s3+s7], $0x80, s21, s7, $0xb8;
	[tilespmem:$0x1FC00] =	vst v63  }
0x6f7: {  	_ =	swait.ge [sflag:s10], $0x3200  }
0x6f8: {  	[sflag:s10] =	ssyncset.done $0x0  }
0x6f9: {  	[sflag:s10] =	ssyncadd.s32 $0xFFFFCE00  }
0x6fa: {  	_ =	swait.ge [sflag:s9], $0x3200  }
0x6fb: {  	[sflag:s9] =	ssyncset.done $0x0  }
0x6fc: {  	s21 =	simm.s32 $0x1580;
	[sflag:s9] =	ssyncadd.s32 $0xFFFFCE00  }
0x6fd: {  	[spmem:s2] =	stream.indirect.scatter.add.f32 [tilespmem:s11], [sflag:$0x2], $0x80, s21, s7, $0xb8;
	[tilespmem:$0x1FC00] =	vst v63  }
0x6fe: {  	s15 =	simm.s32 $0x680  }
0x6ff: {  	[tilespmem:s12], [sflag:$0x1] =	stream.indirect.gather [hbm4b:s3+s7], $0x80, s15, s7, $0xb8;
	[tilespmem:$0x1FC00] =	vst v63  }
0x700: {  	_ =	swait.ge [sflag:s10], $0x3200  }
0x701: {  	[sflag:s10] =	ssyncset.done $0x0  }
0x702: {  	[sflag:s10] =	ssyncadd.s32 $0xFFFFCE00  }
0x703: {  	_ =	swait.ge [sflag:s9], $0x3200  }
0x704: {  	[sflag:s9] =	ssyncset.done $0x0  }
0x705: {  	s23 =	simm.s32 $0x1600;
	[sflag:s9] =	ssyncadd.s32 $0xFFFFCE00  }
0x706: {  	[spmem:s2] =	stream.indirect.scatter.add.f32 [tilespmem:s8], [sflag:$0x2], $0x80, s23, s7, $0xb8;
	[tilespmem:$0x1FC00] =	vst v63  }
0x707: {  	s16 =	simm.s32 $0x700  }
0x708: {  	[tilespmem:s11], [sflag:$0x1] =	stream.indirect.gather [hbm4b:s3+s7], $0x80, s16, s7, $0xb8;
	[tilespmem:$0x1FC00] =	vst v63  }
0x709: {  	_ =	swait.ge [sflag:s10], $0x3200  }
0x70a: {  	[sflag:s10] =	ssyncset.done $0x0  }
0x70b: {  	[sflag:s10] =	ssyncadd.s32 $0xFFFFCE00  }
0x70c: {  	_ =	swait.ge [sflag:s9], $0x3200  }
0x70d: {  	[sflag:s9] =	ssyncset.done $0x0  }
0x70e: {  	s22 =	simm.s32 $0x1680;
	[sflag:s9] =	ssyncadd.s32 $0xFFFFCE00  }
0x70f: {  	[spmem:s2] =	stream.indirect.scatter.add.f32 [tilespmem:s12], [sflag:$0x2], $0x80, s22, s7, $0xb8;
	[tilespmem:$0x1FC00] =	vst v63  }
0x710: {  	s17 =	simm.s32 $0x780  }
0x711: {  	[tilespmem:s8], [sflag:$0x1] =	stream.indirect.gather [hbm4b:s3+s7], $0x80, s17, s7, $0xb8;
	[tilespmem:$0x1FC00] =	vst v63  }
0x712: {  	_ =	swait.ge [sflag:s10], $0x3200  }
0x713: {  	[sflag:s10] =	ssyncset.done $0x0  }
0x714: {  	[sflag:s10] =	ssyncadd.s32 $0xFFFFCE00  }
0x715: {  	_ =	swait.ge [sflag:s9], $0x3200  }
0x716: {  	[sflag:s9] =	ssyncset.done $0x0  }
0x717: {  	s25 =	simm.s32 $0x1700;
	[sflag:s9] =	ssyncadd.s32 $0xFFFFCE00  }
0x718: {  	[spmem:s2] =	stream.indirect.scatter.add.f32 [tilespmem:s11], [sflag:$0x2], $0x80, s25, s7, $0xb8;
	[tilespmem:$0x1FC00] =	vst v63  }
0x719: {  	s26 =	simm.s32 $0x800  }
0x71a: {  	[tilespmem:s12], [sflag:$0x1] =	stream.indirect.gather [hbm4b:s3+s7], $0x80, s26, s7, $0xb8;
	[tilespmem:$0x1FC00] =	vst v63  }
0x71b: {  	_ =	swait.ge [sflag:s10], $0x3200  }
0x71c: {  	[sflag:s10] =	ssyncset.done $0x0  }
0x71d: {  	[sflag:s10] =	ssyncadd.s32 $0xFFFFCE00  }
0x71e: {  	_ =	swait.ge [sflag:s9], $0x3200  }
0x71f: {  	[sflag:s9] =	ssyncset.done $0x0  }
0x720: {  	s29 =	simm.s32 $0x1780;
	[sflag:s9] =	ssyncadd.s32 $0xFFFFCE00  }
0x721: {  	[spmem:s2] =	stream.indirect.scatter.add.f32 [tilespmem:s8], [sflag:$0x2], $0x80, s29, s7, $0xb8;
	[tilespmem:$0x1FC00] =	vst v63  }
0x722: {  	s30 =	simm.s32 $0x880  }
0x723: {  	[tilespmem:s11], [sflag:$0x1] =	stream.indirect.gather [hbm4b:s3+s7], $0x80, s30, s7, $0xb8;
	[tilespmem:$0x1FC00] =	vst v63  }
0x724: {  	_ =	swait.ge [sflag:s10], $0x3200  }
0x725: {  	[sflag:s10] =	ssyncset.done $0x0  }
0x726: {  	[sflag:s10] =	ssyncadd.s32 $0xFFFFCE00  }
0x727: {  	_ =	swait.ge [sflag:s9], $0x3200  }
0x728: {  	[sflag:s9] =	ssyncset.done $0x0  }
0x729: {  	s6 =	simm.s32 $0x1800;
	[sflag:s9] =	ssyncadd.s32 $0xFFFFCE00  }
0x72a: {  	[spmem:s2] =	stream.indirect.scatter.add.f32 [tilespmem:s12], [sflag:$0x2], $0x80, s6, s7, $0xb8;
	[tilespmem:$0x1FC00] =	vst v63  }
0x72b: {  	s13 =	simm.s32 $0x900  }
0x72c: {  	[tilespmem:s8], [sflag:$0x1] =	stream.indirect.gather [hbm4b:s3+s7], $0x80, s13, s7, $0xb8;
	[tilespmem:$0x1FC00] =	vst v63  }
0x72d: {  	_ =	swait.ge [sflag:s10], $0x3200  }
0x72e: {  	[sflag:s10] =	ssyncset.done $0x0  }
0x72f: {  	[sflag:s10] =	ssyncadd.s32 $0xFFFFCE00  }
0x730: {  	_ =	swait.ge [sflag:s9], $0x3200  }
0x731: {  	[sflag:s9] =	ssyncset.done $0x0  }
0x732: {  	s14 =	simm.s32 $0x1880;
	[sflag:s9] =	ssyncadd.s32 $0xFFFFCE00  }
0x733: {  	[spmem:s2] =	stream.indirect.scatter.add.f32 [tilespmem:s11], [sflag:$0x2], $0x80, s14, s7, $0xb8;
	[tilespmem:$0x1FC00] =	vst v63  }
0x734: {  	s15 =	simm.s32 $0x980  }
0x735: {  	[tilespmem:s12], [sflag:$0x1] =	stream.indirect.gather [hbm4b:s3+s7], $0x80, s15, s7, $0xb8;
	[tilespmem:$0x1FC00] =	vst v63  }
0x736: {  	_ =	swait.ge [sflag:s10], $0x3200  }
0x737: {  	[sflag:s10] =	ssyncset.done $0x0  }
0x738: {  	[sflag:s10] =	ssyncadd.s32 $0xFFFFCE00  }
0x739: {  	_ =	swait.ge [sflag:s9], $0x3200  }
0x73a: {  	[sflag:s9] =	ssyncset.done $0x0  }
0x73b: {  	s31 =	simm.s32 $0x1900;
	[sflag:s9] =	ssyncadd.s32 $0xFFFFCE00  }
0x73c: {  	[spmem:s2] =	stream.indirect.scatter.add.f32 [tilespmem:s8], [sflag:$0x2], $0x80, s31, s7, $0xb8;
	[tilespmem:$0x1FC00] =	vst v63  }
0x73d: {  	s16 =	simm.s32 $0xA00  }
0x73e: {  	[tilespmem:s11], [sflag:$0x1] =	stream.indirect.gather [hbm4b:s3+s7], $0x80, s16, s7, $0xb8;
	[tilespmem:$0x1FC00] =	vst v63  }
0x73f: {  	_ =	swait.ge [sflag:s10], $0x3200  }
0x740: {  	[sflag:s10] =	ssyncset.done $0x0  }
0x741: {  	[sflag:s10] =	ssyncadd.s32 $0xFFFFCE00  }
0x742: {  	_ =	swait.ge [sflag:s9], $0x3200  }
0x743: {  	[sflag:s9] =	ssyncset.done $0x0  }
0x744: {  	s24 =	simm.s32 $0x1980;
	[sflag:s9] =	ssyncadd.s32 $0xFFFFCE00  }
0x745: {  	[spmem:s2] =	stream.indirect.scatter.add.f32 [tilespmem:s12], [sflag:$0x2], $0x80, s24, s7, $0xb8;
	[tilespmem:$0x1FC00] =	vst v63  }
0x746: {  	s17 =	simm.s32 $0xA80  }
0x747: {  	[tilespmem:s8], [sflag:$0x1] =	stream.indirect.gather [hbm4b:s3+s7], $0x80, s17, s7, $0xb8;
	[tilespmem:$0x1FC00] =	vst v63  }
0x748: {  	_ =	swait.ge [sflag:s10], $0x3200  }
0x749: {  	[sflag:s10] =	ssyncset.done $0x0  }
0x74a: {  	[sflag:s10] =	ssyncadd.s32 $0xFFFFCE00  }
0x74b: {  	_ =	swait.ge [sflag:s9], $0x3200  }
0x74c: {  	[sflag:s9] =	ssyncset.done $0x0  }
0x74d: {  	s18 =	simm.s32 $0x1A00;
	[sflag:s9] =	ssyncadd.s32 $0xFFFFCE00  }
0x74e: {  	[spmem:s2] =	stream.indirect.scatter.add.f32 [tilespmem:s11], [sflag:$0x2], $0x80, s18, s7, $0xb8;
	[tilespmem:$0x1FC00] =	vst v63  }
0x74f: {  	s20 =	simm.s32 $0xB00  }
0x750: {  	[tilespmem:s12], [sflag:$0x1] =	stream.indirect.gather [hbm4b:s3+s7], $0x80, s20, s7, $0xb8;
	[tilespmem:$0x1FC00] =	vst v63  }
0x751: {  	_ =	swait.ge [sflag:s10], $0x3200  }
0x752: {  	[sflag:s10] =	ssyncset.done $0x0  }
0x753: {  	[sflag:s10] =	ssyncadd.s32 $0xFFFFCE00  }
0x754: {  	_ =	swait.ge [sflag:s9], $0x3200  }
0x755: {  	[sflag:s9] =	ssyncset.done $0x0  }
0x756: {  	s21 =	simm.s32 $0x1A80;
	[sflag:s9] =	ssyncadd.s32 $0xFFFFCE00  }
0x757: {  	[spmem:s2] =	stream.indirect.scatter.add.f32 [tilespmem:s8], [sflag:$0x2], $0x80, s21, s7, $0xb8;
	[tilespmem:$0x1FC00] =	vst v63  }
0x758: {  	s22 =	simm.s32 $0xB80  }
0x759: {  	[tilespmem:s11], [sflag:$0x1] =	stream.indirect.gather [hbm4b:s3+s7], $0x80, s22, s7, $0xb8;
	[tilespmem:$0x1FC00] =	vst v63  }
0x75a: {  	_ =	swait.ge [sflag:s10], $0x3200  }
0x75b: {  	[sflag:s10] =	ssyncset.done $0x0  }
0x75c: {  	[sflag:s10] =	ssyncadd.s32 $0xFFFFCE00  }
0x75d: {  	_ =	swait.ge [sflag:s9], $0x3200  }
0x75e: {  	[sflag:s9] =	ssyncset.done $0x0  }
0x75f: {  	s23 =	simm.s32 $0x1B00;
	[sflag:s9] =	ssyncadd.s32 $0xFFFFCE00  }
0x760: {  	[spmem:s2] =	stream.indirect.scatter.add.f32 [tilespmem:s12], [sflag:$0x2], $0x80, s23, s7, $0xb8;
	[tilespmem:$0x1FC00] =	vst v63  }
0x761: {  	s24 =	simm.s32 $0xC00  }
0x762: {  	[tilespmem:s8], [sflag:$0x1] =	stream.indirect.gather [hbm4b:s3+s7], $0x80, s24, s7, $0xb8;
	[tilespmem:$0x1FC00] =	vst v63  }
0x763: {  	_ =	swait.ge [sflag:s10], $0x3200  }
0x764: {  	[sflag:s10] =	ssyncset.done $0x0  }
0x765: {  	[sflag:s10] =	ssyncadd.s32 $0xFFFFCE00  }
0x766: {  	_ =	swait.ge [sflag:s9], $0x3200  }
0x767: {  	[sflag:s9] =	ssyncset.done $0x0  }
0x768: {  	s25 =	simm.s32 $0x1B80;
	[sflag:s9] =	ssyncadd.s32 $0xFFFFCE00  }
0x769: {  	[spmem:s2] =	stream.indirect.scatter.add.f32 [tilespmem:s11], [sflag:$0x2], $0x80, s25, s7, $0xb8;
	[tilespmem:$0x1FC00] =	vst v63  }
0x76a: {  	_ =	swait.ge [sflag:s10], $0x3200  }
0x76b: {  	[sflag:s10] =	ssyncset.done $0x0  }
0x76c: {  	[sflag:s10] =	ssyncadd.s32 $0xFFFFCE00  }
0x76d: {  	_ =	swait.ge [sflag:s9], $0x3200  }
0x76e: {  	[sflag:s9] =	ssyncset.done $0x0  }
0x76f: {  	s26 =	simm.s32 $0x1C00;
	[sflag:s9] =	ssyncadd.s32 $0xFFFFCE00  }
0x770: {  	[spmem:s2] =	stream.indirect.scatter.add.f32 [tilespmem:s8], [sflag:$0x2], $0x80, s26, s7, $0xb8;
	[tilespmem:$0x1FC00] =	vst v63  }
0x771: {  	_ =	swait.ge [sflag:s9], $0x3200  }
0x772: {  	[sflag:s9] =	ssyncset.done $0x0  }
0x773: {  	[sflag:s9] =	ssyncadd.s32 $0xFFFFCE00  }
0x774: {  	[bflag:$0x0] =	sbarrier.arrive $0xFFFF  }
0x775: {  	p1 =	sne.s32 s19, $0x1;
	s29 =	rddreg [dreg:$0xd]  }
.Ltmp2:
0x776: {  	s30 =	rddreg [dreg:$0xe];
	(pc) =	sbr.rel @p1 .LBB2_4-.Ltmp2, $4  }
0x777: {  	s31 =	rddreg [dreg:$0xf]  }
0x778: {  	[hbm:s29], [sflag:s30] =	dma.local [spmem:s31], $0x2800  }
0x779: {  	_ =	swait.ge [sflag:s5], $0x2800  }
0x77a: {  	s19 =	sadd.s32 $0xFFFFFFFF, s19;
	s20 =	rddreg [dreg:$0x4];
	[sflag:s5] =	ssyncset.done $0x0  }
0x77b: {  	s23 =	rddreg [dreg:$0xf]  }
0x77c: {  	s22 =	rddreg [dreg:$0xe]  }
.LBB2_6:
0x77d: {  	[sflag:s5] =	ssyncadd.s32 @p0 $0xFFFFD800  }
0x77e: {  	[spmem:s23], [sflag:s22] =	dma.local [hbm:s20], $0x2800  }
0x77f: {  	_ =	swait.ge [sflag:s5], $0x2800  }
0x780: {  	[sflag:s5] =	ssyncset.done $0x0  }
0x781: {  	[sflag:s5] =	ssyncadd.s32 $0xFFFFD800  }
0x782: {  	[bflag:$0x0] =	sbarrier.arrive $0xFFFF  }
0x783: {  	s19 =	rddreg [dreg:$0x5]  }
0x784: {  	[tilespmem:s0], [sflag:$0x3] =	stream.linear.gather [hbm4b:s19+s0], $0xC80, $0x38;
	[tilespmem:$0x1FC00] =	vst v63  }
0x785: {  	_ =	swait.ge [sflag:s5], $0xC80  }
0x786: {  	[sflag:s5] =	ssyncset.done $0x0  }
0x787: {  	s30 =	rddreg [dreg:$0x6];
	[sflag:s5] =	ssyncadd.s32 $0xFFFFF380  }
0x788: {  	[tilespmem:s4], [sflag:$0x3] =	stream.linear.gather [hbm4b:s30+s0], $0xC80, $0x38;
	[tilespmem:$0x1FC00] =	vst v63  }
0x789: {  	_ =	swait.ge [sflag:s5], $0xC80  }
0x78a: {  	[sflag:s5] =	ssyncset.done $0x0  }
0x78b: {  	[sflag:s5] =	ssyncadd.s32 $0xFFFFF380  }
0x78c: {  	[tilespmem:s8], [sflag:$0x1] =	stream.indirect.gather [hbm4b:s3+s7], $0x80, s0, s7, $0xb8;
	[tilespmem:$0x1FC00] =	vst v63  }
0x78d: {  	s31 =	simm.s32 $0x80  }
0x78e: {  	[tilespmem:s12], [sflag:$0x1] =	stream.indirect.gather [hbm4b:s3+s7], $0x80, s31, s7, $0xb8;
	[tilespmem:$0x1FC00] =	vst v63  }
0x78f: {  	_ =	swait.ge [sflag:s10], $0x3200  }
0x790: {  	[sflag:s10] =	ssyncset.done $0x0  }
0x791: {  	[sflag:s10] =	ssyncadd.s32 $0xFFFFCE00  }
0x792: {  	[spmem:s2] =	stream.indirect.scatter.add.f32 [tilespmem:s8], [sflag:$0x2], $0x80, s4, s7, $0xb8;
	[tilespmem:$0x1FC00] =	vst v63  }
0x793: {  	s1 =	simm.s32 $0x100  }
0x794: {  	[tilespmem:s11], [sflag:$0x1] =	stream.indirect.gather [hbm4b:s3+s7], $0x80, s1, s7, $0xb8;
	[tilespmem:$0x1FC00] =	vst v63  }
0x795: {  	_ =	swait.ge [sflag:s10], $0x3200  }
0x796: {  	[sflag:s10] =	ssyncset.done $0x0  }
0x797: {  	[sflag:s10] =	ssyncadd.s32 $0xFFFFCE00  }
0x798: {  	_ =	swait.ge [sflag:s9], $0x3200  }
0x799: {  	[sflag:s9] =	ssyncset.done $0x0  }
0x79a: {  	s4 =	simm.s32 $0x1080;
	[sflag:s9] =	ssyncadd.s32 $0xFFFFCE00  }
0x79b: {  	[spmem:s2] =	stream.indirect.scatter.add.f32 [tilespmem:s12], [sflag:$0x2], $0x80, s4, s7, $0xb8;
	[tilespmem:$0x1FC00] =	vst v63  }
0x79c: {  	s6 =	simm.s32 $0x180  }
0x79d: {  	[tilespmem:s8], [sflag:$0x1] =	stream.indirect.gather [hbm4b:s3+s7], $0x80, s6, s7, $0xb8;
	[tilespmem:$0x1FC00] =	vst v63  }
0x79e: {  	_ =	swait.ge [sflag:s10], $0x3200  }
0x79f: {  	[sflag:s10] =	ssyncset.done $0x0  }
0x7a0: {  	[sflag:s10] =	ssyncadd.s32 $0xFFFFCE00  }
0x7a1: {  	_ =	swait.ge [sflag:s9], $0x3200  }
0x7a2: {  	[sflag:s9] =	ssyncset.done $0x0  }
0x7a3: {  	s13 =	simm.s32 $0x1100;
	[sflag:s9] =	ssyncadd.s32 $0xFFFFCE00  }
0x7a4: {  	[spmem:s2] =	stream.indirect.scatter.add.f32 [tilespmem:s11], [sflag:$0x2], $0x80, s13, s7, $0xb8;
	[tilespmem:$0x1FC00] =	vst v63  }
0x7a5: {  	s16 =	simm.s32 $0x200  }
0x7a6: {  	[tilespmem:s12], [sflag:$0x1] =	stream.indirect.gather [hbm4b:s3+s7], $0x80, s16, s7, $0xb8;
	[tilespmem:$0x1FC00] =	vst v63  }
0x7a7: {  	_ =	swait.ge [sflag:s10], $0x3200  }
0x7a8: {  	[sflag:s10] =	ssyncset.done $0x0  }
0x7a9: {  	[sflag:s10] =	ssyncadd.s32 $0xFFFFCE00  }
0x7aa: {  	_ =	swait.ge [sflag:s9], $0x3200  }
0x7ab: {  	[sflag:s9] =	ssyncset.done $0x0  }
0x7ac: {  	s16 =	simm.s32 $0x1180;
	[sflag:s9] =	ssyncadd.s32 $0xFFFFCE00  }
0x7ad: {  	[spmem:s2] =	stream.indirect.scatter.add.f32 [tilespmem:s8], [sflag:$0x2], $0x80, s16, s7, $0xb8;
	[tilespmem:$0x1FC00] =	vst v63  }
0x7ae: {  	s17 =	simm.s32 $0x280  }
0x7af: {  	[tilespmem:s11], [sflag:$0x1] =	stream.indirect.gather [hbm4b:s3+s7], $0x80, s17, s7, $0xb8;
	[tilespmem:$0x1FC00] =	vst v63  }
0x7b0: {  	_ =	swait.ge [sflag:s10], $0x3200  }
0x7b1: {  	[sflag:s10] =	ssyncset.done $0x0  }
0x7b2: {  	[sflag:s10] =	ssyncadd.s32 $0xFFFFCE00  }
0x7b3: {  	_ =	swait.ge [sflag:s9], $0x3200  }
0x7b4: {  	[sflag:s9] =	ssyncset.done $0x0  }
0x7b5: {  	s18 =	simm.s32 $0x1200;
	[sflag:s9] =	ssyncadd.s32 $0xFFFFCE00  }
0x7b6: {  	[spmem:s2] =	stream.indirect.scatter.add.f32 [tilespmem:s12], [sflag:$0x2], $0x80, s18, s7, $0xb8;
	[tilespmem:$0x1FC00] =	vst v63  }
0x7b7: {  	s19 =	simm.s32 $0x300  }
0x7b8: {  	[tilespmem:s8], [sflag:$0x1] =	stream.indirect.gather [hbm4b:s3+s7], $0x80, s19, s7, $0xb8;
	[tilespmem:$0x1FC00] =	vst v63  }
0x7b9: {  	_ =	swait.ge [sflag:s10], $0x3200  }
0x7ba: {  	[sflag:s10] =	ssyncset.done $0x0  }
0x7bb: {  	[sflag:s10] =	ssyncadd.s32 $0xFFFFCE00  }
0x7bc: {  	_ =	swait.ge [sflag:s9], $0x3200  }
0x7bd: {  	[sflag:s9] =	ssyncset.done $0x0  }
0x7be: {  	s20 =	simm.s32 $0x1280;
	[sflag:s9] =	ssyncadd.s32 $0xFFFFCE00  }
0x7bf: {  	[spmem:s2] =	stream.indirect.scatter.add.f32 [tilespmem:s11], [sflag:$0x2], $0x80, s20, s7, $0xb8;
	[tilespmem:$0x1FC00] =	vst v63  }
0x7c0: {  	s22 =	simm.s32 $0x380  }
0x7c1: {  	[tilespmem:s12], [sflag:$0x1] =	stream.indirect.gather [hbm4b:s3+s7], $0x80, s22, s7, $0xb8;
	[tilespmem:$0x1FC00] =	vst v63  }
0x7c2: {  	_ =	swait.ge [sflag:s10], $0x3200  }
0x7c3: {  	[sflag:s10] =	ssyncset.done $0x0  }
0x7c4: {  	[sflag:s10] =	ssyncadd.s32 $0xFFFFCE00  }
0x7c5: {  	_ =	swait.ge [sflag:s9], $0x3200  }
0x7c6: {  	[sflag:s9] =	ssyncset.done $0x0  }
0x7c7: {  	s23 =	simm.s32 $0x1300;
	[sflag:s9] =	ssyncadd.s32 $0xFFFFCE00  }
0x7c8: {  	[spmem:s2] =	stream.indirect.scatter.add.f32 [tilespmem:s8], [sflag:$0x2], $0x80, s23, s7, $0xb8;
	[tilespmem:$0x1FC00] =	vst v63  }
0x7c9: {  	s25 =	simm.s32 $0x400  }
0x7ca: {  	[tilespmem:s11], [sflag:$0x1] =	stream.indirect.gather [hbm4b:s3+s7], $0x80, s25, s7, $0xb8;
	[tilespmem:$0x1FC00] =	vst v63  }
0x7cb: {  	_ =	swait.ge [sflag:s10], $0x3200  }
0x7cc: {  	[sflag:s10] =	ssyncset.done $0x0  }
0x7cd: {  	[sflag:s10] =	ssyncadd.s32 $0xFFFFCE00  }
0x7ce: {  	_ =	swait.ge [sflag:s9], $0x3200  }
0x7cf: {  	[sflag:s9] =	ssyncset.done $0x0  }
0x7d0: {  	s26 =	simm.s32 $0x1380;
	[sflag:s9] =	ssyncadd.s32 $0xFFFFCE00  }
0x7d1: {  	[spmem:s2] =	stream.indirect.scatter.add.f32 [tilespmem:s12], [sflag:$0x2], $0x80, s26, s7, $0xb8;
	[tilespmem:$0x1FC00] =	vst v63  }
0x7d2: {  	s29 =	simm.s32 $0x480  }
0x7d3: {  	[tilespmem:s8], [sflag:$0x1] =	stream.indirect.gather [hbm4b:s3+s7], $0x80, s29, s7, $0xb8;
	[tilespmem:$0x1FC00] =	vst v63  }
0x7d4: {  	_ =	swait.ge [sflag:s10], $0x3200  }
0x7d5: {  	[sflag:s10] =	ssyncset.done $0x0  }
0x7d6: {  	[sflag:s10] =	ssyncadd.s32 $0xFFFFCE00  }
0x7d7: {  	_ =	swait.ge [sflag:s9], $0x3200  }
0x7d8: {  	[sflag:s9] =	ssyncset.done $0x0  }
0x7d9: {  	s31 =	simm.s32 $0x1400;
	[sflag:s9] =	ssyncadd.s32 $0xFFFFCE00  }
0x7da: {  	[spmem:s2] =	stream.indirect.scatter.add.f32 [tilespmem:s11], [sflag:$0x2], $0x80, s31, s7, $0xb8;
	[tilespmem:$0x1FC00] =	vst v63  }
0x7db: {  	s0 =	simm.s32 $0x500  }
0x7dc: {  	[tilespmem:s12], [sflag:$0x1] =	stream.indirect.gather [hbm4b:s3+s7], $0x80, s0, s7, $0xb8;
	[tilespmem:$0x1FC00] =	vst v63  }
0x7dd: {  	_ =	swait.ge [sflag:s10], $0x3200  }
0x7de: {  	[sflag:s10] =	ssyncset.done $0x0  }
0x7df: {  	[sflag:s10] =	ssyncadd.s32 $0xFFFFCE00  }
0x7e0: {  	_ =	swait.ge [sflag:s9], $0x3200  }
0x7e1: {  	[sflag:s9] =	ssyncset.done $0x0  }
0x7e2: {  	s1 =	simm.s32 $0x1480;
	[sflag:s9] =	ssyncadd.s32 $0xFFFFCE00  }
0x7e3: {  	[spmem:s2] =	stream.indirect.scatter.add.f32 [tilespmem:s8], [sflag:$0x2], $0x80, s1, s7, $0xb8;
	[tilespmem:$0x1FC00] =	vst v63  }
0x7e4: {  	s4 =	simm.s32 $0x580  }
0x7e5: {  	[tilespmem:s11], [sflag:$0x1] =	stream.indirect.gather [hbm4b:s3+s7], $0x80, s4, s7, $0xb8;
	[tilespmem:$0x1FC00] =	vst v63  }
0x7e6: {  	_ =	swait.ge [sflag:s10], $0x3200  }
0x7e7: {  	[sflag:s10] =	ssyncset.done $0x0  }
0x7e8: {  	[sflag:s10] =	ssyncadd.s32 $0xFFFFCE00  }
0x7e9: {  	_ =	swait.ge [sflag:s9], $0x3200  }
0x7ea: {  	[sflag:s9] =	ssyncset.done $0x0  }
0x7eb: {  	s18 =	simm.s32 $0x1500;
	[sflag:s9] =	ssyncadd.s32 $0xFFFFCE00  }
0x7ec: {  	[spmem:s2] =	stream.indirect.scatter.add.f32 [tilespmem:s12], [sflag:$0x2], $0x80, s18, s7, $0xb8;
	[tilespmem:$0x1FC00] =	vst v63  }
0x7ed: {  	s19 =	simm.s32 $0x600  }
0x7ee: {  	[tilespmem:s8], [sflag:$0x1] =	stream.indirect.gather [hbm4b:s3+s7], $0x80, s19, s7, $0xb8;
	[tilespmem:$0x1FC00] =	vst v63  }
0x7ef: {  	_ =	swait.ge [sflag:s10], $0x3200  }
0x7f0: {  	[sflag:s10] =	ssyncset.done $0x0  }
0x7f1: {  	[sflag:s10] =	ssyncadd.s32 $0xFFFFCE00  }
0x7f2: {  	_ =	swait.ge [sflag:s9], $0x3200  }
0x7f3: {  	[sflag:s9] =	ssyncset.done $0x0  }
0x7f4: {  	s23 =	simm.s32 $0x1580;
	[sflag:s9] =	ssyncadd.s32 $0xFFFFCE00  }
0x7f5: {  	[spmem:s2] =	stream.indirect.scatter.add.f32 [tilespmem:s11], [sflag:$0x2], $0x80, s23, s7, $0xb8;
	[tilespmem:$0x1FC00] =	vst v63  }
0x7f6: {  	s25 =	simm.s32 $0x680  }
0x7f7: {  	[tilespmem:s12], [sflag:$0x1] =	stream.indirect.gather [hbm4b:s3+s7], $0x80, s25, s7, $0xb8;
	[tilespmem:$0x1FC00] =	vst v63  }
0x7f8: {  	_ =	swait.ge [sflag:s10], $0x3200  }
0x7f9: {  	[sflag:s10] =	ssyncset.done $0x0  }
0x7fa: {  	[sflag:s10] =	ssyncadd.s32 $0xFFFFCE00  }
0x7fb: {  	_ =	swait.ge [sflag:s9], $0x3200  }
0x7fc: {  	[sflag:s9] =	ssyncset.done $0x0  }
0x7fd: {  	s26 =	simm.s32 $0x1600;
	[sflag:s9] =	ssyncadd.s32 $0xFFFFCE00  }
0x7fe: {  	[spmem:s2] =	stream.indirect.scatter.add.f32 [tilespmem:s8], [sflag:$0x2], $0x80, s26, s7, $0xb8;
	[tilespmem:$0x1FC00] =	vst v63  }
0x7ff: {  	s29 =	simm.s32 $0x700  }
0x800: {  	[tilespmem:s11], [sflag:$0x1] =	stream.indirect.gather [hbm4b:s3+s7], $0x80, s29, s7, $0xb8;
	[tilespmem:$0x1FC00] =	vst v63  }
0x801: {  	_ =	swait.ge [sflag:s10], $0x3200  }
0x802: {  	[sflag:s10] =	ssyncset.done $0x0  }
0x803: {  	[sflag:s10] =	ssyncadd.s32 $0xFFFFCE00  }
0x804: {  	_ =	swait.ge [sflag:s9], $0x3200  }
0x805: {  	[sflag:s9] =	ssyncset.done $0x0  }
0x806: {  	s0 =	simm.s32 $0x1680;
	[sflag:s9] =	ssyncadd.s32 $0xFFFFCE00  }
0x807: {  	[spmem:s2] =	stream.indirect.scatter.add.f32 [tilespmem:s12], [sflag:$0x2], $0x80, s0, s7, $0xb8;
	[tilespmem:$0x1FC00] =	vst v63  }
0x808: {  	s18 =	simm.s32 $0x780  }
0x809: {  	[tilespmem:s8], [sflag:$0x1] =	stream.indirect.gather [hbm4b:s3+s7], $0x80, s18, s7, $0xb8;
	[tilespmem:$0x1FC00] =	vst v63  }
0x80a: {  	_ =	swait.ge [sflag:s10], $0x3200  }
0x80b: {  	[sflag:s10] =	ssyncset.done $0x0  }
0x80c: {  	[sflag:s10] =	ssyncadd.s32 $0xFFFFCE00  }
0x80d: {  	_ =	swait.ge [sflag:s9], $0x3200  }
0x80e: {  	[sflag:s9] =	ssyncset.done $0x0  }
0x80f: {  	s19 =	simm.s32 $0x1700;
	[sflag:s9] =	ssyncadd.s32 $0xFFFFCE00  }
0x810: {  	[spmem:s2] =	stream.indirect.scatter.add.f32 [tilespmem:s11], [sflag:$0x2], $0x80, s19, s7, $0xb8;
	[tilespmem:$0x1FC00] =	vst v63  }
0x811: {  	s25 =	simm.s32 $0x800  }
0x812: {  	[tilespmem:s12], [sflag:$0x1] =	stream.indirect.gather [hbm4b:s3+s7], $0x80, s25, s7, $0xb8;
	[tilespmem:$0x1FC00] =	vst v63  }
0x813: {  	_ =	swait.ge [sflag:s10], $0x3200  }
0x814: {  	[sflag:s10] =	ssyncset.done $0x0  }
0x815: {  	[sflag:s10] =	ssyncadd.s32 $0xFFFFCE00  }
0x816: {  	_ =	swait.ge [sflag:s9], $0x3200  }
0x817: {  	[sflag:s9] =	ssyncset.done $0x0  }
0x818: {  	s26 =	simm.s32 $0x1780;
	[sflag:s9] =	ssyncadd.s32 $0xFFFFCE00  }
0x819: {  	[spmem:s2] =	stream.indirect.scatter.add.f32 [tilespmem:s8], [sflag:$0x2], $0x80, s26, s7, $0xb8;
	[tilespmem:$0x1FC00] =	vst v63  }
0x81a: {  	s29 =	simm.s32 $0x880  }
0x81b: {  	[tilespmem:s11], [sflag:$0x1] =	stream.indirect.gather [hbm4b:s3+s7], $0x80, s29, s7, $0xb8;
	[tilespmem:$0x1FC00] =	vst v63  }
0x81c: {  	_ =	swait.ge [sflag:s10], $0x3200  }
0x81d: {  	[sflag:s10] =	ssyncset.done $0x0  }
0x81e: {  	[sflag:s10] =	ssyncadd.s32 $0xFFFFCE00  }
0x81f: {  	_ =	swait.ge [sflag:s9], $0x3200  }
0x820: {  	[sflag:s9] =	ssyncset.done $0x0  }
0x821: {  	s16 =	simm.s32 $0x1800;
	[sflag:s9] =	ssyncadd.s32 $0xFFFFCE00  }
0x822: {  	[spmem:s2] =	stream.indirect.scatter.add.f32 [tilespmem:s12], [sflag:$0x2], $0x80, s16, s7, $0xb8;
	[tilespmem:$0x1FC00] =	vst v63  }
0x823: {  	s19 =	simm.s32 $0x900  }
0x824: {  	[tilespmem:s8], [sflag:$0x1] =	stream.indirect.gather [hbm4b:s3+s7], $0x80, s19, s7, $0xb8;
	[tilespmem:$0x1FC00] =	vst v63  }
0x825: {  	_ =	swait.ge [sflag:s10], $0x3200  }
0x826: {  	[sflag:s10] =	ssyncset.done $0x0  }
0x827: {  	[sflag:s10] =	ssyncadd.s32 $0xFFFFCE00  }
0x828: {  	_ =	swait.ge [sflag:s9], $0x3200  }
0x829: {  	[sflag:s9] =	ssyncset.done $0x0  }
0x82a: {  	s25 =	simm.s32 $0x1880;
	[sflag:s9] =	ssyncadd.s32 $0xFFFFCE00  }
0x82b: {  	[spmem:s2] =	stream.indirect.scatter.add.f32 [tilespmem:s11], [sflag:$0x2], $0x80, s25, s7, $0xb8;
	[tilespmem:$0x1FC00] =	vst v63  }
0x82c: {  	s29 =	simm.s32 $0x980  }
0x82d: {  	[tilespmem:s12], [sflag:$0x1] =	stream.indirect.gather [hbm4b:s3+s7], $0x80, s29, s7, $0xb8;
	[tilespmem:$0x1FC00] =	vst v63  }
0x82e: {  	_ =	swait.ge [sflag:s10], $0x3200  }
0x82f: {  	[sflag:s10] =	ssyncset.done $0x0  }
0x830: {  	[sflag:s10] =	ssyncadd.s32 $0xFFFFCE00  }
0x831: {  	_ =	swait.ge [sflag:s9], $0x3200  }
0x832: {  	[sflag:s9] =	ssyncset.done $0x0  }
0x833: {  	s0 =	simm.s32 $0x1900;
	[sflag:s9] =	ssyncadd.s32 $0xFFFFCE00  }
0x834: {  	[spmem:s2] =	stream.indirect.scatter.add.f32 [tilespmem:s8], [sflag:$0x2], $0x80, s0, s7, $0xb8;
	[tilespmem:$0x1FC00] =	vst v63  }
0x835: {  	s16 =	simm.s32 $0xA00  }
0x836: {  	[tilespmem:s11], [sflag:$0x1] =	stream.indirect.gather [hbm4b:s3+s7], $0x80, s16, s7, $0xb8;
	[tilespmem:$0x1FC00] =	vst v63  }
0x837: {  	_ =	swait.ge [sflag:s10], $0x3200  }
0x838: {  	[sflag:s10] =	ssyncset.done $0x0  }
0x839: {  	[sflag:s10] =	ssyncadd.s32 $0xFFFFCE00  }
0x83a: {  	_ =	swait.ge [sflag:s9], $0x3200  }
0x83b: {  	[sflag:s9] =	ssyncset.done $0x0  }
0x83c: {  	s29 =	simm.s32 $0x1980;
	[sflag:s9] =	ssyncadd.s32 $0xFFFFCE00  }
0x83d: {  	[spmem:s2] =	stream.indirect.scatter.add.f32 [tilespmem:s12], [sflag:$0x2], $0x80, s29, s7, $0xb8;
	[tilespmem:$0x1FC00] =	vst v63  }
0x83e: {  	s0 =	simm.s32 $0xA80  }
0x83f: {  	[tilespmem:s8], [sflag:$0x1] =	stream.indirect.gather [hbm4b:s3+s7], $0x80, s0, s7, $0xb8;
	[tilespmem:$0x1FC00] =	vst v63  }
0x840: {  	_ =	swait.ge [sflag:s10], $0x3200  }
0x841: {  	[sflag:s10] =	ssyncset.done $0x0  }
0x842: {  	[sflag:s10] =	ssyncadd.s32 $0xFFFFCE00  }
0x843: {  	_ =	swait.ge [sflag:s9], $0x3200  }
0x844: {  	[sflag:s9] =	ssyncset.done $0x0  }
0x845: {  	s16 =	simm.s32 $0x1A00;
	[sflag:s9] =	ssyncadd.s32 $0xFFFFCE00  }
0x846: {  	[spmem:s2] =	stream.indirect.scatter.add.f32 [tilespmem:s11], [sflag:$0x2], $0x80, s16, s7, $0xb8;
	[tilespmem:$0x1FC00] =	vst v63  }
0x847: {  	s19 =	simm.s32 $0xB00  }
0x848: {  	[tilespmem:s12], [sflag:$0x1] =	stream.indirect.gather [hbm4b:s3+s7], $0x80, s19, s7, $0xb8;
	[tilespmem:$0x1FC00] =	vst v63  }
0x849: {  	_ =	swait.ge [sflag:s10], $0x3200  }
0x84a: {  	[sflag:s10] =	ssyncset.done $0x0  }
0x84b: {  	[sflag:s10] =	ssyncadd.s32 $0xFFFFCE00  }
0x84c: {  	_ =	swait.ge [sflag:s9], $0x3200  }
0x84d: {  	[sflag:s9] =	ssyncset.done $0x0  }
0x84e: {  	s29 =	simm.s32 $0x1A80;
	[sflag:s9] =	ssyncadd.s32 $0xFFFFCE00  }
0x84f: {  	[spmem:s2] =	stream.indirect.scatter.add.f32 [tilespmem:s8], [sflag:$0x2], $0x80, s29, s7, $0xb8;
	[tilespmem:$0x1FC00] =	vst v63  }
0x850: {  	s16 =	simm.s32 $0xB80  }
0x851: {  	[tilespmem:s11], [sflag:$0x1] =	stream.indirect.gather [hbm4b:s3+s7], $0x80, s16, s7, $0xb8;
	[tilespmem:$0x1FC00] =	vst v63  }
0x852: {  	_ =	swait.ge [sflag:s10], $0x3200  }
0x853: {  	[sflag:s10] =	ssyncset.done $0x0  }
0x854: {  	[sflag:s10] =	ssyncadd.s32 $0xFFFFCE00  }
0x855: {  	_ =	swait.ge [sflag:s9], $0x3200  }
0x856: {  	[sflag:s9] =	ssyncset.done $0x0  }
0x857: {  	s19 =	simm.s32 $0x1B00;
	[sflag:s9] =	ssyncadd.s32 $0xFFFFCE00  }
0x858: {  	[spmem:s2] =	stream.indirect.scatter.add.f32 [tilespmem:s12], [sflag:$0x2], $0x80, s19, s7, $0xb8;
	[tilespmem:$0x1FC00] =	vst v63  }
0x859: {  	s16 =	simm.s32 $0xC00  }
0x85a: {  	[tilespmem:s8], [sflag:$0x1] =	stream.indirect.gather [hbm4b:s3+s7], $0x80, s16, s7, $0xb8;
	[tilespmem:$0x1FC00] =	vst v63  }
0x85b: {  	_ =	swait.ge [sflag:s10], $0x3200  }
0x85c: {  	[sflag:s10] =	ssyncset.done $0x0  }
0x85d: {  	[sflag:s10] =	ssyncadd.s32 $0xFFFFCE00  }
0x85e: {  	_ =	swait.ge [sflag:s9], $0x3200  }
0x85f: {  	[sflag:s9] =	ssyncset.done $0x0  }
0x860: {  	s19 =	simm.s32 $0x1B80;
	[sflag:s9] =	ssyncadd.s32 $0xFFFFCE00  }
0x861: {  	[spmem:s2] =	stream.indirect.scatter.add.f32 [tilespmem:s11], [sflag:$0x2], $0x80, s19, s7, $0xb8;
	[tilespmem:$0x1FC00] =	vst v63  }
0x862: {  	_ =	swait.ge [sflag:s10], $0x3200  }
0x863: {  	[sflag:s10] =	ssyncset.done $0x0  }
0x864: {  	[sflag:s10] =	ssyncadd.s32 $0xFFFFCE00  }
0x865: {  	_ =	swait.ge [sflag:s9], $0x3200  }
0x866: {  	[sflag:s9] =	ssyncset.done $0x0  }
0x867: {  	s0 =	simm.s32 $0x1C00;
	[sflag:s9] =	ssyncadd.s32 $0xFFFFCE00  }
0x868: {  	[spmem:s2] =	stream.indirect.scatter.add.f32 [tilespmem:s8], [sflag:$0x2], $0x80, s0, s7, $0xb8;
	[tilespmem:$0x1FC00] =	vst v63  }
0x869: {  	_ =	swait.ge [sflag:s9], $0x3200  }
0x86a: {  	[sflag:s9] =	ssyncset.done $0x0  }
0x86b: {  	s21 =	simm.s32 $0x0;
	s16 =	rddreg [dreg:$0x7];
	[sflag:s9] =	ssyncadd.s32 $0xFFFFCE00  }
0x86c: {  	[tilespmem:s21], [sflag:$0x3] =	stream.linear.gather [hbm4b:s16+s21], $0xC80, $0x38;
	[tilespmem:$0x1FC00] =	vst v63  }
0x86d: {  	_ =	swait.ge [sflag:s5], $0xC80  }
0x86e: {  	[sflag:s5] =	ssyncset.done $0x0  }
0x86f: {  	s16 =	simm.s32 $0x1000;
	s0 =	rddreg [dreg:$0x8];
	[sflag:s5] =	ssyncadd.s32 $0xFFFFF380  }
0x870: {  	[tilespmem:s16], [sflag:$0x3] =	stream.linear.gather [hbm4b:s0+s21], $0xC80, $0x38;
	[tilespmem:$0x1FC00] =	vst v63  }
0x871: {  	_ =	swait.ge [sflag:s5], $0xC80  }
0x872: {  	[sflag:s5] =	ssyncset.done $0x0  }
0x873: {  	[sflag:s5] =	ssyncadd.s32 $0xFFFFF380  }
0x874: {  	[tilespmem:s8], [sflag:$0x1] =	stream.indirect.gather [hbm4b:s3+s7], $0x80, s21, s7, $0xb8;
	[tilespmem:$0x1FC00] =	vst v63  }
0x875: {  	s19 =	simm.s32 $0x80  }
0x876: {  	[tilespmem:s12], [sflag:$0x1] =	stream.indirect.gather [hbm4b:s3+s7], $0x80, s19, s7, $0xb8;
	[tilespmem:$0x1FC00] =	vst v63  }
0x877: {  	_ =	swait.ge [sflag:s10], $0x3200  }
0x878: {  	[sflag:s10] =	ssyncset.done $0x0  }
0x879: {  	[sflag:s10] =	ssyncadd.s32 $0xFFFFCE00  }
0x87a: {  	[spmem:s2] =	stream.indirect.scatter.add.f32 [tilespmem:s8], [sflag:$0x2], $0x80, s16, s7, $0xb8;
	[tilespmem:$0x1FC00] =	vst v63  }
0x87b: {  	s15 =	simm.s32 $0x100  }
0x87c: {  	[tilespmem:s11], [sflag:$0x1] =	stream.indirect.gather [hbm4b:s3+s7], $0x80, s15, s7, $0xb8;
	[tilespmem:$0x1FC00] =	vst v63  }
0x87d: {  	_ =	swait.ge [sflag:s10], $0x3200  }
0x87e: {  	[sflag:s10] =	ssyncset.done $0x0  }
0x87f: {  	[sflag:s10] =	ssyncadd.s32 $0xFFFFCE00  }
0x880: {  	_ =	swait.ge [sflag:s9], $0x3200  }
0x881: {  	[sflag:s9] =	ssyncset.done $0x0  }
0x882: {  	s14 =	simm.s32 $0x1080;
	[sflag:s9] =	ssyncadd.s32 $0xFFFFCE00  }
0x883: {  	[spmem:s2] =	stream.indirect.scatter.add.f32 [tilespmem:s12], [sflag:$0x2], $0x80, s14, s7, $0xb8;
	[tilespmem:$0x1FC00] =	vst v63  }
0x884: {  	s15 =	simm.s32 $0x180  }
0x885: {  	[tilespmem:s8], [sflag:$0x1] =	stream.indirect.gather [hbm4b:s3+s7], $0x80, s15, s7, $0xb8;
	[tilespmem:$0x1FC00] =	vst v63  }
0x886: {  	_ =	swait.ge [sflag:s10], $0x3200  }
0x887: {  	[sflag:s10] =	ssyncset.done $0x0  }
0x888: {  	[sflag:s10] =	ssyncadd.s32 $0xFFFFCE00  }
0x889: {  	_ =	swait.ge [sflag:s9], $0x3200  }
0x88a: {  	[sflag:s9] =	ssyncset.done $0x0  }
0x88b: {  	s13 =	simm.s32 $0x1100;
	[sflag:s9] =	ssyncadd.s32 $0xFFFFCE00  }
0x88c: {  	[spmem:s2] =	stream.indirect.scatter.add.f32 [tilespmem:s11], [sflag:$0x2], $0x80, s13, s7, $0xb8;
	[tilespmem:$0x1FC00] =	vst v63  }
0x88d: {  	s14 =	simm.s32 $0x200  }
0x88e: {  	[tilespmem:s12], [sflag:$0x1] =	stream.indirect.gather [hbm4b:s3+s7], $0x80, s14, s7, $0xb8;
	[tilespmem:$0x1FC00] =	vst v63  }
0x88f: {  	_ =	swait.ge [sflag:s10], $0x3200  }
0x890: {  	[sflag:s10] =	ssyncset.done $0x0  }
0x891: {  	[sflag:s10] =	ssyncadd.s32 $0xFFFFCE00  }
0x892: {  	_ =	swait.ge [sflag:s9], $0x3200  }
0x893: {  	[sflag:s9] =	ssyncset.done $0x0  }
0x894: {  	s6 =	simm.s32 $0x1180;
	[sflag:s9] =	ssyncadd.s32 $0xFFFFCE00  }
0x895: {  	[spmem:s2] =	stream.indirect.scatter.add.f32 [tilespmem:s8], [sflag:$0x2], $0x80, s6, s7, $0xb8;
	[tilespmem:$0x1FC00] =	vst v63  }
0x896: {  	s13 =	simm.s32 $0x280  }
0x897: {  	[tilespmem:s11], [sflag:$0x1] =	stream.indirect.gather [hbm4b:s3+s7], $0x80, s13, s7, $0xb8;
	[tilespmem:$0x1FC00] =	vst v63  }
0x898: {  	_ =	swait.ge [sflag:s10], $0x3200  }
0x899: {  	[sflag:s10] =	ssyncset.done $0x0  }
0x89a: {  	[sflag:s10] =	ssyncadd.s32 $0xFFFFCE00  }
0x89b: {  	_ =	swait.ge [sflag:s9], $0x3200  }
0x89c: {  	[sflag:s9] =	ssyncset.done $0x0  }
0x89d: {  	s30 =	simm.s32 $0x1200;
	[sflag:s9] =	ssyncadd.s32 $0xFFFFCE00  }
0x89e: {  	[spmem:s2] =	stream.indirect.scatter.add.f32 [tilespmem:s12], [sflag:$0x2], $0x80, s30, s7, $0xb8;
	[tilespmem:$0x1FC00] =	vst v63  }
0x89f: {  	s6 =	simm.s32 $0x300  }
0x8a0: {  	[tilespmem:s8], [sflag:$0x1] =	stream.indirect.gather [hbm4b:s3+s7], $0x80, s6, s7, $0xb8;
	[tilespmem:$0x1FC00] =	vst v63  }
0x8a1: {  	_ =	swait.ge [sflag:s10], $0x3200  }
0x8a2: {  	[sflag:s10] =	ssyncset.done $0x0  }
0x8a3: {  	[sflag:s10] =	ssyncadd.s32 $0xFFFFCE00  }
0x8a4: {  	_ =	swait.ge [sflag:s9], $0x3200  }
0x8a5: {  	[sflag:s9] =	ssyncset.done $0x0  }
0x8a6: {  	s24 =	simm.s32 $0x1280;
	[sflag:s9] =	ssyncadd.s32 $0xFFFFCE00  }
0x8a7: {  	[spmem:s2] =	stream.indirect.scatter.add.f32 [tilespmem:s11], [sflag:$0x2], $0x80, s24, s7, $0xb8;
	[tilespmem:$0x1FC00] =	vst v63  }
0x8a8: {  	s28 =	simm.s32 $0x380  }
0x8a9: {  	[tilespmem:s12], [sflag:$0x1] =	stream.indirect.gather [hbm4b:s3+s7], $0x80, s28, s7, $0xb8;
	[tilespmem:$0x1FC00] =	vst v63  }
0x8aa: {  	_ =	swait.ge [sflag:s10], $0x3200  }
0x8ab: {  	[sflag:s10] =	ssyncset.done $0x0  }
0x8ac: {  	[sflag:s10] =	ssyncadd.s32 $0xFFFFCE00  }
0x8ad: {  	_ =	swait.ge [sflag:s9], $0x3200  }
0x8ae: {  	[sflag:s9] =	ssyncset.done $0x0  }
0x8af: {  	s28 =	simm.s32 $0x1300;
	[sflag:s9] =	ssyncadd.s32 $0xFFFFCE00  }
0x8b0: {  	[spmem:s2] =	stream.indirect.scatter.add.f32 [tilespmem:s8], [sflag:$0x2], $0x80, s28, s7, $0xb8;
	[tilespmem:$0x1FC00] =	vst v63  }
0x8b1: {  	s22 =	simm.s32 $0x400  }
0x8b2: {  	[tilespmem:s11], [sflag:$0x1] =	stream.indirect.gather [hbm4b:s3+s7], $0x80, s22, s7, $0xb8;
	[tilespmem:$0x1FC00] =	vst v63  }
0x8b3: {  	_ =	swait.ge [sflag:s10], $0x3200  }
0x8b4: {  	[sflag:s10] =	ssyncset.done $0x0  }
0x8b5: {  	[sflag:s10] =	ssyncadd.s32 $0xFFFFCE00  }
0x8b6: {  	_ =	swait.ge [sflag:s9], $0x3200  }
0x8b7: {  	[sflag:s9] =	ssyncset.done $0x0  }
0x8b8: {  	s30 =	simm.s32 $0x1380;
	[sflag:s9] =	ssyncadd.s32 $0xFFFFCE00  }
0x8b9: {  	[spmem:s2] =	stream.indirect.scatter.add.f32 [tilespmem:s12], [sflag:$0x2], $0x80, s30, s7, $0xb8;
	[tilespmem:$0x1FC00] =	vst v63  }
0x8ba: {  	s20 =	simm.s32 $0x480  }
0x8bb: {  	[tilespmem:s8], [sflag:$0x1] =	stream.indirect.gather [hbm4b:s3+s7], $0x80, s20, s7, $0xb8;
	[tilespmem:$0x1FC00] =	vst v63  }
0x8bc: {  	_ =	swait.ge [sflag:s10], $0x3200  }
0x8bd: {  	[sflag:s10] =	ssyncset.done $0x0  }
0x8be: {  	[sflag:s10] =	ssyncadd.s32 $0xFFFFCE00  }
0x8bf: {  	_ =	swait.ge [sflag:s9], $0x3200  }
0x8c0: {  	[sflag:s9] =	ssyncset.done $0x0  }
0x8c1: {  	s16 =	simm.s32 $0x1400;
	[sflag:s9] =	ssyncadd.s32 $0xFFFFCE00  }
0x8c2: {  	[spmem:s2] =	stream.indirect.scatter.add.f32 [tilespmem:s11], [sflag:$0x2], $0x80, s16, s7, $0xb8;
	[tilespmem:$0x1FC00] =	vst v63  }
0x8c3: {  	s17 =	simm.s32 $0x500  }
0x8c4: {  	[tilespmem:s12], [sflag:$0x1] =	stream.indirect.gather [hbm4b:s3+s7], $0x80, s17, s7, $0xb8;
	[tilespmem:$0x1FC00] =	vst v63  }
0x8c5: {  	_ =	swait.ge [sflag:s10], $0x3200  }
0x8c6: {  	[sflag:s10] =	ssyncset.done $0x0  }
0x8c7: {  	[sflag:s10] =	ssyncadd.s32 $0xFFFFCE00  }
0x8c8: {  	_ =	swait.ge [sflag:s9], $0x3200  }
0x8c9: {  	[sflag:s9] =	ssyncset.done $0x0  }
0x8ca: {  	s19 =	simm.s32 $0x1480;
	[sflag:s9] =	ssyncadd.s32 $0xFFFFCE00  }
0x8cb: {  	[spmem:s2] =	stream.indirect.scatter.add.f32 [tilespmem:s8], [sflag:$0x2], $0x80, s19, s7, $0xb8;
	[tilespmem:$0x1FC00] =	vst v63  }
0x8cc: {  	s31 =	simm.s32 $0x580  }
0x8cd: {  	[tilespmem:s11], [sflag:$0x1] =	stream.indirect.gather [hbm4b:s3+s7], $0x80, s31, s7, $0xb8;
	[tilespmem:$0x1FC00] =	vst v63  }
0x8ce: {  	_ =	swait.ge [sflag:s10], $0x3200  }
0x8cf: {  	[sflag:s10] =	ssyncset.done $0x0  }
0x8d0: {  	[sflag:s10] =	ssyncadd.s32 $0xFFFFCE00  }
0x8d1: {  	_ =	swait.ge [sflag:s9], $0x3200  }
0x8d2: {  	[sflag:s9] =	ssyncset.done $0x0  }
0x8d3: {  	s31 =	simm.s32 $0x1500;
	[sflag:s9] =	ssyncadd.s32 $0xFFFFCE00  }
0x8d4: {  	[spmem:s2] =	stream.indirect.scatter.add.f32 [tilespmem:s12], [sflag:$0x2], $0x80, s31, s7, $0xb8;
	[tilespmem:$0x1FC00] =	vst v63  }
0x8d5: {  	s4 =	simm.s32 $0x600  }
0x8d6: {  	[tilespmem:s8], [sflag:$0x1] =	stream.indirect.gather [hbm4b:s3+s7], $0x80, s4, s7, $0xb8;
	[tilespmem:$0x1FC00] =	vst v63  }
0x8d7: {  	_ =	swait.ge [sflag:s10], $0x3200  }
0x8d8: {  	[sflag:s10] =	ssyncset.done $0x0  }
0x8d9: {  	[sflag:s10] =	ssyncadd.s32 $0xFFFFCE00  }
0x8da: {  	_ =	swait.ge [sflag:s9], $0x3200  }
0x8db: {  	[sflag:s9] =	ssyncset.done $0x0  }
0x8dc: {  	s30 =	simm.s32 $0x1580;
	[sflag:s9] =	ssyncadd.s32 $0xFFFFCE00  }
0x8dd: {  	[spmem:s2] =	stream.indirect.scatter.add.f32 [tilespmem:s11], [sflag:$0x2], $0x80, s30, s7, $0xb8;
	[tilespmem:$0x1FC00] =	vst v63  }
0x8de: {  	s1 =	simm.s32 $0x680  }
0x8df: {  	[tilespmem:s12], [sflag:$0x1] =	stream.indirect.gather [hbm4b:s3+s7], $0x80, s1, s7, $0xb8;
	[tilespmem:$0x1FC00] =	vst v63  }
0x8e0: {  	_ =	swait.ge [sflag:s10], $0x3200  }
0x8e1: {  	[sflag:s10] =	ssyncset.done $0x0  }
0x8e2: {  	[sflag:s10] =	ssyncadd.s32 $0xFFFFCE00  }
0x8e3: {  	_ =	swait.ge [sflag:s9], $0x3200  }
0x8e4: {  	[sflag:s9] =	ssyncset.done $0x0  }
0x8e5: {  	s28 =	simm.s32 $0x1600;
	[sflag:s9] =	ssyncadd.s32 $0xFFFFCE00  }
0x8e6: {  	[spmem:s2] =	stream.indirect.scatter.add.f32 [tilespmem:s8], [sflag:$0x2], $0x80, s28, s7, $0xb8;
	[tilespmem:$0x1FC00] =	vst v63  }
0x8e7: {  	s23 =	simm.s32 $0x700  }
0x8e8: {  	[tilespmem:s11], [sflag:$0x1] =	stream.indirect.gather [hbm4b:s3+s7], $0x80, s23, s7, $0xb8;
	[tilespmem:$0x1FC00] =	vst v63  }
0x8e9: {  	_ =	swait.ge [sflag:s10], $0x3200  }
0x8ea: {  	[sflag:s10] =	ssyncset.done $0x0  }
0x8eb: {  	[sflag:s10] =	ssyncadd.s32 $0xFFFFCE00  }
0x8ec: {  	_ =	swait.ge [sflag:s9], $0x3200  }
0x8ed: {  	[sflag:s9] =	ssyncset.done $0x0  }
0x8ee: {  	s23 =	simm.s32 $0x1680;
	[sflag:s9] =	ssyncadd.s32 $0xFFFFCE00  }
0x8ef: {  	[spmem:s2] =	stream.indirect.scatter.add.f32 [tilespmem:s12], [sflag:$0x2], $0x80, s23, s7, $0xb8;
	[tilespmem:$0x1FC00] =	vst v63  }
0x8f0: {  	s24 =	simm.s32 $0x780  }
0x8f1: {  	[tilespmem:s8], [sflag:$0x1] =	stream.indirect.gather [hbm4b:s3+s7], $0x80, s24, s7, $0xb8;
	[tilespmem:$0x1FC00] =	vst v63  }
0x8f2: {  	_ =	swait.ge [sflag:s10], $0x3200  }
0x8f3: {  	[sflag:s10] =	ssyncset.done $0x0  }
0x8f4: {  	[sflag:s10] =	ssyncadd.s32 $0xFFFFCE00  }
0x8f5: {  	_ =	swait.ge [sflag:s9], $0x3200  }
0x8f6: {  	[sflag:s9] =	ssyncset.done $0x0  }
0x8f7: {  	s20 =	simm.s32 $0x1700;
	[sflag:s9] =	ssyncadd.s32 $0xFFFFCE00  }
0x8f8: {  	[spmem:s2] =	stream.indirect.scatter.add.f32 [tilespmem:s11], [sflag:$0x2], $0x80, s20, s7, $0xb8;
	[tilespmem:$0x1FC00] =	vst v63  }
0x8f9: {  	s18 =	simm.s32 $0x800  }
0x8fa: {  	[tilespmem:s12], [sflag:$0x1] =	stream.indirect.gather [hbm4b:s3+s7], $0x80, s18, s7, $0xb8;
	[tilespmem:$0x1FC00] =	vst v63  }
0x8fb: {  	_ =	swait.ge [sflag:s10], $0x3200  }
0x8fc: {  	[sflag:s10] =	ssyncset.done $0x0  }
0x8fd: {  	[sflag:s10] =	ssyncadd.s32 $0xFFFFCE00  }
0x8fe: {  	_ =	swait.ge [sflag:s9], $0x3200  }
0x8ff: {  	[sflag:s9] =	ssyncset.done $0x0  }
0x900: {  	s18 =	simm.s32 $0x1780;
	[sflag:s9] =	ssyncadd.s32 $0xFFFFCE00  }
0x901: {  	[spmem:s2] =	stream.indirect.scatter.add.f32 [tilespmem:s8], [sflag:$0x2], $0x80, s18, s7, $0xb8;
	[tilespmem:$0x1FC00] =	vst v63  }
0x902: {  	s26 =	simm.s32 $0x880  }
0x903: {  	[tilespmem:s11], [sflag:$0x1] =	stream.indirect.gather [hbm4b:s3+s7], $0x80, s26, s7, $0xb8;
	[tilespmem:$0x1FC00] =	vst v63  }
0x904: {  	_ =	swait.ge [sflag:s10], $0x3200  }
0x905: {  	[sflag:s10] =	ssyncset.done $0x0  }
0x906: {  	[sflag:s10] =	ssyncadd.s32 $0xFFFFCE00  }
0x907: {  	_ =	swait.ge [sflag:s9], $0x3200  }
0x908: {  	[sflag:s9] =	ssyncset.done $0x0  }
0x909: {  	s17 =	simm.s32 $0x1800;
	[sflag:s9] =	ssyncadd.s32 $0xFFFFCE00  }
0x90a: {  	[spmem:s2] =	stream.indirect.scatter.add.f32 [tilespmem:s12], [sflag:$0x2], $0x80, s17, s7, $0xb8;
	[tilespmem:$0x1FC00] =	vst v63  }
0x90b: {  	s26 =	simm.s32 $0x900  }
0x90c: {  	[tilespmem:s8], [sflag:$0x1] =	stream.indirect.gather [hbm4b:s3+s7], $0x80, s26, s7, $0xb8;
	[tilespmem:$0x1FC00] =	vst v63  }
0x90d: {  	_ =	swait.ge [sflag:s10], $0x3200  }
0x90e: {  	[sflag:s10] =	ssyncset.done $0x0  }
0x90f: {  	[sflag:s10] =	ssyncadd.s32 $0xFFFFCE00  }
0x910: {  	_ =	swait.ge [sflag:s9], $0x3200  }
0x911: {  	[sflag:s9] =	ssyncset.done $0x0  }
0x912: {  	s22 =	simm.s32 $0x1880;
	[sflag:s9] =	ssyncadd.s32 $0xFFFFCE00  }
0x913: {  	[spmem:s2] =	stream.indirect.scatter.add.f32 [tilespmem:s11], [sflag:$0x2], $0x80, s22, s7, $0xb8;
	[tilespmem:$0x1FC00] =	vst v63  }
0x914: {  	s1 =	simm.s32 $0x980  }
0x915: {  	[tilespmem:s12], [sflag:$0x1] =	stream.indirect.gather [hbm4b:s3+s7], $0x80, s1, s7, $0xb8;
	[tilespmem:$0x1FC00] =	vst v63  }
0x916: {  	_ =	swait.ge [sflag:s10], $0x3200  }
0x917: {  	[sflag:s10] =	ssyncset.done $0x0  }
0x918: {  	[sflag:s10] =	ssyncadd.s32 $0xFFFFCE00  }
0x919: {  	_ =	swait.ge [sflag:s9], $0x3200  }
0x91a: {  	[sflag:s9] =	ssyncset.done $0x0  }
0x91b: {  	s25 =	simm.s32 $0x1900;
	[sflag:s9] =	ssyncadd.s32 $0xFFFFCE00  }
0x91c: {  	[spmem:s2] =	stream.indirect.scatter.add.f32 [tilespmem:s8], [sflag:$0x2], $0x80, s25, s7, $0xb8;
	[tilespmem:$0x1FC00] =	vst v63  }
0x91d: {  	s16 =	simm.s32 $0xA00  }
0x91e: {  	[tilespmem:s11], [sflag:$0x1] =	stream.indirect.gather [hbm4b:s3+s7], $0x80, s16, s7, $0xb8;
	[tilespmem:$0x1FC00] =	vst v63  }
0x91f: {  	_ =	swait.ge [sflag:s10], $0x3200  }
0x920: {  	[sflag:s10] =	ssyncset.done $0x0  }
0x921: {  	[sflag:s10] =	ssyncadd.s32 $0xFFFFCE00  }
0x922: {  	_ =	swait.ge [sflag:s9], $0x3200  }
0x923: {  	[sflag:s9] =	ssyncset.done $0x0  }
0x924: {  	s25 =	simm.s32 $0x1980;
	[sflag:s9] =	ssyncadd.s32 $0xFFFFCE00  }
0x925: {  	[spmem:s2] =	stream.indirect.scatter.add.f32 [tilespmem:s12], [sflag:$0x2], $0x80, s25, s7, $0xb8;
	[tilespmem:$0x1FC00] =	vst v63  }
0x926: {  	s25 =	simm.s32 $0xA80  }
0x927: {  	[tilespmem:s8], [sflag:$0x1] =	stream.indirect.gather [hbm4b:s3+s7], $0x80, s25, s7, $0xb8;
	[tilespmem:$0x1FC00] =	vst v63  }
0x928: {  	_ =	swait.ge [sflag:s10], $0x3200  }
0x929: {  	[sflag:s10] =	ssyncset.done $0x0  }
0x92a: {  	[sflag:s10] =	ssyncadd.s32 $0xFFFFCE00  }
0x92b: {  	_ =	swait.ge [sflag:s9], $0x3200  }
0x92c: {  	[sflag:s9] =	ssyncset.done $0x0  }
0x92d: {  	s4 =	simm.s32 $0x1A00;
	[sflag:s9] =	ssyncadd.s32 $0xFFFFCE00  }
0x92e: {  	[spmem:s2] =	stream.indirect.scatter.add.f32 [tilespmem:s11], [sflag:$0x2], $0x80, s4, s7, $0xb8;
	[tilespmem:$0x1FC00] =	vst v63  }
0x92f: {  	s4 =	simm.s32 $0xB00  }
0x930: {  	[tilespmem:s12], [sflag:$0x1] =	stream.indirect.gather [hbm4b:s3+s7], $0x80, s4, s7, $0xb8;
	[tilespmem:$0x1FC00] =	vst v63  }
0x931: {  	_ =	swait.ge [sflag:s10], $0x3200  }
0x932: {  	[sflag:s10] =	ssyncset.done $0x0  }
0x933: {  	[sflag:s10] =	ssyncadd.s32 $0xFFFFCE00  }
0x934: {  	_ =	swait.ge [sflag:s9], $0x3200  }
0x935: {  	[sflag:s9] =	ssyncset.done $0x0  }
0x936: {  	s22 =	simm.s32 $0x1A80;
	[sflag:s9] =	ssyncadd.s32 $0xFFFFCE00  }
0x937: {  	[spmem:s2] =	stream.indirect.scatter.add.f32 [tilespmem:s8], [sflag:$0x2], $0x80, s22, s7, $0xb8;
	[tilespmem:$0x1FC00] =	vst v63  }
0x938: {  	s29 =	simm.s32 $0xB80  }
0x939: {  	[tilespmem:s11], [sflag:$0x1] =	stream.indirect.gather [hbm4b:s3+s7], $0x80, s29, s7, $0xb8;
	[tilespmem:$0x1FC00] =	vst v63  }
0x93a: {  	_ =	swait.ge [sflag:s10], $0x3200  }
0x93b: {  	[sflag:s10] =	ssyncset.done $0x0  }
0x93c: {  	[sflag:s10] =	ssyncadd.s32 $0xFFFFCE00  }
0x93d: {  	_ =	swait.ge [sflag:s9], $0x3200  }
0x93e: {  	[sflag:s9] =	ssyncset.done $0x0  }
0x93f: {  	s20 =	simm.s32 $0x1B00;
	[sflag:s9] =	ssyncadd.s32 $0xFFFFCE00  }
0x940: {  	[spmem:s2] =	stream.indirect.scatter.add.f32 [tilespmem:s12], [sflag:$0x2], $0x80, s20, s7, $0xb8;
	[tilespmem:$0x1FC00] =	vst v63  }
0x941: {  	s29 =	simm.s32 $0xC00  }
0x942: {  	[tilespmem:s8], [sflag:$0x1] =	stream.indirect.gather [hbm4b:s3+s7], $0x80, s29, s7, $0xb8;
	[tilespmem:$0x1FC00] =	vst v63  }
0x943: {  	_ =	swait.ge [sflag:s10], $0x3200  }
0x944: {  	[sflag:s10] =	ssyncset.done $0x0  }
0x945: {  	[sflag:s10] =	ssyncadd.s32 $0xFFFFCE00  }
0x946: {  	_ =	swait.ge [sflag:s9], $0x3200  }
0x947: {  	[sflag:s9] =	ssyncset.done $0x0  }
0x948: {  	s19 =	simm.s32 $0x1B80;
	[sflag:s9] =	ssyncadd.s32 $0xFFFFCE00  }
0x949: {  	[spmem:s2] =	stream.indirect.scatter.add.f32 [tilespmem:s11], [sflag:$0x2], $0x80, s19, s7, $0xb8;
	[tilespmem:$0x1FC00] =	vst v63  }
0x94a: {  	_ =	swait.ge [sflag:s10], $0x3200  }
0x94b: {  	[sflag:s10] =	ssyncset.done $0x0  }
0x94c: {  	[sflag:s10] =	ssyncadd.s32 $0xFFFFCE00  }
0x94d: {  	_ =	swait.ge [sflag:s9], $0x3200  }
0x94e: {  	[sflag:s9] =	ssyncset.done $0x0  }
0x94f: {  	s19 =	simm.s32 $0x1C00;
	[sflag:s9] =	ssyncadd.s32 $0xFFFFCE00  }
0x950: {  	[spmem:s2] =	stream.indirect.scatter.add.f32 [tilespmem:s8], [sflag:$0x2], $0x80, s19, s7, $0xb8;
	[tilespmem:$0x1FC00] =	vst v63  }
0x951: {  	_ =	swait.ge [sflag:s9], $0x3200  }
0x952: {  	[sflag:s9] =	ssyncset.done $0x0  }
0x953: {  	s0 =	rddreg [dreg:$0x9];
	[sflag:s9] =	ssyncadd.s32 $0xFFFFCE00  }
0x954: {  	[tilespmem:s21], [sflag:$0x3] =	stream.linear.gather [hbm4b:s0+s21], $0xC80, $0x38;
	[tilespmem:$0x1FC00] =	vst v63  }
0x955: {  	_ =	swait.ge [sflag:s5], $0xC80  }
0x956: {  	[sflag:s5] =	ssyncset.done $0x0  }
0x957: {  	s0 =	simm.s32 $0x1000;
	s19 =	rddreg [dreg:$0xa];
	[sflag:s5] =	ssyncadd.s32 $0xFFFFF380  }
0x958: {  	[tilespmem:s0], [sflag:$0x3] =	stream.linear.gather [hbm4b:s19+s21], $0xC80, $0x38;
	[tilespmem:$0x1FC00] =	vst v63  }
0x959: {  	_ =	swait.ge [sflag:s5], $0xC80  }
0x95a: {  	[sflag:s5] =	ssyncset.done $0x0  }
0x95b: {  	[sflag:s5] =	ssyncadd.s32 $0xFFFFF380  }
0x95c: {  	[tilespmem:s8], [sflag:$0x1] =	stream.indirect.gather [hbm4b:s3+s7], $0x80, s21, s7, $0xb8;
	[tilespmem:$0x1FC00] =	vst v63  }
0x95d: {  	s19 =	simm.s32 $0x80  }
0x95e: {  	[tilespmem:s12], [sflag:$0x1] =	stream.indirect.gather [hbm4b:s3+s7], $0x80, s19, s7, $0xb8;
	[tilespmem:$0x1FC00] =	vst v63  }
0x95f: {  	_ =	swait.ge [sflag:s10], $0x3200  }
0x960: {  	[sflag:s10] =	ssyncset.done $0x0  }
0x961: {  	[sflag:s10] =	ssyncadd.s32 $0xFFFFCE00  }
0x962: {  	[spmem:s2] =	stream.indirect.scatter.add.f32 [tilespmem:s8], [sflag:$0x2], $0x80, s0, s7, $0xb8;
	[tilespmem:$0x1FC00] =	vst v63  }
0x963: {  	s19 =	simm.s32 $0x100  }
0x964: {  	[tilespmem:s11], [sflag:$0x1] =	stream.indirect.gather [hbm4b:s3+s7], $0x80, s19, s7, $0xb8;
	[tilespmem:$0x1FC00] =	vst v63  }
0x965: {  	_ =	swait.ge [sflag:s10], $0x3200  }
0x966: {  	[sflag:s10] =	ssyncset.done $0x0  }
0x967: {  	[sflag:s10] =	ssyncadd.s32 $0xFFFFCE00  }
0x968: {  	_ =	swait.ge [sflag:s9], $0x3200  }
0x969: {  	[sflag:s9] =	ssyncset.done $0x0  }
0x96a: {  	s19 =	simm.s32 $0x1080;
	[sflag:s9] =	ssyncadd.s32 $0xFFFFCE00  }
0x96b: {  	[spmem:s2] =	stream.indirect.scatter.add.f32 [tilespmem:s12], [sflag:$0x2], $0x80, s19, s7, $0xb8;
	[tilespmem:$0x1FC00] =	vst v63  }
0x96c: {  	_ = 	snop  }
0x96d: {  	[tilespmem:s8], [sflag:$0x1] =	stream.indirect.gather [hbm4b:s3+s7], $0x80, s15, s7, $0xb8;
	[tilespmem:$0x1FC00] =	vst v63  }
0x96e: {  	_ =	swait.ge [sflag:s10], $0x3200  }
0x96f: {  	[sflag:s10] =	ssyncset.done $0x0  }
0x970: {  	[sflag:s10] =	ssyncadd.s32 $0xFFFFCE00  }
0x971: {  	_ =	swait.ge [sflag:s9], $0x3200  }
0x972: {  	[sflag:s9] =	ssyncset.done $0x0  }
0x973: {  	s19 =	simm.s32 $0x1100;
	[sflag:s9] =	ssyncadd.s32 $0xFFFFCE00  }
0x974: {  	[spmem:s2] =	stream.indirect.scatter.add.f32 [tilespmem:s11], [sflag:$0x2], $0x80, s19, s7, $0xb8;
	[tilespmem:$0x1FC00] =	vst v63  }
0x975: {  	_ = 	snop  }
0x976: {  	[tilespmem:s12], [sflag:$0x1] =	stream.indirect.gather [hbm4b:s3+s7], $0x80, s14, s7, $0xb8;
	[tilespmem:$0x1FC00] =	vst v63  }
0x977: {  	_ =	swait.ge [sflag:s10], $0x3200  }
0x978: {  	[sflag:s10] =	ssyncset.done $0x0  }
0x979: {  	[sflag:s10] =	ssyncadd.s32 $0xFFFFCE00  }
0x97a: {  	_ =	swait.ge [sflag:s9], $0x3200  }
0x97b: {  	[sflag:s9] =	ssyncset.done $0x0  }
0x97c: {  	s19 =	simm.s32 $0x1180;
	[sflag:s9] =	ssyncadd.s32 $0xFFFFCE00  }
0x97d: {  	[spmem:s2] =	stream.indirect.scatter.add.f32 [tilespmem:s8], [sflag:$0x2], $0x80, s19, s7, $0xb8;
	[tilespmem:$0x1FC00] =	vst v63  }
0x97e: {  	_ = 	snop  }
0x97f: {  	[tilespmem:s11], [sflag:$0x1] =	stream.indirect.gather [hbm4b:s3+s7], $0x80, s13, s7, $0xb8;
	[tilespmem:$0x1FC00] =	vst v63  }
0x980: {  	_ =	swait.ge [sflag:s10], $0x3200  }
0x981: {  	[sflag:s10] =	ssyncset.done $0x0  }
0x982: {  	[sflag:s10] =	ssyncadd.s32 $0xFFFFCE00  }
0x983: {  	_ =	swait.ge [sflag:s9], $0x3200  }
0x984: {  	[sflag:s9] =	ssyncset.done $0x0  }
0x985: {  	s15 =	simm.s32 $0x1200;
	[sflag:s9] =	ssyncadd.s32 $0xFFFFCE00  }
0x986: {  	[spmem:s2] =	stream.indirect.scatter.add.f32 [tilespmem:s12], [sflag:$0x2], $0x80, s15, s7, $0xb8;
	[tilespmem:$0x1FC00] =	vst v63  }
0x987: {  	_ = 	snop  }
0x988: {  	[tilespmem:s8], [sflag:$0x1] =	stream.indirect.gather [hbm4b:s3+s7], $0x80, s6, s7, $0xb8;
	[tilespmem:$0x1FC00] =	vst v63  }
0x989: {  	_ =	swait.ge [sflag:s10], $0x3200  }
0x98a: {  	[sflag:s10] =	ssyncset.done $0x0  }
0x98b: {  	[sflag:s10] =	ssyncadd.s32 $0xFFFFCE00  }
0x98c: {  	_ =	swait.ge [sflag:s9], $0x3200  }
0x98d: {  	[sflag:s9] =	ssyncset.done $0x0  }
0x98e: {  	s19 =	simm.s32 $0x1280;
	[sflag:s9] =	ssyncadd.s32 $0xFFFFCE00  }
0x98f: {  	[spmem:s2] =	stream.indirect.scatter.add.f32 [tilespmem:s11], [sflag:$0x2], $0x80, s19, s7, $0xb8;
	[tilespmem:$0x1FC00] =	vst v63  }
0x990: {  	s13 =	simm.s32 $0x380  }
0x991: {  	[tilespmem:s12], [sflag:$0x1] =	stream.indirect.gather [hbm4b:s3+s7], $0x80, s13, s7, $0xb8;
	[tilespmem:$0x1FC00] =	vst v63  }
0x992: {  	_ =	swait.ge [sflag:s10], $0x3200  }
0x993: {  	[sflag:s10] =	ssyncset.done $0x0  }
0x994: {  	[sflag:s10] =	ssyncadd.s32 $0xFFFFCE00  }
0x995: {  	_ =	swait.ge [sflag:s9], $0x3200  }
0x996: {  	[sflag:s9] =	ssyncset.done $0x0  }
0x997: {  	s14 =	simm.s32 $0x1300;
	[sflag:s9] =	ssyncadd.s32 $0xFFFFCE00  }
0x998: {  	[spmem:s2] =	stream.indirect.scatter.add.f32 [tilespmem:s8], [sflag:$0x2], $0x80, s14, s7, $0xb8;
	[tilespmem:$0x1FC00] =	vst v63  }
0x999: {  	s15 =	simm.s32 $0x400  }
0x99a: {  	[tilespmem:s11], [sflag:$0x1] =	stream.indirect.gather [hbm4b:s3+s7], $0x80, s15, s7, $0xb8;
	[tilespmem:$0x1FC00] =	vst v63  }
0x99b: {  	_ =	swait.ge [sflag:s10], $0x3200  }
0x99c: {  	[sflag:s10] =	ssyncset.done $0x0  }
0x99d: {  	[sflag:s10] =	ssyncadd.s32 $0xFFFFCE00  }
0x99e: {  	_ =	swait.ge [sflag:s9], $0x3200  }
0x99f: {  	[sflag:s9] =	ssyncset.done $0x0  }
0x9a0: {  	s19 =	simm.s32 $0x1380;
	[sflag:s9] =	ssyncadd.s32 $0xFFFFCE00  }
0x9a1: {  	[spmem:s2] =	stream.indirect.scatter.add.f32 [tilespmem:s12], [sflag:$0x2], $0x80, s19, s7, $0xb8;
	[tilespmem:$0x1FC00] =	vst v63  }
0x9a2: {  	s13 =	simm.s32 $0x480  }
0x9a3: {  	[tilespmem:s8], [sflag:$0x1] =	stream.indirect.gather [hbm4b:s3+s7], $0x80, s13, s7, $0xb8;
	[tilespmem:$0x1FC00] =	vst v63  }
0x9a4: {  	_ =	swait.ge [sflag:s10], $0x3200  }
0x9a5: {  	[sflag:s10] =	ssyncset.done $0x0  }
0x9a6: {  	[sflag:s10] =	ssyncadd.s32 $0xFFFFCE00  }
0x9a7: {  	_ =	swait.ge [sflag:s9], $0x3200  }
0x9a8: {  	[sflag:s9] =	ssyncset.done $0x0  }
0x9a9: {  	s14 =	simm.s32 $0x1400;
	[sflag:s9] =	ssyncadd.s32 $0xFFFFCE00  }
0x9aa: {  	[spmem:s2] =	stream.indirect.scatter.add.f32 [tilespmem:s11], [sflag:$0x2], $0x80, s14, s7, $0xb8;
	[tilespmem:$0x1FC00] =	vst v63  }
0x9ab: {  	s19 =	simm.s32 $0x500  }
0x9ac: {  	[tilespmem:s12], [sflag:$0x1] =	stream.indirect.gather [hbm4b:s3+s7], $0x80, s19, s7, $0xb8;
	[tilespmem:$0x1FC00] =	vst v63  }
0x9ad: {  	_ =	swait.ge [sflag:s10], $0x3200  }
0x9ae: {  	[sflag:s10] =	ssyncset.done $0x0  }
0x9af: {  	[sflag:s10] =	ssyncadd.s32 $0xFFFFCE00  }
0x9b0: {  	_ =	swait.ge [sflag:s9], $0x3200  }
0x9b1: {  	[sflag:s9] =	ssyncset.done $0x0  }
0x9b2: {  	s13 =	simm.s32 $0x1480;
	[sflag:s9] =	ssyncadd.s32 $0xFFFFCE00  }
0x9b3: {  	[spmem:s2] =	stream.indirect.scatter.add.f32 [tilespmem:s8], [sflag:$0x2], $0x80, s13, s7, $0xb8;
	[tilespmem:$0x1FC00] =	vst v63  }
0x9b4: {  	s19 =	simm.s32 $0x580  }
0x9b5: {  	[tilespmem:s11], [sflag:$0x1] =	stream.indirect.gather [hbm4b:s3+s7], $0x80, s19, s7, $0xb8;
	[tilespmem:$0x1FC00] =	vst v63  }
0x9b6: {  	_ =	swait.ge [sflag:s10], $0x3200  }
0x9b7: {  	[sflag:s10] =	ssyncset.done $0x0  }
0x9b8: {  	[sflag:s10] =	ssyncadd.s32 $0xFFFFCE00  }
0x9b9: {  	_ =	swait.ge [sflag:s9], $0x3200  }
0x9ba: {  	[sflag:s9] =	ssyncset.done $0x0  }
0x9bb: {  	[sflag:s9] =	ssyncadd.s32 $0xFFFFCE00  }
0x9bc: {  	[spmem:s2] =	stream.indirect.scatter.add.f32 [tilespmem:s12], [sflag:$0x2], $0x80, s31, s7, $0xb8;
	[tilespmem:$0x1FC00] =	vst v63  }
0x9bd: {  	s13 =	simm.s32 $0x600  }
0x9be: {  	[tilespmem:s8], [sflag:$0x1] =	stream.indirect.gather [hbm4b:s3+s7], $0x80, s13, s7, $0xb8;
	[tilespmem:$0x1FC00] =	vst v63  }
0x9bf: {  	_ =	swait.ge [sflag:s10], $0x3200  }
0x9c0: {  	[sflag:s10] =	ssyncset.done $0x0  }
0x9c1: {  	[sflag:s10] =	ssyncadd.s32 $0xFFFFCE00  }
0x9c2: {  	_ =	swait.ge [sflag:s9], $0x3200  }
0x9c3: {  	[sflag:s9] =	ssyncset.done $0x0  }
0x9c4: {  	[sflag:s9] =	ssyncadd.s32 $0xFFFFCE00  }
0x9c5: {  	[spmem:s2] =	stream.indirect.scatter.add.f32 [tilespmem:s11], [sflag:$0x2], $0x80, s30, s7, $0xb8;
	[tilespmem:$0x1FC00] =	vst v63  }
0x9c6: {  	s19 =	simm.s32 $0x680  }
0x9c7: {  	[tilespmem:s12], [sflag:$0x1] =	stream.indirect.gather [hbm4b:s3+s7], $0x80, s19, s7, $0xb8;
	[tilespmem:$0x1FC00] =	vst v63  }
0x9c8: {  	_ =	swait.ge [sflag:s10], $0x3200  }
0x9c9: {  	[sflag:s10] =	ssyncset.done $0x0  }
0x9ca: {  	[sflag:s10] =	ssyncadd.s32 $0xFFFFCE00  }
0x9cb: {  	_ =	swait.ge [sflag:s9], $0x3200  }
0x9cc: {  	[sflag:s9] =	ssyncset.done $0x0  }
0x9cd: {  	[sflag:s9] =	ssyncadd.s32 $0xFFFFCE00  }
0x9ce: {  	[spmem:s2] =	stream.indirect.scatter.add.f32 [tilespmem:s8], [sflag:$0x2], $0x80, s28, s7, $0xb8;
	[tilespmem:$0x1FC00] =	vst v63  }
0x9cf: {  	s31 =	simm.s32 $0x700  }
0x9d0: {  	[tilespmem:s11], [sflag:$0x1] =	stream.indirect.gather [hbm4b:s3+s7], $0x80, s31, s7, $0xb8;
	[tilespmem:$0x1FC00] =	vst v63  }
0x9d1: {  	_ =	swait.ge [sflag:s10], $0x3200  }
0x9d2: {  	[sflag:s10] =	ssyncset.done $0x0  }
0x9d3: {  	[sflag:s10] =	ssyncadd.s32 $0xFFFFCE00  }
0x9d4: {  	_ =	swait.ge [sflag:s9], $0x3200  }
0x9d5: {  	[sflag:s9] =	ssyncset.done $0x0  }
0x9d6: {  	[sflag:s9] =	ssyncadd.s32 $0xFFFFCE00  }
0x9d7: {  	[spmem:s2] =	stream.indirect.scatter.add.f32 [tilespmem:s12], [sflag:$0x2], $0x80, s23, s7, $0xb8;
	[tilespmem:$0x1FC00] =	vst v63  }
0x9d8: {  	_ = 	snop  }
0x9d9: {  	[tilespmem:s8], [sflag:$0x1] =	stream.indirect.gather [hbm4b:s3+s7], $0x80, s24, s7, $0xb8;
	[tilespmem:$0x1FC00] =	vst v63  }
0x9da: {  	_ =	swait.ge [sflag:s10], $0x3200  }
0x9db: {  	[sflag:s10] =	ssyncset.done $0x0  }
0x9dc: {  	[sflag:s10] =	ssyncadd.s32 $0xFFFFCE00  }
0x9dd: {  	_ =	swait.ge [sflag:s9], $0x3200  }
0x9de: {  	[sflag:s9] =	ssyncset.done $0x0  }
0x9df: {  	s13 =	simm.s32 $0x1700;
	[sflag:s9] =	ssyncadd.s32 $0xFFFFCE00  }
0x9e0: {  	[spmem:s2] =	stream.indirect.scatter.add.f32 [tilespmem:s11], [sflag:$0x2], $0x80, s13, s7, $0xb8;
	[tilespmem:$0x1FC00] =	vst v63  }
0x9e1: {  	s19 =	simm.s32 $0x800  }
0x9e2: {  	[tilespmem:s12], [sflag:$0x1] =	stream.indirect.gather [hbm4b:s3+s7], $0x80, s19, s7, $0xb8;
	[tilespmem:$0x1FC00] =	vst v63  }
0x9e3: {  	_ =	swait.ge [sflag:s10], $0x3200  }
0x9e4: {  	[sflag:s10] =	ssyncset.done $0x0  }
0x9e5: {  	[sflag:s10] =	ssyncadd.s32 $0xFFFFCE00  }
0x9e6: {  	_ =	swait.ge [sflag:s9], $0x3200  }
0x9e7: {  	[sflag:s9] =	ssyncset.done $0x0  }
0x9e8: {  	[sflag:s9] =	ssyncadd.s32 $0xFFFFCE00  }
0x9e9: {  	[spmem:s2] =	stream.indirect.scatter.add.f32 [tilespmem:s8], [sflag:$0x2], $0x80, s18, s7, $0xb8;
	[tilespmem:$0x1FC00] =	vst v63  }
0x9ea: {  	s24 =	simm.s32 $0x880  }
0x9eb: {  	[tilespmem:s11], [sflag:$0x1] =	stream.indirect.gather [hbm4b:s3+s7], $0x80, s24, s7, $0xb8;
	[tilespmem:$0x1FC00] =	vst v63  }
0x9ec: {  	_ =	swait.ge [sflag:s10], $0x3200  }
0x9ed: {  	[sflag:s10] =	ssyncset.done $0x0  }
0x9ee: {  	[sflag:s10] =	ssyncadd.s32 $0xFFFFCE00  }
0x9ef: {  	_ =	swait.ge [sflag:s9], $0x3200  }
0x9f0: {  	[sflag:s9] =	ssyncset.done $0x0  }
0x9f1: {  	[sflag:s9] =	ssyncadd.s32 $0xFFFFCE00  }
0x9f2: {  	[spmem:s2] =	stream.indirect.scatter.add.f32 [tilespmem:s12], [sflag:$0x2], $0x80, s17, s7, $0xb8;
	[tilespmem:$0x1FC00] =	vst v63  }
0x9f3: {  	_ = 	snop  }
0x9f4: {  	[tilespmem:s8], [sflag:$0x1] =	stream.indirect.gather [hbm4b:s3+s7], $0x80, s26, s7, $0xb8;
	[tilespmem:$0x1FC00] =	vst v63  }
0x9f5: {  	_ =	swait.ge [sflag:s10], $0x3200  }
0x9f6: {  	[sflag:s10] =	ssyncset.done $0x0  }
0x9f7: {  	[sflag:s10] =	ssyncadd.s32 $0xFFFFCE00  }
0x9f8: {  	_ =	swait.ge [sflag:s9], $0x3200  }
0x9f9: {  	[sflag:s9] =	ssyncset.done $0x0  }
0x9fa: {  	s6 =	simm.s32 $0x1880;
	[sflag:s9] =	ssyncadd.s32 $0xFFFFCE00  }
0x9fb: {  	[spmem:s2] =	stream.indirect.scatter.add.f32 [tilespmem:s11], [sflag:$0x2], $0x80, s6, s7, $0xb8;
	[tilespmem:$0x1FC00] =	vst v63  }
0x9fc: {  	_ = 	snop  }
0x9fd: {  	[tilespmem:s12], [sflag:$0x1] =	stream.indirect.gather [hbm4b:s3+s7], $0x80, s1, s7, $0xb8;
	[tilespmem:$0x1FC00] =	vst v63  }
0x9fe: {  	_ =	swait.ge [sflag:s10], $0x3200  }
0x9ff: {  	[sflag:s10] =	ssyncset.done $0x0  }
0xa00: {  	[sflag:s10] =	ssyncadd.s32 $0xFFFFCE00  }
0xa01: {  	_ =	swait.ge [sflag:s9], $0x3200  }
0xa02: {  	[sflag:s9] =	ssyncset.done $0x0  }
0xa03: {  	s1 =	simm.s32 $0x1900;
	[sflag:s9] =	ssyncadd.s32 $0xFFFFCE00  }
0xa04: {  	[spmem:s2] =	stream.indirect.scatter.add.f32 [tilespmem:s8], [sflag:$0x2], $0x80, s1, s7, $0xb8;
	[tilespmem:$0x1FC00] =	vst v63  }
0xa05: {  	_ = 	snop  }
0xa06: {  	[tilespmem:s11], [sflag:$0x1] =	stream.indirect.gather [hbm4b:s3+s7], $0x80, s16, s7, $0xb8;
	[tilespmem:$0x1FC00] =	vst v63  }
0xa07: {  	_ =	swait.ge [sflag:s10], $0x3200  }
0xa08: {  	[sflag:s10] =	ssyncset.done $0x0  }
0xa09: {  	[sflag:s10] =	ssyncadd.s32 $0xFFFFCE00  }
0xa0a: {  	_ =	swait.ge [sflag:s9], $0x3200  }
0xa0b: {  	[sflag:s9] =	ssyncset.done $0x0  }
0xa0c: {  	s13 =	simm.s32 $0x1980;
	[sflag:s9] =	ssyncadd.s32 $0xFFFFCE00  }
0xa0d: {  	[spmem:s2] =	stream.indirect.scatter.add.f32 [tilespmem:s12], [sflag:$0x2], $0x80, s13, s7, $0xb8;
	[tilespmem:$0x1FC00] =	vst v63  }
0xa0e: {  	_ = 	snop  }
0xa0f: {  	[tilespmem:s8], [sflag:$0x1] =	stream.indirect.gather [hbm4b:s3+s7], $0x80, s25, s7, $0xb8;
	[tilespmem:$0x1FC00] =	vst v63  }
0xa10: {  	_ =	swait.ge [sflag:s10], $0x3200  }
0xa11: {  	[sflag:s10] =	ssyncset.done $0x0  }
0xa12: {  	[sflag:s10] =	ssyncadd.s32 $0xFFFFCE00  }
0xa13: {  	_ =	swait.ge [sflag:s9], $0x3200  }
0xa14: {  	[sflag:s9] =	ssyncset.done $0x0  }
0xa15: {  	s31 =	simm.s32 $0x1A00;
	[sflag:s9] =	ssyncadd.s32 $0xFFFFCE00  }
0xa16: {  	[spmem:s2] =	stream.indirect.scatter.add.f32 [tilespmem:s11], [sflag:$0x2], $0x80, s31, s7, $0xb8;
	[tilespmem:$0x1FC00] =	vst v63  }
0xa17: {  	_ = 	snop  }
0xa18: {  	[tilespmem:s12], [sflag:$0x1] =	stream.indirect.gather [hbm4b:s3+s7], $0x80, s4, s7, $0xb8;
	[tilespmem:$0x1FC00] =	vst v63  }
0xa19: {  	_ =	swait.ge [sflag:s10], $0x3200  }
0xa1a: {  	[sflag:s10] =	ssyncset.done $0x0  }
0xa1b: {  	[sflag:s10] =	ssyncadd.s32 $0xFFFFCE00  }
0xa1c: {  	_ =	swait.ge [sflag:s9], $0x3200  }
0xa1d: {  	[sflag:s9] =	ssyncset.done $0x0  }
0xa1e: {  	[sflag:s9] =	ssyncadd.s32 $0xFFFFCE00  }
0xa1f: {  	[spmem:s2] =	stream.indirect.scatter.add.f32 [tilespmem:s8], [sflag:$0x2], $0x80, s22, s7, $0xb8;
	[tilespmem:$0x1FC00] =	vst v63  }
0xa20: {  	s25 =	simm.s32 $0xB80  }
0xa21: {  	[tilespmem:s11], [sflag:$0x1] =	stream.indirect.gather [hbm4b:s3+s7], $0x80, s25, s7, $0xb8;
	[tilespmem:$0x1FC00] =	vst v63  }
0xa22: {  	_ =	swait.ge [sflag:s10], $0x3200  }
0xa23: {  	[sflag:s10] =	ssyncset.done $0x0  }
0xa24: {  	[sflag:s10] =	ssyncadd.s32 $0xFFFFCE00  }
0xa25: {  	_ =	swait.ge [sflag:s9], $0x3200  }
0xa26: {  	[sflag:s9] =	ssyncset.done $0x0  }
0xa27: {  	[sflag:s9] =	ssyncadd.s32 $0xFFFFCE00  }
0xa28: {  	[spmem:s2] =	stream.indirect.scatter.add.f32 [tilespmem:s12], [sflag:$0x2], $0x80, s20, s7, $0xb8;
	[tilespmem:$0x1FC00] =	vst v63  }
0xa29: {  	_ = 	snop  }
0xa2a: {  	[tilespmem:s8], [sflag:$0x1] =	stream.indirect.gather [hbm4b:s3+s7], $0x80, s29, s7, $0xb8;
	[tilespmem:$0x1FC00] =	vst v63  }
0xa2b: {  	_ =	swait.ge [sflag:s10], $0x3200  }
0xa2c: {  	[sflag:s10] =	ssyncset.done $0x0  }
0xa2d: {  	[sflag:s10] =	ssyncadd.s32 $0xFFFFCE00  }
0xa2e: {  	_ =	swait.ge [sflag:s9], $0x3200  }
0xa2f: {  	[sflag:s9] =	ssyncset.done $0x0  }
0xa30: {  	s29 =	simm.s32 $0x1B80;
	[sflag:s9] =	ssyncadd.s32 $0xFFFFCE00  }
0xa31: {  	[spmem:s2] =	stream.indirect.scatter.add.f32 [tilespmem:s11], [sflag:$0x2], $0x80, s29, s7, $0xb8;
	[tilespmem:$0x1FC00] =	vst v63  }
0xa32: {  	_ =	swait.ge [sflag:s10], $0x3200  }
0xa33: {  	[sflag:s10] =	ssyncset.done $0x0  }
0xa34: {  	[sflag:s10] =	ssyncadd.s32 $0xFFFFCE00  }
0xa35: {  	_ =	swait.ge [sflag:s9], $0x3200  }
0xa36: {  	[sflag:s9] =	ssyncset.done $0x0  }
0xa37: {  	s29 =	simm.s32 $0x1C00;
	[sflag:s9] =	ssyncadd.s32 $0xFFFFCE00  }
0xa38: {  	[spmem:s2] =	stream.indirect.scatter.add.f32 [tilespmem:s8], [sflag:$0x2], $0x80, s29, s7, $0xb8;
	[tilespmem:$0x1FC00] =	vst v63  }
0xa39: {  	_ =	swait.ge [sflag:s9], $0x3200  }
0xa3a: {  	[sflag:s9] =	ssyncset.done $0x0  }
0xa3b: {  	s19 =	rddreg [dreg:$0xb];
	[sflag:s9] =	ssyncadd.s32 $0xFFFFCE00  }
0xa3c: {  	[tilespmem:s21], [sflag:$0x3] =	stream.linear.gather [hbm4b:s19+s21], $0xC80, $0x38;
	[tilespmem:$0x1FC00] =	vst v63  }
0xa3d: {  	_ =	swait.ge [sflag:s5], $0xC80  }
0xa3e: {  	[sflag:s5] =	ssyncset.done $0x0  }
0xa3f: {  	s0 =	simm.s32 $0x1000;
	s19 =	rddreg [dreg:$0xc];
	[sflag:s5] =	ssyncadd.s32 $0xFFFFF380  }
0xa40: {  	[tilespmem:s0], [sflag:$0x3] =	stream.linear.gather [hbm4b:s19+s21], $0xC80, $0x38;
	[tilespmem:$0x1FC00] =	vst v63  }
0xa41: {  	_ =	swait.ge [sflag:s5], $0xC80  }
0xa42: {  	[sflag:s5] =	ssyncset.done $0x0  }
0xa43: {  	[sflag:s5] =	ssyncadd.s32 $0xFFFFF380  }
0xa44: {  	[tilespmem:s8], [sflag:$0x1] =	stream.indirect.gather [hbm4b:s3+s7], $0x80, s21, s7, $0xb8;
	[tilespmem:$0x1FC00] =	vst v63  }
0xa45: {  	s21 =	simm.s32 $0x80  }
0xa46: {  	[tilespmem:s12], [sflag:$0x1] =	stream.indirect.gather [hbm4b:s3+s7], $0x80, s21, s7, $0xb8;
	[tilespmem:$0x1FC00] =	vst v63  }
0xa47: {  	_ =	swait.ge [sflag:s10], $0x3200  }
0xa48: {  	[sflag:s10] =	ssyncset.done $0x0  }
0xa49: {  	[sflag:s10] =	ssyncadd.s32 $0xFFFFCE00  }
0xa4a: {  	[spmem:s2] =	stream.indirect.scatter.add.f32 [tilespmem:s8], [sflag:$0x2], $0x80, s0, s7, $0xb8;
	[tilespmem:$0x1FC00] =	vst v63  }
0xa4b: {  	s21 =	simm.s32 $0x100  }
0xa4c: {  	[tilespmem:s11], [sflag:$0x1] =	stream.indirect.gather [hbm4b:s3+s7], $0x80, s21, s7, $0xb8;
	[tilespmem:$0x1FC00] =	vst v63  }
0xa4d: {  	_ =	swait.ge [sflag:s10], $0x3200  }
0xa4e: {  	[sflag:s10] =	ssyncset.done $0x0  }
0xa4f: {  	[sflag:s10] =	ssyncadd.s32 $0xFFFFCE00  }
0xa50: {  	_ =	swait.ge [sflag:s9], $0x3200  }
0xa51: {  	[sflag:s9] =	ssyncset.done $0x0  }
0xa52: {  	s19 =	simm.s32 $0x1080;
	[sflag:s9] =	ssyncadd.s32 $0xFFFFCE00  }
0xa53: {  	[spmem:s2] =	stream.indirect.scatter.add.f32 [tilespmem:s12], [sflag:$0x2], $0x80, s19, s7, $0xb8;
	[tilespmem:$0x1FC00] =	vst v63  }
0xa54: {  	s21 =	simm.s32 $0x180  }
0xa55: {  	[tilespmem:s8], [sflag:$0x1] =	stream.indirect.gather [hbm4b:s3+s7], $0x80, s21, s7, $0xb8;
	[tilespmem:$0x1FC00] =	vst v63  }
0xa56: {  	_ =	swait.ge [sflag:s10], $0x3200  }
0xa57: {  	[sflag:s10] =	ssyncset.done $0x0  }
0xa58: {  	[sflag:s10] =	ssyncadd.s32 $0xFFFFCE00  }
0xa59: {  	_ =	swait.ge [sflag:s9], $0x3200  }
0xa5a: {  	[sflag:s9] =	ssyncset.done $0x0  }
0xa5b: {  	s19 =	simm.s32 $0x1100;
	[sflag:s9] =	ssyncadd.s32 $0xFFFFCE00  }
0xa5c: {  	[spmem:s2] =	stream.indirect.scatter.add.f32 [tilespmem:s11], [sflag:$0x2], $0x80, s19, s7, $0xb8;
	[tilespmem:$0x1FC00] =	vst v63  }
0xa5d: {  	s21 =	simm.s32 $0x200  }
0xa5e: {  	[tilespmem:s12], [sflag:$0x1] =	stream.indirect.gather [hbm4b:s3+s7], $0x80, s21, s7, $0xb8;
	[tilespmem:$0x1FC00] =	vst v63  }
0xa5f: {  	_ =	swait.ge [sflag:s10], $0x3200  }
0xa60: {  	[sflag:s10] =	ssyncset.done $0x0  }
0xa61: {  	[sflag:s10] =	ssyncadd.s32 $0xFFFFCE00  }
0xa62: {  	_ =	swait.ge [sflag:s9], $0x3200  }
0xa63: {  	[sflag:s9] =	ssyncset.done $0x0  }
0xa64: {  	s19 =	simm.s32 $0x1180;
	[sflag:s9] =	ssyncadd.s32 $0xFFFFCE00  }
0xa65: {  	[spmem:s2] =	stream.indirect.scatter.add.f32 [tilespmem:s8], [sflag:$0x2], $0x80, s19, s7, $0xb8;
	[tilespmem:$0x1FC00] =	vst v63  }
0xa66: {  	s21 =	simm.s32 $0x280  }
0xa67: {  	[tilespmem:s11], [sflag:$0x1] =	stream.indirect.gather [hbm4b:s3+s7], $0x80, s21, s7, $0xb8;
	[tilespmem:$0x1FC00] =	vst v63  }
0xa68: {  	_ =	swait.ge [sflag:s10], $0x3200  }
0xa69: {  	[sflag:s10] =	ssyncset.done $0x0  }
0xa6a: {  	[sflag:s10] =	ssyncadd.s32 $0xFFFFCE00  }
0xa6b: {  	_ =	swait.ge [sflag:s9], $0x3200  }
0xa6c: {  	[sflag:s9] =	ssyncset.done $0x0  }
0xa6d: {  	s19 =	simm.s32 $0x1200;
	[sflag:s9] =	ssyncadd.s32 $0xFFFFCE00  }
0xa6e: {  	[spmem:s2] =	stream.indirect.scatter.add.f32 [tilespmem:s12], [sflag:$0x2], $0x80, s19, s7, $0xb8;
	[tilespmem:$0x1FC00] =	vst v63  }
0xa6f: {  	s21 =	simm.s32 $0x300  }
0xa70: {  	[tilespmem:s8], [sflag:$0x1] =	stream.indirect.gather [hbm4b:s3+s7], $0x80, s21, s7, $0xb8;
	[tilespmem:$0x1FC00] =	vst v63  }
0xa71: {  	_ =	swait.ge [sflag:s10], $0x3200  }
0xa72: {  	[sflag:s10] =	ssyncset.done $0x0  }
0xa73: {  	[sflag:s10] =	ssyncadd.s32 $0xFFFFCE00  }
0xa74: {  	_ =	swait.ge [sflag:s9], $0x3200  }
0xa75: {  	[sflag:s9] =	ssyncset.done $0x0  }
0xa76: {  	s19 =	simm.s32 $0x1280;
	[sflag:s9] =	ssyncadd.s32 $0xFFFFCE00  }
0xa77: {  	[spmem:s2] =	stream.indirect.scatter.add.f32 [tilespmem:s11], [sflag:$0x2], $0x80, s19, s7, $0xb8;
	[tilespmem:$0x1FC00] =	vst v63  }
0xa78: {  	s21 =	simm.s32 $0x380  }
0xa79: {  	[tilespmem:s12], [sflag:$0x1] =	stream.indirect.gather [hbm4b:s3+s7], $0x80, s21, s7, $0xb8;
	[tilespmem:$0x1FC00] =	vst v63  }
0xa7a: {  	_ =	swait.ge [sflag:s10], $0x3200  }
0xa7b: {  	[sflag:s10] =	ssyncset.done $0x0  }
0xa7c: {  	[sflag:s10] =	ssyncadd.s32 $0xFFFFCE00  }
0xa7d: {  	_ =	swait.ge [sflag:s9], $0x3200  }
0xa7e: {  	[sflag:s9] =	ssyncset.done $0x0  }
0xa7f: {  	s19 =	simm.s32 $0x1300;
	[sflag:s9] =	ssyncadd.s32 $0xFFFFCE00  }
0xa80: {  	[spmem:s2] =	stream.indirect.scatter.add.f32 [tilespmem:s8], [sflag:$0x2], $0x80, s19, s7, $0xb8;
	[tilespmem:$0x1FC00] =	vst v63  }
0xa81: {  	s21 =	simm.s32 $0x400  }
0xa82: {  	[tilespmem:s11], [sflag:$0x1] =	stream.indirect.gather [hbm4b:s3+s7], $0x80, s21, s7, $0xb8;
	[tilespmem:$0x1FC00] =	vst v63  }
0xa83: {  	_ =	swait.ge [sflag:s10], $0x3200  }
0xa84: {  	[sflag:s10] =	ssyncset.done $0x0  }
0xa85: {  	[sflag:s10] =	ssyncadd.s32 $0xFFFFCE00  }
0xa86: {  	_ =	swait.ge [sflag:s9], $0x3200  }
0xa87: {  	[sflag:s9] =	ssyncset.done $0x0  }
0xa88: {  	s15 =	simm.s32 $0x1380;
	[sflag:s9] =	ssyncadd.s32 $0xFFFFCE00  }
0xa89: {  	[spmem:s2] =	stream.indirect.scatter.add.f32 [tilespmem:s12], [sflag:$0x2], $0x80, s15, s7, $0xb8;
	[tilespmem:$0x1FC00] =	vst v63  }
0xa8a: {  	s15 =	simm.s32 $0x480  }
0xa8b: {  	[tilespmem:s8], [sflag:$0x1] =	stream.indirect.gather [hbm4b:s3+s7], $0x80, s15, s7, $0xb8;
	[tilespmem:$0x1FC00] =	vst v63  }
0xa8c: {  	_ =	swait.ge [sflag:s10], $0x3200  }
0xa8d: {  	[sflag:s10] =	ssyncset.done $0x0  }
0xa8e: {  	[sflag:s10] =	ssyncadd.s32 $0xFFFFCE00  }
0xa8f: {  	_ =	swait.ge [sflag:s9], $0x3200  }
0xa90: {  	[sflag:s9] =	ssyncset.done $0x0  }
0xa91: {  	s14 =	simm.s32 $0x1400;
	[sflag:s9] =	ssyncadd.s32 $0xFFFFCE00  }
0xa92: {  	[spmem:s2] =	stream.indirect.scatter.add.f32 [tilespmem:s11], [sflag:$0x2], $0x80, s14, s7, $0xb8;
	[tilespmem:$0x1FC00] =	vst v63  }
0xa93: {  	s19 =	simm.s32 $0x500  }
0xa94: {  	[tilespmem:s12], [sflag:$0x1] =	stream.indirect.gather [hbm4b:s3+s7], $0x80, s19, s7, $0xb8;
	[tilespmem:$0x1FC00] =	vst v63  }
0xa95: {  	_ =	swait.ge [sflag:s10], $0x3200  }
0xa96: {  	[sflag:s10] =	ssyncset.done $0x0  }
0xa97: {  	[sflag:s10] =	ssyncadd.s32 $0xFFFFCE00  }
0xa98: {  	_ =	swait.ge [sflag:s9], $0x3200  }
0xa99: {  	[sflag:s9] =	ssyncset.done $0x0  }
0xa9a: {  	s21 =	simm.s32 $0x1480;
	[sflag:s9] =	ssyncadd.s32 $0xFFFFCE00  }
0xa9b: {  	[spmem:s2] =	stream.indirect.scatter.add.f32 [tilespmem:s8], [sflag:$0x2], $0x80, s21, s7, $0xb8;
	[tilespmem:$0x1FC00] =	vst v63  }
0xa9c: {  	s14 =	simm.s32 $0x580  }
0xa9d: {  	[tilespmem:s11], [sflag:$0x1] =	stream.indirect.gather [hbm4b:s3+s7], $0x80, s14, s7, $0xb8;
	[tilespmem:$0x1FC00] =	vst v63  }
0xa9e: {  	_ =	swait.ge [sflag:s10], $0x3200  }
0xa9f: {  	[sflag:s10] =	ssyncset.done $0x0  }
0xaa0: {  	[sflag:s10] =	ssyncadd.s32 $0xFFFFCE00  }
0xaa1: {  	_ =	swait.ge [sflag:s9], $0x3200  }
0xaa2: {  	[sflag:s9] =	ssyncset.done $0x0  }
0xaa3: {  	s15 =	simm.s32 $0x1500;
	[sflag:s9] =	ssyncadd.s32 $0xFFFFCE00  }
0xaa4: {  	[spmem:s2] =	stream.indirect.scatter.add.f32 [tilespmem:s12], [sflag:$0x2], $0x80, s15, s7, $0xb8;
	[tilespmem:$0x1FC00] =	vst v63  }
0xaa5: {  	s19 =	simm.s32 $0x600  }
0xaa6: {  	[tilespmem:s8], [sflag:$0x1] =	stream.indirect.gather [hbm4b:s3+s7], $0x80, s19, s7, $0xb8;
	[tilespmem:$0x1FC00] =	vst v63  }
0xaa7: {  	_ =	swait.ge [sflag:s10], $0x3200  }
0xaa8: {  	[sflag:s10] =	ssyncset.done $0x0  }
0xaa9: {  	[sflag:s10] =	ssyncadd.s32 $0xFFFFCE00  }
0xaaa: {  	_ =	swait.ge [sflag:s9], $0x3200  }
0xaab: {  	[sflag:s9] =	ssyncset.done $0x0  }
0xaac: {  	s30 =	simm.s32 $0x1580;
	[sflag:s9] =	ssyncadd.s32 $0xFFFFCE00  }
0xaad: {  	[spmem:s2] =	stream.indirect.scatter.add.f32 [tilespmem:s11], [sflag:$0x2], $0x80, s30, s7, $0xb8;
	[tilespmem:$0x1FC00] =	vst v63  }
0xaae: {  	s21 =	simm.s32 $0x680  }
0xaaf: {  	[tilespmem:s12], [sflag:$0x1] =	stream.indirect.gather [hbm4b:s3+s7], $0x80, s21, s7, $0xb8;
	[tilespmem:$0x1FC00] =	vst v63  }
0xab0: {  	_ =	swait.ge [sflag:s10], $0x3200  }
0xab1: {  	[sflag:s10] =	ssyncset.done $0x0  }
0xab2: {  	[sflag:s10] =	ssyncadd.s32 $0xFFFFCE00  }
0xab3: {  	_ =	swait.ge [sflag:s9], $0x3200  }
0xab4: {  	[sflag:s9] =	ssyncset.done $0x0  }
0xab5: {  	s28 =	simm.s32 $0x1600;
	[sflag:s9] =	ssyncadd.s32 $0xFFFFCE00  }
0xab6: {  	[spmem:s2] =	stream.indirect.scatter.add.f32 [tilespmem:s8], [sflag:$0x2], $0x80, s28, s7, $0xb8;
	[tilespmem:$0x1FC00] =	vst v63  }
0xab7: {  	s30 =	simm.s32 $0x700  }
0xab8: {  	[tilespmem:s11], [sflag:$0x1] =	stream.indirect.gather [hbm4b:s3+s7], $0x80, s30, s7, $0xb8;
	[tilespmem:$0x1FC00] =	vst v63  }
0xab9: {  	_ =	swait.ge [sflag:s10], $0x3200  }
0xaba: {  	[sflag:s10] =	ssyncset.done $0x0  }
0xabb: {  	[sflag:s10] =	ssyncadd.s32 $0xFFFFCE00  }
0xabc: {  	_ =	swait.ge [sflag:s9], $0x3200  }
0xabd: {  	[sflag:s9] =	ssyncset.done $0x0  }
0xabe: {  	s23 =	simm.s32 $0x1680;
	[sflag:s9] =	ssyncadd.s32 $0xFFFFCE00  }
0xabf: {  	[spmem:s2] =	stream.indirect.scatter.add.f32 [tilespmem:s12], [sflag:$0x2], $0x80, s23, s7, $0xb8;
	[tilespmem:$0x1FC00] =	vst v63  }
0xac0: {  	s14 =	simm.s32 $0x780  }
0xac1: {  	[tilespmem:s8], [sflag:$0x1] =	stream.indirect.gather [hbm4b:s3+s7], $0x80, s14, s7, $0xb8;
	[tilespmem:$0x1FC00] =	vst v63  }
0xac2: {  	_ =	swait.ge [sflag:s10], $0x3200  }
0xac3: {  	[sflag:s10] =	ssyncset.done $0x0  }
0xac4: {  	[sflag:s10] =	ssyncadd.s32 $0xFFFFCE00  }
0xac5: {  	_ =	swait.ge [sflag:s9], $0x3200  }
0xac6: {  	[sflag:s9] =	ssyncset.done $0x0  }
0xac7: {  	s15 =	simm.s32 $0x1700;
	[sflag:s9] =	ssyncadd.s32 $0xFFFFCE00  }
0xac8: {  	[spmem:s2] =	stream.indirect.scatter.add.f32 [tilespmem:s11], [sflag:$0x2], $0x80, s15, s7, $0xb8;
	[tilespmem:$0x1FC00] =	vst v63  }
0xac9: {  	s19 =	simm.s32 $0x800  }
0xaca: {  	[tilespmem:s12], [sflag:$0x1] =	stream.indirect.gather [hbm4b:s3+s7], $0x80, s19, s7, $0xb8;
	[tilespmem:$0x1FC00] =	vst v63  }
0xacb: {  	_ =	swait.ge [sflag:s10], $0x3200  }
0xacc: {  	[sflag:s10] =	ssyncset.done $0x0  }
0xacd: {  	[sflag:s10] =	ssyncadd.s32 $0xFFFFCE00  }
0xace: {  	_ =	swait.ge [sflag:s9], $0x3200  }
0xacf: {  	[sflag:s9] =	ssyncset.done $0x0  }
0xad0: {  	s18 =	simm.s32 $0x1780;
	[sflag:s9] =	ssyncadd.s32 $0xFFFFCE00  }
0xad1: {  	[spmem:s2] =	stream.indirect.scatter.add.f32 [tilespmem:s8], [sflag:$0x2], $0x80, s18, s7, $0xb8;
	[tilespmem:$0x1FC00] =	vst v63  }
0xad2: {  	s21 =	simm.s32 $0x880  }
0xad3: {  	[tilespmem:s11], [sflag:$0x1] =	stream.indirect.gather [hbm4b:s3+s7], $0x80, s21, s7, $0xb8;
	[tilespmem:$0x1FC00] =	vst v63  }
0xad4: {  	_ =	swait.ge [sflag:s10], $0x3200  }
0xad5: {  	[sflag:s10] =	ssyncset.done $0x0  }
0xad6: {  	[sflag:s10] =	ssyncadd.s32 $0xFFFFCE00  }
0xad7: {  	_ =	swait.ge [sflag:s9], $0x3200  }
0xad8: {  	[sflag:s9] =	ssyncset.done $0x0  }
0xad9: {  	s17 =	simm.s32 $0x1800;
	[sflag:s9] =	ssyncadd.s32 $0xFFFFCE00  }
0xada: {  	[spmem:s2] =	stream.indirect.scatter.add.f32 [tilespmem:s12], [sflag:$0x2], $0x80, s17, s7, $0xb8;
	[tilespmem:$0x1FC00] =	vst v63  }
0xadb: {  	s26 =	simm.s32 $0x900  }
0xadc: {  	[tilespmem:s8], [sflag:$0x1] =	stream.indirect.gather [hbm4b:s3+s7], $0x80, s26, s7, $0xb8;
	[tilespmem:$0x1FC00] =	vst v63  }
0xadd: {  	_ =	swait.ge [sflag:s10], $0x3200  }
0xade: {  	[sflag:s10] =	ssyncset.done $0x0  }
0xadf: {  	[sflag:s10] =	ssyncadd.s32 $0xFFFFCE00  }
0xae0: {  	_ =	swait.ge [sflag:s9], $0x3200  }
0xae1: {  	[sflag:s9] =	ssyncset.done $0x0  }
0xae2: {  	[sflag:s9] =	ssyncadd.s32 $0xFFFFCE00  }
0xae3: {  	[spmem:s2] =	stream.indirect.scatter.add.f32 [tilespmem:s11], [sflag:$0x2], $0x80, s6, s7, $0xb8;
	[tilespmem:$0x1FC00] =	vst v63  }
0xae4: {  	s23 =	simm.s32 $0x980  }
0xae5: {  	[tilespmem:s12], [sflag:$0x1] =	stream.indirect.gather [hbm4b:s3+s7], $0x80, s23, s7, $0xb8;
	[tilespmem:$0x1FC00] =	vst v63  }
0xae6: {  	_ =	swait.ge [sflag:s10], $0x3200  }
0xae7: {  	[sflag:s10] =	ssyncset.done $0x0  }
0xae8: {  	[sflag:s10] =	ssyncadd.s32 $0xFFFFCE00  }
0xae9: {  	_ =	swait.ge [sflag:s9], $0x3200  }
0xaea: {  	[sflag:s9] =	ssyncset.done $0x0  }
0xaeb: {  	[sflag:s9] =	ssyncadd.s32 $0xFFFFCE00  }
0xaec: {  	[spmem:s2] =	stream.indirect.scatter.add.f32 [tilespmem:s8], [sflag:$0x2], $0x80, s1, s7, $0xb8;
	[tilespmem:$0x1FC00] =	vst v63  }
0xaed: {  	s24 =	simm.s32 $0xA00  }
0xaee: {  	[tilespmem:s11], [sflag:$0x1] =	stream.indirect.gather [hbm4b:s3+s7], $0x80, s24, s7, $0xb8;
	[tilespmem:$0x1FC00] =	vst v63  }
0xaef: {  	_ =	swait.ge [sflag:s10], $0x3200  }
0xaf0: {  	[sflag:s10] =	ssyncset.done $0x0  }
0xaf1: {  	[sflag:s10] =	ssyncadd.s32 $0xFFFFCE00  }
0xaf2: {  	_ =	swait.ge [sflag:s9], $0x3200  }
0xaf3: {  	[sflag:s9] =	ssyncset.done $0x0  }
0xaf4: {  	[sflag:s9] =	ssyncadd.s32 $0xFFFFCE00  }
0xaf5: {  	[spmem:s2] =	stream.indirect.scatter.add.f32 [tilespmem:s12], [sflag:$0x2], $0x80, s13, s7, $0xb8;
	[tilespmem:$0x1FC00] =	vst v63  }
0xaf6: {  	s16 =	simm.s32 $0xA80  }
0xaf7: {  	[tilespmem:s8], [sflag:$0x1] =	stream.indirect.gather [hbm4b:s3+s7], $0x80, s16, s7, $0xb8;
	[tilespmem:$0x1FC00] =	vst v63  }
0xaf8: {  	_ =	swait.ge [sflag:s10], $0x3200  }
0xaf9: {  	[sflag:s10] =	ssyncset.done $0x0  }
0xafa: {  	[sflag:s10] =	ssyncadd.s32 $0xFFFFCE00  }
0xafb: {  	_ =	swait.ge [sflag:s9], $0x3200  }
0xafc: {  	[sflag:s9] =	ssyncset.done $0x0  }
0xafd: {  	[sflag:s9] =	ssyncadd.s32 $0xFFFFCE00  }
0xafe: {  	[spmem:s2] =	stream.indirect.scatter.add.f32 [tilespmem:s11], [sflag:$0x2], $0x80, s31, s7, $0xb8;
	[tilespmem:$0x1FC00] =	vst v63  }
0xaff: {  	s4 =	simm.s32 $0xB00  }
0xb00: {  	[tilespmem:s12], [sflag:$0x1] =	stream.indirect.gather [hbm4b:s3+s7], $0x80, s4, s7, $0xb8;
	[tilespmem:$0x1FC00] =	vst v63  }
0xb01: {  	_ =	swait.ge [sflag:s10], $0x3200  }
0xb02: {  	[sflag:s10] =	ssyncset.done $0x0  }
0xb03: {  	[sflag:s10] =	ssyncadd.s32 $0xFFFFCE00  }
0xb04: {  	_ =	swait.ge [sflag:s9], $0x3200  }
0xb05: {  	[sflag:s9] =	ssyncset.done $0x0  }
0xb06: {  	s22 =	simm.s32 $0x1A80;
	[sflag:s9] =	ssyncadd.s32 $0xFFFFCE00  }
0xb07: {  	[spmem:s2] =	stream.indirect.scatter.add.f32 [tilespmem:s8], [sflag:$0x2], $0x80, s22, s7, $0xb8;
	[tilespmem:$0x1FC00] =	vst v63  }
0xb08: {  	s24 =	simm.s32 $0xB80  }
0xb09: {  	[tilespmem:s11], [sflag:$0x1] =	stream.indirect.gather [hbm4b:s3+s7], $0x80, s24, s7, $0xb8;
	[tilespmem:$0x1FC00] =	vst v63  }
0xb0a: {  	_ =	swait.ge [sflag:s10], $0x3200  }
0xb0b: {  	[sflag:s10] =	ssyncset.done $0x0  }
0xb0c: {  	[sflag:s10] =	ssyncadd.s32 $0xFFFFCE00  }
0xb0d: {  	_ =	swait.ge [sflag:s9], $0x3200  }
0xb0e: {  	[sflag:s9] =	ssyncset.done $0x0  }
0xb0f: {  	s20 =	simm.s32 $0x1B00;
	[sflag:s9] =	ssyncadd.s32 $0xFFFFCE00  }
0xb10: {  	[spmem:s2] =	stream.indirect.scatter.add.f32 [tilespmem:s12], [sflag:$0x2], $0x80, s20, s7, $0xb8;
	[tilespmem:$0x1FC00] =	vst v63  }
0xb11: {  	s25 =	simm.s32 $0xC00  }
0xb12: {  	[tilespmem:s8], [sflag:$0x1] =	stream.indirect.gather [hbm4b:s3+s7], $0x80, s25, s7, $0xb8;
	[tilespmem:$0x1FC00] =	vst v63  }
0xb13: {  	_ =	swait.ge [sflag:s10], $0x3200  }
0xb14: {  	[sflag:s10] =	ssyncset.done $0x0  }
0xb15: {  	[sflag:s10] =	ssyncadd.s32 $0xFFFFCE00  }
0xb16: {  	_ =	swait.ge [sflag:s9], $0x3200  }
0xb17: {  	[sflag:s9] =	ssyncset.done $0x0  }
0xb18: {  	s26 =	simm.s32 $0x1B80;
	[sflag:s9] =	ssyncadd.s32 $0xFFFFCE00  }
0xb19: {  	[spmem:s2] =	stream.indirect.scatter.add.f32 [tilespmem:s11], [sflag:$0x2], $0x80, s26, s7, $0xb8;
	[tilespmem:$0x1FC00] =	vst v63  }
0xb1a: {  	_ =	swait.ge [sflag:s10], $0x3200  }
0xb1b: {  	[sflag:s10] =	ssyncset.done $0x0  }
0xb1c: {  	[sflag:s10] =	ssyncadd.s32 $0xFFFFCE00  }
0xb1d: {  	_ =	swait.ge [sflag:s9], $0x3200  }
0xb1e: {  	[sflag:s9] =	ssyncset.done $0x0  }
0xb1f: {  	s29 =	simm.s32 $0x1C00;
	[sflag:s9] =	ssyncadd.s32 $0xFFFFCE00  }
0xb20: {  	[spmem:s2] =	stream.indirect.scatter.add.f32 [tilespmem:s8], [sflag:$0x2], $0x80, s29, s7, $0xb8;
	[tilespmem:$0x1FC00] =	vst v63  }
0xb21: {  	_ =	swait.ge [sflag:s9], $0x3200  }
0xb22: {  	[sflag:s9] =	ssyncset.done $0x0  }
0xb23: {  	[sflag:s9] =	ssyncadd.s32 $0xFFFFCE00  }
0xb24: {  	[bflag:$0x0] =	sbarrier.arrive $0xFFFF  }
0xb25: {  	s28 =	rddreg [dreg:$0xd]  }
0xb26: {  	s29 =	rddreg [dreg:$0xe]  }
0xb27: {  	s30 =	rddreg [dreg:$0xf]  }
0xb28: {  	[hbm:s28], [sflag:s29] =	dma.local [spmem:s30], $0x2800  }
0xb29: {  	_ =	swait.ge [sflag:s5], $0x2800  }
0xb2a: {  	[sflag:s5] =	ssyncset.done $0x0  }
0xb2b: {  	[sflag:s5] =	ssyncadd.s32 $0xFFFFD800  }
0xb2c: {  	_ =	sfence.sel $0x180000  }
0xb2d: {  	[bflag:$0x0] =	sbarrier.arrive $0xFFFF  }
0xb2e: {  	_ =	strace $0x90000047  }
0xb2f: {  	s31 =	stileid.u32;
	[bflag:$0x2] =	sbarrier.arrive $0xFFFF  }
0xb30: {  	p0 =	sne.s32 s31, $0x0;
	s0 =	rddreg [dreg:$0x3]  }
0xb31: {  	s0 =	sadd.s32 @!p0 $0x100000, s0  }
0xb32: {  	[sflag:s0] =	ssyncadd.tile.s32 @!p0 $0x1;
	_ =	shalt  }
.LBB2_1:
.Ltmp3:
0xb33: {  	(pc) =	sbr.rel .LBB2_6-.Ltmp3, $3  }
0xb34: {  	_ =	sdelay $0x1  }
0xb35: {  	s23 =	rddreg [dreg:$0xf]  }
0xb36: {  	s22 =	rddreg [dreg:$0xe];
	s0 =	simm.s32 $0x0  }
.LBB2_7:
.Ltmp4:
0xb37: {  	(pc) =	sbr.rel .LBB2_6-.Ltmp4, $3  }
0xb38: {  	_ =	sdelay $0x1  }
0xb39: {  	s23 =	rddreg [dreg:$0xf]  }
0xb3a: {  	s22 =	rddreg [dreg:$0xe]  }
.Lfunc_end2:
_tile_overlayer_lowered:
.L_overlay_start_2:
0xb3b: {  	(tag) =	ssettag $0x2  }
0xb3c: {  	s0 =	rddreg [dreg:$0x0];
	s2 =	stileid.u32  }
0xb3d: {  	s1 =	rddreg [dreg:$0x1];
	p0 =	sne.s32 s2, $0x0  }
0xb3e: {  	s3 =	rddreg [dreg:$0x2];
	[bflag:$0x3] =	sbarrier.arrive $0xFFFF;
	s2 =	simm.s32 @!p0 $0x1C03  }
0xb3f: {  	[timem:s3], [sflag:s2] =	dma.local @!p0 [hbm:s0], s1  }
0xb40: {  	s0 =	simm.s32 @!p0 $0x3  }
0xb41: {  	_ =	swait.ge @!p0 [sflag:s0], s1  }
0xb42: {  	s1 =	ssub.s32 @!p0 $0x0, s1;
	[sflag:s0] =	ssyncset.done @!p0 $0x0  }
0xb43: {  	[sflag:s0] =	ssyncadd.s32 @!p0 s1  }
0xb44: {  	[bflag:$0x3] =	sbarrier.arrive $0xFFFF  }
0xb45: {  	_ =	shalt  }

</sc_bundles>
